<compile_context>
chip_gen: v7x
topology: tpu7x:2x2x1
jax: 0.10.2.dev20260603
libtpu: 0.0.44.dev20260713+nightly
codegen_flags: <defaults>
</compile_context>

<pallas_src>
import jax
import jax.numpy as jnp
from jax import lax
from jax.experimental import pallas as pl
from jax.experimental.pallas import tpu as pltpu
from jax.experimental.pallas import tpu_sc as plsc

N = 10000
E = 320000
D = 128
B = 128

TPS = 16
C = 128
K = 160
EPT = K * C
E_PAD = TPS * EPT
NPAD = 10240
RPT = NPAD // TPS
DE = 4

R = 1024
NB = NPAD // R


def _sc_body(x_hbm, idx_hbm, ea_hbm, zt_hbm,
             t_hbm, a_hbm,
             acc_sh, rows2, eb2, idx2, gsem, isem):
    c = lax.axis_index("c")
    s = lax.axis_index("s")
    row0 = s * RPT

    pltpu.sync_copy(zt_hbm.at[pl.ds(row0, RPT)], acc_sh.at[pl.ds(row0, RPT)])

    @pl.when(c == 1)
    def _():
        pltpu.sync_copy(zt_hbm.at[pl.ds(0, C)], rows2.at[0])
        pltpu.sync_copy(zt_hbm.at[pl.ds(0, C)], rows2.at[1])

    plsc.subcore_barrier()

    @pl.when(c == 0)
    def _():
        pltpu.sync_copy(idx_hbm.at[s, 0], idx2.at[0])
        pltpu.async_copy(x_hbm.at[idx2.at[0, 0]], rows2.at[0], gsem)

        def tpair(i, carry):
            for b in range(2):
                j = 2 * i + b
                nb = 1 - b

                def stage():
                    pltpu.async_copy(idx_hbm.at[s, j + 1], idx2.at[nb], isem)
                    pltpu.make_async_copy(
                        x_hbm.at[idx2.at[b, 0]], rows2.at[b], gsem).wait()
                    pltpu.make_async_copy(
                        idx_hbm.at[s, 0], idx2.at[nb], isem).wait()
                    pltpu.async_copy(
                        x_hbm.at[idx2.at[nb, 0]], rows2.at[nb], gsem)

                if b == 0:
                    stage()
                else:
                    @pl.when(i < K // 2 - 1)
                    def _():
                        stage()

                    @pl.when(i >= K // 2 - 1)
                    def _():
                        pltpu.make_async_copy(
                            x_hbm.at[idx2.at[b, 0]], rows2.at[b], gsem).wait()

                pltpu.sync_copy(rows2.at[b], acc_sh.at[idx2.at[b, 1]],
                                add=True)
            return carry

        lax.fori_loop(0, K // 2, tpair, 0)

    @pl.when(c == 1)
    def _():
        pltpu.sync_copy(idx_hbm.at[s, 0], idx2.at[0])
        pltpu.async_copy(ea_hbm.at[s, 0], eb2.at[0], gsem)

        def apair(i, carry):
            for b in range(2):
                j = 2 * i + b
                nb = 1 - b

                def stage():
                    pltpu.async_copy(idx_hbm.at[s, j + 1], idx2.at[nb], isem)
                    pltpu.async_copy(ea_hbm.at[s, j + 1], eb2.at[nb], gsem)

                if b == 0:
                    stage()
                else:
                    @pl.when(i < K // 2 - 1)
                    def _():
                        stage()

                pltpu.make_async_copy(
                    ea_hbm.at[s, 0], eb2.at[b], gsem).wait()
                for j8 in range(C // 8):
                    for m in range(8):
                        rows2[b, 8 * j8 + m, pl.ds(0, 16)] = (
                            eb2[b, j8, pl.ds(16 * m, 16)])
                if b == 0:
                    pltpu.make_async_copy(
                        idx_hbm.at[s, 0], idx2.at[nb], isem).wait()
                else:
                    @pl.when(i < K // 2 - 1)
                    def _():
                        pltpu.make_async_copy(
                            idx_hbm.at[s, 0], idx2.at[nb], isem).wait()
                pltpu.sync_copy(rows2.at[b], acc_sh.at[idx2.at[b, 1]],
                                add=True)
            return carry

        lax.fori_loop(0, K // 2, apair, 0)

    plsc.subcore_barrier()

    @pl.when(c == 0)
    def _():
        pltpu.sync_copy(acc_sh.at[pl.ds(row0, RPT)], t_hbm.at[pl.ds(row0, RPT)])

    @pl.when(c == 1)
    def _():
        pltpu.sync_copy(acc_sh.at[pl.ds(row0, RPT)], a_hbm.at[pl.ds(row0, RPT)])


def _sc_scatter():
  return pl.kernel(
    _sc_body,
    out_type=[
        jax.ShapeDtypeStruct((NPAD, D), jnp.float32),
        jax.ShapeDtypeStruct((NPAD, D), jnp.float32),
    ],
    mesh=plsc.VectorSubcoreMesh(core_axis_name="c", subcore_axis_name="s",
                                num_cores=2, num_subcores=TPS),
    scratch_types=[
        pltpu.VMEM_SHARED((NPAD, D), jnp.float32),
        pltpu.VMEM((2, C, D), jnp.float32),
        pltpu.VMEM((2, 16, 128), jnp.float32),
        pltpu.VMEM((2, 2, C), jnp.int32),
        pltpu.SemaphoreType.DMA,
        pltpu.SemaphoreType.DMA,
    ],
  )


def _tc_body(x_r, t_r, a_r, brow_r, bcol_r,
             wei_r, wni_r, weg_r, wng_r, w1_r, b1_r, w2_r, b2_r,
             z_r, seg, cnt, pooled):
    g = pl.program_id(0)
    f32 = jnp.float32
    NEG = jnp.float32(-3.0e38)

    @pl.when(g == 0)
    def _():
        seg[...] = jnp.full((1, B), NEG, f32)
        cnt[...] = jnp.zeros((B, 1), f32)
        pooled[...] = jnp.zeros((B, D), f32)

    @pl.when(g < 2 * NB)
    def _():
        xs = x_r[...] + t_r[...]
        a = a_r[...]
        ni_full = (xs + a @ wei_r[...]) @ wni_r[...]
        ni = jnp.sum(ni_full, axis=1, keepdims=True)
        bcol = bcol_r[...]
        m2 = jnp.broadcast_to(bcol, (R, B)) == lax.broadcasted_iota(
            jnp.int32, (R, B), 1)
        m2f = m2.astype(f32)

        @pl.when(g < NB)
        def _():
            cand = jnp.where(m2, jnp.broadcast_to(ni, (R, B)), NEG)
            seg[...] = jnp.maximum(seg[...], jnp.max(cand, axis=0, keepdims=True))
            brow = brow_r[...]
            m1 = jnp.broadcast_to(brow, (B, R)) == lax.broadcasted_iota(
                jnp.int32, (B, R), 0)
            cnt[...] += jnp.sum(m1.astype(f32), axis=1, keepdims=True)

        @pl.when(g >= NB)
        def _():
            segrow = jnp.broadcast_to(seg[...], (R, B))
            outc = jnp.sum(m2f * segrow, axis=1, keepdims=True)
            outc = outc + (1.0 - jnp.sum(m2f, axis=1, keepdims=True))
            imp = ni / (outc * 10.0) + 0.9
            h = jnp.maximum((xs + a @ weg_r[...]) @ wng_r[...], 0.0)
            hi = h * imp
            brow = brow_r[...]
            m1 = jnp.broadcast_to(brow, (B, R)) == lax.broadcasted_iota(
                jnp.int32, (B, R), 0)
            pooled[...] += jnp.dot(m1.astype(f32), hi,
                                   preferred_element_type=f32)

    @pl.when(g == 2 * NB)
    def _():
        pm = pooled[...] / jnp.maximum(cnt[...], 1.0)
        z1 = jnp.maximum(pm @ w1_r[...] + b1_r[...], 0.0)
        z_r[...] = z1 @ w2_r[...] + b2_r[...]


def _tc_call(xp, t, a, brow, bcol, wei, wni, weg, wng, w1, b1r, w2, b2r):
    blk = lambda g: (lax.rem(g, NB), 0)
    full = lambda g: (0, 0)
    return pl.pallas_call(
        _tc_body,
        grid=(2 * NB + 1,),
        in_specs=[
            pl.BlockSpec((R, D), blk),
            pl.BlockSpec((R, D), blk),
            pl.BlockSpec((R, D), blk),
            pl.BlockSpec((1, R), lambda g: (0, lax.rem(g, NB))),
            pl.BlockSpec((R, 1), blk),
            pl.BlockSpec((D, D), full),
            pl.BlockSpec((D, D), full),
            pl.BlockSpec((D, D), full),
            pl.BlockSpec((D, D), full),
            pl.BlockSpec((D, D), full),
            pl.BlockSpec((1, D), full),
            pl.BlockSpec((D, D), full),
            pl.BlockSpec((1, D), full),
        ],
        out_specs=pl.BlockSpec((B, D), full),
        out_shape=jax.ShapeDtypeStruct((B, D), jnp.float32),
        scratch_shapes=[
            pltpu.VMEM((1, B), jnp.float32),
            pltpu.VMEM((B, 1), jnp.float32),
            pltpu.VMEM((B, D), jnp.float32),
        ],
        compiler_params=pltpu.CompilerParams(
            dimension_semantics=("arbitrary",)),
    )(xp, t, a, brow, bcol, wei, wni, weg, wng, w1, b1r, w2, b2r)


def kernel(x, edge_index, edge_attr, batch, We_imp, Wn_imp, We_g, Wn_g,
           W1, b1, W2, b2):
    pad_e = E_PAD - E
    src = jnp.concatenate([edge_index[0], jnp.zeros((pad_e,), jnp.int32)])
    dst = jnp.concatenate([edge_index[1],
                           jnp.full((pad_e,), N, jnp.int32)])
    idxp = jnp.stack([src.reshape(TPS, K, C), dst.reshape(TPS, K, C)], axis=2)
    eap = jnp.pad(edge_attr, ((0, pad_e), (0, 16 - DE)))
    eap = eap.reshape(TPS, K, 16, 128)
    zt = jnp.zeros((NPAD, D), jnp.float32)

    t, a = _sc_scatter()(x, idxp, eap, zt)

    xp = jnp.pad(x, ((0, NPAD - N), (0, 0)))
    bpad = jnp.pad(batch, (0, NPAD - N), constant_values=B)
    brow = bpad.reshape(1, NPAD)
    bcol = bpad.reshape(NPAD, 1)
    wei = jnp.pad(We_imp, ((0, D - We_imp.shape[0]), (0, 0)))
    weg = jnp.pad(We_g, ((0, D - We_g.shape[0]), (0, 0)))
    wni = jnp.pad(Wn_imp, ((0, 0), (0, D - Wn_imp.shape[1])))
    b1r = b1.reshape(1, D)
    b2r = b2.reshape(1, D)

    return _tc_call(xp, t, a, brow, bcol, wei, wni, weg, Wn_g,
                    W1, b1r, W2, b2r)

# --- scband reference (transcript-rebuilt; emitter-appended) ---
"""Pipeline reference for scband-graphcl-57329223467793 (READ-ONLY COPY).

The authoritative reference and input builder live on the scoring server;
editing this copy changes nothing except your own understanding.
"""

import jax, jax.numpy as jnp
import numpy as np

N = 10000
E = 320000
D = 128
DE = 4
B = 128


def setup_inputs(seed: int = 0) -> dict:
    key = jax.random.key(seed)
    ks = jax.random.split(key, 12)
    x = jax.random.normal(ks[0], (N, D), dtype=jnp.float32)
    edge_index = jax.random.randint(ks[1], (2, E), 0, N, dtype=jnp.int32)
    edge_attr = jax.random.normal(ks[2], (E, DE), dtype=jnp.float32)
    batch = jnp.sort(jax.random.randint(ks[3], (N,), 0, B, dtype=jnp.int32))
    We_imp = jax.random.normal(ks[4], (DE, D), dtype=jnp.float32) * 0.05
    Wn_imp = jax.random.normal(ks[5], (D, 1), dtype=jnp.float32) * 0.05
    We_g = jax.random.normal(ks[6], (DE, D), dtype=jnp.float32) * 0.05
    Wn_g = jax.random.normal(ks[7], (D, D), dtype=jnp.float32) * 0.05
    W1 = jax.random.normal(ks[8], (D, D), dtype=jnp.float32) * 0.05
    b1 = jnp.zeros((D,), dtype=jnp.float32)
    W2 = jax.random.normal(ks[9], (D, D), dtype=jnp.float32) * 0.05
    b2 = jnp.zeros((D,), dtype=jnp.float32)
    return {"x": x, "edge_index": edge_index, "edge_attr": edge_attr, "batch": batch,
            "We_imp": We_imp, "Wn_imp": Wn_imp, "We_g": We_g, "Wn_g": Wn_g,
            "W1": W1, "b1": b1, "W2": W2, "b2": b2}


def reference(x, edge_index, edge_attr, batch, We_imp, Wn_imp, We_g, Wn_g, W1, b1, W2, b2):
    src = edge_index[0]
    dst = edge_index[1]
    # node importance estimator: one GNN message-passing layer -> scalar per node
    msg_i = x[src] + edge_attr @ We_imp
    agg_i = jax.ops.segment_sum(msg_i, dst, num_segments=N)
    node_imp = (x + agg_i) @ Wn_imp  # [N, 1]
    # main gnn: one message-passing layer -> [N, D] embeddings
    msg_g = x[src] + edge_attr @ We_g
    agg_g = jax.ops.segment_sum(msg_g, dst, num_segments=N)
    h = jax.nn.relu((x + agg_g) @ Wn_g)  # [N, D]
    # scatter_max of node_imp over graph-id `batch`
    seg_max = jax.ops.segment_max(node_imp[:, 0], batch, num_segments=B)  # [B]
    out = seg_max.reshape(-1, 1)[batch]  # [N, 1]
    imp = node_imp / (out * 10.0) + 0.9  # [N, 1]
    h = h * imp  # broadcast expand(-1, emb_dim) then elementwise mul
    # global mean pool per graph
    sums = jax.ops.segment_sum(h, batch, num_segments=B)
    counts = jax.ops.segment_sum(jnp.ones((N,), jnp.float32), batch, num_segments=B)
    pooled = sums / jnp.clip(counts, 1.0, None)[:, None]  # [B, D]
    # projection head: Linear -> ReLU -> Linear
    z = jax.nn.relu(pooled @ W1 + b1) @ W2 + b2
    return z

if __name__ == "__main__":
    import jax
    _d = setup_inputs()
    print(jax.jit(kernel)(*tuple(_d.values())))

</pallas_src>

<mosaic_0001>
#map = affine_map<(d0, d1) -> (0, 0)>
#map1 = affine_map<(d0, d1) -> (0, 0, 0, 0)>
module attributes {stable_mosaic.version = 14 : i64} {
  func.func @_sc_body(%arg0: i32, %arg1: i32, %arg2: memref<10000x128xf32, #tpu.memory_space<hbm>>, %arg3: memref<16x160x2x128xi32, #tpu.memory_space<hbm>>, %arg4: memref<16x160x16x128xf32, #tpu.memory_space<hbm>>, %arg5: memref<10240x128xf32, #tpu.memory_space<hbm>>, %arg6: memref<10240x128xf32, #tpu.memory_space<hbm>>, %arg7: memref<10240x128xf32, #tpu.memory_space<hbm>>, %arg8: memref<10240x128xf32, #tpu.memory_space<vmem_shared>>, %arg9: memref<2x128x128xf32, #tpu.memory_space<vmem>>, %arg10: memref<2x16x128xf32, #tpu.memory_space<vmem>>, %arg11: memref<2x2x128xi32, #tpu.memory_space<vmem>>, %arg12: memref<!tpu.dma_semaphore, #tpu.memory_space<semaphore_mem>>, %arg13: memref<!tpu.dma_semaphore, #tpu.memory_space<semaphore_mem>>) attributes {dimension_semantics = [#tpu.dimension_semantics<core_parallel>, #tpu.dimension_semantics<subcore_parallel>], iteration_bounds = array<i64: 2, 16>, scalar_prefetch = 0 : i64, scratch_operands = 6 : i64, tpu.core_type = #tpu.core_type<sc_vector_subcore>, window_params = [{transform_indices = #map}, {transform_indices = #map1}, {transform_indices = #map1}, {transform_indices = #map}, {transform_indices = #map}, {transform_indices = #map}]} {
    %mul3A = arith.constant 640 : i32
    %mul3A_0 = arith.muli %arg1, %mul3A : i32
    "tpu.region"() ({
      %run_scoped3A = tpu.sem_alloc : memref<!tpu.dma_semaphore, #tpu.memory_space<semaphore_mem>>
      %dma_start3A = arith.constant 0 : i32
      %dma_start3A_24 = tpu.memref_slice %arg8[%mul3A_0, %dma_start3A] : memref<10240x128xf32, #tpu.memory_space<vmem_shared>> -> memref<640x128xf32, #tpu.memory_space<vmem_shared>>
      %dma_start3A_25 = arith.constant 0 : i32
      %dma_start3A_26 = tpu.memref_slice %arg5[%mul3A_0, %dma_start3A_25] : memref<10240x128xf32, #tpu.memory_space<hbm>> -> memref<640x128xf32, #tpu.memory_space<hbm>>
      tpu.enqueue_dma source(%dma_start3A_26 : memref<640x128xf32, #tpu.memory_space<hbm>>) target(%dma_start3A_24 : memref<640x128xf32, #tpu.memory_space<vmem_shared>>) target_semaphore(%run_scoped3A : memref<!tpu.dma_semaphore, #tpu.memory_space<semaphore_mem>>)
      %dma_wait3A = arith.constant 0 : i32
      %dma_wait3A_27 = tpu.memref_slice %arg8[%mul3A_0, %dma_wait3A] : memref<10240x128xf32, #tpu.memory_space<vmem_shared>> -> memref<640x128xf32, #tpu.memory_space<vmem_shared>>
      %dma_wait3A_28 = arith.constant 0 : i32
      %dma_wait3A_29 = tpu.memref_slice %arg5[%mul3A_0, %dma_wait3A_28] : memref<10240x128xf32, #tpu.memory_space<hbm>> -> memref<640x128xf32, #tpu.memory_space<hbm>>
      tpu.wait_dma2 semaphore(%run_scoped3A : memref<!tpu.dma_semaphore, #tpu.memory_space<semaphore_mem>>) src(%dma_wait3A_29 : memref<640x128xf32, #tpu.memory_space<hbm>>) dst(%dma_wait3A_27 : memref<640x128xf32, #tpu.memory_space<vmem_shared>>)
      tpu.yield
    }) : () -> ()
    %eq3A = arith.constant 1 : i32
    %eq3A_1 = arith.cmpi eq, %arg0, %eq3A : i32
    %convert_element_type3A = arith.extui %eq3A_1 : i1 to i32
    %cond3A = arith.constant 0 : i32
    %cond3A_2 = arith.cmpi ne, %convert_element_type3A, %cond3A : i32
    scf.if %cond3A_2 {
      %run_scoped3A = arith.constant 0 : i32
      "tpu.region"() ({
        %run_scoped3A_25 = tpu.sem_alloc : memref<!tpu.dma_semaphore, #tpu.memory_space<semaphore_mem>>
        %dma_start3A = arith.constant 0 : i32
        %dma_start3A_26 = arith.constant 0 : i32
        %dma_start3A_27 = tpu.memref_slice %arg9[%run_scoped3A, %dma_start3A, %dma_start3A_26] : memref<2x128x128xf32, #tpu.memory_space<vmem>> -> memref<1x128x128xf32, #tpu.memory_space<vmem>>
        %dma_start3A_28 = tpu.memref_squeeze %dma_start3A_27 : memref<1x128x128xf32, #tpu.memory_space<vmem>> -> memref<128x128xf32, #tpu.memory_space<vmem>>
        %dma_start3A_29 = arith.constant 0 : i32
        %dma_start3A_30 = arith.constant 0 : i32
        %dma_start3A_31 = tpu.memref_slice %arg5[%dma_start3A_29, %dma_start3A_30] : memref<10240x128xf32, #tpu.memory_space<hbm>> -> memref<128x128xf32, #tpu.memory_space<hbm>>
        %dma_start3A_32 = arith.constant 0 : i32
        %dma_start3A_33 = arith.constant 0 : i32
        %dma_start3A_34 = tpu.memref_slice %arg9[%run_scoped3A, %dma_start3A_32, %dma_start3A_33] : memref<2x128x128xf32, #tpu.memory_space<vmem>> -> memref<1x128x128xf32, #tpu.memory_space<vmem>>
        %dma_start3A_35 = tpu.memref_squeeze %dma_start3A_34 : memref<1x128x128xf32, #tpu.memory_space<vmem>> -> memref<128x128xf32, #tpu.memory_space<vmem>>
        %dma_start3A_36 = arith.constant 0 : i32
        %dma_start3A_37 = arith.constant 0 : i32
        %dma_start3A_38 = tpu.memref_slice %arg5[%dma_start3A_36, %dma_start3A_37] : memref<10240x128xf32, #tpu.memory_space<hbm>> -> memref<128x128xf32, #tpu.memory_space<hbm>>
        tpu.enqueue_dma source(%dma_start3A_38 : memref<128x128xf32, #tpu.memory_space<hbm>>) target(%dma_start3A_35 : memref<128x128xf32, #tpu.memory_space<vmem>>) target_semaphore(%run_scoped3A_25 : memref<!tpu.dma_semaphore, #tpu.memory_space<semaphore_mem>>)
        %dma_wait3A = arith.constant 0 : i32
        %dma_wait3A_39 = arith.constant 0 : i32
        %dma_wait3A_40 = tpu.memref_slice %arg9[%run_scoped3A, %dma_wait3A, %dma_wait3A_39] : memref<2x128x128xf32, #tpu.memory_space<vmem>> -> memref<1x128x128xf32, #tpu.memory_space<vmem>>
        %dma_wait3A_41 = tpu.memref_squeeze %dma_wait3A_40 : memref<1x128x128xf32, #tpu.memory_space<vmem>> -> memref<128x128xf32, #tpu.memory_space<vmem>>
        %dma_wait3A_42 = arith.constant 0 : i32
        %dma_wait3A_43 = arith.constant 0 : i32
        %dma_wait3A_44 = tpu.memref_slice %arg5[%dma_wait3A_42, %dma_wait3A_43] : memref<10240x128xf32, #tpu.memory_space<hbm>> -> memref<128x128xf32, #tpu.memory_space<hbm>>
        %dma_wait3A_45 = arith.constant 0 : i32
        %dma_wait3A_46 = arith.constant 0 : i32
        %dma_wait3A_47 = tpu.memref_slice %arg9[%run_scoped3A, %dma_wait3A_45, %dma_wait3A_46] : memref<2x128x128xf32, #tpu.memory_space<vmem>> -> memref<1x128x128xf32, #tpu.memory_space<vmem>>
        %dma_wait3A_48 = tpu.memref_squeeze %dma_wait3A_47 : memref<1x128x128xf32, #tpu.memory_space<vmem>> -> memref<128x128xf32, #tpu.memory_space<vmem>>
        %dma_wait3A_49 = arith.constant 0 : i32
        %dma_wait3A_50 = arith.constant 0 : i32
        %dma_wait3A_51 = tpu.memref_slice %arg5[%dma_wait3A_49, %dma_wait3A_50] : memref<10240x128xf32, #tpu.memory_space<hbm>> -> memref<128x128xf32, #tpu.memory_space<hbm>>
        tpu.wait_dma2 semaphore(%run_scoped3A_25 : memref<!tpu.dma_semaphore, #tpu.memory_space<semaphore_mem>>) src(%dma_wait3A_51 : memref<128x128xf32, #tpu.memory_space<hbm>>) dst(%dma_wait3A_48 : memref<128x128xf32, #tpu.memory_space<vmem>>)
        tpu.yield
      }) : () -> ()
      %run_scoped3A_24 = arith.constant 1 : i32
      "tpu.region"() ({
        %run_scoped3A_25 = tpu.sem_alloc : memref<!tpu.dma_semaphore, #tpu.memory_space<semaphore_mem>>
        %dma_start3A = arith.constant 0 : i32
        %dma_start3A_26 = arith.constant 0 : i32
        %dma_start3A_27 = tpu.memref_slice %arg9[%run_scoped3A_24, %dma_start3A, %dma_start3A_26] : memref<2x128x128xf32, #tpu.memory_space<vmem>> -> memref<1x128x128xf32, #tpu.memory_space<vmem>>
        %dma_start3A_28 = tpu.memref_squeeze %dma_start3A_27 : memref<1x128x128xf32, #tpu.memory_space<vmem>> -> memref<128x128xf32, #tpu.memory_space<vmem>>
        %dma_start3A_29 = arith.constant 0 : i32
        %dma_start3A_30 = arith.constant 0 : i32
        %dma_start3A_31 = tpu.memref_slice %arg5[%dma_start3A_29, %dma_start3A_30] : memref<10240x128xf32, #tpu.memory_space<hbm>> -> memref<128x128xf32, #tpu.memory_space<hbm>>
        %dma_start3A_32 = arith.constant 0 : i32
        %dma_start3A_33 = arith.constant 0 : i32
        %dma_start3A_34 = tpu.memref_slice %arg9[%run_scoped3A_24, %dma_start3A_32, %dma_start3A_33] : memref<2x128x128xf32, #tpu.memory_space<vmem>> -> memref<1x128x128xf32, #tpu.memory_space<vmem>>
        %dma_start3A_35 = tpu.memref_squeeze %dma_start3A_34 : memref<1x128x128xf32, #tpu.memory_space<vmem>> -> memref<128x128xf32, #tpu.memory_space<vmem>>
        %dma_start3A_36 = arith.constant 0 : i32
        %dma_start3A_37 = arith.constant 0 : i32
        %dma_start3A_38 = tpu.memref_slice %arg5[%dma_start3A_36, %dma_start3A_37] : memref<10240x128xf32, #tpu.memory_space<hbm>> -> memref<128x128xf32, #tpu.memory_space<hbm>>
        tpu.enqueue_dma source(%dma_start3A_38 : memref<128x128xf32, #tpu.memory_space<hbm>>) target(%dma_start3A_35 : memref<128x128xf32, #tpu.memory_space<vmem>>) target_semaphore(%run_scoped3A_25 : memref<!tpu.dma_semaphore, #tpu.memory_space<semaphore_mem>>)
        %dma_wait3A = arith.constant 0 : i32
        %dma_wait3A_39 = arith.constant 0 : i32
        %dma_wait3A_40 = tpu.memref_slice %arg9[%run_scoped3A_24, %dma_wait3A, %dma_wait3A_39] : memref<2x128x128xf32, #tpu.memory_space<vmem>> -> memref<1x128x128xf32, #tpu.memory_space<vmem>>
        %dma_wait3A_41 = tpu.memref_squeeze %dma_wait3A_40 : memref<1x128x128xf32, #tpu.memory_space<vmem>> -> memref<128x128xf32, #tpu.memory_space<vmem>>
        %dma_wait3A_42 = arith.constant 0 : i32
        %dma_wait3A_43 = arith.constant 0 : i32
        %dma_wait3A_44 = tpu.memref_slice %arg5[%dma_wait3A_42, %dma_wait3A_43] : memref<10240x128xf32, #tpu.memory_space<hbm>> -> memref<128x128xf32, #tpu.memory_space<hbm>>
        %dma_wait3A_45 = arith.constant 0 : i32
        %dma_wait3A_46 = arith.constant 0 : i32
        %dma_wait3A_47 = tpu.memref_slice %arg9[%run_scoped3A_24, %dma_wait3A_45, %dma_wait3A_46] : memref<2x128x128xf32, #tpu.memory_space<vmem>> -> memref<1x128x128xf32, #tpu.memory_space<vmem>>
        %dma_wait3A_48 = tpu.memref_squeeze %dma_wait3A_47 : memref<1x128x128xf32, #tpu.memory_space<vmem>> -> memref<128x128xf32, #tpu.memory_space<vmem>>
        %dma_wait3A_49 = arith.constant 0 : i32
        %dma_wait3A_50 = arith.constant 0 : i32
        %dma_wait3A_51 = tpu.memref_slice %arg5[%dma_wait3A_49, %dma_wait3A_50] : memref<10240x128xf32, #tpu.memory_space<hbm>> -> memref<128x128xf32, #tpu.memory_space<hbm>>
        tpu.wait_dma2 semaphore(%run_scoped3A_25 : memref<!tpu.dma_semaphore, #tpu.memory_space<semaphore_mem>>) src(%dma_wait3A_51 : memref<128x128xf32, #tpu.memory_space<hbm>>) dst(%dma_wait3A_48 : memref<128x128xf32, #tpu.memory_space<vmem>>)
        tpu.yield
      }) : () -> ()
    } else {
    }
    %barrier3A = arith.constant 0 : index
    tpu.barrier barrier_id(%barrier3A)
    %eq3A_3 = arith.constant 0 : i32
    %eq3A_4 = arith.cmpi eq, %arg0, %eq3A_3 : i32
    %convert_element_type3A_5 = arith.extui %eq3A_4 : i1 to i32
    %cond3A_6 = arith.constant 0 : i32
    %cond3A_7 = arith.cmpi ne, %convert_element_type3A_5, %cond3A_6 : i32
    scf.if %cond3A_7 {
      %run_scoped3A = arith.constant 0 : i32
      %run_scoped3A_24 = arith.constant 0 : i32
      "tpu.region"() ({
        %run_scoped3A_42 = tpu.sem_alloc : memref<!tpu.dma_semaphore, #tpu.memory_space<semaphore_mem>>
        %dma_start3A_43 = arith.constant 0 : i32
        %dma_start3A_44 = arith.constant 0 : i32
        %dma_start3A_45 = tpu.memref_slice %arg11[%run_scoped3A_24, %dma_start3A_43, %dma_start3A_44] : memref<2x2x128xi32, #tpu.memory_space<vmem>> -> memref<1x2x128xi32, #tpu.memory_space<vmem>>
        %dma_start3A_46 = tpu.memref_squeeze %dma_start3A_45 : memref<1x2x128xi32, #tpu.memory_space<vmem>> -> memref<2x128xi32, #tpu.memory_space<vmem>>
        %dma_start3A_47 = arith.constant 0 : i32
        %dma_start3A_48 = arith.constant 0 : i32
        %dma_start3A_49 = tpu.memref_slice %arg3[%arg1, %run_scoped3A, %dma_start3A_47, %dma_start3A_48] : memref<16x160x2x128xi32, #tpu.memory_space<hbm>> -> memref<1x1x2x128xi32, #tpu.memory_space<hbm>>
        %dma_start3A_50 = tpu.memref_squeeze %dma_start3A_49 : memref<1x1x2x128xi32, #tpu.memory_space<hbm>> -> memref<2x128xi32, #tpu.memory_space<hbm>>
        %dma_start3A_51 = arith.constant 0 : i32
        %dma_start3A_52 = arith.constant 0 : i32
        %dma_start3A_53 = tpu.memref_slice %arg11[%run_scoped3A_24, %dma_start3A_51, %dma_start3A_52] : memref<2x2x128xi32, #tpu.memory_space<vmem>> -> memref<1x2x128xi32, #tpu.memory_space<vmem>>
        %dma_start3A_54 = tpu.memref_squeeze %dma_start3A_53 : memref<1x2x128xi32, #tpu.memory_space<vmem>> -> memref<2x128xi32, #tpu.memory_space<vmem>>
        %dma_start3A_55 = arith.constant 0 : i32
        %dma_start3A_56 = arith.constant 0 : i32
        %dma_start3A_57 = tpu.memref_slice %arg3[%arg1, %run_scoped3A, %dma_start3A_55, %dma_start3A_56] : memref<16x160x2x128xi32, #tpu.memory_space<hbm>> -> memref<1x1x2x128xi32, #tpu.memory_space<hbm>>
        %dma_start3A_58 = tpu.memref_squeeze %dma_start3A_57 : memref<1x1x2x128xi32, #tpu.memory_space<hbm>> -> memref<2x128xi32, #tpu.memory_space<hbm>>
        tpu.enqueue_dma source(%dma_start3A_58 : memref<2x128xi32, #tpu.memory_space<hbm>>) target(%dma_start3A_54 : memref<2x128xi32, #tpu.memory_space<vmem>>) target_semaphore(%run_scoped3A_42 : memref<!tpu.dma_semaphore, #tpu.memory_space<semaphore_mem>>)
        %dma_wait3A = arith.constant 0 : i32
        %dma_wait3A_59 = arith.constant 0 : i32
        %dma_wait3A_60 = tpu.memref_slice %arg11[%run_scoped3A_24, %dma_wait3A, %dma_wait3A_59] : memref<2x2x128xi32, #tpu.memory_space<vmem>> -> memref<1x2x128xi32, #tpu.memory_space<vmem>>
        %dma_wait3A_61 = tpu.memref_squeeze %dma_wait3A_60 : memref<1x2x128xi32, #tpu.memory_space<vmem>> -> memref<2x128xi32, #tpu.memory_space<vmem>>
        %dma_wait3A_62 = arith.constant 0 : i32
        %dma_wait3A_63 = arith.constant 0 : i32
        %dma_wait3A_64 = tpu.memref_slice %arg3[%arg1, %run_scoped3A, %dma_wait3A_62, %dma_wait3A_63] : memref<16x160x2x128xi32, #tpu.memory_space<hbm>> -> memref<1x1x2x128xi32, #tpu.memory_space<hbm>>
        %dma_wait3A_65 = tpu.memref_squeeze %dma_wait3A_64 : memref<1x1x2x128xi32, #tpu.memory_space<hbm>> -> memref<2x128xi32, #tpu.memory_space<hbm>>
        %dma_wait3A_66 = arith.constant 0 : i32
        %dma_wait3A_67 = arith.constant 0 : i32
        %dma_wait3A_68 = tpu.memref_slice %arg11[%run_scoped3A_24, %dma_wait3A_66, %dma_wait3A_67] : memref<2x2x128xi32, #tpu.memory_space<vmem>> -> memref<1x2x128xi32, #tpu.memory_space<vmem>>
        %dma_wait3A_69 = tpu.memref_squeeze %dma_wait3A_68 : memref<1x2x128xi32, #tpu.memory_space<vmem>> -> memref<2x128xi32, #tpu.memory_space<vmem>>
        %dma_wait3A_70 = arith.constant 0 : i32
        %dma_wait3A_71 = arith.constant 0 : i32
        %dma_wait3A_72 = tpu.memref_slice %arg3[%arg1, %run_scoped3A, %dma_wait3A_70, %dma_wait3A_71] : memref<16x160x2x128xi32, #tpu.memory_space<hbm>> -> memref<1x1x2x128xi32, #tpu.memory_space<hbm>>
        %dma_wait3A_73 = tpu.memref_squeeze %dma_wait3A_72 : memref<1x1x2x128xi32, #tpu.memory_space<hbm>> -> memref<2x128xi32, #tpu.memory_space<hbm>>
        tpu.wait_dma2 semaphore(%run_scoped3A_42 : memref<!tpu.dma_semaphore, #tpu.memory_space<semaphore_mem>>) src(%dma_wait3A_73 : memref<2x128xi32, #tpu.memory_space<hbm>>) dst(%dma_wait3A_69 : memref<2x128xi32, #tpu.memory_space<vmem>>)
        tpu.yield
      }) : () -> ()
      %dma_start3A = arith.constant 0 : i32
      %dma_start3A_25 = arith.constant 0 : i32
      %dma_start3A_26 = arith.constant 0 : i32
      %dma_start3A_27 = arith.constant 0 : i32
      %dma_start3A_28 = arith.constant 0 : i32
      %dma_start3A_29 = tpu.memref_slice %arg9[%dma_start3A_26, %dma_start3A_27, %dma_start3A_28] : memref<2x128x128xf32, #tpu.memory_space<vmem>> -> memref<1x128x128xf32, #tpu.memory_space<vmem>>
      %dma_start3A_30 = tpu.memref_squeeze %dma_start3A_29 : memref<1x128x128xf32, #tpu.memory_space<vmem>> -> memref<128x128xf32, #tpu.memory_space<vmem>>
      %dma_start3A_31 = arith.constant 0 : i32
      %dma_start3A_32 = tpu.memref_slice %arg11[%dma_start3A, %dma_start3A_25, %dma_start3A_31] : memref<2x2x128xi32, #tpu.memory_space<vmem>> -> memref<1x1x128xi32, #tpu.memory_space<vmem>>
      %dma_start3A_33 = tpu.memref_squeeze %dma_start3A_32 : memref<1x1x128xi32, #tpu.memory_space<vmem>> -> memref<128xi32, #tpu.memory_space<vmem>>
      %dma_start3A_34 = arith.constant 0 : i32
      %dma_start3A_35 = arith.constant 0 : i32
      %dma_start3A_36 = tpu.memref_slice %arg2[%dma_start3A_34, %dma_start3A_35] : memref<10000x128xf32, #tpu.memory_space<hbm>> -> memref<10000x128xf32, #tpu.memory_space<hbm>>
      tpu.enqueue_indirect_dma source(%dma_start3A_36 : memref<10000x128xf32, #tpu.memory_space<hbm>>) target(%dma_start3A_30 : memref<128x128xf32, #tpu.memory_space<vmem>>) offsets(%dma_start3A_33 : memref<128xi32, #tpu.memory_space<vmem>>) semaphore(%arg12 : memref<!tpu.dma_semaphore, #tpu.memory_space<semaphore_mem>>)
      %scan3A = arith.constant 0 : i32
      %scan3A_37 = arith.constant 0 : i32
      %scan3A_38 = arith.constant 80 : i32
      %scan3A_39 = arith.addi %scan3A_37, %scan3A_38 : i32
      %scan3A_40 = arith.constant 1 : i32
      scf.for %scan3A_42 = %scan3A_37 to %scan3A_39 step %scan3A_40  : i32 {
        %mul3A_43 = arith.constant 2 : i32
        %mul3A_44 = arith.muli %mul3A_43, %scan3A_42 : i32
        %add3A = arith.constant 0 : i32
        %add3A_45 = arith.addi %mul3A_44, %add3A : i32
        %add3A_46 = arith.constant 1 : i32
        %add3A_47 = arith.addi %add3A_45, %add3A_46 : i32
        %dma_start3A_48 = arith.constant 1 : i32
        %dma_start3A_49 = arith.constant 0 : i32
        %dma_start3A_50 = arith.constant 0 : i32
        %dma_start3A_51 = tpu.memref_slice %arg11[%dma_start3A_48, %dma_start3A_49, %dma_start3A_50] : memref<2x2x128xi32, #tpu.memory_space<vmem>> -> memref<1x2x128xi32, #tpu.memory_space<vmem>>
        %dma_start3A_52 = tpu.memref_squeeze %dma_start3A_51 : memref<1x2x128xi32, #tpu.memory_space<vmem>> -> memref<2x128xi32, #tpu.memory_space<vmem>>
        %dma_start3A_53 = arith.constant 0 : i32
        %dma_start3A_54 = arith.constant 0 : i32
        %dma_start3A_55 = tpu.memref_slice %arg3[%arg1, %add3A_47, %dma_start3A_53, %dma_start3A_54] : memref<16x160x2x128xi32, #tpu.memory_space<hbm>> -> memref<1x1x2x128xi32, #tpu.memory_space<hbm>>
        %dma_start3A_56 = tpu.memref_squeeze %dma_start3A_55 : memref<1x1x2x128xi32, #tpu.memory_space<hbm>> -> memref<2x128xi32, #tpu.memory_space<hbm>>
        %dma_start3A_57 = arith.constant 0 : i32
        %dma_start3A_58 = arith.constant 0 : i32
        %dma_start3A_59 = tpu.memref_slice %arg11[%dma_start3A_48, %dma_start3A_57, %dma_start3A_58] : memref<2x2x128xi32, #tpu.memory_space<vmem>> -> memref<1x2x128xi32, #tpu.memory_space<vmem>>
        %dma_start3A_60 = tpu.memref_squeeze %dma_start3A_59 : memref<1x2x128xi32, #tpu.memory_space<vmem>> -> memref<2x128xi32, #tpu.memory_space<vmem>>
        %dma_start3A_61 = arith.constant 0 : i32
        %dma_start3A_62 = arith.constant 0 : i32
        %dma_start3A_63 = tpu.memref_slice %arg3[%arg1, %add3A_47, %dma_start3A_61, %dma_start3A_62] : memref<16x160x2x128xi32, #tpu.memory_space<hbm>> -> memref<1x1x2x128xi32, #tpu.memory_space<hbm>>
        %dma_start3A_64 = tpu.memref_squeeze %dma_start3A_63 : memref<1x1x2x128xi32, #tpu.memory_space<hbm>> -> memref<2x128xi32, #tpu.memory_space<hbm>>
        tpu.enqueue_dma source(%dma_start3A_64 : memref<2x128xi32, #tpu.memory_space<hbm>>) target(%dma_start3A_60 : memref<2x128xi32, #tpu.memory_space<vmem>>) target_semaphore(%arg13 : memref<!tpu.dma_semaphore, #tpu.memory_space<semaphore_mem>>)
        %dma_wait3A = arith.constant 0 : i32
        %dma_wait3A_65 = arith.constant 0 : i32
        %dma_wait3A_66 = arith.constant 0 : i32
        %dma_wait3A_67 = arith.constant 0 : i32
        %dma_wait3A_68 = arith.constant 0 : i32
        %dma_wait3A_69 = tpu.memref_slice %arg9[%dma_wait3A_66, %dma_wait3A_67, %dma_wait3A_68] : memref<2x128x128xf32, #tpu.memory_space<vmem>> -> memref<1x128x128xf32, #tpu.memory_space<vmem>>
        %dma_wait3A_70 = tpu.memref_squeeze %dma_wait3A_69 : memref<1x128x128xf32, #tpu.memory_space<vmem>> -> memref<128x128xf32, #tpu.memory_space<vmem>>
        %dma_wait3A_71 = arith.constant 0 : i32
        %dma_wait3A_72 = tpu.memref_slice %arg11[%dma_wait3A, %dma_wait3A_65, %dma_wait3A_71] : memref<2x2x128xi32, #tpu.memory_space<vmem>> -> memref<1x1x128xi32, #tpu.memory_space<vmem>>
        %dma_wait3A_73 = tpu.memref_squeeze %dma_wait3A_72 : memref<1x1x128xi32, #tpu.memory_space<vmem>> -> memref<128xi32, #tpu.memory_space<vmem>>
        %dma_wait3A_74 = arith.constant 0 : i32
        %dma_wait3A_75 = arith.constant 0 : i32
        %dma_wait3A_76 = tpu.memref_slice %arg2[%dma_wait3A_74, %dma_wait3A_75] : memref<10000x128xf32, #tpu.memory_space<hbm>> -> memref<10000x128xf32, #tpu.memory_space<hbm>>
        tpu.wait_indirect_dma semaphore(%arg12 : memref<!tpu.dma_semaphore, #tpu.memory_space<semaphore_mem>>) src(%dma_wait3A_76 : memref<10000x128xf32, #tpu.memory_space<hbm>>) dst(%dma_wait3A_70 : memref<128x128xf32, #tpu.memory_space<vmem>>)
        %dma_wait3A_77 = arith.constant 0 : i32
        %dma_wait3A_78 = arith.constant 1 : i32
        %dma_wait3A_79 = arith.constant 0 : i32
        %dma_wait3A_80 = arith.constant 0 : i32
        %dma_wait3A_81 = tpu.memref_slice %arg11[%dma_wait3A_78, %dma_wait3A_79, %dma_wait3A_80] : memref<2x2x128xi32, #tpu.memory_space<vmem>> -> memref<1x2x128xi32, #tpu.memory_space<vmem>>
        %dma_wait3A_82 = tpu.memref_squeeze %dma_wait3A_81 : memref<1x2x128xi32, #tpu.memory_space<vmem>> -> memref<2x128xi32, #tpu.memory_space<vmem>>
        %dma_wait3A_83 = arith.constant 0 : i32
        %dma_wait3A_84 = arith.constant 0 : i32
        %dma_wait3A_85 = tpu.memref_slice %arg3[%arg1, %dma_wait3A_77, %dma_wait3A_83, %dma_wait3A_84] : memref<16x160x2x128xi32, #tpu.memory_space<hbm>> -> memref<1x1x2x128xi32, #tpu.memory_space<hbm>>
        %dma_wait3A_86 = tpu.memref_squeeze %dma_wait3A_85 : memref<1x1x2x128xi32, #tpu.memory_space<hbm>> -> memref<2x128xi32, #tpu.memory_space<hbm>>
        %dma_wait3A_87 = arith.constant 0 : i32
        %dma_wait3A_88 = arith.constant 0 : i32
        %dma_wait3A_89 = tpu.memref_slice %arg11[%dma_wait3A_78, %dma_wait3A_87, %dma_wait3A_88] : memref<2x2x128xi32, #tpu.memory_space<vmem>> -> memref<1x2x128xi32, #tpu.memory_space<vmem>>
        %dma_wait3A_90 = tpu.memref_squeeze %dma_wait3A_89 : memref<1x2x128xi32, #tpu.memory_space<vmem>> -> memref<2x128xi32, #tpu.memory_space<vmem>>
        %dma_wait3A_91 = arith.constant 0 : i32
        %dma_wait3A_92 = arith.constant 0 : i32
        %dma_wait3A_93 = tpu.memref_slice %arg3[%arg1, %dma_wait3A_77, %dma_wait3A_91, %dma_wait3A_92] : memref<16x160x2x128xi32, #tpu.memory_space<hbm>> -> memref<1x1x2x128xi32, #tpu.memory_space<hbm>>
        %dma_wait3A_94 = tpu.memref_squeeze %dma_wait3A_93 : memref<1x1x2x128xi32, #tpu.memory_space<hbm>> -> memref<2x128xi32, #tpu.memory_space<hbm>>
        tpu.wait_dma2 semaphore(%arg13 : memref<!tpu.dma_semaphore, #tpu.memory_space<semaphore_mem>>) src(%dma_wait3A_94 : memref<2x128xi32, #tpu.memory_space<hbm>>) dst(%dma_wait3A_90 : memref<2x128xi32, #tpu.memory_space<vmem>>)
        %dma_start3A_95 = arith.constant 1 : i32
        %dma_start3A_96 = arith.constant 0 : i32
        %dma_start3A_97 = arith.constant 1 : i32
        %dma_start3A_98 = arith.constant 0 : i32
        %dma_start3A_99 = arith.constant 0 : i32
        %dma_start3A_100 = tpu.memref_slice %arg9[%dma_start3A_97, %dma_start3A_98, %dma_start3A_99] : memref<2x128x128xf32, #tpu.memory_space<vmem>> -> memref<1x128x128xf32, #tpu.memory_space<vmem>>
        %dma_start3A_101 = tpu.memref_squeeze %dma_start3A_100 : memref<1x128x128xf32, #tpu.memory_space<vmem>> -> memref<128x128xf32, #tpu.memory_space<vmem>>
        %dma_start3A_102 = arith.constant 0 : i32
        %dma_start3A_103 = tpu.memref_slice %arg11[%dma_start3A_95, %dma_start3A_96, %dma_start3A_102] : memref<2x2x128xi32, #tpu.memory_space<vmem>> -> memref<1x1x128xi32, #tpu.memory_space<vmem>>
        %dma_start3A_104 = tpu.memref_squeeze %dma_start3A_103 : memref<1x1x128xi32, #tpu.memory_space<vmem>> -> memref<128xi32, #tpu.memory_space<vmem>>
        %dma_start3A_105 = arith.constant 0 : i32
        %dma_start3A_106 = arith.constant 0 : i32
        %dma_start3A_107 = tpu.memref_slice %arg2[%dma_start3A_105, %dma_start3A_106] : memref<10000x128xf32, #tpu.memory_space<hbm>> -> memref<10000x128xf32, #tpu.memory_space<hbm>>
        tpu.enqueue_indirect_dma source(%dma_start3A_107 : memref<10000x128xf32, #tpu.memory_space<hbm>>) target(%dma_start3A_101 : memref<128x128xf32, #tpu.memory_space<vmem>>) offsets(%dma_start3A_104 : memref<128xi32, #tpu.memory_space<vmem>>) semaphore(%arg12 : memref<!tpu.dma_semaphore, #tpu.memory_space<semaphore_mem>>)
        %run_scoped3A_108 = arith.constant 0 : i32
        %run_scoped3A_109 = arith.constant 0 : i32
        %run_scoped3A_110 = arith.constant 1 : i32
        "tpu.region"() ({
          %run_scoped3A_126 = tpu.sem_alloc : memref<!tpu.dma_semaphore, #tpu.memory_space<semaphore_mem>>
          %dma_start3A_127 = arith.constant 0 : i32
          %dma_start3A_128 = arith.constant 0 : i32
          %dma_start3A_129 = tpu.memref_slice %arg9[%run_scoped3A_108, %dma_start3A_127, %dma_start3A_128] : memref<2x128x128xf32, #tpu.memory_space<vmem>> -> memref<1x128x128xf32, #tpu.memory_space<vmem>>
          %dma_start3A_130 = tpu.memref_squeeze %dma_start3A_129 : memref<1x128x128xf32, #tpu.memory_space<vmem>> -> memref<128x128xf32, #tpu.memory_space<vmem>>
          %dma_start3A_131 = arith.constant 0 : i32
          %dma_start3A_132 = tpu.memref_slice %arg11[%run_scoped3A_109, %run_scoped3A_110, %dma_start3A_131] : memref<2x2x128xi32, #tpu.memory_space<vmem>> -> memref<1x1x128xi32, #tpu.memory_space<vmem>>
          %dma_start3A_133 = tpu.memref_squeeze %dma_start3A_132 : memref<1x1x128xi32, #tpu.memory_space<vmem>> -> memref<128xi32, #tpu.memory_space<vmem>>
          %dma_start3A_134 = arith.constant 0 : i32
          %dma_start3A_135 = arith.constant 0 : i32
          %dma_start3A_136 = tpu.memref_slice %arg8[%dma_start3A_134, %dma_start3A_135] : memref<10240x128xf32, #tpu.memory_space<vmem_shared>> -> memref<10240x128xf32, #tpu.memory_space<vmem_shared>>
          tpu.enqueue_indirect_dma source(%dma_start3A_130 : memref<128x128xf32, #tpu.memory_space<vmem>>) target(%dma_start3A_136 : memref<10240x128xf32, #tpu.memory_space<vmem_shared>>) offsets(%dma_start3A_133 : memref<128xi32, #tpu.memory_space<vmem>>) semaphore(%run_scoped3A_126 : memref<!tpu.dma_semaphore, #tpu.memory_space<semaphore_mem>>) {add = true}
          %dma_wait3A_137 = arith.constant 0 : i32
          %dma_wait3A_138 = arith.constant 0 : i32
          %dma_wait3A_139 = tpu.memref_slice %arg9[%run_scoped3A_108, %dma_wait3A_137, %dma_wait3A_138] : memref<2x128x128xf32, #tpu.memory_space<vmem>> -> memref<1x128x128xf32, #tpu.memory_space<vmem>>
          %dma_wait3A_140 = tpu.memref_squeeze %dma_wait3A_139 : memref<1x128x128xf32, #tpu.memory_space<vmem>> -> memref<128x128xf32, #tpu.memory_space<vmem>>
          %dma_wait3A_141 = arith.constant 0 : i32
          %dma_wait3A_142 = tpu.memref_slice %arg11[%run_scoped3A_109, %run_scoped3A_110, %dma_wait3A_141] : memref<2x2x128xi32, #tpu.memory_space<vmem>> -> memref<1x1x128xi32, #tpu.memory_space<vmem>>
          %dma_wait3A_143 = tpu.memref_squeeze %dma_wait3A_142 : memref<1x1x128xi32, #tpu.memory_space<vmem>> -> memref<128xi32, #tpu.memory_space<vmem>>
          %dma_wait3A_144 = arith.constant 0 : i32
          %dma_wait3A_145 = arith.constant 0 : i32
          %dma_wait3A_146 = tpu.memref_slice %arg8[%dma_wait3A_144, %dma_wait3A_145] : memref<10240x128xf32, #tpu.memory_space<vmem_shared>> -> memref<10240x128xf32, #tpu.memory_space<vmem_shared>>
          tpu.wait_indirect_dma semaphore(%run_scoped3A_126 : memref<!tpu.dma_semaphore, #tpu.memory_space<semaphore_mem>>) src(%dma_wait3A_140 : memref<128x128xf32, #tpu.memory_space<vmem>>) dst(%dma_wait3A_146 : memref<10240x128xf32, #tpu.memory_space<vmem_shared>>)
          tpu.yield
        }) : () -> ()
        %mul3A_111 = arith.constant 2 : i32
        %mul3A_112 = arith.muli %mul3A_111, %scan3A_42 : i32
        %add3A_113 = arith.constant 1 : i32
        %add3A_114 = arith.addi %mul3A_112, %add3A_113 : i32
        %lt3A = arith.constant 79 : i32
        %lt3A_115 = arith.cmpi slt, %scan3A_42, %lt3A : i32
        %convert_element_type3A_116 = arith.extui %lt3A_115 : i1 to i32
        %cond3A_117 = arith.constant 0 : i32
        %cond3A_118 = arith.cmpi ne, %convert_element_type3A_116, %cond3A_117 : i32
        scf.if %cond3A_118 {
          %add3A_126 = arith.constant 1 : i32
          %add3A_127 = arith.addi %add3A_114, %add3A_126 : i32
          %dma_start3A_128 = arith.constant 0 : i32
          %dma_start3A_129 = arith.constant 0 : i32
          %dma_start3A_130 = arith.constant 0 : i32
          %dma_start3A_131 = tpu.memref_slice %arg11[%dma_start3A_128, %dma_start3A_129, %dma_start3A_130] : memref<2x2x128xi32, #tpu.memory_space<vmem>> -> memref<1x2x128xi32, #tpu.memory_space<vmem>>
          %dma_start3A_132 = tpu.memref_squeeze %dma_start3A_131 : memref<1x2x128xi32, #tpu.memory_space<vmem>> -> memref<2x128xi32, #tpu.memory_space<vmem>>
          %dma_start3A_133 = arith.constant 0 : i32
          %dma_start3A_134 = arith.constant 0 : i32
          %dma_start3A_135 = tpu.memref_slice %arg3[%arg1, %add3A_127, %dma_start3A_133, %dma_start3A_134] : memref<16x160x2x128xi32, #tpu.memory_space<hbm>> -> memref<1x1x2x128xi32, #tpu.memory_space<hbm>>
          %dma_start3A_136 = tpu.memref_squeeze %dma_start3A_135 : memref<1x1x2x128xi32, #tpu.memory_space<hbm>> -> memref<2x128xi32, #tpu.memory_space<hbm>>
          %dma_start3A_137 = arith.constant 0 : i32
          %dma_start3A_138 = arith.constant 0 : i32
          %dma_start3A_139 = tpu.memref_slice %arg11[%dma_start3A_128, %dma_start3A_137, %dma_start3A_138] : memref<2x2x128xi32, #tpu.memory_space<vmem>> -> memref<1x2x128xi32, #tpu.memory_space<vmem>>
          %dma_start3A_140 = tpu.memref_squeeze %dma_start3A_139 : memref<1x2x128xi32, #tpu.memory_space<vmem>> -> memref<2x128xi32, #tpu.memory_space<vmem>>
          %dma_start3A_141 = arith.constant 0 : i32
          %dma_start3A_142 = arith.constant 0 : i32
          %dma_start3A_143 = tpu.memref_slice %arg3[%arg1, %add3A_127, %dma_start3A_141, %dma_start3A_142] : memref<16x160x2x128xi32, #tpu.memory_space<hbm>> -> memref<1x1x2x128xi32, #tpu.memory_space<hbm>>
          %dma_start3A_144 = tpu.memref_squeeze %dma_start3A_143 : memref<1x1x2x128xi32, #tpu.memory_space<hbm>> -> memref<2x128xi32, #tpu.memory_space<hbm>>
          tpu.enqueue_dma source(%dma_start3A_144 : memref<2x128xi32, #tpu.memory_space<hbm>>) target(%dma_start3A_140 : memref<2x128xi32, #tpu.memory_space<vmem>>) target_semaphore(%arg13 : memref<!tpu.dma_semaphore, #tpu.memory_space<semaphore_mem>>)
          %dma_wait3A_145 = arith.constant 1 : i32
          %dma_wait3A_146 = arith.constant 0 : i32
          %dma_wait3A_147 = arith.constant 1 : i32
          %dma_wait3A_148 = arith.constant 0 : i32
          %dma_wait3A_149 = arith.constant 0 : i32
          %dma_wait3A_150 = tpu.memref_slice %arg9[%dma_wait3A_147, %dma_wait3A_148, %dma_wait3A_149] : memref<2x128x128xf32, #tpu.memory_space<vmem>> -> memref<1x128x128xf32, #tpu.memory_space<vmem>>
          %dma_wait3A_151 = tpu.memref_squeeze %dma_wait3A_150 : memref<1x128x128xf32, #tpu.memory_space<vmem>> -> memref<128x128xf32, #tpu.memory_space<vmem>>
          %dma_wait3A_152 = arith.constant 0 : i32
          %dma_wait3A_153 = tpu.memref_slice %arg11[%dma_wait3A_145, %dma_wait3A_146, %dma_wait3A_152] : memref<2x2x128xi32, #tpu.memory_space<vmem>> -> memref<1x1x128xi32, #tpu.memory_space<vmem>>
          %dma_wait3A_154 = tpu.memref_squeeze %dma_wait3A_153 : memref<1x1x128xi32, #tpu.memory_space<vmem>> -> memref<128xi32, #tpu.memory_space<vmem>>
          %dma_wait3A_155 = arith.constant 0 : i32
          %dma_wait3A_156 = arith.constant 0 : i32
          %dma_wait3A_157 = tpu.memref_slice %arg2[%dma_wait3A_155, %dma_wait3A_156] : memref<10000x128xf32, #tpu.memory_space<hbm>> -> memref<10000x128xf32, #tpu.memory_space<hbm>>
          tpu.wait_indirect_dma semaphore(%arg12 : memref<!tpu.dma_semaphore, #tpu.memory_space<semaphore_mem>>) src(%dma_wait3A_157 : memref<10000x128xf32, #tpu.memory_space<hbm>>) dst(%dma_wait3A_151 : memref<128x128xf32, #tpu.memory_space<vmem>>)
          %dma_wait3A_158 = arith.constant 0 : i32
          %dma_wait3A_159 = arith.constant 0 : i32
          %dma_wait3A_160 = arith.constant 0 : i32
          %dma_wait3A_161 = arith.constant 0 : i32
          %dma_wait3A_162 = tpu.memref_slice %arg11[%dma_wait3A_159, %dma_wait3A_160, %dma_wait3A_161] : memref<2x2x128xi32, #tpu.memory_space<vmem>> -> memref<1x2x128xi32, #tpu.memory_space<vmem>>
          %dma_wait3A_163 = tpu.memref_squeeze %dma_wait3A_162 : memref<1x2x128xi32, #tpu.memory_space<vmem>> -> memref<2x128xi32, #tpu.memory_space<vmem>>
          %dma_wait3A_164 = arith.constant 0 : i32
          %dma_wait3A_165 = arith.constant 0 : i32
          %dma_wait3A_166 = tpu.memref_slice %arg3[%arg1, %dma_wait3A_158, %dma_wait3A_164, %dma_wait3A_165] : memref<16x160x2x128xi32, #tpu.memory_space<hbm>> -> memref<1x1x2x128xi32, #tpu.memory_space<hbm>>
          %dma_wait3A_167 = tpu.memref_squeeze %dma_wait3A_166 : memref<1x1x2x128xi32, #tpu.memory_space<hbm>> -> memref<2x128xi32, #tpu.memory_space<hbm>>
          %dma_wait3A_168 = arith.constant 0 : i32
          %dma_wait3A_169 = arith.constant 0 : i32
          %dma_wait3A_170 = tpu.memref_slice %arg11[%dma_wait3A_159, %dma_wait3A_168, %dma_wait3A_169] : memref<2x2x128xi32, #tpu.memory_space<vmem>> -> memref<1x2x128xi32, #tpu.memory_space<vmem>>
          %dma_wait3A_171 = tpu.memref_squeeze %dma_wait3A_170 : memref<1x2x128xi32, #tpu.memory_space<vmem>> -> memref<2x128xi32, #tpu.memory_space<vmem>>
          %dma_wait3A_172 = arith.constant 0 : i32
          %dma_wait3A_173 = arith.constant 0 : i32
          %dma_wait3A_174 = tpu.memref_slice %arg3[%arg1, %dma_wait3A_158, %dma_wait3A_172, %dma_wait3A_173] : memref<16x160x2x128xi32, #tpu.memory_space<hbm>> -> memref<1x1x2x128xi32, #tpu.memory_space<hbm>>
          %dma_wait3A_175 = tpu.memref_squeeze %dma_wait3A_174 : memref<1x1x2x128xi32, #tpu.memory_space<hbm>> -> memref<2x128xi32, #tpu.memory_space<hbm>>
          tpu.wait_dma2 semaphore(%arg13 : memref<!tpu.dma_semaphore, #tpu.memory_space<semaphore_mem>>) src(%dma_wait3A_175 : memref<2x128xi32, #tpu.memory_space<hbm>>) dst(%dma_wait3A_171 : memref<2x128xi32, #tpu.memory_space<vmem>>)
          %dma_start3A_176 = arith.constant 0 : i32
          %dma_start3A_177 = arith.constant 0 : i32
          %dma_start3A_178 = arith.constant 0 : i32
          %dma_start3A_179 = arith.constant 0 : i32
          %dma_start3A_180 = arith.constant 0 : i32
          %dma_start3A_181 = tpu.memref_slice %arg9[%dma_start3A_178, %dma_start3A_179, %dma_start3A_180] : memref<2x128x128xf32, #tpu.memory_space<vmem>> -> memref<1x128x128xf32, #tpu.memory_space<vmem>>
          %dma_start3A_182 = tpu.memref_squeeze %dma_start3A_181 : memref<1x128x128xf32, #tpu.memory_space<vmem>> -> memref<128x128xf32, #tpu.memory_space<vmem>>
          %dma_start3A_183 = arith.constant 0 : i32
          %dma_start3A_184 = tpu.memref_slice %arg11[%dma_start3A_176, %dma_start3A_177, %dma_start3A_183] : memref<2x2x128xi32, #tpu.memory_space<vmem>> -> memref<1x1x128xi32, #tpu.memory_space<vmem>>
          %dma_start3A_185 = tpu.memref_squeeze %dma_start3A_184 : memref<1x1x128xi32, #tpu.memory_space<vmem>> -> memref<128xi32, #tpu.memory_space<vmem>>
          %dma_start3A_186 = arith.constant 0 : i32
          %dma_start3A_187 = arith.constant 0 : i32
          %dma_start3A_188 = tpu.memref_slice %arg2[%dma_start3A_186, %dma_start3A_187] : memref<10000x128xf32, #tpu.memory_space<hbm>> -> memref<10000x128xf32, #tpu.memory_space<hbm>>
          tpu.enqueue_indirect_dma source(%dma_start3A_188 : memref<10000x128xf32, #tpu.memory_space<hbm>>) target(%dma_start3A_182 : memref<128x128xf32, #tpu.memory_space<vmem>>) offsets(%dma_start3A_185 : memref<128xi32, #tpu.memory_space<vmem>>) semaphore(%arg12 : memref<!tpu.dma_semaphore, #tpu.memory_space<semaphore_mem>>)
        } else {
        }
        %ge3A = arith.constant 79 : i32
        %ge3A_119 = arith.cmpi sge, %scan3A_42, %ge3A : i32
        %convert_element_type3A_120 = arith.extui %ge3A_119 : i1 to i32
        %cond3A_121 = arith.constant 0 : i32
        %cond3A_122 = arith.cmpi ne, %convert_element_type3A_120, %cond3A_121 : i32
        scf.if %cond3A_122 {
          %dma_wait3A_126 = arith.constant 1 : i32
          %dma_wait3A_127 = arith.constant 0 : i32
          %dma_wait3A_128 = arith.constant 1 : i32
          %dma_wait3A_129 = arith.constant 0 : i32
          %dma_wait3A_130 = arith.constant 0 : i32
          %dma_wait3A_131 = tpu.memref_slice %arg9[%dma_wait3A_128, %dma_wait3A_129, %dma_wait3A_130] : memref<2x128x128xf32, #tpu.memory_space<vmem>> -> memref<1x128x128xf32, #tpu.memory_space<vmem>>
          %dma_wait3A_132 = tpu.memref_squeeze %dma_wait3A_131 : memref<1x128x128xf32, #tpu.memory_space<vmem>> -> memref<128x128xf32, #tpu.memory_space<vmem>>
          %dma_wait3A_133 = arith.constant 0 : i32
          %dma_wait3A_134 = tpu.memref_slice %arg11[%dma_wait3A_126, %dma_wait3A_127, %dma_wait3A_133] : memref<2x2x128xi32, #tpu.memory_space<vmem>> -> memref<1x1x128xi32, #tpu.memory_space<vmem>>
          %dma_wait3A_135 = tpu.memref_squeeze %dma_wait3A_134 : memref<1x1x128xi32, #tpu.memory_space<vmem>> -> memref<128xi32, #tpu.memory_space<vmem>>
          %dma_wait3A_136 = arith.constant 0 : i32
          %dma_wait3A_137 = arith.constant 0 : i32
          %dma_wait3A_138 = tpu.memref_slice %arg2[%dma_wait3A_136, %dma_wait3A_137] : memref<10000x128xf32, #tpu.memory_space<hbm>> -> memref<10000x128xf32, #tpu.memory_space<hbm>>
          tpu.wait_indirect_dma semaphore(%arg12 : memref<!tpu.dma_semaphore, #tpu.memory_space<semaphore_mem>>) src(%dma_wait3A_138 : memref<10000x128xf32, #tpu.memory_space<hbm>>) dst(%dma_wait3A_132 : memref<128x128xf32, #tpu.memory_space<vmem>>)
        } else {
        }
        %run_scoped3A_123 = arith.constant 1 : i32
        %run_scoped3A_124 = arith.constant 1 : i32
        %run_scoped3A_125 = arith.constant 1 : i32
        "tpu.region"() ({
          %run_scoped3A_126 = tpu.sem_alloc : memref<!tpu.dma_semaphore, #tpu.memory_space<semaphore_mem>>
          %dma_start3A_127 = arith.constant 0 : i32
          %dma_start3A_128 = arith.constant 0 : i32
          %dma_start3A_129 = tpu.memref_slice %arg9[%run_scoped3A_123, %dma_start3A_127, %dma_start3A_128] : memref<2x128x128xf32, #tpu.memory_space<vmem>> -> memref<1x128x128xf32, #tpu.memory_space<vmem>>
          %dma_start3A_130 = tpu.memref_squeeze %dma_start3A_129 : memref<1x128x128xf32, #tpu.memory_space<vmem>> -> memref<128x128xf32, #tpu.memory_space<vmem>>
          %dma_start3A_131 = arith.constant 0 : i32
          %dma_start3A_132 = tpu.memref_slice %arg11[%run_scoped3A_124, %run_scoped3A_125, %dma_start3A_131] : memref<2x2x128xi32, #tpu.memory_space<vmem>> -> memref<1x1x128xi32, #tpu.memory_space<vmem>>
          %dma_start3A_133 = tpu.memref_squeeze %dma_start3A_132 : memref<1x1x128xi32, #tpu.memory_space<vmem>> -> memref<128xi32, #tpu.memory_space<vmem>>
          %dma_start3A_134 = arith.constant 0 : i32
          %dma_start3A_135 = arith.constant 0 : i32
          %dma_start3A_136 = tpu.memref_slice %arg8[%dma_start3A_134, %dma_start3A_135] : memref<10240x128xf32, #tpu.memory_space<vmem_shared>> -> memref<10240x128xf32, #tpu.memory_space<vmem_shared>>
          tpu.enqueue_indirect_dma source(%dma_start3A_130 : memref<128x128xf32, #tpu.memory_space<vmem>>) target(%dma_start3A_136 : memref<10240x128xf32, #tpu.memory_space<vmem_shared>>) offsets(%dma_start3A_133 : memref<128xi32, #tpu.memory_space<vmem>>) semaphore(%run_scoped3A_126 : memref<!tpu.dma_semaphore, #tpu.memory_space<semaphore_mem>>) {add = true}
          %dma_wait3A_137 = arith.constant 0 : i32
          %dma_wait3A_138 = arith.constant 0 : i32
          %dma_wait3A_139 = tpu.memref_slice %arg9[%run_scoped3A_123, %dma_wait3A_137, %dma_wait3A_138] : memref<2x128x128xf32, #tpu.memory_space<vmem>> -> memref<1x128x128xf32, #tpu.memory_space<vmem>>
          %dma_wait3A_140 = tpu.memref_squeeze %dma_wait3A_139 : memref<1x128x128xf32, #tpu.memory_space<vmem>> -> memref<128x128xf32, #tpu.memory_space<vmem>>
          %dma_wait3A_141 = arith.constant 0 : i32
          %dma_wait3A_142 = tpu.memref_slice %arg11[%run_scoped3A_124, %run_scoped3A_125, %dma_wait3A_141] : memref<2x2x128xi32, #tpu.memory_space<vmem>> -> memref<1x1x128xi32, #tpu.memory_space<vmem>>
          %dma_wait3A_143 = tpu.memref_squeeze %dma_wait3A_142 : memref<1x1x128xi32, #tpu.memory_space<vmem>> -> memref<128xi32, #tpu.memory_space<vmem>>
          %dma_wait3A_144 = arith.constant 0 : i32
          %dma_wait3A_145 = arith.constant 0 : i32
          %dma_wait3A_146 = tpu.memref_slice %arg8[%dma_wait3A_144, %dma_wait3A_145] : memref<10240x128xf32, #tpu.memory_space<vmem_shared>> -> memref<10240x128xf32, #tpu.memory_space<vmem_shared>>
          tpu.wait_indirect_dma semaphore(%run_scoped3A_126 : memref<!tpu.dma_semaphore, #tpu.memory_space<semaphore_mem>>) src(%dma_wait3A_140 : memref<128x128xf32, #tpu.memory_space<vmem>>) dst(%dma_wait3A_146 : memref<10240x128xf32, #tpu.memory_space<vmem_shared>>)
          tpu.yield
        }) : () -> ()
      }
      %scan3A_41 = arith.constant 80 : i32
    } else {
    }
    %eq3A_8 = arith.constant 1 : i32
    %eq3A_9 = arith.cmpi eq, %arg0, %eq3A_8 : i32
    %convert_element_type3A_10 = arith.extui %eq3A_9 : i1 to i32
    %cond3A_11 = arith.constant 0 : i32
    %cond3A_12 = arith.cmpi ne, %convert_element_type3A_10, %cond3A_11 : i32
    scf.if %cond3A_12 {
      %run_scoped3A = arith.constant 0 : i32
      %run_scoped3A_24 = arith.constant 0 : i32
      "tpu.region"() ({
        %run_scoped3A_47 = tpu.sem_alloc : memref<!tpu.dma_semaphore, #tpu.memory_space<semaphore_mem>>
        %dma_start3A_48 = arith.constant 0 : i32
        %dma_start3A_49 = arith.constant 0 : i32
        %dma_start3A_50 = tpu.memref_slice %arg11[%run_scoped3A_24, %dma_start3A_48, %dma_start3A_49] : memref<2x2x128xi32, #tpu.memory_space<vmem>> -> memref<1x2x128xi32, #tpu.memory_space<vmem>>
        %dma_start3A_51 = tpu.memref_squeeze %dma_start3A_50 : memref<1x2x128xi32, #tpu.memory_space<vmem>> -> memref<2x128xi32, #tpu.memory_space<vmem>>
        %dma_start3A_52 = arith.constant 0 : i32
        %dma_start3A_53 = arith.constant 0 : i32
        %dma_start3A_54 = tpu.memref_slice %arg3[%arg1, %run_scoped3A, %dma_start3A_52, %dma_start3A_53] : memref<16x160x2x128xi32, #tpu.memory_space<hbm>> -> memref<1x1x2x128xi32, #tpu.memory_space<hbm>>
        %dma_start3A_55 = tpu.memref_squeeze %dma_start3A_54 : memref<1x1x2x128xi32, #tpu.memory_space<hbm>> -> memref<2x128xi32, #tpu.memory_space<hbm>>
        %dma_start3A_56 = arith.constant 0 : i32
        %dma_start3A_57 = arith.constant 0 : i32
        %dma_start3A_58 = tpu.memref_slice %arg11[%run_scoped3A_24, %dma_start3A_56, %dma_start3A_57] : memref<2x2x128xi32, #tpu.memory_space<vmem>> -> memref<1x2x128xi32, #tpu.memory_space<vmem>>
        %dma_start3A_59 = tpu.memref_squeeze %dma_start3A_58 : memref<1x2x128xi32, #tpu.memory_space<vmem>> -> memref<2x128xi32, #tpu.memory_space<vmem>>
        %dma_start3A_60 = arith.constant 0 : i32
        %dma_start3A_61 = arith.constant 0 : i32
        %dma_start3A_62 = tpu.memref_slice %arg3[%arg1, %run_scoped3A, %dma_start3A_60, %dma_start3A_61] : memref<16x160x2x128xi32, #tpu.memory_space<hbm>> -> memref<1x1x2x128xi32, #tpu.memory_space<hbm>>
        %dma_start3A_63 = tpu.memref_squeeze %dma_start3A_62 : memref<1x1x2x128xi32, #tpu.memory_space<hbm>> -> memref<2x128xi32, #tpu.memory_space<hbm>>
        tpu.enqueue_dma source(%dma_start3A_63 : memref<2x128xi32, #tpu.memory_space<hbm>>) target(%dma_start3A_59 : memref<2x128xi32, #tpu.memory_space<vmem>>) target_semaphore(%run_scoped3A_47 : memref<!tpu.dma_semaphore, #tpu.memory_space<semaphore_mem>>)
        %dma_wait3A = arith.constant 0 : i32
        %dma_wait3A_64 = arith.constant 0 : i32
        %dma_wait3A_65 = tpu.memref_slice %arg11[%run_scoped3A_24, %dma_wait3A, %dma_wait3A_64] : memref<2x2x128xi32, #tpu.memory_space<vmem>> -> memref<1x2x128xi32, #tpu.memory_space<vmem>>
        %dma_wait3A_66 = tpu.memref_squeeze %dma_wait3A_65 : memref<1x2x128xi32, #tpu.memory_space<vmem>> -> memref<2x128xi32, #tpu.memory_space<vmem>>
        %dma_wait3A_67 = arith.constant 0 : i32
        %dma_wait3A_68 = arith.constant 0 : i32
        %dma_wait3A_69 = tpu.memref_slice %arg3[%arg1, %run_scoped3A, %dma_wait3A_67, %dma_wait3A_68] : memref<16x160x2x128xi32, #tpu.memory_space<hbm>> -> memref<1x1x2x128xi32, #tpu.memory_space<hbm>>
        %dma_wait3A_70 = tpu.memref_squeeze %dma_wait3A_69 : memref<1x1x2x128xi32, #tpu.memory_space<hbm>> -> memref<2x128xi32, #tpu.memory_space<hbm>>
        %dma_wait3A_71 = arith.constant 0 : i32
        %dma_wait3A_72 = arith.constant 0 : i32
        %dma_wait3A_73 = tpu.memref_slice %arg11[%run_scoped3A_24, %dma_wait3A_71, %dma_wait3A_72] : memref<2x2x128xi32, #tpu.memory_space<vmem>> -> memref<1x2x128xi32, #tpu.memory_space<vmem>>
        %dma_wait3A_74 = tpu.memref_squeeze %dma_wait3A_73 : memref<1x2x128xi32, #tpu.memory_space<vmem>> -> memref<2x128xi32, #tpu.memory_space<vmem>>
        %dma_wait3A_75 = arith.constant 0 : i32
        %dma_wait3A_76 = arith.constant 0 : i32
        %dma_wait3A_77 = tpu.memref_slice %arg3[%arg1, %run_scoped3A, %dma_wait3A_75, %dma_wait3A_76] : memref<16x160x2x128xi32, #tpu.memory_space<hbm>> -> memref<1x1x2x128xi32, #tpu.memory_space<hbm>>
        %dma_wait3A_78 = tpu.memref_squeeze %dma_wait3A_77 : memref<1x1x2x128xi32, #tpu.memory_space<hbm>> -> memref<2x128xi32, #tpu.memory_space<hbm>>
        tpu.wait_dma2 semaphore(%run_scoped3A_47 : memref<!tpu.dma_semaphore, #tpu.memory_space<semaphore_mem>>) src(%dma_wait3A_78 : memref<2x128xi32, #tpu.memory_space<hbm>>) dst(%dma_wait3A_74 : memref<2x128xi32, #tpu.memory_space<vmem>>)
        tpu.yield
      }) : () -> ()
      %dma_start3A = arith.constant 0 : i32
      %dma_start3A_25 = arith.constant 0 : i32
      %dma_start3A_26 = arith.constant 0 : i32
      %dma_start3A_27 = arith.constant 0 : i32
      %dma_start3A_28 = tpu.memref_slice %arg10[%dma_start3A_25, %dma_start3A_26, %dma_start3A_27] : memref<2x16x128xf32, #tpu.memory_space<vmem>> -> memref<1x16x128xf32, #tpu.memory_space<vmem>>
      %dma_start3A_29 = tpu.memref_squeeze %dma_start3A_28 : memref<1x16x128xf32, #tpu.memory_space<vmem>> -> memref<16x128xf32, #tpu.memory_space<vmem>>
      %dma_start3A_30 = arith.constant 0 : i32
      %dma_start3A_31 = arith.constant 0 : i32
      %dma_start3A_32 = tpu.memref_slice %arg4[%arg1, %dma_start3A, %dma_start3A_30, %dma_start3A_31] : memref<16x160x16x128xf32, #tpu.memory_space<hbm>> -> memref<1x1x16x128xf32, #tpu.memory_space<hbm>>
      %dma_start3A_33 = tpu.memref_squeeze %dma_start3A_32 : memref<1x1x16x128xf32, #tpu.memory_space<hbm>> -> memref<16x128xf32, #tpu.memory_space<hbm>>
      %dma_start3A_34 = arith.constant 0 : i32
      %dma_start3A_35 = arith.constant 0 : i32
      %dma_start3A_36 = tpu.memref_slice %arg10[%dma_start3A_25, %dma_start3A_34, %dma_start3A_35] : memref<2x16x128xf32, #tpu.memory_space<vmem>> -> memref<1x16x128xf32, #tpu.memory_space<vmem>>
      %dma_start3A_37 = tpu.memref_squeeze %dma_start3A_36 : memref<1x16x128xf32, #tpu.memory_space<vmem>> -> memref<16x128xf32, #tpu.memory_space<vmem>>
      %dma_start3A_38 = arith.constant 0 : i32
      %dma_start3A_39 = arith.constant 0 : i32
      %dma_start3A_40 = tpu.memref_slice %arg4[%arg1, %dma_start3A, %dma_start3A_38, %dma_start3A_39] : memref<16x160x16x128xf32, #tpu.memory_space<hbm>> -> memref<1x1x16x128xf32, #tpu.memory_space<hbm>>
      %dma_start3A_41 = tpu.memref_squeeze %dma_start3A_40 : memref<1x1x16x128xf32, #tpu.memory_space<hbm>> -> memref<16x128xf32, #tpu.memory_space<hbm>>
      tpu.enqueue_dma source(%dma_start3A_41 : memref<16x128xf32, #tpu.memory_space<hbm>>) target(%dma_start3A_37 : memref<16x128xf32, #tpu.memory_space<vmem>>) target_semaphore(%arg12 : memref<!tpu.dma_semaphore, #tpu.memory_space<semaphore_mem>>)
      %scan3A = arith.constant 0 : i32
      %scan3A_42 = arith.constant 0 : i32
      %scan3A_43 = arith.constant 80 : i32
      %scan3A_44 = arith.addi %scan3A_42, %scan3A_43 : i32
      %scan3A_45 = arith.constant 1 : i32
      scf.for %scan3A_47 = %scan3A_42 to %scan3A_44 step %scan3A_45  : i32 {
        %mul3A_48 = arith.constant 2 : i32
        %mul3A_49 = arith.muli %mul3A_48, %scan3A_47 : i32
        %add3A = arith.constant 0 : i32
        %add3A_50 = arith.addi %mul3A_49, %add3A : i32
        %add3A_51 = arith.constant 1 : i32
        %add3A_52 = arith.addi %add3A_50, %add3A_51 : i32
        %dma_start3A_53 = arith.constant 1 : i32
        %dma_start3A_54 = arith.constant 0 : i32
        %dma_start3A_55 = arith.constant 0 : i32
        %dma_start3A_56 = tpu.memref_slice %arg11[%dma_start3A_53, %dma_start3A_54, %dma_start3A_55] : memref<2x2x128xi32, #tpu.memory_space<vmem>> -> memref<1x2x128xi32, #tpu.memory_space<vmem>>
        %dma_start3A_57 = tpu.memref_squeeze %dma_start3A_56 : memref<1x2x128xi32, #tpu.memory_space<vmem>> -> memref<2x128xi32, #tpu.memory_space<vmem>>
        %dma_start3A_58 = arith.constant 0 : i32
        %dma_start3A_59 = arith.constant 0 : i32
        %dma_start3A_60 = tpu.memref_slice %arg3[%arg1, %add3A_52, %dma_start3A_58, %dma_start3A_59] : memref<16x160x2x128xi32, #tpu.memory_space<hbm>> -> memref<1x1x2x128xi32, #tpu.memory_space<hbm>>
        %dma_start3A_61 = tpu.memref_squeeze %dma_start3A_60 : memref<1x1x2x128xi32, #tpu.memory_space<hbm>> -> memref<2x128xi32, #tpu.memory_space<hbm>>
        %dma_start3A_62 = arith.constant 0 : i32
        %dma_start3A_63 = arith.constant 0 : i32
        %dma_start3A_64 = tpu.memref_slice %arg11[%dma_start3A_53, %dma_start3A_62, %dma_start3A_63] : memref<2x2x128xi32, #tpu.memory_space<vmem>> -> memref<1x2x128xi32, #tpu.memory_space<vmem>>
        %dma_start3A_65 = tpu.memref_squeeze %dma_start3A_64 : memref<1x2x128xi32, #tpu.memory_space<vmem>> -> memref<2x128xi32, #tpu.memory_space<vmem>>
        %dma_start3A_66 = arith.constant 0 : i32
        %dma_start3A_67 = arith.constant 0 : i32
        %dma_start3A_68 = tpu.memref_slice %arg3[%arg1, %add3A_52, %dma_start3A_66, %dma_start3A_67] : memref<16x160x2x128xi32, #tpu.memory_space<hbm>> -> memref<1x1x2x128xi32, #tpu.memory_space<hbm>>
        %dma_start3A_69 = tpu.memref_squeeze %dma_start3A_68 : memref<1x1x2x128xi32, #tpu.memory_space<hbm>> -> memref<2x128xi32, #tpu.memory_space<hbm>>
        tpu.enqueue_dma source(%dma_start3A_69 : memref<2x128xi32, #tpu.memory_space<hbm>>) target(%dma_start3A_65 : memref<2x128xi32, #tpu.memory_space<vmem>>) target_semaphore(%arg13 : memref<!tpu.dma_semaphore, #tpu.memory_space<semaphore_mem>>)
        %add3A_70 = arith.constant 1 : i32
        %add3A_71 = arith.addi %add3A_50, %add3A_70 : i32
        %dma_start3A_72 = arith.constant 1 : i32
        %dma_start3A_73 = arith.constant 0 : i32
        %dma_start3A_74 = arith.constant 0 : i32
        %dma_start3A_75 = tpu.memref_slice %arg10[%dma_start3A_72, %dma_start3A_73, %dma_start3A_74] : memref<2x16x128xf32, #tpu.memory_space<vmem>> -> memref<1x16x128xf32, #tpu.memory_space<vmem>>
        %dma_start3A_76 = tpu.memref_squeeze %dma_start3A_75 : memref<1x16x128xf32, #tpu.memory_space<vmem>> -> memref<16x128xf32, #tpu.memory_space<vmem>>
        %dma_start3A_77 = arith.constant 0 : i32
        %dma_start3A_78 = arith.constant 0 : i32
        %dma_start3A_79 = tpu.memref_slice %arg4[%arg1, %add3A_71, %dma_start3A_77, %dma_start3A_78] : memref<16x160x16x128xf32, #tpu.memory_space<hbm>> -> memref<1x1x16x128xf32, #tpu.memory_space<hbm>>
        %dma_start3A_80 = tpu.memref_squeeze %dma_start3A_79 : memref<1x1x16x128xf32, #tpu.memory_space<hbm>> -> memref<16x128xf32, #tpu.memory_space<hbm>>
        %dma_start3A_81 = arith.constant 0 : i32
        %dma_start3A_82 = arith.constant 0 : i32
        %dma_start3A_83 = tpu.memref_slice %arg10[%dma_start3A_72, %dma_start3A_81, %dma_start3A_82] : memref<2x16x128xf32, #tpu.memory_space<vmem>> -> memref<1x16x128xf32, #tpu.memory_space<vmem>>
        %dma_start3A_84 = tpu.memref_squeeze %dma_start3A_83 : memref<1x16x128xf32, #tpu.memory_space<vmem>> -> memref<16x128xf32, #tpu.memory_space<vmem>>
        %dma_start3A_85 = arith.constant 0 : i32
        %dma_start3A_86 = arith.constant 0 : i32
        %dma_start3A_87 = tpu.memref_slice %arg4[%arg1, %add3A_71, %dma_start3A_85, %dma_start3A_86] : memref<16x160x16x128xf32, #tpu.memory_space<hbm>> -> memref<1x1x16x128xf32, #tpu.memory_space<hbm>>
        %dma_start3A_88 = tpu.memref_squeeze %dma_start3A_87 : memref<1x1x16x128xf32, #tpu.memory_space<hbm>> -> memref<16x128xf32, #tpu.memory_space<hbm>>
        tpu.enqueue_dma source(%dma_start3A_88 : memref<16x128xf32, #tpu.memory_space<hbm>>) target(%dma_start3A_84 : memref<16x128xf32, #tpu.memory_space<vmem>>) target_semaphore(%arg12 : memref<!tpu.dma_semaphore, #tpu.memory_space<semaphore_mem>>)
        %dma_wait3A = arith.constant 0 : i32
        %dma_wait3A_89 = arith.constant 0 : i32
        %dma_wait3A_90 = arith.constant 0 : i32
        %dma_wait3A_91 = arith.constant 0 : i32
        %dma_wait3A_92 = tpu.memref_slice %arg10[%dma_wait3A_89, %dma_wait3A_90, %dma_wait3A_91] : memref<2x16x128xf32, #tpu.memory_space<vmem>> -> memref<1x16x128xf32, #tpu.memory_space<vmem>>
        %dma_wait3A_93 = tpu.memref_squeeze %dma_wait3A_92 : memref<1x16x128xf32, #tpu.memory_space<vmem>> -> memref<16x128xf32, #tpu.memory_space<vmem>>
        %dma_wait3A_94 = arith.constant 0 : i32
        %dma_wait3A_95 = arith.constant 0 : i32
        %dma_wait3A_96 = tpu.memref_slice %arg4[%arg1, %dma_wait3A, %dma_wait3A_94, %dma_wait3A_95] : memref<16x160x16x128xf32, #tpu.memory_space<hbm>> -> memref<1x1x16x128xf32, #tpu.memory_space<hbm>>
        %dma_wait3A_97 = tpu.memref_squeeze %dma_wait3A_96 : memref<1x1x16x128xf32, #tpu.memory_space<hbm>> -> memref<16x128xf32, #tpu.memory_space<hbm>>
        %dma_wait3A_98 = arith.constant 0 : i32
        %dma_wait3A_99 = arith.constant 0 : i32
        %dma_wait3A_100 = tpu.memref_slice %arg10[%dma_wait3A_89, %dma_wait3A_98, %dma_wait3A_99] : memref<2x16x128xf32, #tpu.memory_space<vmem>> -> memref<1x16x128xf32, #tpu.memory_space<vmem>>
        %dma_wait3A_101 = tpu.memref_squeeze %dma_wait3A_100 : memref<1x16x128xf32, #tpu.memory_space<vmem>> -> memref<16x128xf32, #tpu.memory_space<vmem>>
        %dma_wait3A_102 = arith.constant 0 : i32
        %dma_wait3A_103 = arith.constant 0 : i32
        %dma_wait3A_104 = tpu.memref_slice %arg4[%arg1, %dma_wait3A, %dma_wait3A_102, %dma_wait3A_103] : memref<16x160x16x128xf32, #tpu.memory_space<hbm>> -> memref<1x1x16x128xf32, #tpu.memory_space<hbm>>
        %dma_wait3A_105 = tpu.memref_squeeze %dma_wait3A_104 : memref<1x1x16x128xf32, #tpu.memory_space<hbm>> -> memref<16x128xf32, #tpu.memory_space<hbm>>
        tpu.wait_dma2 semaphore(%arg12 : memref<!tpu.dma_semaphore, #tpu.memory_space<semaphore_mem>>) src(%dma_wait3A_105 : memref<16x128xf32, #tpu.memory_space<hbm>>) dst(%dma_wait3A_101 : memref<16x128xf32, #tpu.memory_space<vmem>>)
        %get3A = arith.constant 0 : i32
        %get3A_106 = arith.constant 0 : i32
        %get3A_107 = arith.index_cast %get3A : i32 to index
        %get3A_108 = arith.index_cast %get3A_106 : i32 to index
        %get3A_109 = arith.constant 0 : index
        %get3A_110 = tpu.vector_load %arg10[%get3A_107, %get3A_108, %get3A_109] {strides = array<i32>} : memref<2x16x128xf32, #tpu.memory_space<vmem>>, vector<1x1x16xf32>,
        %get3A_111 = vector.shape_cast %get3A_110 : vector<1x1x16xf32> to vector<16xf32>
        %swap3A = arith.constant 0 : i32
        %swap3A_112 = arith.constant 0 : i32
        %swap3A_113 = arith.index_cast %swap3A : i32 to index
        %swap3A_114 = arith.index_cast %swap3A_112 : i32 to index
        %swap3A_115 = arith.constant 0 : index
        %swap3A_116 = tpu.vector_load %arg9[%swap3A_113, %swap3A_114, %swap3A_115] {strides = array<i32>} : memref<2x128x128xf32, #tpu.memory_space<vmem>>, vector<1x1x16xf32>,
        %swap3A_117 = vector.shape_cast %swap3A_116 : vector<1x1x16xf32> to vector<16xf32>
        %swap3A_118 = vector.shape_cast %get3A_111 : vector<16xf32> to vector<1x1x16xf32>
        tpu.vector_store %arg9[%swap3A_113, %swap3A_114, %swap3A_115], %swap3A_118 {strides = array<i32>} : memref<2x128x128xf32, #tpu.memory_space<vmem>>, vector<1x1x16xf32>,
        %get3A_119 = arith.constant 0 : i32
        %get3A_120 = arith.constant 0 : i32
        %get3A_121 = arith.index_cast %get3A_119 : i32 to index
        %get3A_122 = arith.index_cast %get3A_120 : i32 to index
        %get3A_123 = arith.constant 16 : index
        %get3A_124 = tpu.vector_load %arg10[%get3A_121, %get3A_122, %get3A_123] {strides = array<i32>} : memref<2x16x128xf32, #tpu.memory_space<vmem>>, vector<1x1x16xf32>,
        %get3A_125 = vector.shape_cast %get3A_124 : vector<1x1x16xf32> to vector<16xf32>
        %swap3A_126 = arith.constant 0 : i32
        %swap3A_127 = arith.constant 1 : i32
        %swap3A_128 = arith.index_cast %swap3A_126 : i32 to index
        %swap3A_129 = arith.index_cast %swap3A_127 : i32 to index
        %swap3A_130 = arith.constant 0 : index
        %swap3A_131 = tpu.vector_load %arg9[%swap3A_128, %swap3A_129, %swap3A_130] {strides = array<i32>} : memref<2x128x128xf32, #tpu.memory_space<vmem>>, vector<1x1x16xf32>,
        %swap3A_132 = vector.shape_cast %swap3A_131 : vector<1x1x16xf32> to vector<16xf32>
        %swap3A_133 = vector.shape_cast %get3A_125 : vector<16xf32> to vector<1x1x16xf32>
        tpu.vector_store %arg9[%swap3A_128, %swap3A_129, %swap3A_130], %swap3A_133 {strides = array<i32>} : memref<2x128x128xf32, #tpu.memory_space<vmem>>, vector<1x1x16xf32>,
        %get3A_134 = arith.constant 0 : i32
        %get3A_135 = arith.constant 0 : i32
        %get3A_136 = arith.index_cast %get3A_134 : i32 to index
        %get3A_137 = arith.index_cast %get3A_135 : i32 to index
        %get3A_138 = arith.constant 32 : index
        %get3A_139 = tpu.vector_load %arg10[%get3A_136, %get3A_137, %get3A_138] {strides = array<i32>} : memref<2x16x128xf32, #tpu.memory_space<vmem>>, vector<1x1x16xf32>,
        %get3A_140 = vector.shape_cast %get3A_139 : vector<1x1x16xf32> to vector<16xf32>
        %swap3A_141 = arith.constant 0 : i32
        %swap3A_142 = arith.constant 2 : i32
        %swap3A_143 = arith.index_cast %swap3A_141 : i32 to index
        %swap3A_144 = arith.index_cast %swap3A_142 : i32 to index
        %swap3A_145 = arith.constant 0 : index
        %swap3A_146 = tpu.vector_load %arg9[%swap3A_143, %swap3A_144, %swap3A_145] {strides = array<i32>} : memref<2x128x128xf32, #tpu.memory_space<vmem>>, vector<1x1x16xf32>,
        %swap3A_147 = vector.shape_cast %swap3A_146 : vector<1x1x16xf32> to vector<16xf32>
        %swap3A_148 = vector.shape_cast %get3A_140 : vector<16xf32> to vector<1x1x16xf32>
        tpu.vector_store %arg9[%swap3A_143, %swap3A_144, %swap3A_145], %swap3A_148 {strides = array<i32>} : memref<2x128x128xf32, #tpu.memory_space<vmem>>, vector<1x1x16xf32>,
        %get3A_149 = arith.constant 0 : i32
        %get3A_150 = arith.constant 0 : i32
        %get3A_151 = arith.index_cast %get3A_149 : i32 to index
        %get3A_152 = arith.index_cast %get3A_150 : i32 to index
        %get3A_153 = arith.constant 48 : index
        %get3A_154 = tpu.vector_load %arg10[%get3A_151, %get3A_152, %get3A_153] {strides = array<i32>} : memref<2x16x128xf32, #tpu.memory_space<vmem>>, vector<1x1x16xf32>,
        %get3A_155 = vector.shape_cast %get3A_154 : vector<1x1x16xf32> to vector<16xf32>
        %swap3A_156 = arith.constant 0 : i32
        %swap3A_157 = arith.constant 3 : i32
        %swap3A_158 = arith.index_cast %swap3A_156 : i32 to index
        %swap3A_159 = arith.index_cast %swap3A_157 : i32 to index
        %swap3A_160 = arith.constant 0 : index
        %swap3A_161 = tpu.vector_load %arg9[%swap3A_158, %swap3A_159, %swap3A_160] {strides = array<i32>} : memref<2x128x128xf32, #tpu.memory_space<vmem>>, vector<1x1x16xf32>,
        %swap3A_162 = vector.shape_cast %swap3A_161 : vector<1x1x16xf32> to vector<16xf32>
        %swap3A_163 = vector.shape_cast %get3A_155 : vector<16xf32> to vector<1x1x16xf32>
        tpu.vector_store %arg9[%swap3A_158, %swap3A_159, %swap3A_160], %swap3A_163 {strides = array<i32>} : memref<2x128x128xf32, #tpu.memory_space<vmem>>, vector<1x1x16xf32>,
        %get3A_164 = arith.constant 0 : i32
        %get3A_165 = arith.constant 0 : i32
        %get3A_166 = arith.index_cast %get3A_164 : i32 to index
        %get3A_167 = arith.index_cast %get3A_165 : i32 to index
        %get3A_168 = arith.constant 64 : index
        %get3A_169 = tpu.vector_load %arg10[%get3A_166, %get3A_167, %get3A_168] {strides = array<i32>} : memref<2x16x128xf32, #tpu.memory_space<vmem>>, vector<1x1x16xf32>,
        %get3A_170 = vector.shape_cast %get3A_169 : vector<1x1x16xf32> to vector<16xf32>
        %swap3A_171 = arith.constant 0 : i32
        %swap3A_172 = arith.constant 4 : i32
        %swap3A_173 = arith.index_cast %swap3A_171 : i32 to index
        %swap3A_174 = arith.index_cast %swap3A_172 : i32 to index
        %swap3A_175 = arith.constant 0 : index
        %swap3A_176 = tpu.vector_load %arg9[%swap3A_173, %swap3A_174, %swap3A_175] {strides = array<i32>} : memref<2x128x128xf32, #tpu.memory_space<vmem>>, vector<1x1x16xf32>,
        %swap3A_177 = vector.shape_cast %swap3A_176 : vector<1x1x16xf32> to vector<16xf32>
        %swap3A_178 = vector.shape_cast %get3A_170 : vector<16xf32> to vector<1x1x16xf32>
        tpu.vector_store %arg9[%swap3A_173, %swap3A_174, %swap3A_175], %swap3A_178 {strides = array<i32>} : memref<2x128x128xf32, #tpu.memory_space<vmem>>, vector<1x1x16xf32>,
        %get3A_179 = arith.constant 0 : i32
        %get3A_180 = arith.constant 0 : i32
        %get3A_181 = arith.index_cast %get3A_179 : i32 to index
        %get3A_182 = arith.index_cast %get3A_180 : i32 to index
        %get3A_183 = arith.constant 80 : index
        %get3A_184 = tpu.vector_load %arg10[%get3A_181, %get3A_182, %get3A_183] {strides = array<i32>} : memref<2x16x128xf32, #tpu.memory_space<vmem>>, vector<1x1x16xf32>,
        %get3A_185 = vector.shape_cast %get3A_184 : vector<1x1x16xf32> to vector<16xf32>
        %swap3A_186 = arith.constant 0 : i32
        %swap3A_187 = arith.constant 5 : i32
        %swap3A_188 = arith.index_cast %swap3A_186 : i32 to index
        %swap3A_189 = arith.index_cast %swap3A_187 : i32 to index
        %swap3A_190 = arith.constant 0 : index
        %swap3A_191 = tpu.vector_load %arg9[%swap3A_188, %swap3A_189, %swap3A_190] {strides = array<i32>} : memref<2x128x128xf32, #tpu.memory_space<vmem>>, vector<1x1x16xf32>,
        %swap3A_192 = vector.shape_cast %swap3A_191 : vector<1x1x16xf32> to vector<16xf32>
        %swap3A_193 = vector.shape_cast %get3A_185 : vector<16xf32> to vector<1x1x16xf32>
        tpu.vector_store %arg9[%swap3A_188, %swap3A_189, %swap3A_190], %swap3A_193 {strides = array<i32>} : memref<2x128x128xf32, #tpu.memory_space<vmem>>, vector<1x1x16xf32>,
        %get3A_194 = arith.constant 0 : i32
        %get3A_195 = arith.constant 0 : i32
        %get3A_196 = arith.index_cast %get3A_194 : i32 to index
        %get3A_197 = arith.index_cast %get3A_195 : i32 to index
        %get3A_198 = arith.constant 96 : index
        %get3A_199 = tpu.vector_load %arg10[%get3A_196, %get3A_197, %get3A_198] {strides = array<i32>} : memref<2x16x128xf32, #tpu.memory_space<vmem>>, vector<1x1x16xf32>,
        %get3A_200 = vector.shape_cast %get3A_199 : vector<1x1x16xf32> to vector<16xf32>
        %swap3A_201 = arith.constant 0 : i32
        %swap3A_202 = arith.constant 6 : i32
        %swap3A_203 = arith.index_cast %swap3A_201 : i32 to index
        %swap3A_204 = arith.index_cast %swap3A_202 : i32 to index
        %swap3A_205 = arith.constant 0 : index
        %swap3A_206 = tpu.vector_load %arg9[%swap3A_203, %swap3A_204, %swap3A_205] {strides = array<i32>} : memref<2x128x128xf32, #tpu.memory_space<vmem>>, vector<1x1x16xf32>,
        %swap3A_207 = vector.shape_cast %swap3A_206 : vector<1x1x16xf32> to vector<16xf32>
        %swap3A_208 = vector.shape_cast %get3A_200 : vector<16xf32> to vector<1x1x16xf32>
        tpu.vector_store %arg9[%swap3A_203, %swap3A_204, %swap3A_205], %swap3A_208 {strides = array<i32>} : memref<2x128x128xf32, #tpu.memory_space<vmem>>, vector<1x1x16xf32>,
        %get3A_209 = arith.constant 0 : i32
        %get3A_210 = arith.constant 0 : i32
        %get3A_211 = arith.index_cast %get3A_209 : i32 to index
        %get3A_212 = arith.index_cast %get3A_210 : i32 to index
        %get3A_213 = arith.constant 112 : index
        %get3A_214 = tpu.vector_load %arg10[%get3A_211, %get3A_212, %get3A_213] {strides = array<i32>} : memref<2x16x128xf32, #tpu.memory_space<vmem>>, vector<1x1x16xf32>,
        %get3A_215 = vector.shape_cast %get3A_214 : vector<1x1x16xf32> to vector<16xf32>
        %swap3A_216 = arith.constant 0 : i32
        %swap3A_217 = arith.constant 7 : i32
        %swap3A_218 = arith.index_cast %swap3A_216 : i32 to index
        %swap3A_219 = arith.index_cast %swap3A_217 : i32 to index
        %swap3A_220 = arith.constant 0 : index
        %swap3A_221 = tpu.vector_load %arg9[%swap3A_218, %swap3A_219, %swap3A_220] {strides = array<i32>} : memref<2x128x128xf32, #tpu.memory_space<vmem>>, vector<1x1x16xf32>,
        %swap3A_222 = vector.shape_cast %swap3A_221 : vector<1x1x16xf32> to vector<16xf32>
        %swap3A_223 = vector.shape_cast %get3A_215 : vector<16xf32> to vector<1x1x16xf32>
        tpu.vector_store %arg9[%swap3A_218, %swap3A_219, %swap3A_220], %swap3A_223 {strides = array<i32>} : memref<2x128x128xf32, #tpu.memory_space<vmem>>, vector<1x1x16xf32>,
        %get3A_224 = arith.constant 0 : i32
        %get3A_225 = arith.constant 1 : i32
        %get3A_226 = arith.index_cast %get3A_224 : i32 to index
        %get3A_227 = arith.index_cast %get3A_225 : i32 to index
        %get3A_228 = arith.constant 0 : index
        %get3A_229 = tpu.vector_load %arg10[%get3A_226, %get3A_227, %get3A_228] {strides = array<i32>} : memref<2x16x128xf32, #tpu.memory_space<vmem>>, vector<1x1x16xf32>,
        %get3A_230 = vector.shape_cast %get3A_229 : vector<1x1x16xf32> to vector<16xf32>
        %swap3A_231 = arith.constant 0 : i32
        %swap3A_232 = arith.constant 8 : i32
        %swap3A_233 = arith.index_cast %swap3A_231 : i32 to index
        %swap3A_234 = arith.index_cast %swap3A_232 : i32 to index
        %swap3A_235 = arith.constant 0 : index
        %swap3A_236 = tpu.vector_load %arg9[%swap3A_233, %swap3A_234, %swap3A_235] {strides = array<i32>} : memref<2x128x128xf32, #tpu.memory_space<vmem>>, vector<1x1x16xf32>,
        %swap3A_237 = vector.shape_cast %swap3A_236 : vector<1x1x16xf32> to vector<16xf32>
        %swap3A_238 = vector.shape_cast %get3A_230 : vector<16xf32> to vector<1x1x16xf32>
        tpu.vector_store %arg9[%swap3A_233, %swap3A_234, %swap3A_235], %swap3A_238 {strides = array<i32>} : memref<2x128x128xf32, #tpu.memory_space<vmem>>, vector<1x1x16xf32>,
        %get3A_239 = arith.constant 0 : i32
        %get3A_240 = arith.constant 1 : i32
        %get3A_241 = arith.index_cast %get3A_239 : i32 to index
        %get3A_242 = arith.index_cast %get3A_240 : i32 to index
        %get3A_243 = arith.constant 16 : index
        %get3A_244 = tpu.vector_load %arg10[%get3A_241, %get3A_242, %get3A_243] {strides = array<i32>} : memref<2x16x128xf32, #tpu.memory_space<vmem>>, vector<1x1x16xf32>,
        %get3A_245 = vector.shape_cast %get3A_244 : vector<1x1x16xf32> to vector<16xf32>
        %swap3A_246 = arith.constant 0 : i32
        %swap3A_247 = arith.constant 9 : i32
        %swap3A_248 = arith.index_cast %swap3A_246 : i32 to index
        %swap3A_249 = arith.index_cast %swap3A_247 : i32 to index
        %swap3A_250 = arith.constant 0 : index
        %swap3A_251 = tpu.vector_load %arg9[%swap3A_248, %swap3A_249, %swap3A_250] {strides = array<i32>} : memref<2x128x128xf32, #tpu.memory_space<vmem>>, vector<1x1x16xf32>,
        %swap3A_252 = vector.shape_cast %swap3A_251 : vector<1x1x16xf32> to vector<16xf32>
        %swap3A_253 = vector.shape_cast %get3A_245 : vector<16xf32> to vector<1x1x16xf32>
        tpu.vector_store %arg9[%swap3A_248, %swap3A_249, %swap3A_250], %swap3A_253 {strides = array<i32>} : memref<2x128x128xf32, #tpu.memory_space<vmem>>, vector<1x1x16xf32>,
        %get3A_254 = arith.constant 0 : i32
        %get3A_255 = arith.constant 1 : i32
        %get3A_256 = arith.index_cast %get3A_254 : i32 to index
        %get3A_257 = arith.index_cast %get3A_255 : i32 to index
        %get3A_258 = arith.constant 32 : index
        %get3A_259 = tpu.vector_load %arg10[%get3A_256, %get3A_257, %get3A_258] {strides = array<i32>} : memref<2x16x128xf32, #tpu.memory_space<vmem>>, vector<1x1x16xf32>,
        %get3A_260 = vector.shape_cast %get3A_259 : vector<1x1x16xf32> to vector<16xf32>
        %swap3A_261 = arith.constant 0 : i32
        %swap3A_262 = arith.constant 10 : i32
        %swap3A_263 = arith.index_cast %swap3A_261 : i32 to index
        %swap3A_264 = arith.index_cast %swap3A_262 : i32 to index
        %swap3A_265 = arith.constant 0 : index
        %swap3A_266 = tpu.vector_load %arg9[%swap3A_263, %swap3A_264, %swap3A_265] {strides = array<i32>} : memref<2x128x128xf32, #tpu.memory_space<vmem>>, vector<1x1x16xf32>,
        %swap3A_267 = vector.shape_cast %swap3A_266 : vector<1x1x16xf32> to vector<16xf32>
        %swap3A_268 = vector.shape_cast %get3A_260 : vector<16xf32> to vector<1x1x16xf32>
        tpu.vector_store %arg9[%swap3A_263, %swap3A_264, %swap3A_265], %swap3A_268 {strides = array<i32>} : memref<2x128x128xf32, #tpu.memory_space<vmem>>, vector<1x1x16xf32>,
        %get3A_269 = arith.constant 0 : i32
        %get3A_270 = arith.constant 1 : i32
        %get3A_271 = arith.index_cast %get3A_269 : i32 to index
        %get3A_272 = arith.index_cast %get3A_270 : i32 to index
        %get3A_273 = arith.constant 48 : index
        %get3A_274 = tpu.vector_load %arg10[%get3A_271, %get3A_272, %get3A_273] {strides = array<i32>} : memref<2x16x128xf32, #tpu.memory_space<vmem>>, vector<1x1x16xf32>,
        %get3A_275 = vector.shape_cast %get3A_274 : vector<1x1x16xf32> to vector<16xf32>
        %swap3A_276 = arith.constant 0 : i32
        %swap3A_277 = arith.constant 11 : i32
        %swap3A_278 = arith.index_cast %swap3A_276 : i32 to index
        %swap3A_279 = arith.index_cast %swap3A_277 : i32 to index
        %swap3A_280 = arith.constant 0 : index
        %swap3A_281 = tpu.vector_load %arg9[%swap3A_278, %swap3A_279, %swap3A_280] {strides = array<i32>} : memref<2x128x128xf32, #tpu.memory_space<vmem>>, vector<1x1x16xf32>,
        %swap3A_282 = vector.shape_cast %swap3A_281 : vector<1x1x16xf32> to vector<16xf32>
        %swap3A_283 = vector.shape_cast %get3A_275 : vector<16xf32> to vector<1x1x16xf32>
        tpu.vector_store %arg9[%swap3A_278, %swap3A_279, %swap3A_280], %swap3A_283 {strides = array<i32>} : memref<2x128x128xf32, #tpu.memory_space<vmem>>, vector<1x1x16xf32>,
        %get3A_284 = arith.constant 0 : i32
        %get3A_285 = arith.constant 1 : i32
        %get3A_286 = arith.index_cast %get3A_284 : i32 to index
        %get3A_287 = arith.index_cast %get3A_285 : i32 to index
        %get3A_288 = arith.constant 64 : index
        %get3A_289 = tpu.vector_load %arg10[%get3A_286, %get3A_287, %get3A_288] {strides = array<i32>} : memref<2x16x128xf32, #tpu.memory_space<vmem>>, vector<1x1x16xf32>,
        %get3A_290 = vector.shape_cast %get3A_289 : vector<1x1x16xf32> to vector<16xf32>
        %swap3A_291 = arith.constant 0 : i32
        %swap3A_292 = arith.constant 12 : i32
        %swap3A_293 = arith.index_cast %swap3A_291 : i32 to index
        %swap3A_294 = arith.index_cast %swap3A_292 : i32 to index
        %swap3A_295 = arith.constant 0 : index
        %swap3A_296 = tpu.vector_load %arg9[%swap3A_293, %swap3A_294, %swap3A_295] {strides = array<i32>} : memref<2x128x128xf32, #tpu.memory_space<vmem>>, vector<1x1x16xf32>,
        %swap3A_297 = vector.shape_cast %swap3A_296 : vector<1x1x16xf32> to vector<16xf32>
        %swap3A_298 = vector.shape_cast %get3A_290 : vector<16xf32> to vector<1x1x16xf32>
        tpu.vector_store %arg9[%swap3A_293, %swap3A_294, %swap3A_295], %swap3A_298 {strides = array<i32>} : memref<2x128x128xf32, #tpu.memory_space<vmem>>, vector<1x1x16xf32>,
        %get3A_299 = arith.constant 0 : i32
        %get3A_300 = arith.constant 1 : i32
        %get3A_301 = arith.index_cast %get3A_299 : i32 to index
        %get3A_302 = arith.index_cast %get3A_300 : i32 to index
        %get3A_303 = arith.constant 80 : index
        %get3A_304 = tpu.vector_load %arg10[%get3A_301, %get3A_302, %get3A_303] {strides = array<i32>} : memref<2x16x128xf32, #tpu.memory_space<vmem>>, vector<1x1x16xf32>,
        %get3A_305 = vector.shape_cast %get3A_304 : vector<1x1x16xf32> to vector<16xf32>
        %swap3A_306 = arith.constant 0 : i32
        %swap3A_307 = arith.constant 13 : i32
        %swap3A_308 = arith.index_cast %swap3A_306 : i32 to index
        %swap3A_309 = arith.index_cast %swap3A_307 : i32 to index
        %swap3A_310 = arith.constant 0 : index
        %swap3A_311 = tpu.vector_load %arg9[%swap3A_308, %swap3A_309, %swap3A_310] {strides = array<i32>} : memref<2x128x128xf32, #tpu.memory_space<vmem>>, vector<1x1x16xf32>,
        %swap3A_312 = vector.shape_cast %swap3A_311 : vector<1x1x16xf32> to vector<16xf32>
        %swap3A_313 = vector.shape_cast %get3A_305 : vector<16xf32> to vector<1x1x16xf32>
        tpu.vector_store %arg9[%swap3A_308, %swap3A_309, %swap3A_310], %swap3A_313 {strides = array<i32>} : memref<2x128x128xf32, #tpu.memory_space<vmem>>, vector<1x1x16xf32>,
        %get3A_314 = arith.constant 0 : i32
        %get3A_315 = arith.constant 1 : i32
        %get3A_316 = arith.index_cast %get3A_314 : i32 to index
        %get3A_317 = arith.index_cast %get3A_315 : i32 to index
        %get3A_318 = arith.constant 96 : index
        %get3A_319 = tpu.vector_load %arg10[%get3A_316, %get3A_317, %get3A_318] {strides = array<i32>} : memref<2x16x128xf32, #tpu.memory_space<vmem>>, vector<1x1x16xf32>,
        %get3A_320 = vector.shape_cast %get3A_319 : vector<1x1x16xf32> to vector<16xf32>
        %swap3A_321 = arith.constant 0 : i32
        %swap3A_322 = arith.constant 14 : i32
        %swap3A_323 = arith.index_cast %swap3A_321 : i32 to index
        %swap3A_324 = arith.index_cast %swap3A_322 : i32 to index
        %swap3A_325 = arith.constant 0 : index
        %swap3A_326 = tpu.vector_load %arg9[%swap3A_323, %swap3A_324, %swap3A_325] {strides = array<i32>} : memref<2x128x128xf32, #tpu.memory_space<vmem>>, vector<1x1x16xf32>,
        %swap3A_327 = vector.shape_cast %swap3A_326 : vector<1x1x16xf32> to vector<16xf32>
        %swap3A_328 = vector.shape_cast %get3A_320 : vector<16xf32> to vector<1x1x16xf32>
        tpu.vector_store %arg9[%swap3A_323, %swap3A_324, %swap3A_325], %swap3A_328 {strides = array<i32>} : memref<2x128x128xf32, #tpu.memory_space<vmem>>, vector<1x1x16xf32>,
        %get3A_329 = arith.constant 0 : i32
        %get3A_330 = arith.constant 1 : i32
        %get3A_331 = arith.index_cast %get3A_329 : i32 to index
        %get3A_332 = arith.index_cast %get3A_330 : i32 to index
        %get3A_333 = arith.constant 112 : index
        %get3A_334 = tpu.vector_load %arg10[%get3A_331, %get3A_332, %get3A_333] {strides = array<i32>} : memref<2x16x128xf32, #tpu.memory_space<vmem>>, vector<1x1x16xf32>,
        %get3A_335 = vector.shape_cast %get3A_334 : vector<1x1x16xf32> to vector<16xf32>
        %swap3A_336 = arith.constant 0 : i32
        %swap3A_337 = arith.constant 15 : i32
        %swap3A_338 = arith.index_cast %swap3A_336 : i32 to index
        %swap3A_339 = arith.index_cast %swap3A_337 : i32 to index
        %swap3A_340 = arith.constant 0 : index
        %swap3A_341 = tpu.vector_load %arg9[%swap3A_338, %swap3A_339, %swap3A_340] {strides = array<i32>} : memref<2x128x128xf32, #tpu.memory_space<vmem>>, vector<1x1x16xf32>,
        %swap3A_342 = vector.shape_cast %swap3A_341 : vector<1x1x16xf32> to vector<16xf32>
        %swap3A_343 = vector.shape_cast %get3A_335 : vector<16xf32> to vector<1x1x16xf32>
        tpu.vector_store %arg9[%swap3A_338, %swap3A_339, %swap3A_340], %swap3A_343 {strides = array<i32>} : memref<2x128x128xf32, #tpu.memory_space<vmem>>, vector<1x1x16xf32>,
        %get3A_344 = arith.constant 0 : i32
        %get3A_345 = arith.constant 2 : i32
        %get3A_346 = arith.index_cast %get3A_344 : i32 to index
        %get3A_347 = arith.index_cast %get3A_345 : i32 to index
        %get3A_348 = arith.constant 0 : index
        %get3A_349 = tpu.vector_load %arg10[%get3A_346, %get3A_347, %get3A_348] {strides = array<i32>} : memref<2x16x128xf32, #tpu.memory_space<vmem>>, vector<1x1x16xf32>,
        %get3A_350 = vector.shape_cast %get3A_349 : vector<1x1x16xf32> to vector<16xf32>
        %swap3A_351 = arith.constant 0 : i32
        %swap3A_352 = arith.constant 16 : i32
        %swap3A_353 = arith.index_cast %swap3A_351 : i32 to index
        %swap3A_354 = arith.index_cast %swap3A_352 : i32 to index
        %swap3A_355 = arith.constant 0 : index
        %swap3A_356 = tpu.vector_load %arg9[%swap3A_353, %swap3A_354, %swap3A_355] {strides = array<i32>} : memref<2x128x128xf32, #tpu.memory_space<vmem>>, vector<1x1x16xf32>,
        %swap3A_357 = vector.shape_cast %swap3A_356 : vector<1x1x16xf32> to vector<16xf32>
        %swap3A_358 = vector.shape_cast %get3A_350 : vector<16xf32> to vector<1x1x16xf32>
        tpu.vector_store %arg9[%swap3A_353, %swap3A_354, %swap3A_355], %swap3A_358 {strides = array<i32>} : memref<2x128x128xf32, #tpu.memory_space<vmem>>, vector<1x1x16xf32>,
        %get3A_359 = arith.constant 0 : i32
        %get3A_360 = arith.constant 2 : i32
        %get3A_361 = arith.index_cast %get3A_359 : i32 to index
        %get3A_362 = arith.index_cast %get3A_360 : i32 to index
        %get3A_363 = arith.constant 16 : index
        %get3A_364 = tpu.vector_load %arg10[%get3A_361, %get3A_362, %get3A_363] {strides = array<i32>} : memref<2x16x128xf32, #tpu.memory_space<vmem>>, vector<1x1x16xf32>,
        %get3A_365 = vector.shape_cast %get3A_364 : vector<1x1x16xf32> to vector<16xf32>
        %swap3A_366 = arith.constant 0 : i32
        %swap3A_367 = arith.constant 17 : i32
        %swap3A_368 = arith.index_cast %swap3A_366 : i32 to index
        %swap3A_369 = arith.index_cast %swap3A_367 : i32 to index
        %swap3A_370 = arith.constant 0 : index
        %swap3A_371 = tpu.vector_load %arg9[%swap3A_368, %swap3A_369, %swap3A_370] {strides = array<i32>} : memref<2x128x128xf32, #tpu.memory_space<vmem>>, vector<1x1x16xf32>,
        %swap3A_372 = vector.shape_cast %swap3A_371 : vector<1x1x16xf32> to vector<16xf32>
        %swap3A_373 = vector.shape_cast %get3A_365 : vector<16xf32> to vector<1x1x16xf32>
        tpu.vector_store %arg9[%swap3A_368, %swap3A_369, %swap3A_370], %swap3A_373 {strides = array<i32>} : memref<2x128x128xf32, #tpu.memory_space<vmem>>, vector<1x1x16xf32>,
        %get3A_374 = arith.constant 0 : i32
        %get3A_375 = arith.constant 2 : i32
        %get3A_376 = arith.index_cast %get3A_374 : i32 to index
        %get3A_377 = arith.index_cast %get3A_375 : i32 to index
        %get3A_378 = arith.constant 32 : index
        %get3A_379 = tpu.vector_load %arg10[%get3A_376, %get3A_377, %get3A_378] {strides = array<i32>} : memref<2x16x128xf32, #tpu.memory_space<vmem>>, vector<1x1x16xf32>,
        %get3A_380 = vector.shape_cast %get3A_379 : vector<1x1x16xf32> to vector<16xf32>
        %swap3A_381 = arith.constant 0 : i32
        %swap3A_382 = arith.constant 18 : i32
        %swap3A_383 = arith.index_cast %swap3A_381 : i32 to index
        %swap3A_384 = arith.index_cast %swap3A_382 : i32 to index
        %swap3A_385 = arith.constant 0 : index
        %swap3A_386 = tpu.vector_load %arg9[%swap3A_383, %swap3A_384, %swap3A_385] {strides = array<i32>} : memref<2x128x128xf32, #tpu.memory_space<vmem>>, vector<1x1x16xf32>,
        %swap3A_387 = vector.shape_cast %swap3A_386 : vector<1x1x16xf32> to vector<16xf32>
        %swap3A_388 = vector.shape_cast %get3A_380 : vector<16xf32> to vector<1x1x16xf32>
        tpu.vector_store %arg9[%swap3A_383, %swap3A_384, %swap3A_385], %swap3A_388 {strides = array<i32>} : memref<2x128x128xf32, #tpu.memory_space<vmem>>, vector<1x1x16xf32>,
        %get3A_389 = arith.constant 0 : i32
        %get3A_390 = arith.constant 2 : i32
        %get3A_391 = arith.index_cast %get3A_389 : i32 to index
        %get3A_392 = arith.index_cast %get3A_390 : i32 to index
        %get3A_393 = arith.constant 48 : index
        %get3A_394 = tpu.vector_load %arg10[%get3A_391, %get3A_392, %get3A_393] {strides = array<i32>} : memref<2x16x128xf32, #tpu.memory_space<vmem>>, vector<1x1x16xf32>,
        %get3A_395 = vector.shape_cast %get3A_394 : vector<1x1x16xf32> to vector<16xf32>
        %swap3A_396 = arith.constant 0 : i32
        %swap3A_397 = arith.constant 19 : i32
        %swap3A_398 = arith.index_cast %swap3A_396 : i32 to index
        %swap3A_399 = arith.index_cast %swap3A_397 : i32 to index
        %swap3A_400 = arith.constant 0 : index
        %swap3A_401 = tpu.vector_load %arg9[%swap3A_398, %swap3A_399, %swap3A_400] {strides = array<i32>} : memref<2x128x128xf32, #tpu.memory_space<vmem>>, vector<1x1x16xf32>,
        %swap3A_402 = vector.shape_cast %swap3A_401 : vector<1x1x16xf32> to vector<16xf32>
        %swap3A_403 = vector.shape_cast %get3A_395 : vector<16xf32> to vector<1x1x16xf32>
        tpu.vector_store %arg9[%swap3A_398, %swap3A_399, %swap3A_400], %swap3A_403 {strides = array<i32>} : memref<2x128x128xf32, #tpu.memory_space<vmem>>, vector<1x1x16xf32>,
        %get3A_404 = arith.constant 0 : i32
        %get3A_405 = arith.constant 2 : i32
        %get3A_406 = arith.index_cast %get3A_404 : i32 to index
        %get3A_407 = arith.index_cast %get3A_405 : i32 to index
        %get3A_408 = arith.constant 64 : index
        %get3A_409 = tpu.vector_load %arg10[%get3A_406, %get3A_407, %get3A_408] {strides = array<i32>} : memref<2x16x128xf32, #tpu.memory_space<vmem>>, vector<1x1x16xf32>,
        %get3A_410 = vector.shape_cast %get3A_409 : vector<1x1x16xf32> to vector<16xf32>
        %swap3A_411 = arith.constant 0 : i32
        %swap3A_412 = arith.constant 20 : i32
        %swap3A_413 = arith.index_cast %swap3A_411 : i32 to index
        %swap3A_414 = arith.index_cast %swap3A_412 : i32 to index
        %swap3A_415 = arith.constant 0 : index
        %swap3A_416 = tpu.vector_load %arg9[%swap3A_413, %swap3A_414, %swap3A_415] {strides = array<i32>} : memref<2x128x128xf32, #tpu.memory_space<vmem>>, vector<1x1x16xf32>,
        %swap3A_417 = vector.shape_cast %swap3A_416 : vector<1x1x16xf32> to vector<16xf32>
        %swap3A_418 = vector.shape_cast %get3A_410 : vector<16xf32> to vector<1x1x16xf32>
        tpu.vector_store %arg9[%swap3A_413, %swap3A_414, %swap3A_415], %swap3A_418 {strides = array<i32>} : memref<2x128x128xf32, #tpu.memory_space<vmem>>, vector<1x1x16xf32>,
        %get3A_419 = arith.constant 0 : i32
        %get3A_420 = arith.constant 2 : i32
        %get3A_421 = arith.index_cast %get3A_419 : i32 to index
        %get3A_422 = arith.index_cast %get3A_420 : i32 to index
        %get3A_423 = arith.constant 80 : index
        %get3A_424 = tpu.vector_load %arg10[%get3A_421, %get3A_422, %get3A_423] {strides = array<i32>} : memref<2x16x128xf32, #tpu.memory_space<vmem>>, vector<1x1x16xf32>,
        %get3A_425 = vector.shape_cast %get3A_424 : vector<1x1x16xf32> to vector<16xf32>
        %swap3A_426 = arith.constant 0 : i32
        %swap3A_427 = arith.constant 21 : i32
        %swap3A_428 = arith.index_cast %swap3A_426 : i32 to index
        %swap3A_429 = arith.index_cast %swap3A_427 : i32 to index
        %swap3A_430 = arith.constant 0 : index
        %swap3A_431 = tpu.vector_load %arg9[%swap3A_428, %swap3A_429, %swap3A_430] {strides = array<i32>} : memref<2x128x128xf32, #tpu.memory_space<vmem>>, vector<1x1x16xf32>,
        %swap3A_432 = vector.shape_cast %swap3A_431 : vector<1x1x16xf32> to vector<16xf32>
        %swap3A_433 = vector.shape_cast %get3A_425 : vector<16xf32> to vector<1x1x16xf32>
        tpu.vector_store %arg9[%swap3A_428, %swap3A_429, %swap3A_430], %swap3A_433 {strides = array<i32>} : memref<2x128x128xf32, #tpu.memory_space<vmem>>, vector<1x1x16xf32>,
        %get3A_434 = arith.constant 0 : i32
        %get3A_435 = arith.constant 2 : i32
        %get3A_436 = arith.index_cast %get3A_434 : i32 to index
        %get3A_437 = arith.index_cast %get3A_435 : i32 to index
        %get3A_438 = arith.constant 96 : index
        %get3A_439 = tpu.vector_load %arg10[%get3A_436, %get3A_437, %get3A_438] {strides = array<i32>} : memref<2x16x128xf32, #tpu.memory_space<vmem>>, vector<1x1x16xf32>,
        %get3A_440 = vector.shape_cast %get3A_439 : vector<1x1x16xf32> to vector<16xf32>
        %swap3A_441 = arith.constant 0 : i32
        %swap3A_442 = arith.constant 22 : i32
        %swap3A_443 = arith.index_cast %swap3A_441 : i32 to index
        %swap3A_444 = arith.index_cast %swap3A_442 : i32 to index
        %swap3A_445 = arith.constant 0 : index
        %swap3A_446 = tpu.vector_load %arg9[%swap3A_443, %swap3A_444, %swap3A_445] {strides = array<i32>} : memref<2x128x128xf32, #tpu.memory_space<vmem>>, vector<1x1x16xf32>,
        %swap3A_447 = vector.shape_cast %swap3A_446 : vector<1x1x16xf32> to vector<16xf32>
        %swap3A_448 = vector.shape_cast %get3A_440 : vector<16xf32> to vector<1x1x16xf32>
        tpu.vector_store %arg9[%swap3A_443, %swap3A_444, %swap3A_445], %swap3A_448 {strides = array<i32>} : memref<2x128x128xf32, #tpu.memory_space<vmem>>, vector<1x1x16xf32>,
        %get3A_449 = arith.constant 0 : i32
        %get3A_450 = arith.constant 2 : i32
        %get3A_451 = arith.index_cast %get3A_449 : i32 to index
        %get3A_452 = arith.index_cast %get3A_450 : i32 to index
        %get3A_453 = arith.constant 112 : index
        %get3A_454 = tpu.vector_load %arg10[%get3A_451, %get3A_452, %get3A_453] {strides = array<i32>} : memref<2x16x128xf32, #tpu.memory_space<vmem>>, vector<1x1x16xf32>,
        %get3A_455 = vector.shape_cast %get3A_454 : vector<1x1x16xf32> to vector<16xf32>
        %swap3A_456 = arith.constant 0 : i32
        %swap3A_457 = arith.constant 23 : i32
        %swap3A_458 = arith.index_cast %swap3A_456 : i32 to index
        %swap3A_459 = arith.index_cast %swap3A_457 : i32 to index
        %swap3A_460 = arith.constant 0 : index
        %swap3A_461 = tpu.vector_load %arg9[%swap3A_458, %swap3A_459, %swap3A_460] {strides = array<i32>} : memref<2x128x128xf32, #tpu.memory_space<vmem>>, vector<1x1x16xf32>,
        %swap3A_462 = vector.shape_cast %swap3A_461 : vector<1x1x16xf32> to vector<16xf32>
        %swap3A_463 = vector.shape_cast %get3A_455 : vector<16xf32> to vector<1x1x16xf32>
        tpu.vector_store %arg9[%swap3A_458, %swap3A_459, %swap3A_460], %swap3A_463 {strides = array<i32>} : memref<2x128x128xf32, #tpu.memory_space<vmem>>, vector<1x1x16xf32>,
        %get3A_464 = arith.constant 0 : i32
        %get3A_465 = arith.constant 3 : i32
        %get3A_466 = arith.index_cast %get3A_464 : i32 to index
        %get3A_467 = arith.index_cast %get3A_465 : i32 to index
        %get3A_468 = arith.constant 0 : index
        %get3A_469 = tpu.vector_load %arg10[%get3A_466, %get3A_467, %get3A_468] {strides = array<i32>} : memref<2x16x128xf32, #tpu.memory_space<vmem>>, vector<1x1x16xf32>,
        %get3A_470 = vector.shape_cast %get3A_469 : vector<1x1x16xf32> to vector<16xf32>
        %swap3A_471 = arith.constant 0 : i32
        %swap3A_472 = arith.constant 24 : i32
        %swap3A_473 = arith.index_cast %swap3A_471 : i32 to index
        %swap3A_474 = arith.index_cast %swap3A_472 : i32 to index
        %swap3A_475 = arith.constant 0 : index
        %swap3A_476 = tpu.vector_load %arg9[%swap3A_473, %swap3A_474, %swap3A_475] {strides = array<i32>} : memref<2x128x128xf32, #tpu.memory_space<vmem>>, vector<1x1x16xf32>,
        %swap3A_477 = vector.shape_cast %swap3A_476 : vector<1x1x16xf32> to vector<16xf32>
        %swap3A_478 = vector.shape_cast %get3A_470 : vector<16xf32> to vector<1x1x16xf32>
        tpu.vector_store %arg9[%swap3A_473, %swap3A_474, %swap3A_475], %swap3A_478 {strides = array<i32>} : memref<2x128x128xf32, #tpu.memory_space<vmem>>, vector<1x1x16xf32>,
        %get3A_479 = arith.constant 0 : i32
        %get3A_480 = arith.constant 3 : i32
        %get3A_481 = arith.index_cast %get3A_479 : i32 to index
        %get3A_482 = arith.index_cast %get3A_480 : i32 to index
        %get3A_483 = arith.constant 16 : index
        %get3A_484 = tpu.vector_load %arg10[%get3A_481, %get3A_482, %get3A_483] {strides = array<i32>} : memref<2x16x128xf32, #tpu.memory_space<vmem>>, vector<1x1x16xf32>,
        %get3A_485 = vector.shape_cast %get3A_484 : vector<1x1x16xf32> to vector<16xf32>
        %swap3A_486 = arith.constant 0 : i32
        %swap3A_487 = arith.constant 25 : i32
        %swap3A_488 = arith.index_cast %swap3A_486 : i32 to index
        %swap3A_489 = arith.index_cast %swap3A_487 : i32 to index
        %swap3A_490 = arith.constant 0 : index
        %swap3A_491 = tpu.vector_load %arg9[%swap3A_488, %swap3A_489, %swap3A_490] {strides = array<i32>} : memref<2x128x128xf32, #tpu.memory_space<vmem>>, vector<1x1x16xf32>,
        %swap3A_492 = vector.shape_cast %swap3A_491 : vector<1x1x16xf32> to vector<16xf32>
        %swap3A_493 = vector.shape_cast %get3A_485 : vector<16xf32> to vector<1x1x16xf32>
        tpu.vector_store %arg9[%swap3A_488, %swap3A_489, %swap3A_490], %swap3A_493 {strides = array<i32>} : memref<2x128x128xf32, #tpu.memory_space<vmem>>, vector<1x1x16xf32>,
        %get3A_494 = arith.constant 0 : i32
        %get3A_495 = arith.constant 3 : i32
        %get3A_496 = arith.index_cast %get3A_494 : i32 to index
        %get3A_497 = arith.index_cast %get3A_495 : i32 to index
        %get3A_498 = arith.constant 32 : index
        %get3A_499 = tpu.vector_load %arg10[%get3A_496, %get3A_497, %get3A_498] {strides = array<i32>} : memref<2x16x128xf32, #tpu.memory_space<vmem>>, vector<1x1x16xf32>,
        %get3A_500 = vector.shape_cast %get3A_499 : vector<1x1x16xf32> to vector<16xf32>
        %swap3A_501 = arith.constant 0 : i32
        %swap3A_502 = arith.constant 26 : i32
        %swap3A_503 = arith.index_cast %swap3A_501 : i32 to index
        %swap3A_504 = arith.index_cast %swap3A_502 : i32 to index
        %swap3A_505 = arith.constant 0 : index
        %swap3A_506 = tpu.vector_load %arg9[%swap3A_503, %swap3A_504, %swap3A_505] {strides = array<i32>} : memref<2x128x128xf32, #tpu.memory_space<vmem>>, vector<1x1x16xf32>,
        %swap3A_507 = vector.shape_cast %swap3A_506 : vector<1x1x16xf32> to vector<16xf32>
        %swap3A_508 = vector.shape_cast %get3A_500 : vector<16xf32> to vector<1x1x16xf32>
        tpu.vector_store %arg9[%swap3A_503, %swap3A_504, %swap3A_505], %swap3A_508 {strides = array<i32>} : memref<2x128x128xf32, #tpu.memory_space<vmem>>, vector<1x1x16xf32>,
        %get3A_509 = arith.constant 0 : i32
        %get3A_510 = arith.constant 3 : i32
        %get3A_511 = arith.index_cast %get3A_509 : i32 to index
        %get3A_512 = arith.index_cast %get3A_510 : i32 to index
        %get3A_513 = arith.constant 48 : index
        %get3A_514 = tpu.vector_load %arg10[%get3A_511, %get3A_512, %get3A_513] {strides = array<i32>} : memref<2x16x128xf32, #tpu.memory_space<vmem>>, vector<1x1x16xf32>,
        %get3A_515 = vector.shape_cast %get3A_514 : vector<1x1x16xf32> to vector<16xf32>
        %swap3A_516 = arith.constant 0 : i32
        %swap3A_517 = arith.constant 27 : i32
        %swap3A_518 = arith.index_cast %swap3A_516 : i32 to index
        %swap3A_519 = arith.index_cast %swap3A_517 : i32 to index
        %swap3A_520 = arith.constant 0 : index
        %swap3A_521 = tpu.vector_load %arg9[%swap3A_518, %swap3A_519, %swap3A_520] {strides = array<i32>} : memref<2x128x128xf32, #tpu.memory_space<vmem>>, vector<1x1x16xf32>,
        %swap3A_522 = vector.shape_cast %swap3A_521 : vector<1x1x16xf32> to vector<16xf32>
        %swap3A_523 = vector.shape_cast %get3A_515 : vector<16xf32> to vector<1x1x16xf32>
        tpu.vector_store %arg9[%swap3A_518, %swap3A_519, %swap3A_520], %swap3A_523 {strides = array<i32>} : memref<2x128x128xf32, #tpu.memory_space<vmem>>, vector<1x1x16xf32>,
        %get3A_524 = arith.constant 0 : i32
        %get3A_525 = arith.constant 3 : i32
        %get3A_526 = arith.index_cast %get3A_524 : i32 to index
        %get3A_527 = arith.index_cast %get3A_525 : i32 to index
        %get3A_528 = arith.constant 64 : index
        %get3A_529 = tpu.vector_load %arg10[%get3A_526, %get3A_527, %get3A_528] {strides = array<i32>} : memref<2x16x128xf32, #tpu.memory_space<vmem>>, vector<1x1x16xf32>,
        %get3A_530 = vector.shape_cast %get3A_529 : vector<1x1x16xf32> to vector<16xf32>
        %swap3A_531 = arith.constant 0 : i32
        %swap3A_532 = arith.constant 28 : i32
        %swap3A_533 = arith.index_cast %swap3A_531 : i32 to index
        %swap3A_534 = arith.index_cast %swap3A_532 : i32 to index
        %swap3A_535 = arith.constant 0 : index
        %swap3A_536 = tpu.vector_load %arg9[%swap3A_533, %swap3A_534, %swap3A_535] {strides = array<i32>} : memref<2x128x128xf32, #tpu.memory_space<vmem>>, vector<1x1x16xf32>,
        %swap3A_537 = vector.shape_cast %swap3A_536 : vector<1x1x16xf32> to vector<16xf32>
        %swap3A_538 = vector.shape_cast %get3A_530 : vector<16xf32> to vector<1x1x16xf32>
        tpu.vector_store %arg9[%swap3A_533, %swap3A_534, %swap3A_535], %swap3A_538 {strides = array<i32>} : memref<2x128x128xf32, #tpu.memory_space<vmem>>, vector<1x1x16xf32>,
        %get3A_539 = arith.constant 0 : i32
        %get3A_540 = arith.constant 3 : i32
        %get3A_541 = arith.index_cast %get3A_539 : i32 to index
        %get3A_542 = arith.index_cast %get3A_540 : i32 to index
        %get3A_543 = arith.constant 80 : index
        %get3A_544 = tpu.vector_load %arg10[%get3A_541, %get3A_542, %get3A_543] {strides = array<i32>} : memref<2x16x128xf32, #tpu.memory_space<vmem>>, vector<1x1x16xf32>,
        %get3A_545 = vector.shape_cast %get3A_544 : vector<1x1x16xf32> to vector<16xf32>
        %swap3A_546 = arith.constant 0 : i32
        %swap3A_547 = arith.constant 29 : i32
        %swap3A_548 = arith.index_cast %swap3A_546 : i32 to index
        %swap3A_549 = arith.index_cast %swap3A_547 : i32 to index
        %swap3A_550 = arith.constant 0 : index
        %swap3A_551 = tpu.vector_load %arg9[%swap3A_548, %swap3A_549, %swap3A_550] {strides = array<i32>} : memref<2x128x128xf32, #tpu.memory_space<vmem>>, vector<1x1x16xf32>,
        %swap3A_552 = vector.shape_cast %swap3A_551 : vector<1x1x16xf32> to vector<16xf32>
        %swap3A_553 = vector.shape_cast %get3A_545 : vector<16xf32> to vector<1x1x16xf32>
        tpu.vector_store %arg9[%swap3A_548, %swap3A_549, %swap3A_550], %swap3A_553 {strides = array<i32>} : memref<2x128x128xf32, #tpu.memory_space<vmem>>, vector<1x1x16xf32>,
        %get3A_554 = arith.constant 0 : i32
        %get3A_555 = arith.constant 3 : i32
        %get3A_556 = arith.index_cast %get3A_554 : i32 to index
        %get3A_557 = arith.index_cast %get3A_555 : i32 to index
        %get3A_558 = arith.constant 96 : index
        %get3A_559 = tpu.vector_load %arg10[%get3A_556, %get3A_557, %get3A_558] {strides = array<i32>} : memref<2x16x128xf32, #tpu.memory_space<vmem>>, vector<1x1x16xf32>,
        %get3A_560 = vector.shape_cast %get3A_559 : vector<1x1x16xf32> to vector<16xf32>
        %swap3A_561 = arith.constant 0 : i32
        %swap3A_562 = arith.constant 30 : i32
        %swap3A_563 = arith.index_cast %swap3A_561 : i32 to index
        %swap3A_564 = arith.index_cast %swap3A_562 : i32 to index
        %swap3A_565 = arith.constant 0 : index
        %swap3A_566 = tpu.vector_load %arg9[%swap3A_563, %swap3A_564, %swap3A_565] {strides = array<i32>} : memref<2x128x128xf32, #tpu.memory_space<vmem>>, vector<1x1x16xf32>,
        %swap3A_567 = vector.shape_cast %swap3A_566 : vector<1x1x16xf32> to vector<16xf32>
        %swap3A_568 = vector.shape_cast %get3A_560 : vector<16xf32> to vector<1x1x16xf32>
        tpu.vector_store %arg9[%swap3A_563, %swap3A_564, %swap3A_565], %swap3A_568 {strides = array<i32>} : memref<2x128x128xf32, #tpu.memory_space<vmem>>, vector<1x1x16xf32>,
        %get3A_569 = arith.constant 0 : i32
        %get3A_570 = arith.constant 3 : i32
        %get3A_571 = arith.index_cast %get3A_569 : i32 to index
        %get3A_572 = arith.index_cast %get3A_570 : i32 to index
        %get3A_573 = arith.constant 112 : index
        %get3A_574 = tpu.vector_load %arg10[%get3A_571, %get3A_572, %get3A_573] {strides = array<i32>} : memref<2x16x128xf32, #tpu.memory_space<vmem>>, vector<1x1x16xf32>,
        %get3A_575 = vector.shape_cast %get3A_574 : vector<1x1x16xf32> to vector<16xf32>
        %swap3A_576 = arith.constant 0 : i32
        %swap3A_577 = arith.constant 31 : i32
        %swap3A_578 = arith.index_cast %swap3A_576 : i32 to index
        %swap3A_579 = arith.index_cast %swap3A_577 : i32 to index
        %swap3A_580 = arith.constant 0 : index
        %swap3A_581 = tpu.vector_load %arg9[%swap3A_578, %swap3A_579, %swap3A_580] {strides = array<i32>} : memref<2x128x128xf32, #tpu.memory_space<vmem>>, vector<1x1x16xf32>,
        %swap3A_582 = vector.shape_cast %swap3A_581 : vector<1x1x16xf32> to vector<16xf32>
        %swap3A_583 = vector.shape_cast %get3A_575 : vector<16xf32> to vector<1x1x16xf32>
        tpu.vector_store %arg9[%swap3A_578, %swap3A_579, %swap3A_580], %swap3A_583 {strides = array<i32>} : memref<2x128x128xf32, #tpu.memory_space<vmem>>, vector<1x1x16xf32>,
        %get3A_584 = arith.constant 0 : i32
        %get3A_585 = arith.constant 4 : i32
        %get3A_586 = arith.index_cast %get3A_584 : i32 to index
        %get3A_587 = arith.index_cast %get3A_585 : i32 to index
        %get3A_588 = arith.constant 0 : index
        %get3A_589 = tpu.vector_load %arg10[%get3A_586, %get3A_587, %get3A_588] {strides = array<i32>} : memref<2x16x128xf32, #tpu.memory_space<vmem>>, vector<1x1x16xf32>,
        %get3A_590 = vector.shape_cast %get3A_589 : vector<1x1x16xf32> to vector<16xf32>
        %swap3A_591 = arith.constant 0 : i32
        %swap3A_592 = arith.constant 32 : i32
        %swap3A_593 = arith.index_cast %swap3A_591 : i32 to index
        %swap3A_594 = arith.index_cast %swap3A_592 : i32 to index
        %swap3A_595 = arith.constant 0 : index
        %swap3A_596 = tpu.vector_load %arg9[%swap3A_593, %swap3A_594, %swap3A_595] {strides = array<i32>} : memref<2x128x128xf32, #tpu.memory_space<vmem>>, vector<1x1x16xf32>,
        %swap3A_597 = vector.shape_cast %swap3A_596 : vector<1x1x16xf32> to vector<16xf32>
        %swap3A_598 = vector.shape_cast %get3A_590 : vector<16xf32> to vector<1x1x16xf32>
        tpu.vector_store %arg9[%swap3A_593, %swap3A_594, %swap3A_595], %swap3A_598 {strides = array<i32>} : memref<2x128x128xf32, #tpu.memory_space<vmem>>, vector<1x1x16xf32>,
        %get3A_599 = arith.constant 0 : i32
        %get3A_600 = arith.constant 4 : i32
        %get3A_601 = arith.index_cast %get3A_599 : i32 to index
        %get3A_602 = arith.index_cast %get3A_600 : i32 to index
        %get3A_603 = arith.constant 16 : index
        %get3A_604 = tpu.vector_load %arg10[%get3A_601, %get3A_602, %get3A_603] {strides = array<i32>} : memref<2x16x128xf32, #tpu.memory_space<vmem>>, vector<1x1x16xf32>,
        %get3A_605 = vector.shape_cast %get3A_604 : vector<1x1x16xf32> to vector<16xf32>
        %swap3A_606 = arith.constant 0 : i32
        %swap3A_607 = arith.constant 33 : i32
        %swap3A_608 = arith.index_cast %swap3A_606 : i32 to index
        %swap3A_609 = arith.index_cast %swap3A_607 : i32 to index
        %swap3A_610 = arith.constant 0 : index
        %swap3A_611 = tpu.vector_load %arg9[%swap3A_608, %swap3A_609, %swap3A_610] {strides = array<i32>} : memref<2x128x128xf32, #tpu.memory_space<vmem>>, vector<1x1x16xf32>,
        %swap3A_612 = vector.shape_cast %swap3A_611 : vector<1x1x16xf32> to vector<16xf32>
        %swap3A_613 = vector.shape_cast %get3A_605 : vector<16xf32> to vector<1x1x16xf32>
        tpu.vector_store %arg9[%swap3A_608, %swap3A_609, %swap3A_610], %swap3A_613 {strides = array<i32>} : memref<2x128x128xf32, #tpu.memory_space<vmem>>, vector<1x1x16xf32>,
        %get3A_614 = arith.constant 0 : i32
        %get3A_615 = arith.constant 4 : i32
        %get3A_616 = arith.index_cast %get3A_614 : i32 to index
        %get3A_617 = arith.index_cast %get3A_615 : i32 to index
        %get3A_618 = arith.constant 32 : index
        %get3A_619 = tpu.vector_load %arg10[%get3A_616, %get3A_617, %get3A_618] {strides = array<i32>} : memref<2x16x128xf32, #tpu.memory_space<vmem>>, vector<1x1x16xf32>,
        %get3A_620 = vector.shape_cast %get3A_619 : vector<1x1x16xf32> to vector<16xf32>
        %swap3A_621 = arith.constant 0 : i32
        %swap3A_622 = arith.constant 34 : i32
        %swap3A_623 = arith.index_cast %swap3A_621 : i32 to index
        %swap3A_624 = arith.index_cast %swap3A_622 : i32 to index
        %swap3A_625 = arith.constant 0 : index
        %swap3A_626 = tpu.vector_load %arg9[%swap3A_623, %swap3A_624, %swap3A_625] {strides = array<i32>} : memref<2x128x128xf32, #tpu.memory_space<vmem>>, vector<1x1x16xf32>,
        %swap3A_627 = vector.shape_cast %swap3A_626 : vector<1x1x16xf32> to vector<16xf32>
        %swap3A_628 = vector.shape_cast %get3A_620 : vector<16xf32> to vector<1x1x16xf32>
        tpu.vector_store %arg9[%swap3A_623, %swap3A_624, %swap3A_625], %swap3A_628 {strides = array<i32>} : memref<2x128x128xf32, #tpu.memory_space<vmem>>, vector<1x1x16xf32>,
        %get3A_629 = arith.constant 0 : i32
        %get3A_630 = arith.constant 4 : i32
        %get3A_631 = arith.index_cast %get3A_629 : i32 to index
        %get3A_632 = arith.index_cast %get3A_630 : i32 to index
        %get3A_633 = arith.constant 48 : index
        %get3A_634 = tpu.vector_load %arg10[%get3A_631, %get3A_632, %get3A_633] {strides = array<i32>} : memref<2x16x128xf32, #tpu.memory_space<vmem>>, vector<1x1x16xf32>,
        %get3A_635 = vector.shape_cast %get3A_634 : vector<1x1x16xf32> to vector<16xf32>
        %swap3A_636 = arith.constant 0 : i32
        %swap3A_637 = arith.constant 35 : i32
        %swap3A_638 = arith.index_cast %swap3A_636 : i32 to index
        %swap3A_639 = arith.index_cast %swap3A_637 : i32 to index
        %swap3A_640 = arith.constant 0 : index
        %swap3A_641 = tpu.vector_load %arg9[%swap3A_638, %swap3A_639, %swap3A_640] {strides = array<i32>} : memref<2x128x128xf32, #tpu.memory_space<vmem>>, vector<1x1x16xf32>,
        %swap3A_642 = vector.shape_cast %swap3A_641 : vector<1x1x16xf32> to vector<16xf32>
        %swap3A_643 = vector.shape_cast %get3A_635 : vector<16xf32> to vector<1x1x16xf32>
        tpu.vector_store %arg9[%swap3A_638, %swap3A_639, %swap3A_640], %swap3A_643 {strides = array<i32>} : memref<2x128x128xf32, #tpu.memory_space<vmem>>, vector<1x1x16xf32>,
        %get3A_644 = arith.constant 0 : i32
        %get3A_645 = arith.constant 4 : i32
        %get3A_646 = arith.index_cast %get3A_644 : i32 to index
        %get3A_647 = arith.index_cast %get3A_645 : i32 to index
        %get3A_648 = arith.constant 64 : index
        %get3A_649 = tpu.vector_load %arg10[%get3A_646, %get3A_647, %get3A_648] {strides = array<i32>} : memref<2x16x128xf32, #tpu.memory_space<vmem>>, vector<1x1x16xf32>,
        %get3A_650 = vector.shape_cast %get3A_649 : vector<1x1x16xf32> to vector<16xf32>
        %swap3A_651 = arith.constant 0 : i32
        %swap3A_652 = arith.constant 36 : i32
        %swap3A_653 = arith.index_cast %swap3A_651 : i32 to index
        %swap3A_654 = arith.index_cast %swap3A_652 : i32 to index
        %swap3A_655 = arith.constant 0 : index
        %swap3A_656 = tpu.vector_load %arg9[%swap3A_653, %swap3A_654, %swap3A_655] {strides = array<i32>} : memref<2x128x128xf32, #tpu.memory_space<vmem>>, vector<1x1x16xf32>,
        %swap3A_657 = vector.shape_cast %swap3A_656 : vector<1x1x16xf32> to vector<16xf32>
        %swap3A_658 = vector.shape_cast %get3A_650 : vector<16xf32> to vector<1x1x16xf32>
        tpu.vector_store %arg9[%swap3A_653, %swap3A_654, %swap3A_655], %swap3A_658 {strides = array<i32>} : memref<2x128x128xf32, #tpu.memory_space<vmem>>, vector<1x1x16xf32>,
        %get3A_659 = arith.constant 0 : i32
        %get3A_660 = arith.constant 4 : i32
        %get3A_661 = arith.index_cast %get3A_659 : i32 to index
        %get3A_662 = arith.index_cast %get3A_660 : i32 to index
        %get3A_663 = arith.constant 80 : index
        %get3A_664 = tpu.vector_load %arg10[%get3A_661, %get3A_662, %get3A_663] {strides = array<i32>} : memref<2x16x128xf32, #tpu.memory_space<vmem>>, vector<1x1x16xf32>,
        %get3A_665 = vector.shape_cast %get3A_664 : vector<1x1x16xf32> to vector<16xf32>
        %swap3A_666 = arith.constant 0 : i32
        %swap3A_667 = arith.constant 37 : i32
        %swap3A_668 = arith.index_cast %swap3A_666 : i32 to index
        %swap3A_669 = arith.index_cast %swap3A_667 : i32 to index
        %swap3A_670 = arith.constant 0 : index
        %swap3A_671 = tpu.vector_load %arg9[%swap3A_668, %swap3A_669, %swap3A_670] {strides = array<i32>} : memref<2x128x128xf32, #tpu.memory_space<vmem>>, vector<1x1x16xf32>,
        %swap3A_672 = vector.shape_cast %swap3A_671 : vector<1x1x16xf32> to vector<16xf32>
        %swap3A_673 = vector.shape_cast %get3A_665 : vector<16xf32> to vector<1x1x16xf32>
        tpu.vector_store %arg9[%swap3A_668, %swap3A_669, %swap3A_670], %swap3A_673 {strides = array<i32>} : memref<2x128x128xf32, #tpu.memory_space<vmem>>, vector<1x1x16xf32>,
        %get3A_674 = arith.constant 0 : i32
        %get3A_675 = arith.constant 4 : i32
        %get3A_676 = arith.index_cast %get3A_674 : i32 to index
        %get3A_677 = arith.index_cast %get3A_675 : i32 to index
        %get3A_678 = arith.constant 96 : index
        %get3A_679 = tpu.vector_load %arg10[%get3A_676, %get3A_677, %get3A_678] {strides = array<i32>} : memref<2x16x128xf32, #tpu.memory_space<vmem>>, vector<1x1x16xf32>,
        %get3A_680 = vector.shape_cast %get3A_679 : vector<1x1x16xf32> to vector<16xf32>
        %swap3A_681 = arith.constant 0 : i32
        %swap3A_682 = arith.constant 38 : i32
        %swap3A_683 = arith.index_cast %swap3A_681 : i32 to index
        %swap3A_684 = arith.index_cast %swap3A_682 : i32 to index
        %swap3A_685 = arith.constant 0 : index
        %swap3A_686 = tpu.vector_load %arg9[%swap3A_683, %swap3A_684, %swap3A_685] {strides = array<i32>} : memref<2x128x128xf32, #tpu.memory_space<vmem>>, vector<1x1x16xf32>,
        %swap3A_687 = vector.shape_cast %swap3A_686 : vector<1x1x16xf32> to vector<16xf32>
        %swap3A_688 = vector.shape_cast %get3A_680 : vector<16xf32> to vector<1x1x16xf32>
        tpu.vector_store %arg9[%swap3A_683, %swap3A_684, %swap3A_685], %swap3A_688 {strides = array<i32>} : memref<2x128x128xf32, #tpu.memory_space<vmem>>, vector<1x1x16xf32>,
        %get3A_689 = arith.constant 0 : i32
        %get3A_690 = arith.constant 4 : i32
        %get3A_691 = arith.index_cast %get3A_689 : i32 to index
        %get3A_692 = arith.index_cast %get3A_690 : i32 to index
        %get3A_693 = arith.constant 112 : index
        %get3A_694 = tpu.vector_load %arg10[%get3A_691, %get3A_692, %get3A_693] {strides = array<i32>} : memref<2x16x128xf32, #tpu.memory_space<vmem>>, vector<1x1x16xf32>,
        %get3A_695 = vector.shape_cast %get3A_694 : vector<1x1x16xf32> to vector<16xf32>
        %swap3A_696 = arith.constant 0 : i32
        %swap3A_697 = arith.constant 39 : i32
        %swap3A_698 = arith.index_cast %swap3A_696 : i32 to index
        %swap3A_699 = arith.index_cast %swap3A_697 : i32 to index
        %swap3A_700 = arith.constant 0 : index
        %swap3A_701 = tpu.vector_load %arg9[%swap3A_698, %swap3A_699, %swap3A_700] {strides = array<i32>} : memref<2x128x128xf32, #tpu.memory_space<vmem>>, vector<1x1x16xf32>,
        %swap3A_702 = vector.shape_cast %swap3A_701 : vector<1x1x16xf32> to vector<16xf32>
        %swap3A_703 = vector.shape_cast %get3A_695 : vector<16xf32> to vector<1x1x16xf32>
        tpu.vector_store %arg9[%swap3A_698, %swap3A_699, %swap3A_700], %swap3A_703 {strides = array<i32>} : memref<2x128x128xf32, #tpu.memory_space<vmem>>, vector<1x1x16xf32>,
        %get3A_704 = arith.constant 0 : i32
        %get3A_705 = arith.constant 5 : i32
        %get3A_706 = arith.index_cast %get3A_704 : i32 to index
        %get3A_707 = arith.index_cast %get3A_705 : i32 to index
        %get3A_708 = arith.constant 0 : index
        %get3A_709 = tpu.vector_load %arg10[%get3A_706, %get3A_707, %get3A_708] {strides = array<i32>} : memref<2x16x128xf32, #tpu.memory_space<vmem>>, vector<1x1x16xf32>,
        %get3A_710 = vector.shape_cast %get3A_709 : vector<1x1x16xf32> to vector<16xf32>
        %swap3A_711 = arith.constant 0 : i32
        %swap3A_712 = arith.constant 40 : i32
        %swap3A_713 = arith.index_cast %swap3A_711 : i32 to index
        %swap3A_714 = arith.index_cast %swap3A_712 : i32 to index
        %swap3A_715 = arith.constant 0 : index
        %swap3A_716 = tpu.vector_load %arg9[%swap3A_713, %swap3A_714, %swap3A_715] {strides = array<i32>} : memref<2x128x128xf32, #tpu.memory_space<vmem>>, vector<1x1x16xf32>,
        %swap3A_717 = vector.shape_cast %swap3A_716 : vector<1x1x16xf32> to vector<16xf32>
        %swap3A_718 = vector.shape_cast %get3A_710 : vector<16xf32> to vector<1x1x16xf32>
        tpu.vector_store %arg9[%swap3A_713, %swap3A_714, %swap3A_715], %swap3A_718 {strides = array<i32>} : memref<2x128x128xf32, #tpu.memory_space<vmem>>, vector<1x1x16xf32>,
        %get3A_719 = arith.constant 0 : i32
        %get3A_720 = arith.constant 5 : i32
        %get3A_721 = arith.index_cast %get3A_719 : i32 to index
        %get3A_722 = arith.index_cast %get3A_720 : i32 to index
        %get3A_723 = arith.constant 16 : index
        %get3A_724 = tpu.vector_load %arg10[%get3A_721, %get3A_722, %get3A_723] {strides = array<i32>} : memref<2x16x128xf32, #tpu.memory_space<vmem>>, vector<1x1x16xf32>,
        %get3A_725 = vector.shape_cast %get3A_724 : vector<1x1x16xf32> to vector<16xf32>
        %swap3A_726 = arith.constant 0 : i32
        %swap3A_727 = arith.constant 41 : i32
        %swap3A_728 = arith.index_cast %swap3A_726 : i32 to index
        %swap3A_729 = arith.index_cast %swap3A_727 : i32 to index
        %swap3A_730 = arith.constant 0 : index
        %swap3A_731 = tpu.vector_load %arg9[%swap3A_728, %swap3A_729, %swap3A_730] {strides = array<i32>} : memref<2x128x128xf32, #tpu.memory_space<vmem>>, vector<1x1x16xf32>,
        %swap3A_732 = vector.shape_cast %swap3A_731 : vector<1x1x16xf32> to vector<16xf32>
        %swap3A_733 = vector.shape_cast %get3A_725 : vector<16xf32> to vector<1x1x16xf32>
        tpu.vector_store %arg9[%swap3A_728, %swap3A_729, %swap3A_730], %swap3A_733 {strides = array<i32>} : memref<2x128x128xf32, #tpu.memory_space<vmem>>, vector<1x1x16xf32>,
        %get3A_734 = arith.constant 0 : i32
        %get3A_735 = arith.constant 5 : i32
        %get3A_736 = arith.index_cast %get3A_734 : i32 to index
        %get3A_737 = arith.index_cast %get3A_735 : i32 to index
        %get3A_738 = arith.constant 32 : index
        %get3A_739 = tpu.vector_load %arg10[%get3A_736, %get3A_737, %get3A_738] {strides = array<i32>} : memref<2x16x128xf32, #tpu.memory_space<vmem>>, vector<1x1x16xf32>,
        %get3A_740 = vector.shape_cast %get3A_739 : vector<1x1x16xf32> to vector<16xf32>
        %swap3A_741 = arith.constant 0 : i32
        %swap3A_742 = arith.constant 42 : i32
        %swap3A_743 = arith.index_cast %swap3A_741 : i32 to index
        %swap3A_744 = arith.index_cast %swap3A_742 : i32 to index
        %swap3A_745 = arith.constant 0 : index
        %swap3A_746 = tpu.vector_load %arg9[%swap3A_743, %swap3A_744, %swap3A_745] {strides = array<i32>} : memref<2x128x128xf32, #tpu.memory_space<vmem>>, vector<1x1x16xf32>,
        %swap3A_747 = vector.shape_cast %swap3A_746 : vector<1x1x16xf32> to vector<16xf32>
        %swap3A_748 = vector.shape_cast %get3A_740 : vector<16xf32> to vector<1x1x16xf32>
        tpu.vector_store %arg9[%swap3A_743, %swap3A_744, %swap3A_745], %swap3A_748 {strides = array<i32>} : memref<2x128x128xf32, #tpu.memory_space<vmem>>, vector<1x1x16xf32>,
        %get3A_749 = arith.constant 0 : i32
        %get3A_750 = arith.constant 5 : i32
        %get3A_751 = arith.index_cast %get3A_749 : i32 to index
        %get3A_752 = arith.index_cast %get3A_750 : i32 to index
        %get3A_753 = arith.constant 48 : index
        %get3A_754 = tpu.vector_load %arg10[%get3A_751, %get3A_752, %get3A_753] {strides = array<i32>} : memref<2x16x128xf32, #tpu.memory_space<vmem>>, vector<1x1x16xf32>,
        %get3A_755 = vector.shape_cast %get3A_754 : vector<1x1x16xf32> to vector<16xf32>
        %swap3A_756 = arith.constant 0 : i32
        %swap3A_757 = arith.constant 43 : i32
        %swap3A_758 = arith.index_cast %swap3A_756 : i32 to index
        %swap3A_759 = arith.index_cast %swap3A_757 : i32 to index
        %swap3A_760 = arith.constant 0 : index
        %swap3A_761 = tpu.vector_load %arg9[%swap3A_758, %swap3A_759, %swap3A_760] {strides = array<i32>} : memref<2x128x128xf32, #tpu.memory_space<vmem>>, vector<1x1x16xf32>,
        %swap3A_762 = vector.shape_cast %swap3A_761 : vector<1x1x16xf32> to vector<16xf32>
        %swap3A_763 = vector.shape_cast %get3A_755 : vector<16xf32> to vector<1x1x16xf32>
        tpu.vector_store %arg9[%swap3A_758, %swap3A_759, %swap3A_760], %swap3A_763 {strides = array<i32>} : memref<2x128x128xf32, #tpu.memory_space<vmem>>, vector<1x1x16xf32>,
        %get3A_764 = arith.constant 0 : i32
        %get3A_765 = arith.constant 5 : i32
        %get3A_766 = arith.index_cast %get3A_764 : i32 to index
        %get3A_767 = arith.index_cast %get3A_765 : i32 to index
        %get3A_768 = arith.constant 64 : index
        %get3A_769 = tpu.vector_load %arg10[%get3A_766, %get3A_767, %get3A_768] {strides = array<i32>} : memref<2x16x128xf32, #tpu.memory_space<vmem>>, vector<1x1x16xf32>,
        %get3A_770 = vector.shape_cast %get3A_769 : vector<1x1x16xf32> to vector<16xf32>
        %swap3A_771 = arith.constant 0 : i32
        %swap3A_772 = arith.constant 44 : i32
        %swap3A_773 = arith.index_cast %swap3A_771 : i32 to index
        %swap3A_774 = arith.index_cast %swap3A_772 : i32 to index
        %swap3A_775 = arith.constant 0 : index
        %swap3A_776 = tpu.vector_load %arg9[%swap3A_773, %swap3A_774, %swap3A_775] {strides = array<i32>} : memref<2x128x128xf32, #tpu.memory_space<vmem>>, vector<1x1x16xf32>,
        %swap3A_777 = vector.shape_cast %swap3A_776 : vector<1x1x16xf32> to vector<16xf32>
        %swap3A_778 = vector.shape_cast %get3A_770 : vector<16xf32> to vector<1x1x16xf32>
        tpu.vector_store %arg9[%swap3A_773, %swap3A_774, %swap3A_775], %swap3A_778 {strides = array<i32>} : memref<2x128x128xf32, #tpu.memory_space<vmem>>, vector<1x1x16xf32>,
        %get3A_779 = arith.constant 0 : i32
        %get3A_780 = arith.constant 5 : i32
        %get3A_781 = arith.index_cast %get3A_779 : i32 to index
        %get3A_782 = arith.index_cast %get3A_780 : i32 to index
        %get3A_783 = arith.constant 80 : index
        %get3A_784 = tpu.vector_load %arg10[%get3A_781, %get3A_782, %get3A_783] {strides = array<i32>} : memref<2x16x128xf32, #tpu.memory_space<vmem>>, vector<1x1x16xf32>,
        %get3A_785 = vector.shape_cast %get3A_784 : vector<1x1x16xf32> to vector<16xf32>
        %swap3A_786 = arith.constant 0 : i32
        %swap3A_787 = arith.constant 45 : i32
        %swap3A_788 = arith.index_cast %swap3A_786 : i32 to index
        %swap3A_789 = arith.index_cast %swap3A_787 : i32 to index
        %swap3A_790 = arith.constant 0 : index
        %swap3A_791 = tpu.vector_load %arg9[%swap3A_788, %swap3A_789, %swap3A_790] {strides = array<i32>} : memref<2x128x128xf32, #tpu.memory_space<vmem>>, vector<1x1x16xf32>,
        %swap3A_792 = vector.shape_cast %swap3A_791 : vector<1x1x16xf32> to vector<16xf32>
        %swap3A_793 = vector.shape_cast %get3A_785 : vector<16xf32> to vector<1x1x16xf32>
        tpu.vector_store %arg9[%swap3A_788, %swap3A_789, %swap3A_790], %swap3A_793 {strides = array<i32>} : memref<2x128x128xf32, #tpu.memory_space<vmem>>, vector<1x1x16xf32>,
        %get3A_794 = arith.constant 0 : i32
        %get3A_795 = arith.constant 5 : i32
        %get3A_796 = arith.index_cast %get3A_794 : i32 to index
        %get3A_797 = arith.index_cast %get3A_795 : i32 to index
        %get3A_798 = arith.constant 96 : index
        %get3A_799 = tpu.vector_load %arg10[%get3A_796, %get3A_797, %get3A_798] {strides = array<i32>} : memref<2x16x128xf32, #tpu.memory_space<vmem>>, vector<1x1x16xf32>,
        %get3A_800 = vector.shape_cast %get3A_799 : vector<1x1x16xf32> to vector<16xf32>
        %swap3A_801 = arith.constant 0 : i32
        %swap3A_802 = arith.constant 46 : i32
        %swap3A_803 = arith.index_cast %swap3A_801 : i32 to index
        %swap3A_804 = arith.index_cast %swap3A_802 : i32 to index
        %swap3A_805 = arith.constant 0 : index
        %swap3A_806 = tpu.vector_load %arg9[%swap3A_803, %swap3A_804, %swap3A_805] {strides = array<i32>} : memref<2x128x128xf32, #tpu.memory_space<vmem>>, vector<1x1x16xf32>,
        %swap3A_807 = vector.shape_cast %swap3A_806 : vector<1x1x16xf32> to vector<16xf32>
        %swap3A_808 = vector.shape_cast %get3A_800 : vector<16xf32> to vector<1x1x16xf32>
        tpu.vector_store %arg9[%swap3A_803, %swap3A_804, %swap3A_805], %swap3A_808 {strides = array<i32>} : memref<2x128x128xf32, #tpu.memory_space<vmem>>, vector<1x1x16xf32>,
        %get3A_809 = arith.constant 0 : i32
        %get3A_810 = arith.constant 5 : i32
        %get3A_811 = arith.index_cast %get3A_809 : i32 to index
        %get3A_812 = arith.index_cast %get3A_810 : i32 to index
        %get3A_813 = arith.constant 112 : index
        %get3A_814 = tpu.vector_load %arg10[%get3A_811, %get3A_812, %get3A_813] {strides = array<i32>} : memref<2x16x128xf32, #tpu.memory_space<vmem>>, vector<1x1x16xf32>,
        %get3A_815 = vector.shape_cast %get3A_814 : vector<1x1x16xf32> to vector<16xf32>
        %swap3A_816 = arith.constant 0 : i32
        %swap3A_817 = arith.constant 47 : i32
        %swap3A_818 = arith.index_cast %swap3A_816 : i32 to index
        %swap3A_819 = arith.index_cast %swap3A_817 : i32 to index
        %swap3A_820 = arith.constant 0 : index
        %swap3A_821 = tpu.vector_load %arg9[%swap3A_818, %swap3A_819, %swap3A_820] {strides = array<i32>} : memref<2x128x128xf32, #tpu.memory_space<vmem>>, vector<1x1x16xf32>,
        %swap3A_822 = vector.shape_cast %swap3A_821 : vector<1x1x16xf32> to vector<16xf32>
        %swap3A_823 = vector.shape_cast %get3A_815 : vector<16xf32> to vector<1x1x16xf32>
        tpu.vector_store %arg9[%swap3A_818, %swap3A_819, %swap3A_820], %swap3A_823 {strides = array<i32>} : memref<2x128x128xf32, #tpu.memory_space<vmem>>, vector<1x1x16xf32>,
        %get3A_824 = arith.constant 0 : i32
        %get3A_825 = arith.constant 6 : i32
        %get3A_826 = arith.index_cast %get3A_824 : i32 to index
        %get3A_827 = arith.index_cast %get3A_825 : i32 to index
        %get3A_828 = arith.constant 0 : index
        %get3A_829 = tpu.vector_load %arg10[%get3A_826, %get3A_827, %get3A_828] {strides = array<i32>} : memref<2x16x128xf32, #tpu.memory_space<vmem>>, vector<1x1x16xf32>,
        %get3A_830 = vector.shape_cast %get3A_829 : vector<1x1x16xf32> to vector<16xf32>
        %swap3A_831 = arith.constant 0 : i32
        %swap3A_832 = arith.constant 48 : i32
        %swap3A_833 = arith.index_cast %swap3A_831 : i32 to index
        %swap3A_834 = arith.index_cast %swap3A_832 : i32 to index
        %swap3A_835 = arith.constant 0 : index
        %swap3A_836 = tpu.vector_load %arg9[%swap3A_833, %swap3A_834, %swap3A_835] {strides = array<i32>} : memref<2x128x128xf32, #tpu.memory_space<vmem>>, vector<1x1x16xf32>,
        %swap3A_837 = vector.shape_cast %swap3A_836 : vector<1x1x16xf32> to vector<16xf32>
        %swap3A_838 = vector.shape_cast %get3A_830 : vector<16xf32> to vector<1x1x16xf32>
        tpu.vector_store %arg9[%swap3A_833, %swap3A_834, %swap3A_835], %swap3A_838 {strides = array<i32>} : memref<2x128x128xf32, #tpu.memory_space<vmem>>, vector<1x1x16xf32>,
        %get3A_839 = arith.constant 0 : i32
        %get3A_840 = arith.constant 6 : i32
        %get3A_841 = arith.index_cast %get3A_839 : i32 to index
        %get3A_842 = arith.index_cast %get3A_840 : i32 to index
        %get3A_843 = arith.constant 16 : index
        %get3A_844 = tpu.vector_load %arg10[%get3A_841, %get3A_842, %get3A_843] {strides = array<i32>} : memref<2x16x128xf32, #tpu.memory_space<vmem>>, vector<1x1x16xf32>,
        %get3A_845 = vector.shape_cast %get3A_844 : vector<1x1x16xf32> to vector<16xf32>
        %swap3A_846 = arith.constant 0 : i32
        %swap3A_847 = arith.constant 49 : i32
        %swap3A_848 = arith.index_cast %swap3A_846 : i32 to index
        %swap3A_849 = arith.index_cast %swap3A_847 : i32 to index
        %swap3A_850 = arith.constant 0 : index
        %swap3A_851 = tpu.vector_load %arg9[%swap3A_848, %swap3A_849, %swap3A_850] {strides = array<i32>} : memref<2x128x128xf32, #tpu.memory_space<vmem>>, vector<1x1x16xf32>,
        %swap3A_852 = vector.shape_cast %swap3A_851 : vector<1x1x16xf32> to vector<16xf32>
        %swap3A_853 = vector.shape_cast %get3A_845 : vector<16xf32> to vector<1x1x16xf32>
        tpu.vector_store %arg9[%swap3A_848, %swap3A_849, %swap3A_850], %swap3A_853 {strides = array<i32>} : memref<2x128x128xf32, #tpu.memory_space<vmem>>, vector<1x1x16xf32>,
        %get3A_854 = arith.constant 0 : i32
        %get3A_855 = arith.constant 6 : i32
        %get3A_856 = arith.index_cast %get3A_854 : i32 to index
        %get3A_857 = arith.index_cast %get3A_855 : i32 to index
        %get3A_858 = arith.constant 32 : index
        %get3A_859 = tpu.vector_load %arg10[%get3A_856, %get3A_857, %get3A_858] {strides = array<i32>} : memref<2x16x128xf32, #tpu.memory_space<vmem>>, vector<1x1x16xf32>,
        %get3A_860 = vector.shape_cast %get3A_859 : vector<1x1x16xf32> to vector<16xf32>
        %swap3A_861 = arith.constant 0 : i32
        %swap3A_862 = arith.constant 50 : i32
        %swap3A_863 = arith.index_cast %swap3A_861 : i32 to index
        %swap3A_864 = arith.index_cast %swap3A_862 : i32 to index
        %swap3A_865 = arith.constant 0 : index
        %swap3A_866 = tpu.vector_load %arg9[%swap3A_863, %swap3A_864, %swap3A_865] {strides = array<i32>} : memref<2x128x128xf32, #tpu.memory_space<vmem>>, vector<1x1x16xf32>,
        %swap3A_867 = vector.shape_cast %swap3A_866 : vector<1x1x16xf32> to vector<16xf32>
        %swap3A_868 = vector.shape_cast %get3A_860 : vector<16xf32> to vector<1x1x16xf32>
        tpu.vector_store %arg9[%swap3A_863, %swap3A_864, %swap3A_865], %swap3A_868 {strides = array<i32>} : memref<2x128x128xf32, #tpu.memory_space<vmem>>, vector<1x1x16xf32>,
        %get3A_869 = arith.constant 0 : i32
        %get3A_870 = arith.constant 6 : i32
        %get3A_871 = arith.index_cast %get3A_869 : i32 to index
        %get3A_872 = arith.index_cast %get3A_870 : i32 to index
        %get3A_873 = arith.constant 48 : index
        %get3A_874 = tpu.vector_load %arg10[%get3A_871, %get3A_872, %get3A_873] {strides = array<i32>} : memref<2x16x128xf32, #tpu.memory_space<vmem>>, vector<1x1x16xf32>,
        %get3A_875 = vector.shape_cast %get3A_874 : vector<1x1x16xf32> to vector<16xf32>
        %swap3A_876 = arith.constant 0 : i32
        %swap3A_877 = arith.constant 51 : i32
        %swap3A_878 = arith.index_cast %swap3A_876 : i32 to index
        %swap3A_879 = arith.index_cast %swap3A_877 : i32 to index
        %swap3A_880 = arith.constant 0 : index
        %swap3A_881 = tpu.vector_load %arg9[%swap3A_878, %swap3A_879, %swap3A_880] {strides = array<i32>} : memref<2x128x128xf32, #tpu.memory_space<vmem>>, vector<1x1x16xf32>,
        %swap3A_882 = vector.shape_cast %swap3A_881 : vector<1x1x16xf32> to vector<16xf32>
        %swap3A_883 = vector.shape_cast %get3A_875 : vector<16xf32> to vector<1x1x16xf32>
        tpu.vector_store %arg9[%swap3A_878, %swap3A_879, %swap3A_880], %swap3A_883 {strides = array<i32>} : memref<2x128x128xf32, #tpu.memory_space<vmem>>, vector<1x1x16xf32>,
        %get3A_884 = arith.constant 0 : i32
        %get3A_885 = arith.constant 6 : i32
        %get3A_886 = arith.index_cast %get3A_884 : i32 to index
        %get3A_887 = arith.index_cast %get3A_885 : i32 to index
        %get3A_888 = arith.constant 64 : index
        %get3A_889 = tpu.vector_load %arg10[%get3A_886, %get3A_887, %get3A_888] {strides = array<i32>} : memref<2x16x128xf32, #tpu.memory_space<vmem>>, vector<1x1x16xf32>,
        %get3A_890 = vector.shape_cast %get3A_889 : vector<1x1x16xf32> to vector<16xf32>
        %swap3A_891 = arith.constant 0 : i32
        %swap3A_892 = arith.constant 52 : i32
        %swap3A_893 = arith.index_cast %swap3A_891 : i32 to index
        %swap3A_894 = arith.index_cast %swap3A_892 : i32 to index
        %swap3A_895 = arith.constant 0 : index
        %swap3A_896 = tpu.vector_load %arg9[%swap3A_893, %swap3A_894, %swap3A_895] {strides = array<i32>} : memref<2x128x128xf32, #tpu.memory_space<vmem>>, vector<1x1x16xf32>,
        %swap3A_897 = vector.shape_cast %swap3A_896 : vector<1x1x16xf32> to vector<16xf32>
        %swap3A_898 = vector.shape_cast %get3A_890 : vector<16xf32> to vector<1x1x16xf32>
        tpu.vector_store %arg9[%swap3A_893, %swap3A_894, %swap3A_895], %swap3A_898 {strides = array<i32>} : memref<2x128x128xf32, #tpu.memory_space<vmem>>, vector<1x1x16xf32>,
        %get3A_899 = arith.constant 0 : i32
        %get3A_900 = arith.constant 6 : i32
        %get3A_901 = arith.index_cast %get3A_899 : i32 to index
        %get3A_902 = arith.index_cast %get3A_900 : i32 to index
        %get3A_903 = arith.constant 80 : index
        %get3A_904 = tpu.vector_load %arg10[%get3A_901, %get3A_902, %get3A_903] {strides = array<i32>} : memref<2x16x128xf32, #tpu.memory_space<vmem>>, vector<1x1x16xf32>,
        %get3A_905 = vector.shape_cast %get3A_904 : vector<1x1x16xf32> to vector<16xf32>
        %swap3A_906 = arith.constant 0 : i32
        %swap3A_907 = arith.constant 53 : i32
        %swap3A_908 = arith.index_cast %swap3A_906 : i32 to index
        %swap3A_909 = arith.index_cast %swap3A_907 : i32 to index
        %swap3A_910 = arith.constant 0 : index
        %swap3A_911 = tpu.vector_load %arg9[%swap3A_908, %swap3A_909, %swap3A_910] {strides = array<i32>} : memref<2x128x128xf32, #tpu.memory_space<vmem>>, vector<1x1x16xf32>,
        %swap3A_912 = vector.shape_cast %swap3A_911 : vector<1x1x16xf32> to vector<16xf32>
        %swap3A_913 = vector.shape_cast %get3A_905 : vector<16xf32> to vector<1x1x16xf32>
        tpu.vector_store %arg9[%swap3A_908, %swap3A_909, %swap3A_910], %swap3A_913 {strides = array<i32>} : memref<2x128x128xf32, #tpu.memory_space<vmem>>, vector<1x1x16xf32>,
        %get3A_914 = arith.constant 0 : i32
        %get3A_915 = arith.constant 6 : i32
        %get3A_916 = arith.index_cast %get3A_914 : i32 to index
        %get3A_917 = arith.index_cast %get3A_915 : i32 to index
        %get3A_918 = arith.constant 96 : index
        %get3A_919 = tpu.vector_load %arg10[%get3A_916, %get3A_917, %get3A_918] {strides = array<i32>} : memref<2x16x128xf32, #tpu.memory_space<vmem>>, vector<1x1x16xf32>,
        %get3A_920 = vector.shape_cast %get3A_919 : vector<1x1x16xf32> to vector<16xf32>
        %swap3A_921 = arith.constant 0 : i32
        %swap3A_922 = arith.constant 54 : i32
        %swap3A_923 = arith.index_cast %swap3A_921 : i32 to index
        %swap3A_924 = arith.index_cast %swap3A_922 : i32 to index
        %swap3A_925 = arith.constant 0 : index
        %swap3A_926 = tpu.vector_load %arg9[%swap3A_923, %swap3A_924, %swap3A_925] {strides = array<i32>} : memref<2x128x128xf32, #tpu.memory_space<vmem>>, vector<1x1x16xf32>,
        %swap3A_927 = vector.shape_cast %swap3A_926 : vector<1x1x16xf32> to vector<16xf32>
        %swap3A_928 = vector.shape_cast %get3A_920 : vector<16xf32> to vector<1x1x16xf32>
        tpu.vector_store %arg9[%swap3A_923, %swap3A_924, %swap3A_925], %swap3A_928 {strides = array<i32>} : memref<2x128x128xf32, #tpu.memory_space<vmem>>, vector<1x1x16xf32>,
        %get3A_929 = arith.constant 0 : i32
        %get3A_930 = arith.constant 6 : i32
        %get3A_931 = arith.index_cast %get3A_929 : i32 to index
        %get3A_932 = arith.index_cast %get3A_930 : i32 to index
        %get3A_933 = arith.constant 112 : index
        %get3A_934 = tpu.vector_load %arg10[%get3A_931, %get3A_932, %get3A_933] {strides = array<i32>} : memref<2x16x128xf32, #tpu.memory_space<vmem>>, vector<1x1x16xf32>,
        %get3A_935 = vector.shape_cast %get3A_934 : vector<1x1x16xf32> to vector<16xf32>
        %swap3A_936 = arith.constant 0 : i32
        %swap3A_937 = arith.constant 55 : i32
        %swap3A_938 = arith.index_cast %swap3A_936 : i32 to index
        %swap3A_939 = arith.index_cast %swap3A_937 : i32 to index
        %swap3A_940 = arith.constant 0 : index
        %swap3A_941 = tpu.vector_load %arg9[%swap3A_938, %swap3A_939, %swap3A_940] {strides = array<i32>} : memref<2x128x128xf32, #tpu.memory_space<vmem>>, vector<1x1x16xf32>,
        %swap3A_942 = vector.shape_cast %swap3A_941 : vector<1x1x16xf32> to vector<16xf32>
        %swap3A_943 = vector.shape_cast %get3A_935 : vector<16xf32> to vector<1x1x16xf32>
        tpu.vector_store %arg9[%swap3A_938, %swap3A_939, %swap3A_940], %swap3A_943 {strides = array<i32>} : memref<2x128x128xf32, #tpu.memory_space<vmem>>, vector<1x1x16xf32>,
        %get3A_944 = arith.constant 0 : i32
        %get3A_945 = arith.constant 7 : i32
        %get3A_946 = arith.index_cast %get3A_944 : i32 to index
        %get3A_947 = arith.index_cast %get3A_945 : i32 to index
        %get3A_948 = arith.constant 0 : index
        %get3A_949 = tpu.vector_load %arg10[%get3A_946, %get3A_947, %get3A_948] {strides = array<i32>} : memref<2x16x128xf32, #tpu.memory_space<vmem>>, vector<1x1x16xf32>,
        %get3A_950 = vector.shape_cast %get3A_949 : vector<1x1x16xf32> to vector<16xf32>
        %swap3A_951 = arith.constant 0 : i32
        %swap3A_952 = arith.constant 56 : i32
        %swap3A_953 = arith.index_cast %swap3A_951 : i32 to index
        %swap3A_954 = arith.index_cast %swap3A_952 : i32 to index
        %swap3A_955 = arith.constant 0 : index
        %swap3A_956 = tpu.vector_load %arg9[%swap3A_953, %swap3A_954, %swap3A_955] {strides = array<i32>} : memref<2x128x128xf32, #tpu.memory_space<vmem>>, vector<1x1x16xf32>,
        %swap3A_957 = vector.shape_cast %swap3A_956 : vector<1x1x16xf32> to vector<16xf32>
        %swap3A_958 = vector.shape_cast %get3A_950 : vector<16xf32> to vector<1x1x16xf32>
        tpu.vector_store %arg9[%swap3A_953, %swap3A_954, %swap3A_955], %swap3A_958 {strides = array<i32>} : memref<2x128x128xf32, #tpu.memory_space<vmem>>, vector<1x1x16xf32>,
        %get3A_959 = arith.constant 0 : i32
        %get3A_960 = arith.constant 7 : i32
        %get3A_961 = arith.index_cast %get3A_959 : i32 to index
        %get3A_962 = arith.index_cast %get3A_960 : i32 to index
        %get3A_963 = arith.constant 16 : index
        %get3A_964 = tpu.vector_load %arg10[%get3A_961, %get3A_962, %get3A_963] {strides = array<i32>} : memref<2x16x128xf32, #tpu.memory_space<vmem>>, vector<1x1x16xf32>,
        %get3A_965 = vector.shape_cast %get3A_964 : vector<1x1x16xf32> to vector<16xf32>
        %swap3A_966 = arith.constant 0 : i32
        %swap3A_967 = arith.constant 57 : i32
        %swap3A_968 = arith.index_cast %swap3A_966 : i32 to index
        %swap3A_969 = arith.index_cast %swap3A_967 : i32 to index
        %swap3A_970 = arith.constant 0 : index
        %swap3A_971 = tpu.vector_load %arg9[%swap3A_968, %swap3A_969, %swap3A_970] {strides = array<i32>} : memref<2x128x128xf32, #tpu.memory_space<vmem>>, vector<1x1x16xf32>,
        %swap3A_972 = vector.shape_cast %swap3A_971 : vector<1x1x16xf32> to vector<16xf32>
        %swap3A_973 = vector.shape_cast %get3A_965 : vector<16xf32> to vector<1x1x16xf32>
        tpu.vector_store %arg9[%swap3A_968, %swap3A_969, %swap3A_970], %swap3A_973 {strides = array<i32>} : memref<2x128x128xf32, #tpu.memory_space<vmem>>, vector<1x1x16xf32>,
        %get3A_974 = arith.constant 0 : i32
        %get3A_975 = arith.constant 7 : i32
        %get3A_976 = arith.index_cast %get3A_974 : i32 to index
        %get3A_977 = arith.index_cast %get3A_975 : i32 to index
        %get3A_978 = arith.constant 32 : index
        %get3A_979 = tpu.vector_load %arg10[%get3A_976, %get3A_977, %get3A_978] {strides = array<i32>} : memref<2x16x128xf32, #tpu.memory_space<vmem>>, vector<1x1x16xf32>,
        %get3A_980 = vector.shape_cast %get3A_979 : vector<1x1x16xf32> to vector<16xf32>
        %swap3A_981 = arith.constant 0 : i32
        %swap3A_982 = arith.constant 58 : i32
        %swap3A_983 = arith.index_cast %swap3A_981 : i32 to index
        %swap3A_984 = arith.index_cast %swap3A_982 : i32 to index
        %swap3A_985 = arith.constant 0 : index
        %swap3A_986 = tpu.vector_load %arg9[%swap3A_983, %swap3A_984, %swap3A_985] {strides = array<i32>} : memref<2x128x128xf32, #tpu.memory_space<vmem>>, vector<1x1x16xf32>,
        %swap3A_987 = vector.shape_cast %swap3A_986 : vector<1x1x16xf32> to vector<16xf32>
        %swap3A_988 = vector.shape_cast %get3A_980 : vector<16xf32> to vector<1x1x16xf32>
        tpu.vector_store %arg9[%swap3A_983, %swap3A_984, %swap3A_985], %swap3A_988 {strides = array<i32>} : memref<2x128x128xf32, #tpu.memory_space<vmem>>, vector<1x1x16xf32>,
        %get3A_989 = arith.constant 0 : i32
        %get3A_990 = arith.constant 7 : i32
        %get3A_991 = arith.index_cast %get3A_989 : i32 to index
        %get3A_992 = arith.index_cast %get3A_990 : i32 to index
        %get3A_993 = arith.constant 48 : index
        %get3A_994 = tpu.vector_load %arg10[%get3A_991, %get3A_992, %get3A_993] {strides = array<i32>} : memref<2x16x128xf32, #tpu.memory_space<vmem>>, vector<1x1x16xf32>,
        %get3A_995 = vector.shape_cast %get3A_994 : vector<1x1x16xf32> to vector<16xf32>
        %swap3A_996 = arith.constant 0 : i32
        %swap3A_997 = arith.constant 59 : i32
        %swap3A_998 = arith.index_cast %swap3A_996 : i32 to index
        %swap3A_999 = arith.index_cast %swap3A_997 : i32 to index
        %swap3A_1000 = arith.constant 0 : index
        %swap3A_1001 = tpu.vector_load %arg9[%swap3A_998, %swap3A_999, %swap3A_1000] {strides = array<i32>} : memref<2x128x128xf32, #tpu.memory_space<vmem>>, vector<1x1x16xf32>,
        %swap3A_1002 = vector.shape_cast %swap3A_1001 : vector<1x1x16xf32> to vector<16xf32>
        %swap3A_1003 = vector.shape_cast %get3A_995 : vector<16xf32> to vector<1x1x16xf32>
        tpu.vector_store %arg9[%swap3A_998, %swap3A_999, %swap3A_1000], %swap3A_1003 {strides = array<i32>} : memref<2x128x128xf32, #tpu.memory_space<vmem>>, vector<1x1x16xf32>,
        %get3A_1004 = arith.constant 0 : i32
        %get3A_1005 = arith.constant 7 : i32
        %get3A_1006 = arith.index_cast %get3A_1004 : i32 to index
        %get3A_1007 = arith.index_cast %get3A_1005 : i32 to index
        %get3A_1008 = arith.constant 64 : index
        %get3A_1009 = tpu.vector_load %arg10[%get3A_1006, %get3A_1007, %get3A_1008] {strides = array<i32>} : memref<2x16x128xf32, #tpu.memory_space<vmem>>, vector<1x1x16xf32>,
        %get3A_1010 = vector.shape_cast %get3A_1009 : vector<1x1x16xf32> to vector<16xf32>
        %swap3A_1011 = arith.constant 0 : i32
        %swap3A_1012 = arith.constant 60 : i32
        %swap3A_1013 = arith.index_cast %swap3A_1011 : i32 to index
        %swap3A_1014 = arith.index_cast %swap3A_1012 : i32 to index
        %swap3A_1015 = arith.constant 0 : index
        %swap3A_1016 = tpu.vector_load %arg9[%swap3A_1013, %swap3A_1014, %swap3A_1015] {strides = array<i32>} : memref<2x128x128xf32, #tpu.memory_space<vmem>>, vector<1x1x16xf32>,
        %swap3A_1017 = vector.shape_cast %swap3A_1016 : vector<1x1x16xf32> to vector<16xf32>
        %swap3A_1018 = vector.shape_cast %get3A_1010 : vector<16xf32> to vector<1x1x16xf32>
        tpu.vector_store %arg9[%swap3A_1013, %swap3A_1014, %swap3A_1015], %swap3A_1018 {strides = array<i32>} : memref<2x128x128xf32, #tpu.memory_space<vmem>>, vector<1x1x16xf32>,
        %get3A_1019 = arith.constant 0 : i32
        %get3A_1020 = arith.constant 7 : i32
        %get3A_1021 = arith.index_cast %get3A_1019 : i32 to index
        %get3A_1022 = arith.index_cast %get3A_1020 : i32 to index
        %get3A_1023 = arith.constant 80 : index
        %get3A_1024 = tpu.vector_load %arg10[%get3A_1021, %get3A_1022, %get3A_1023] {strides = array<i32>} : memref<2x16x128xf32, #tpu.memory_space<vmem>>, vector<1x1x16xf32>,
        %get3A_1025 = vector.shape_cast %get3A_1024 : vector<1x1x16xf32> to vector<16xf32>
        %swap3A_1026 = arith.constant 0 : i32
        %swap3A_1027 = arith.constant 61 : i32
        %swap3A_1028 = arith.index_cast %swap3A_1026 : i32 to index
        %swap3A_1029 = arith.index_cast %swap3A_1027 : i32 to index
        %swap3A_1030 = arith.constant 0 : index
        %swap3A_1031 = tpu.vector_load %arg9[%swap3A_1028, %swap3A_1029, %swap3A_1030] {strides = array<i32>} : memref<2x128x128xf32, #tpu.memory_space<vmem>>, vector<1x1x16xf32>,
        %swap3A_1032 = vector.shape_cast %swap3A_1031 : vector<1x1x16xf32> to vector<16xf32>
        %swap3A_1033 = vector.shape_cast %get3A_1025 : vector<16xf32> to vector<1x1x16xf32>
        tpu.vector_store %arg9[%swap3A_1028, %swap3A_1029, %swap3A_1030], %swap3A_1033 {strides = array<i32>} : memref<2x128x128xf32, #tpu.memory_space<vmem>>, vector<1x1x16xf32>,
        %get3A_1034 = arith.constant 0 : i32
        %get3A_1035 = arith.constant 7 : i32
        %get3A_1036 = arith.index_cast %get3A_1034 : i32 to index
        %get3A_1037 = arith.index_cast %get3A_1035 : i32 to index
        %get3A_1038 = arith.constant 96 : index
        %get3A_1039 = tpu.vector_load %arg10[%get3A_1036, %get3A_1037, %get3A_1038] {strides = array<i32>} : memref<2x16x128xf32, #tpu.memory_space<vmem>>, vector<1x1x16xf32>,
        %get3A_1040 = vector.shape_cast %get3A_1039 : vector<1x1x16xf32> to vector<16xf32>
        %swap3A_1041 = arith.constant 0 : i32
        %swap3A_1042 = arith.constant 62 : i32
        %swap3A_1043 = arith.index_cast %swap3A_1041 : i32 to index
        %swap3A_1044 = arith.index_cast %swap3A_1042 : i32 to index
        %swap3A_1045 = arith.constant 0 : index
        %swap3A_1046 = tpu.vector_load %arg9[%swap3A_1043, %swap3A_1044, %swap3A_1045] {strides = array<i32>} : memref<2x128x128xf32, #tpu.memory_space<vmem>>, vector<1x1x16xf32>,
        %swap3A_1047 = vector.shape_cast %swap3A_1046 : vector<1x1x16xf32> to vector<16xf32>
        %swap3A_1048 = vector.shape_cast %get3A_1040 : vector<16xf32> to vector<1x1x16xf32>
        tpu.vector_store %arg9[%swap3A_1043, %swap3A_1044, %swap3A_1045], %swap3A_1048 {strides = array<i32>} : memref<2x128x128xf32, #tpu.memory_space<vmem>>, vector<1x1x16xf32>,
        %get3A_1049 = arith.constant 0 : i32
        %get3A_1050 = arith.constant 7 : i32
        %get3A_1051 = arith.index_cast %get3A_1049 : i32 to index
        %get3A_1052 = arith.index_cast %get3A_1050 : i32 to index
        %get3A_1053 = arith.constant 112 : index
        %get3A_1054 = tpu.vector_load %arg10[%get3A_1051, %get3A_1052, %get3A_1053] {strides = array<i32>} : memref<2x16x128xf32, #tpu.memory_space<vmem>>, vector<1x1x16xf32>,
        %get3A_1055 = vector.shape_cast %get3A_1054 : vector<1x1x16xf32> to vector<16xf32>
        %swap3A_1056 = arith.constant 0 : i32
        %swap3A_1057 = arith.constant 63 : i32
        %swap3A_1058 = arith.index_cast %swap3A_1056 : i32 to index
        %swap3A_1059 = arith.index_cast %swap3A_1057 : i32 to index
        %swap3A_1060 = arith.constant 0 : index
        %swap3A_1061 = tpu.vector_load %arg9[%swap3A_1058, %swap3A_1059, %swap3A_1060] {strides = array<i32>} : memref<2x128x128xf32, #tpu.memory_space<vmem>>, vector<1x1x16xf32>,
        %swap3A_1062 = vector.shape_cast %swap3A_1061 : vector<1x1x16xf32> to vector<16xf32>
        %swap3A_1063 = vector.shape_cast %get3A_1055 : vector<16xf32> to vector<1x1x16xf32>
        tpu.vector_store %arg9[%swap3A_1058, %swap3A_1059, %swap3A_1060], %swap3A_1063 {strides = array<i32>} : memref<2x128x128xf32, #tpu.memory_space<vmem>>, vector<1x1x16xf32>,
        %get3A_1064 = arith.constant 0 : i32
        %get3A_1065 = arith.constant 8 : i32
        %get3A_1066 = arith.index_cast %get3A_1064 : i32 to index
        %get3A_1067 = arith.index_cast %get3A_1065 : i32 to index
        %get3A_1068 = arith.constant 0 : index
        %get3A_1069 = tpu.vector_load %arg10[%get3A_1066, %get3A_1067, %get3A_1068] {strides = array<i32>} : memref<2x16x128xf32, #tpu.memory_space<vmem>>, vector<1x1x16xf32>,
        %get3A_1070 = vector.shape_cast %get3A_1069 : vector<1x1x16xf32> to vector<16xf32>
        %swap3A_1071 = arith.constant 0 : i32
        %swap3A_1072 = arith.constant 64 : i32
        %swap3A_1073 = arith.index_cast %swap3A_1071 : i32 to index
        %swap3A_1074 = arith.index_cast %swap3A_1072 : i32 to index
        %swap3A_1075 = arith.constant 0 : index
        %swap3A_1076 = tpu.vector_load %arg9[%swap3A_1073, %swap3A_1074, %swap3A_1075] {strides = array<i32>} : memref<2x128x128xf32, #tpu.memory_space<vmem>>, vector<1x1x16xf32>,
        %swap3A_1077 = vector.shape_cast %swap3A_1076 : vector<1x1x16xf32> to vector<16xf32>
        %swap3A_1078 = vector.shape_cast %get3A_1070 : vector<16xf32> to vector<1x1x16xf32>
        tpu.vector_store %arg9[%swap3A_1073, %swap3A_1074, %swap3A_1075], %swap3A_1078 {strides = array<i32>} : memref<2x128x128xf32, #tpu.memory_space<vmem>>, vector<1x1x16xf32>,
        %get3A_1079 = arith.constant 0 : i32
        %get3A_1080 = arith.constant 8 : i32
        %get3A_1081 = arith.index_cast %get3A_1079 : i32 to index
        %get3A_1082 = arith.index_cast %get3A_1080 : i32 to index
        %get3A_1083 = arith.constant 16 : index
        %get3A_1084 = tpu.vector_load %arg10[%get3A_1081, %get3A_1082, %get3A_1083] {strides = array<i32>} : memref<2x16x128xf32, #tpu.memory_space<vmem>>, vector<1x1x16xf32>,
        %get3A_1085 = vector.shape_cast %get3A_1084 : vector<1x1x16xf32> to vector<16xf32>
        %swap3A_1086 = arith.constant 0 : i32
        %swap3A_1087 = arith.constant 65 : i32
        %swap3A_1088 = arith.index_cast %swap3A_1086 : i32 to index
        %swap3A_1089 = arith.index_cast %swap3A_1087 : i32 to index
        %swap3A_1090 = arith.constant 0 : index
        %swap3A_1091 = tpu.vector_load %arg9[%swap3A_1088, %swap3A_1089, %swap3A_1090] {strides = array<i32>} : memref<2x128x128xf32, #tpu.memory_space<vmem>>, vector<1x1x16xf32>,
        %swap3A_1092 = vector.shape_cast %swap3A_1091 : vector<1x1x16xf32> to vector<16xf32>
        %swap3A_1093 = vector.shape_cast %get3A_1085 : vector<16xf32> to vector<1x1x16xf32>
        tpu.vector_store %arg9[%swap3A_1088, %swap3A_1089, %swap3A_1090], %swap3A_1093 {strides = array<i32>} : memref<2x128x128xf32, #tpu.memory_space<vmem>>, vector<1x1x16xf32>,
        %get3A_1094 = arith.constant 0 : i32
        %get3A_1095 = arith.constant 8 : i32
        %get3A_1096 = arith.index_cast %get3A_1094 : i32 to index
        %get3A_1097 = arith.index_cast %get3A_1095 : i32 to index
        %get3A_1098 = arith.constant 32 : index
        %get3A_1099 = tpu.vector_load %arg10[%get3A_1096, %get3A_1097, %get3A_1098] {strides = array<i32>} : memref<2x16x128xf32, #tpu.memory_space<vmem>>, vector<1x1x16xf32>,
        %get3A_1100 = vector.shape_cast %get3A_1099 : vector<1x1x16xf32> to vector<16xf32>
        %swap3A_1101 = arith.constant 0 : i32
        %swap3A_1102 = arith.constant 66 : i32
        %swap3A_1103 = arith.index_cast %swap3A_1101 : i32 to index
        %swap3A_1104 = arith.index_cast %swap3A_1102 : i32 to index
        %swap3A_1105 = arith.constant 0 : index
        %swap3A_1106 = tpu.vector_load %arg9[%swap3A_1103, %swap3A_1104, %swap3A_1105] {strides = array<i32>} : memref<2x128x128xf32, #tpu.memory_space<vmem>>, vector<1x1x16xf32>,
        %swap3A_1107 = vector.shape_cast %swap3A_1106 : vector<1x1x16xf32> to vector<16xf32>
        %swap3A_1108 = vector.shape_cast %get3A_1100 : vector<16xf32> to vector<1x1x16xf32>
        tpu.vector_store %arg9[%swap3A_1103, %swap3A_1104, %swap3A_1105], %swap3A_1108 {strides = array<i32>} : memref<2x128x128xf32, #tpu.memory_space<vmem>>, vector<1x1x16xf32>,
        %get3A_1109 = arith.constant 0 : i32
        %get3A_1110 = arith.constant 8 : i32
        %get3A_1111 = arith.index_cast %get3A_1109 : i32 to index
        %get3A_1112 = arith.index_cast %get3A_1110 : i32 to index
        %get3A_1113 = arith.constant 48 : index
        %get3A_1114 = tpu.vector_load %arg10[%get3A_1111, %get3A_1112, %get3A_1113] {strides = array<i32>} : memref<2x16x128xf32, #tpu.memory_space<vmem>>, vector<1x1x16xf32>,
        %get3A_1115 = vector.shape_cast %get3A_1114 : vector<1x1x16xf32> to vector<16xf32>
        %swap3A_1116 = arith.constant 0 : i32
        %swap3A_1117 = arith.constant 67 : i32
        %swap3A_1118 = arith.index_cast %swap3A_1116 : i32 to index
        %swap3A_1119 = arith.index_cast %swap3A_1117 : i32 to index
        %swap3A_1120 = arith.constant 0 : index
        %swap3A_1121 = tpu.vector_load %arg9[%swap3A_1118, %swap3A_1119, %swap3A_1120] {strides = array<i32>} : memref<2x128x128xf32, #tpu.memory_space<vmem>>, vector<1x1x16xf32>,
        %swap3A_1122 = vector.shape_cast %swap3A_1121 : vector<1x1x16xf32> to vector<16xf32>
        %swap3A_1123 = vector.shape_cast %get3A_1115 : vector<16xf32> to vector<1x1x16xf32>
        tpu.vector_store %arg9[%swap3A_1118, %swap3A_1119, %swap3A_1120], %swap3A_1123 {strides = array<i32>} : memref<2x128x128xf32, #tpu.memory_space<vmem>>, vector<1x1x16xf32>,
        %get3A_1124 = arith.constant 0 : i32
        %get3A_1125 = arith.constant 8 : i32
        %get3A_1126 = arith.index_cast %get3A_1124 : i32 to index
        %get3A_1127 = arith.index_cast %get3A_1125 : i32 to index
        %get3A_1128 = arith.constant 64 : index
        %get3A_1129 = tpu.vector_load %arg10[%get3A_1126, %get3A_1127, %get3A_1128] {strides = array<i32>} : memref<2x16x128xf32, #tpu.memory_space<vmem>>, vector<1x1x16xf32>,
        %get3A_1130 = vector.shape_cast %get3A_1129 : vector<1x1x16xf32> to vector<16xf32>
        %swap3A_1131 = arith.constant 0 : i32
        %swap3A_1132 = arith.constant 68 : i32
        %swap3A_1133 = arith.index_cast %swap3A_1131 : i32 to index
        %swap3A_1134 = arith.index_cast %swap3A_1132 : i32 to index
        %swap3A_1135 = arith.constant 0 : index
        %swap3A_1136 = tpu.vector_load %arg9[%swap3A_1133, %swap3A_1134, %swap3A_1135] {strides = array<i32>} : memref<2x128x128xf32, #tpu.memory_space<vmem>>, vector<1x1x16xf32>,
        %swap3A_1137 = vector.shape_cast %swap3A_1136 : vector<1x1x16xf32> to vector<16xf32>
        %swap3A_1138 = vector.shape_cast %get3A_1130 : vector<16xf32> to vector<1x1x16xf32>
        tpu.vector_store %arg9[%swap3A_1133, %swap3A_1134, %swap3A_1135], %swap3A_1138 {strides = array<i32>} : memref<2x128x128xf32, #tpu.memory_space<vmem>>, vector<1x1x16xf32>,
        %get3A_1139 = arith.constant 0 : i32
        %get3A_1140 = arith.constant 8 : i32
        %get3A_1141 = arith.index_cast %get3A_1139 : i32 to index
        %get3A_1142 = arith.index_cast %get3A_1140 : i32 to index
        %get3A_1143 = arith.constant 80 : index
        %get3A_1144 = tpu.vector_load %arg10[%get3A_1141, %get3A_1142, %get3A_1143] {strides = array<i32>} : memref<2x16x128xf32, #tpu.memory_space<vmem>>, vector<1x1x16xf32>,
        %get3A_1145 = vector.shape_cast %get3A_1144 : vector<1x1x16xf32> to vector<16xf32>
        %swap3A_1146 = arith.constant 0 : i32
        %swap3A_1147 = arith.constant 69 : i32
        %swap3A_1148 = arith.index_cast %swap3A_1146 : i32 to index
        %swap3A_1149 = arith.index_cast %swap3A_1147 : i32 to index
        %swap3A_1150 = arith.constant 0 : index
        %swap3A_1151 = tpu.vector_load %arg9[%swap3A_1148, %swap3A_1149, %swap3A_1150] {strides = array<i32>} : memref<2x128x128xf32, #tpu.memory_space<vmem>>, vector<1x1x16xf32>,
        %swap3A_1152 = vector.shape_cast %swap3A_1151 : vector<1x1x16xf32> to vector<16xf32>
        %swap3A_1153 = vector.shape_cast %get3A_1145 : vector<16xf32> to vector<1x1x16xf32>
        tpu.vector_store %arg9[%swap3A_1148, %swap3A_1149, %swap3A_1150], %swap3A_1153 {strides = array<i32>} : memref<2x128x128xf32, #tpu.memory_space<vmem>>, vector<1x1x16xf32>,
        %get3A_1154 = arith.constant 0 : i32
        %get3A_1155 = arith.constant 8 : i32
        %get3A_1156 = arith.index_cast %get3A_1154 : i32 to index
        %get3A_1157 = arith.index_cast %get3A_1155 : i32 to index
        %get3A_1158 = arith.constant 96 : index
        %get3A_1159 = tpu.vector_load %arg10[%get3A_1156, %get3A_1157, %get3A_1158] {strides = array<i32>} : memref<2x16x128xf32, #tpu.memory_space<vmem>>, vector<1x1x16xf32>,
        %get3A_1160 = vector.shape_cast %get3A_1159 : vector<1x1x16xf32> to vector<16xf32>
        %swap3A_1161 = arith.constant 0 : i32
        %swap3A_1162 = arith.constant 70 : i32
        %swap3A_1163 = arith.index_cast %swap3A_1161 : i32 to index
        %swap3A_1164 = arith.index_cast %swap3A_1162 : i32 to index
        %swap3A_1165 = arith.constant 0 : index
        %swap3A_1166 = tpu.vector_load %arg9[%swap3A_1163, %swap3A_1164, %swap3A_1165] {strides = array<i32>} : memref<2x128x128xf32, #tpu.memory_space<vmem>>, vector<1x1x16xf32>,
        %swap3A_1167 = vector.shape_cast %swap3A_1166 : vector<1x1x16xf32> to vector<16xf32>
        %swap3A_1168 = vector.shape_cast %get3A_1160 : vector<16xf32> to vector<1x1x16xf32>
        tpu.vector_store %arg9[%swap3A_1163, %swap3A_1164, %swap3A_1165], %swap3A_1168 {strides = array<i32>} : memref<2x128x128xf32, #tpu.memory_space<vmem>>, vector<1x1x16xf32>,
        %get3A_1169 = arith.constant 0 : i32
        %get3A_1170 = arith.constant 8 : i32
        %get3A_1171 = arith.index_cast %get3A_1169 : i32 to index
        %get3A_1172 = arith.index_cast %get3A_1170 : i32 to index
        %get3A_1173 = arith.constant 112 : index
        %get3A_1174 = tpu.vector_load %arg10[%get3A_1171, %get3A_1172, %get3A_1173] {strides = array<i32>} : memref<2x16x128xf32, #tpu.memory_space<vmem>>, vector<1x1x16xf32>,
        %get3A_1175 = vector.shape_cast %get3A_1174 : vector<1x1x16xf32> to vector<16xf32>
        %swap3A_1176 = arith.constant 0 : i32
        %swap3A_1177 = arith.constant 71 : i32
        %swap3A_1178 = arith.index_cast %swap3A_1176 : i32 to index
        %swap3A_1179 = arith.index_cast %swap3A_1177 : i32 to index
        %swap3A_1180 = arith.constant 0 : index
        %swap3A_1181 = tpu.vector_load %arg9[%swap3A_1178, %swap3A_1179, %swap3A_1180] {strides = array<i32>} : memref<2x128x128xf32, #tpu.memory_space<vmem>>, vector<1x1x16xf32>,
        %swap3A_1182 = vector.shape_cast %swap3A_1181 : vector<1x1x16xf32> to vector<16xf32>
        %swap3A_1183 = vector.shape_cast %get3A_1175 : vector<16xf32> to vector<1x1x16xf32>
        tpu.vector_store %arg9[%swap3A_1178, %swap3A_1179, %swap3A_1180], %swap3A_1183 {strides = array<i32>} : memref<2x128x128xf32, #tpu.memory_space<vmem>>, vector<1x1x16xf32>,
        %get3A_1184 = arith.constant 0 : i32
        %get3A_1185 = arith.constant 9 : i32
        %get3A_1186 = arith.index_cast %get3A_1184 : i32 to index
        %get3A_1187 = arith.index_cast %get3A_1185 : i32 to index
        %get3A_1188 = arith.constant 0 : index
        %get3A_1189 = tpu.vector_load %arg10[%get3A_1186, %get3A_1187, %get3A_1188] {strides = array<i32>} : memref<2x16x128xf32, #tpu.memory_space<vmem>>, vector<1x1x16xf32>,
        %get3A_1190 = vector.shape_cast %get3A_1189 : vector<1x1x16xf32> to vector<16xf32>
        %swap3A_1191 = arith.constant 0 : i32
        %swap3A_1192 = arith.constant 72 : i32
        %swap3A_1193 = arith.index_cast %swap3A_1191 : i32 to index
        %swap3A_1194 = arith.index_cast %swap3A_1192 : i32 to index
        %swap3A_1195 = arith.constant 0 : index
        %swap3A_1196 = tpu.vector_load %arg9[%swap3A_1193, %swap3A_1194, %swap3A_1195] {strides = array<i32>} : memref<2x128x128xf32, #tpu.memory_space<vmem>>, vector<1x1x16xf32>,
        %swap3A_1197 = vector.shape_cast %swap3A_1196 : vector<1x1x16xf32> to vector<16xf32>
        %swap3A_1198 = vector.shape_cast %get3A_1190 : vector<16xf32> to vector<1x1x16xf32>
        tpu.vector_store %arg9[%swap3A_1193, %swap3A_1194, %swap3A_1195], %swap3A_1198 {strides = array<i32>} : memref<2x128x128xf32, #tpu.memory_space<vmem>>, vector<1x1x16xf32>,
        %get3A_1199 = arith.constant 0 : i32
        %get3A_1200 = arith.constant 9 : i32
        %get3A_1201 = arith.index_cast %get3A_1199 : i32 to index
        %get3A_1202 = arith.index_cast %get3A_1200 : i32 to index
        %get3A_1203 = arith.constant 16 : index
        %get3A_1204 = tpu.vector_load %arg10[%get3A_1201, %get3A_1202, %get3A_1203] {strides = array<i32>} : memref<2x16x128xf32, #tpu.memory_space<vmem>>, vector<1x1x16xf32>,
        %get3A_1205 = vector.shape_cast %get3A_1204 : vector<1x1x16xf32> to vector<16xf32>
        %swap3A_1206 = arith.constant 0 : i32
        %swap3A_1207 = arith.constant 73 : i32
        %swap3A_1208 = arith.index_cast %swap3A_1206 : i32 to index
        %swap3A_1209 = arith.index_cast %swap3A_1207 : i32 to index
        %swap3A_1210 = arith.constant 0 : index
        %swap3A_1211 = tpu.vector_load %arg9[%swap3A_1208, %swap3A_1209, %swap3A_1210] {strides = array<i32>} : memref<2x128x128xf32, #tpu.memory_space<vmem>>, vector<1x1x16xf32>,
        %swap3A_1212 = vector.shape_cast %swap3A_1211 : vector<1x1x16xf32> to vector<16xf32>
        %swap3A_1213 = vector.shape_cast %get3A_1205 : vector<16xf32> to vector<1x1x16xf32>
        tpu.vector_store %arg9[%swap3A_1208, %swap3A_1209, %swap3A_1210], %swap3A_1213 {strides = array<i32>} : memref<2x128x128xf32, #tpu.memory_space<vmem>>, vector<1x1x16xf32>,
        %get3A_1214 = arith.constant 0 : i32
        %get3A_1215 = arith.constant 9 : i32
        %get3A_1216 = arith.index_cast %get3A_1214 : i32 to index
        %get3A_1217 = arith.index_cast %get3A_1215 : i32 to index
        %get3A_1218 = arith.constant 32 : index
        %get3A_1219 = tpu.vector_load %arg10[%get3A_1216, %get3A_1217, %get3A_1218] {strides = array<i32>} : memref<2x16x128xf32, #tpu.memory_space<vmem>>, vector<1x1x16xf32>,
        %get3A_1220 = vector.shape_cast %get3A_1219 : vector<1x1x16xf32> to vector<16xf32>
        %swap3A_1221 = arith.constant 0 : i32
        %swap3A_1222 = arith.constant 74 : i32
        %swap3A_1223 = arith.index_cast %swap3A_1221 : i32 to index
        %swap3A_1224 = arith.index_cast %swap3A_1222 : i32 to index
        %swap3A_1225 = arith.constant 0 : index
        %swap3A_1226 = tpu.vector_load %arg9[%swap3A_1223, %swap3A_1224, %swap3A_1225] {strides = array<i32>} : memref<2x128x128xf32, #tpu.memory_space<vmem>>, vector<1x1x16xf32>,
        %swap3A_1227 = vector.shape_cast %swap3A_1226 : vector<1x1x16xf32> to vector<16xf32>
        %swap3A_1228 = vector.shape_cast %get3A_1220 : vector<16xf32> to vector<1x1x16xf32>
        tpu.vector_store %arg9[%swap3A_1223, %swap3A_1224, %swap3A_1225], %swap3A_1228 {strides = array<i32>} : memref<2x128x128xf32, #tpu.memory_space<vmem>>, vector<1x1x16xf32>,
        %get3A_1229 = arith.constant 0 : i32
        %get3A_1230 = arith.constant 9 : i32
        %get3A_1231 = arith.index_cast %get3A_1229 : i32 to index
        %get3A_1232 = arith.index_cast %get3A_1230 : i32 to index
        %get3A_1233 = arith.constant 48 : index
        %get3A_1234 = tpu.vector_load %arg10[%get3A_1231, %get3A_1232, %get3A_1233] {strides = array<i32>} : memref<2x16x128xf32, #tpu.memory_space<vmem>>, vector<1x1x16xf32>,
        %get3A_1235 = vector.shape_cast %get3A_1234 : vector<1x1x16xf32> to vector<16xf32>
        %swap3A_1236 = arith.constant 0 : i32
        %swap3A_1237 = arith.constant 75 : i32
        %swap3A_1238 = arith.index_cast %swap3A_1236 : i32 to index
        %swap3A_1239 = arith.index_cast %swap3A_1237 : i32 to index
        %swap3A_1240 = arith.constant 0 : index
        %swap3A_1241 = tpu.vector_load %arg9[%swap3A_1238, %swap3A_1239, %swap3A_1240] {strides = array<i32>} : memref<2x128x128xf32, #tpu.memory_space<vmem>>, vector<1x1x16xf32>,
        %swap3A_1242 = vector.shape_cast %swap3A_1241 : vector<1x1x16xf32> to vector<16xf32>
        %swap3A_1243 = vector.shape_cast %get3A_1235 : vector<16xf32> to vector<1x1x16xf32>
        tpu.vector_store %arg9[%swap3A_1238, %swap3A_1239, %swap3A_1240], %swap3A_1243 {strides = array<i32>} : memref<2x128x128xf32, #tpu.memory_space<vmem>>, vector<1x1x16xf32>,
        %get3A_1244 = arith.constant 0 : i32
        %get3A_1245 = arith.constant 9 : i32
        %get3A_1246 = arith.index_cast %get3A_1244 : i32 to index
        %get3A_1247 = arith.index_cast %get3A_1245 : i32 to index
        %get3A_1248 = arith.constant 64 : index
        %get3A_1249 = tpu.vector_load %arg10[%get3A_1246, %get3A_1247, %get3A_1248] {strides = array<i32>} : memref<2x16x128xf32, #tpu.memory_space<vmem>>, vector<1x1x16xf32>,
        %get3A_1250 = vector.shape_cast %get3A_1249 : vector<1x1x16xf32> to vector<16xf32>
        %swap3A_1251 = arith.constant 0 : i32
        %swap3A_1252 = arith.constant 76 : i32
        %swap3A_1253 = arith.index_cast %swap3A_1251 : i32 to index
        %swap3A_1254 = arith.index_cast %swap3A_1252 : i32 to index
        %swap3A_1255 = arith.constant 0 : index
        %swap3A_1256 = tpu.vector_load %arg9[%swap3A_1253, %swap3A_1254, %swap3A_1255] {strides = array<i32>} : memref<2x128x128xf32, #tpu.memory_space<vmem>>, vector<1x1x16xf32>,
        %swap3A_1257 = vector.shape_cast %swap3A_1256 : vector<1x1x16xf32> to vector<16xf32>
        %swap3A_1258 = vector.shape_cast %get3A_1250 : vector<16xf32> to vector<1x1x16xf32>
        tpu.vector_store %arg9[%swap3A_1253, %swap3A_1254, %swap3A_1255], %swap3A_1258 {strides = array<i32>} : memref<2x128x128xf32, #tpu.memory_space<vmem>>, vector<1x1x16xf32>,
        %get3A_1259 = arith.constant 0 : i32
        %get3A_1260 = arith.constant 9 : i32
        %get3A_1261 = arith.index_cast %get3A_1259 : i32 to index
        %get3A_1262 = arith.index_cast %get3A_1260 : i32 to index
        %get3A_1263 = arith.constant 80 : index
        %get3A_1264 = tpu.vector_load %arg10[%get3A_1261, %get3A_1262, %get3A_1263] {strides = array<i32>} : memref<2x16x128xf32, #tpu.memory_space<vmem>>, vector<1x1x16xf32>,
        %get3A_1265 = vector.shape_cast %get3A_1264 : vector<1x1x16xf32> to vector<16xf32>
        %swap3A_1266 = arith.constant 0 : i32
        %swap3A_1267 = arith.constant 77 : i32
        %swap3A_1268 = arith.index_cast %swap3A_1266 : i32 to index
        %swap3A_1269 = arith.index_cast %swap3A_1267 : i32 to index
        %swap3A_1270 = arith.constant 0 : index
        %swap3A_1271 = tpu.vector_load %arg9[%swap3A_1268, %swap3A_1269, %swap3A_1270] {strides = array<i32>} : memref<2x128x128xf32, #tpu.memory_space<vmem>>, vector<1x1x16xf32>,
        %swap3A_1272 = vector.shape_cast %swap3A_1271 : vector<1x1x16xf32> to vector<16xf32>
        %swap3A_1273 = vector.shape_cast %get3A_1265 : vector<16xf32> to vector<1x1x16xf32>
        tpu.vector_store %arg9[%swap3A_1268, %swap3A_1269, %swap3A_1270], %swap3A_1273 {strides = array<i32>} : memref<2x128x128xf32, #tpu.memory_space<vmem>>, vector<1x1x16xf32>,
        %get3A_1274 = arith.constant 0 : i32
        %get3A_1275 = arith.constant 9 : i32
        %get3A_1276 = arith.index_cast %get3A_1274 : i32 to index
        %get3A_1277 = arith.index_cast %get3A_1275 : i32 to index
        %get3A_1278 = arith.constant 96 : index
        %get3A_1279 = tpu.vector_load %arg10[%get3A_1276, %get3A_1277, %get3A_1278] {strides = array<i32>} : memref<2x16x128xf32, #tpu.memory_space<vmem>>, vector<1x1x16xf32>,
        %get3A_1280 = vector.shape_cast %get3A_1279 : vector<1x1x16xf32> to vector<16xf32>
        %swap3A_1281 = arith.constant 0 : i32
        %swap3A_1282 = arith.constant 78 : i32
        %swap3A_1283 = arith.index_cast %swap3A_1281 : i32 to index
        %swap3A_1284 = arith.index_cast %swap3A_1282 : i32 to index
        %swap3A_1285 = arith.constant 0 : index
        %swap3A_1286 = tpu.vector_load %arg9[%swap3A_1283, %swap3A_1284, %swap3A_1285] {strides = array<i32>} : memref<2x128x128xf32, #tpu.memory_space<vmem>>, vector<1x1x16xf32>,
        %swap3A_1287 = vector.shape_cast %swap3A_1286 : vector<1x1x16xf32> to vector<16xf32>
        %swap3A_1288 = vector.shape_cast %get3A_1280 : vector<16xf32> to vector<1x1x16xf32>
        tpu.vector_store %arg9[%swap3A_1283, %swap3A_1284, %swap3A_1285], %swap3A_1288 {strides = array<i32>} : memref<2x128x128xf32, #tpu.memory_space<vmem>>, vector<1x1x16xf32>,
        %get3A_1289 = arith.constant 0 : i32
        %get3A_1290 = arith.constant 9 : i32
        %get3A_1291 = arith.index_cast %get3A_1289 : i32 to index
        %get3A_1292 = arith.index_cast %get3A_1290 : i32 to index
        %get3A_1293 = arith.constant 112 : index
        %get3A_1294 = tpu.vector_load %arg10[%get3A_1291, %get3A_1292, %get3A_1293] {strides = array<i32>} : memref<2x16x128xf32, #tpu.memory_space<vmem>>, vector<1x1x16xf32>,
        %get3A_1295 = vector.shape_cast %get3A_1294 : vector<1x1x16xf32> to vector<16xf32>
        %swap3A_1296 = arith.constant 0 : i32
        %swap3A_1297 = arith.constant 79 : i32
        %swap3A_1298 = arith.index_cast %swap3A_1296 : i32 to index
        %swap3A_1299 = arith.index_cast %swap3A_1297 : i32 to index
        %swap3A_1300 = arith.constant 0 : index
        %swap3A_1301 = tpu.vector_load %arg9[%swap3A_1298, %swap3A_1299, %swap3A_1300] {strides = array<i32>} : memref<2x128x128xf32, #tpu.memory_space<vmem>>, vector<1x1x16xf32>,
        %swap3A_1302 = vector.shape_cast %swap3A_1301 : vector<1x1x16xf32> to vector<16xf32>
        %swap3A_1303 = vector.shape_cast %get3A_1295 : vector<16xf32> to vector<1x1x16xf32>
        tpu.vector_store %arg9[%swap3A_1298, %swap3A_1299, %swap3A_1300], %swap3A_1303 {strides = array<i32>} : memref<2x128x128xf32, #tpu.memory_space<vmem>>, vector<1x1x16xf32>,
        %get3A_1304 = arith.constant 0 : i32
        %get3A_1305 = arith.constant 10 : i32
        %get3A_1306 = arith.index_cast %get3A_1304 : i32 to index
        %get3A_1307 = arith.index_cast %get3A_1305 : i32 to index
        %get3A_1308 = arith.constant 0 : index
        %get3A_1309 = tpu.vector_load %arg10[%get3A_1306, %get3A_1307, %get3A_1308] {strides = array<i32>} : memref<2x16x128xf32, #tpu.memory_space<vmem>>, vector<1x1x16xf32>,
        %get3A_1310 = vector.shape_cast %get3A_1309 : vector<1x1x16xf32> to vector<16xf32>
        %swap3A_1311 = arith.constant 0 : i32
        %swap3A_1312 = arith.constant 80 : i32
        %swap3A_1313 = arith.index_cast %swap3A_1311 : i32 to index
        %swap3A_1314 = arith.index_cast %swap3A_1312 : i32 to index
        %swap3A_1315 = arith.constant 0 : index
        %swap3A_1316 = tpu.vector_load %arg9[%swap3A_1313, %swap3A_1314, %swap3A_1315] {strides = array<i32>} : memref<2x128x128xf32, #tpu.memory_space<vmem>>, vector<1x1x16xf32>,
        %swap3A_1317 = vector.shape_cast %swap3A_1316 : vector<1x1x16xf32> to vector<16xf32>
        %swap3A_1318 = vector.shape_cast %get3A_1310 : vector<16xf32> to vector<1x1x16xf32>
        tpu.vector_store %arg9[%swap3A_1313, %swap3A_1314, %swap3A_1315], %swap3A_1318 {strides = array<i32>} : memref<2x128x128xf32, #tpu.memory_space<vmem>>, vector<1x1x16xf32>,
        %get3A_1319 = arith.constant 0 : i32
        %get3A_1320 = arith.constant 10 : i32
        %get3A_1321 = arith.index_cast %get3A_1319 : i32 to index
        %get3A_1322 = arith.index_cast %get3A_1320 : i32 to index
        %get3A_1323 = arith.constant 16 : index
        %get3A_1324 = tpu.vector_load %arg10[%get3A_1321, %get3A_1322, %get3A_1323] {strides = array<i32>} : memref<2x16x128xf32, #tpu.memory_space<vmem>>, vector<1x1x16xf32>,
        %get3A_1325 = vector.shape_cast %get3A_1324 : vector<1x1x16xf32> to vector<16xf32>
        %swap3A_1326 = arith.constant 0 : i32
        %swap3A_1327 = arith.constant 81 : i32
        %swap3A_1328 = arith.index_cast %swap3A_1326 : i32 to index
        %swap3A_1329 = arith.index_cast %swap3A_1327 : i32 to index
        %swap3A_1330 = arith.constant 0 : index
        %swap3A_1331 = tpu.vector_load %arg9[%swap3A_1328, %swap3A_1329, %swap3A_1330] {strides = array<i32>} : memref<2x128x128xf32, #tpu.memory_space<vmem>>, vector<1x1x16xf32>,
        %swap3A_1332 = vector.shape_cast %swap3A_1331 : vector<1x1x16xf32> to vector<16xf32>
        %swap3A_1333 = vector.shape_cast %get3A_1325 : vector<16xf32> to vector<1x1x16xf32>
        tpu.vector_store %arg9[%swap3A_1328, %swap3A_1329, %swap3A_1330], %swap3A_1333 {strides = array<i32>} : memref<2x128x128xf32, #tpu.memory_space<vmem>>, vector<1x1x16xf32>,
        %get3A_1334 = arith.constant 0 : i32
        %get3A_1335 = arith.constant 10 : i32
        %get3A_1336 = arith.index_cast %get3A_1334 : i32 to index
        %get3A_1337 = arith.index_cast %get3A_1335 : i32 to index
        %get3A_1338 = arith.constant 32 : index
        %get3A_1339 = tpu.vector_load %arg10[%get3A_1336, %get3A_1337, %get3A_1338] {strides = array<i32>} : memref<2x16x128xf32, #tpu.memory_space<vmem>>, vector<1x1x16xf32>,
        %get3A_1340 = vector.shape_cast %get3A_1339 : vector<1x1x16xf32> to vector<16xf32>
        %swap3A_1341 = arith.constant 0 : i32
        %swap3A_1342 = arith.constant 82 : i32
        %swap3A_1343 = arith.index_cast %swap3A_1341 : i32 to index
        %swap3A_1344 = arith.index_cast %swap3A_1342 : i32 to index
        %swap3A_1345 = arith.constant 0 : index
        %swap3A_1346 = tpu.vector_load %arg9[%swap3A_1343, %swap3A_1344, %swap3A_1345] {strides = array<i32>} : memref<2x128x128xf32, #tpu.memory_space<vmem>>, vector<1x1x16xf32>,
        %swap3A_1347 = vector.shape_cast %swap3A_1346 : vector<1x1x16xf32> to vector<16xf32>
        %swap3A_1348 = vector.shape_cast %get3A_1340 : vector<16xf32> to vector<1x1x16xf32>
        tpu.vector_store %arg9[%swap3A_1343, %swap3A_1344, %swap3A_1345], %swap3A_1348 {strides = array<i32>} : memref<2x128x128xf32, #tpu.memory_space<vmem>>, vector<1x1x16xf32>,
        %get3A_1349 = arith.constant 0 : i32
        %get3A_1350 = arith.constant 10 : i32
        %get3A_1351 = arith.index_cast %get3A_1349 : i32 to index
        %get3A_1352 = arith.index_cast %get3A_1350 : i32 to index
        %get3A_1353 = arith.constant 48 : index
        %get3A_1354 = tpu.vector_load %arg10[%get3A_1351, %get3A_1352, %get3A_1353] {strides = array<i32>} : memref<2x16x128xf32, #tpu.memory_space<vmem>>, vector<1x1x16xf32>,
        %get3A_1355 = vector.shape_cast %get3A_1354 : vector<1x1x16xf32> to vector<16xf32>
        %swap3A_1356 = arith.constant 0 : i32
        %swap3A_1357 = arith.constant 83 : i32
        %swap3A_1358 = arith.index_cast %swap3A_1356 : i32 to index
        %swap3A_1359 = arith.index_cast %swap3A_1357 : i32 to index
        %swap3A_1360 = arith.constant 0 : index
        %swap3A_1361 = tpu.vector_load %arg9[%swap3A_1358, %swap3A_1359, %swap3A_1360] {strides = array<i32>} : memref<2x128x128xf32, #tpu.memory_space<vmem>>, vector<1x1x16xf32>,
        %swap3A_1362 = vector.shape_cast %swap3A_1361 : vector<1x1x16xf32> to vector<16xf32>
        %swap3A_1363 = vector.shape_cast %get3A_1355 : vector<16xf32> to vector<1x1x16xf32>
        tpu.vector_store %arg9[%swap3A_1358, %swap3A_1359, %swap3A_1360], %swap3A_1363 {strides = array<i32>} : memref<2x128x128xf32, #tpu.memory_space<vmem>>, vector<1x1x16xf32>,
        %get3A_1364 = arith.constant 0 : i32
        %get3A_1365 = arith.constant 10 : i32
        %get3A_1366 = arith.index_cast %get3A_1364 : i32 to index
        %get3A_1367 = arith.index_cast %get3A_1365 : i32 to index
        %get3A_1368 = arith.constant 64 : index
        %get3A_1369 = tpu.vector_load %arg10[%get3A_1366, %get3A_1367, %get3A_1368] {strides = array<i32>} : memref<2x16x128xf32, #tpu.memory_space<vmem>>, vector<1x1x16xf32>,
        %get3A_1370 = vector.shape_cast %get3A_1369 : vector<1x1x16xf32> to vector<16xf32>
        %swap3A_1371 = arith.constant 0 : i32
        %swap3A_1372 = arith.constant 84 : i32
        %swap3A_1373 = arith.index_cast %swap3A_1371 : i32 to index
        %swap3A_1374 = arith.index_cast %swap3A_1372 : i32 to index
        %swap3A_1375 = arith.constant 0 : index
        %swap3A_1376 = tpu.vector_load %arg9[%swap3A_1373, %swap3A_1374, %swap3A_1375] {strides = array<i32>} : memref<2x128x128xf32, #tpu.memory_space<vmem>>, vector<1x1x16xf32>,
        %swap3A_1377 = vector.shape_cast %swap3A_1376 : vector<1x1x16xf32> to vector<16xf32>
        %swap3A_1378 = vector.shape_cast %get3A_1370 : vector<16xf32> to vector<1x1x16xf32>
        tpu.vector_store %arg9[%swap3A_1373, %swap3A_1374, %swap3A_1375], %swap3A_1378 {strides = array<i32>} : memref<2x128x128xf32, #tpu.memory_space<vmem>>, vector<1x1x16xf32>,
        %get3A_1379 = arith.constant 0 : i32
        %get3A_1380 = arith.constant 10 : i32
        %get3A_1381 = arith.index_cast %get3A_1379 : i32 to index
        %get3A_1382 = arith.index_cast %get3A_1380 : i32 to index
        %get3A_1383 = arith.constant 80 : index
        %get3A_1384 = tpu.vector_load %arg10[%get3A_1381, %get3A_1382, %get3A_1383] {strides = array<i32>} : memref<2x16x128xf32, #tpu.memory_space<vmem>>, vector<1x1x16xf32>,
        %get3A_1385 = vector.shape_cast %get3A_1384 : vector<1x1x16xf32> to vector<16xf32>
        %swap3A_1386 = arith.constant 0 : i32
        %swap3A_1387 = arith.constant 85 : i32
        %swap3A_1388 = arith.index_cast %swap3A_1386 : i32 to index
        %swap3A_1389 = arith.index_cast %swap3A_1387 : i32 to index
        %swap3A_1390 = arith.constant 0 : index
        %swap3A_1391 = tpu.vector_load %arg9[%swap3A_1388, %swap3A_1389, %swap3A_1390] {strides = array<i32>} : memref<2x128x128xf32, #tpu.memory_space<vmem>>, vector<1x1x16xf32>,
        %swap3A_1392 = vector.shape_cast %swap3A_1391 : vector<1x1x16xf32> to vector<16xf32>
        %swap3A_1393 = vector.shape_cast %get3A_1385 : vector<16xf32> to vector<1x1x16xf32>
        tpu.vector_store %arg9[%swap3A_1388, %swap3A_1389, %swap3A_1390], %swap3A_1393 {strides = array<i32>} : memref<2x128x128xf32, #tpu.memory_space<vmem>>, vector<1x1x16xf32>,
        %get3A_1394 = arith.constant 0 : i32
        %get3A_1395 = arith.constant 10 : i32
        %get3A_1396 = arith.index_cast %get3A_1394 : i32 to index
        %get3A_1397 = arith.index_cast %get3A_1395 : i32 to index
        %get3A_1398 = arith.constant 96 : index
        %get3A_1399 = tpu.vector_load %arg10[%get3A_1396, %get3A_1397, %get3A_1398] {strides = array<i32>} : memref<2x16x128xf32, #tpu.memory_space<vmem>>, vector<1x1x16xf32>,
        %get3A_1400 = vector.shape_cast %get3A_1399 : vector<1x1x16xf32> to vector<16xf32>
        %swap3A_1401 = arith.constant 0 : i32
        %swap3A_1402 = arith.constant 86 : i32
        %swap3A_1403 = arith.index_cast %swap3A_1401 : i32 to index
        %swap3A_1404 = arith.index_cast %swap3A_1402 : i32 to index
        %swap3A_1405 = arith.constant 0 : index
        %swap3A_1406 = tpu.vector_load %arg9[%swap3A_1403, %swap3A_1404, %swap3A_1405] {strides = array<i32>} : memref<2x128x128xf32, #tpu.memory_space<vmem>>, vector<1x1x16xf32>,
        %swap3A_1407 = vector.shape_cast %swap3A_1406 : vector<1x1x16xf32> to vector<16xf32>
        %swap3A_1408 = vector.shape_cast %get3A_1400 : vector<16xf32> to vector<1x1x16xf32>
        tpu.vector_store %arg9[%swap3A_1403, %swap3A_1404, %swap3A_1405], %swap3A_1408 {strides = array<i32>} : memref<2x128x128xf32, #tpu.memory_space<vmem>>, vector<1x1x16xf32>,
        %get3A_1409 = arith.constant 0 : i32
        %get3A_1410 = arith.constant 10 : i32
        %get3A_1411 = arith.index_cast %get3A_1409 : i32 to index
        %get3A_1412 = arith.index_cast %get3A_1410 : i32 to index
        %get3A_1413 = arith.constant 112 : index
        %get3A_1414 = tpu.vector_load %arg10[%get3A_1411, %get3A_1412, %get3A_1413] {strides = array<i32>} : memref<2x16x128xf32, #tpu.memory_space<vmem>>, vector<1x1x16xf32>,
        %get3A_1415 = vector.shape_cast %get3A_1414 : vector<1x1x16xf32> to vector<16xf32>
        %swap3A_1416 = arith.constant 0 : i32
        %swap3A_1417 = arith.constant 87 : i32
        %swap3A_1418 = arith.index_cast %swap3A_1416 : i32 to index
        %swap3A_1419 = arith.index_cast %swap3A_1417 : i32 to index
        %swap3A_1420 = arith.constant 0 : index
        %swap3A_1421 = tpu.vector_load %arg9[%swap3A_1418, %swap3A_1419, %swap3A_1420] {strides = array<i32>} : memref<2x128x128xf32, #tpu.memory_space<vmem>>, vector<1x1x16xf32>,
        %swap3A_1422 = vector.shape_cast %swap3A_1421 : vector<1x1x16xf32> to vector<16xf32>
        %swap3A_1423 = vector.shape_cast %get3A_1415 : vector<16xf32> to vector<1x1x16xf32>
        tpu.vector_store %arg9[%swap3A_1418, %swap3A_1419, %swap3A_1420], %swap3A_1423 {strides = array<i32>} : memref<2x128x128xf32, #tpu.memory_space<vmem>>, vector<1x1x16xf32>,
        %get3A_1424 = arith.constant 0 : i32
        %get3A_1425 = arith.constant 11 : i32
        %get3A_1426 = arith.index_cast %get3A_1424 : i32 to index
        %get3A_1427 = arith.index_cast %get3A_1425 : i32 to index
        %get3A_1428 = arith.constant 0 : index
        %get3A_1429 = tpu.vector_load %arg10[%get3A_1426, %get3A_1427, %get3A_1428] {strides = array<i32>} : memref<2x16x128xf32, #tpu.memory_space<vmem>>, vector<1x1x16xf32>,
        %get3A_1430 = vector.shape_cast %get3A_1429 : vector<1x1x16xf32> to vector<16xf32>
        %swap3A_1431 = arith.constant 0 : i32
        %swap3A_1432 = arith.constant 88 : i32
        %swap3A_1433 = arith.index_cast %swap3A_1431 : i32 to index
        %swap3A_1434 = arith.index_cast %swap3A_1432 : i32 to index
        %swap3A_1435 = arith.constant 0 : index
        %swap3A_1436 = tpu.vector_load %arg9[%swap3A_1433, %swap3A_1434, %swap3A_1435] {strides = array<i32>} : memref<2x128x128xf32, #tpu.memory_space<vmem>>, vector<1x1x16xf32>,
        %swap3A_1437 = vector.shape_cast %swap3A_1436 : vector<1x1x16xf32> to vector<16xf32>
        %swap3A_1438 = vector.shape_cast %get3A_1430 : vector<16xf32> to vector<1x1x16xf32>
        tpu.vector_store %arg9[%swap3A_1433, %swap3A_1434, %swap3A_1435], %swap3A_1438 {strides = array<i32>} : memref<2x128x128xf32, #tpu.memory_space<vmem>>, vector<1x1x16xf32>,
        %get3A_1439 = arith.constant 0 : i32
        %get3A_1440 = arith.constant 11 : i32
        %get3A_1441 = arith.index_cast %get3A_1439 : i32 to index
        %get3A_1442 = arith.index_cast %get3A_1440 : i32 to index
        %get3A_1443 = arith.constant 16 : index
        %get3A_1444 = tpu.vector_load %arg10[%get3A_1441, %get3A_1442, %get3A_1443] {strides = array<i32>} : memref<2x16x128xf32, #tpu.memory_space<vmem>>, vector<1x1x16xf32>,
        %get3A_1445 = vector.shape_cast %get3A_1444 : vector<1x1x16xf32> to vector<16xf32>
        %swap3A_1446 = arith.constant 0 : i32
        %swap3A_1447 = arith.constant 89 : i32
        %swap3A_1448 = arith.index_cast %swap3A_1446 : i32 to index
        %swap3A_1449 = arith.index_cast %swap3A_1447 : i32 to index
        %swap3A_1450 = arith.constant 0 : index
        %swap3A_1451 = tpu.vector_load %arg9[%swap3A_1448, %swap3A_1449, %swap3A_1450] {strides = array<i32>} : memref<2x128x128xf32, #tpu.memory_space<vmem>>, vector<1x1x16xf32>,
        %swap3A_1452 = vector.shape_cast %swap3A_1451 : vector<1x1x16xf32> to vector<16xf32>
        %swap3A_1453 = vector.shape_cast %get3A_1445 : vector<16xf32> to vector<1x1x16xf32>
        tpu.vector_store %arg9[%swap3A_1448, %swap3A_1449, %swap3A_1450], %swap3A_1453 {strides = array<i32>} : memref<2x128x128xf32, #tpu.memory_space<vmem>>, vector<1x1x16xf32>,
        %get3A_1454 = arith.constant 0 : i32
        %get3A_1455 = arith.constant 11 : i32
        %get3A_1456 = arith.index_cast %get3A_1454 : i32 to index
        %get3A_1457 = arith.index_cast %get3A_1455 : i32 to index
        %get3A_1458 = arith.constant 32 : index
        %get3A_1459 = tpu.vector_load %arg10[%get3A_1456, %get3A_1457, %get3A_1458] {strides = array<i32>} : memref<2x16x128xf32, #tpu.memory_space<vmem>>, vector<1x1x16xf32>,
        %get3A_1460 = vector.shape_cast %get3A_1459 : vector<1x1x16xf32> to vector<16xf32>
        %swap3A_1461 = arith.constant 0 : i32
        %swap3A_1462 = arith.constant 90 : i32
        %swap3A_1463 = arith.index_cast %swap3A_1461 : i32 to index
        %swap3A_1464 = arith.index_cast %swap3A_1462 : i32 to index
        %swap3A_1465 = arith.constant 0 : index
        %swap3A_1466 = tpu.vector_load %arg9[%swap3A_1463, %swap3A_1464, %swap3A_1465] {strides = array<i32>} : memref<2x128x128xf32, #tpu.memory_space<vmem>>, vector<1x1x16xf32>,
        %swap3A_1467 = vector.shape_cast %swap3A_1466 : vector<1x1x16xf32> to vector<16xf32>
        %swap3A_1468 = vector.shape_cast %get3A_1460 : vector<16xf32> to vector<1x1x16xf32>
        tpu.vector_store %arg9[%swap3A_1463, %swap3A_1464, %swap3A_1465], %swap3A_1468 {strides = array<i32>} : memref<2x128x128xf32, #tpu.memory_space<vmem>>, vector<1x1x16xf32>,
        %get3A_1469 = arith.constant 0 : i32
        %get3A_1470 = arith.constant 11 : i32
        %get3A_1471 = arith.index_cast %get3A_1469 : i32 to index
        %get3A_1472 = arith.index_cast %get3A_1470 : i32 to index
        %get3A_1473 = arith.constant 48 : index
        %get3A_1474 = tpu.vector_load %arg10[%get3A_1471, %get3A_1472, %get3A_1473] {strides = array<i32>} : memref<2x16x128xf32, #tpu.memory_space<vmem>>, vector<1x1x16xf32>,
        %get3A_1475 = vector.shape_cast %get3A_1474 : vector<1x1x16xf32> to vector<16xf32>
        %swap3A_1476 = arith.constant 0 : i32
        %swap3A_1477 = arith.constant 91 : i32
        %swap3A_1478 = arith.index_cast %swap3A_1476 : i32 to index
        %swap3A_1479 = arith.index_cast %swap3A_1477 : i32 to index
        %swap3A_1480 = arith.constant 0 : index
        %swap3A_1481 = tpu.vector_load %arg9[%swap3A_1478, %swap3A_1479, %swap3A_1480] {strides = array<i32>} : memref<2x128x128xf32, #tpu.memory_space<vmem>>, vector<1x1x16xf32>,
        %swap3A_1482 = vector.shape_cast %swap3A_1481 : vector<1x1x16xf32> to vector<16xf32>
        %swap3A_1483 = vector.shape_cast %get3A_1475 : vector<16xf32> to vector<1x1x16xf32>
        tpu.vector_store %arg9[%swap3A_1478, %swap3A_1479, %swap3A_1480], %swap3A_1483 {strides = array<i32>} : memref<2x128x128xf32, #tpu.memory_space<vmem>>, vector<1x1x16xf32>,
        %get3A_1484 = arith.constant 0 : i32
        %get3A_1485 = arith.constant 11 : i32
        %get3A_1486 = arith.index_cast %get3A_1484 : i32 to index
        %get3A_1487 = arith.index_cast %get3A_1485 : i32 to index
        %get3A_1488 = arith.constant 64 : index
        %get3A_1489 = tpu.vector_load %arg10[%get3A_1486, %get3A_1487, %get3A_1488] {strides = array<i32>} : memref<2x16x128xf32, #tpu.memory_space<vmem>>, vector<1x1x16xf32>,
        %get3A_1490 = vector.shape_cast %get3A_1489 : vector<1x1x16xf32> to vector<16xf32>
        %swap3A_1491 = arith.constant 0 : i32
        %swap3A_1492 = arith.constant 92 : i32
        %swap3A_1493 = arith.index_cast %swap3A_1491 : i32 to index
        %swap3A_1494 = arith.index_cast %swap3A_1492 : i32 to index
        %swap3A_1495 = arith.constant 0 : index
        %swap3A_1496 = tpu.vector_load %arg9[%swap3A_1493, %swap3A_1494, %swap3A_1495] {strides = array<i32>} : memref<2x128x128xf32, #tpu.memory_space<vmem>>, vector<1x1x16xf32>,
        %swap3A_1497 = vector.shape_cast %swap3A_1496 : vector<1x1x16xf32> to vector<16xf32>
        %swap3A_1498 = vector.shape_cast %get3A_1490 : vector<16xf32> to vector<1x1x16xf32>
        tpu.vector_store %arg9[%swap3A_1493, %swap3A_1494, %swap3A_1495], %swap3A_1498 {strides = array<i32>} : memref<2x128x128xf32, #tpu.memory_space<vmem>>, vector<1x1x16xf32>,
        %get3A_1499 = arith.constant 0 : i32
        %get3A_1500 = arith.constant 11 : i32
        %get3A_1501 = arith.index_cast %get3A_1499 : i32 to index
        %get3A_1502 = arith.index_cast %get3A_1500 : i32 to index
        %get3A_1503 = arith.constant 80 : index
        %get3A_1504 = tpu.vector_load %arg10[%get3A_1501, %get3A_1502, %get3A_1503] {strides = array<i32>} : memref<2x16x128xf32, #tpu.memory_space<vmem>>, vector<1x1x16xf32>,
        %get3A_1505 = vector.shape_cast %get3A_1504 : vector<1x1x16xf32> to vector<16xf32>
        %swap3A_1506 = arith.constant 0 : i32
        %swap3A_1507 = arith.constant 93 : i32
        %swap3A_1508 = arith.index_cast %swap3A_1506 : i32 to index
        %swap3A_1509 = arith.index_cast %swap3A_1507 : i32 to index
        %swap3A_1510 = arith.constant 0 : index
        %swap3A_1511 = tpu.vector_load %arg9[%swap3A_1508, %swap3A_1509, %swap3A_1510] {strides = array<i32>} : memref<2x128x128xf32, #tpu.memory_space<vmem>>, vector<1x1x16xf32>,
        %swap3A_1512 = vector.shape_cast %swap3A_1511 : vector<1x1x16xf32> to vector<16xf32>
        %swap3A_1513 = vector.shape_cast %get3A_1505 : vector<16xf32> to vector<1x1x16xf32>
        tpu.vector_store %arg9[%swap3A_1508, %swap3A_1509, %swap3A_1510], %swap3A_1513 {strides = array<i32>} : memref<2x128x128xf32, #tpu.memory_space<vmem>>, vector<1x1x16xf32>,
        %get3A_1514 = arith.constant 0 : i32
        %get3A_1515 = arith.constant 11 : i32
        %get3A_1516 = arith.index_cast %get3A_1514 : i32 to index
        %get3A_1517 = arith.index_cast %get3A_1515 : i32 to index
        %get3A_1518 = arith.constant 96 : index
        %get3A_1519 = tpu.vector_load %arg10[%get3A_1516, %get3A_1517, %get3A_1518] {strides = array<i32>} : memref<2x16x128xf32, #tpu.memory_space<vmem>>, vector<1x1x16xf32>,
        %get3A_1520 = vector.shape_cast %get3A_1519 : vector<1x1x16xf32> to vector<16xf32>
        %swap3A_1521 = arith.constant 0 : i32
        %swap3A_1522 = arith.constant 94 : i32
        %swap3A_1523 = arith.index_cast %swap3A_1521 : i32 to index
        %swap3A_1524 = arith.index_cast %swap3A_1522 : i32 to index
        %swap3A_1525 = arith.constant 0 : index
        %swap3A_1526 = tpu.vector_load %arg9[%swap3A_1523, %swap3A_1524, %swap3A_1525] {strides = array<i32>} : memref<2x128x128xf32, #tpu.memory_space<vmem>>, vector<1x1x16xf32>,
        %swap3A_1527 = vector.shape_cast %swap3A_1526 : vector<1x1x16xf32> to vector<16xf32>
        %swap3A_1528 = vector.shape_cast %get3A_1520 : vector<16xf32> to vector<1x1x16xf32>
        tpu.vector_store %arg9[%swap3A_1523, %swap3A_1524, %swap3A_1525], %swap3A_1528 {strides = array<i32>} : memref<2x128x128xf32, #tpu.memory_space<vmem>>, vector<1x1x16xf32>,
        %get3A_1529 = arith.constant 0 : i32
        %get3A_1530 = arith.constant 11 : i32
        %get3A_1531 = arith.index_cast %get3A_1529 : i32 to index
        %get3A_1532 = arith.index_cast %get3A_1530 : i32 to index
        %get3A_1533 = arith.constant 112 : index
        %get3A_1534 = tpu.vector_load %arg10[%get3A_1531, %get3A_1532, %get3A_1533] {strides = array<i32>} : memref<2x16x128xf32, #tpu.memory_space<vmem>>, vector<1x1x16xf32>,
        %get3A_1535 = vector.shape_cast %get3A_1534 : vector<1x1x16xf32> to vector<16xf32>
        %swap3A_1536 = arith.constant 0 : i32
        %swap3A_1537 = arith.constant 95 : i32
        %swap3A_1538 = arith.index_cast %swap3A_1536 : i32 to index
        %swap3A_1539 = arith.index_cast %swap3A_1537 : i32 to index
        %swap3A_1540 = arith.constant 0 : index
        %swap3A_1541 = tpu.vector_load %arg9[%swap3A_1538, %swap3A_1539, %swap3A_1540] {strides = array<i32>} : memref<2x128x128xf32, #tpu.memory_space<vmem>>, vector<1x1x16xf32>,
        %swap3A_1542 = vector.shape_cast %swap3A_1541 : vector<1x1x16xf32> to vector<16xf32>
        %swap3A_1543 = vector.shape_cast %get3A_1535 : vector<16xf32> to vector<1x1x16xf32>
        tpu.vector_store %arg9[%swap3A_1538, %swap3A_1539, %swap3A_1540], %swap3A_1543 {strides = array<i32>} : memref<2x128x128xf32, #tpu.memory_space<vmem>>, vector<1x1x16xf32>,
        %get3A_1544 = arith.constant 0 : i32
        %get3A_1545 = arith.constant 12 : i32
        %get3A_1546 = arith.index_cast %get3A_1544 : i32 to index
        %get3A_1547 = arith.index_cast %get3A_1545 : i32 to index
        %get3A_1548 = arith.constant 0 : index
        %get3A_1549 = tpu.vector_load %arg10[%get3A_1546, %get3A_1547, %get3A_1548] {strides = array<i32>} : memref<2x16x128xf32, #tpu.memory_space<vmem>>, vector<1x1x16xf32>,
        %get3A_1550 = vector.shape_cast %get3A_1549 : vector<1x1x16xf32> to vector<16xf32>
        %swap3A_1551 = arith.constant 0 : i32
        %swap3A_1552 = arith.constant 96 : i32
        %swap3A_1553 = arith.index_cast %swap3A_1551 : i32 to index
        %swap3A_1554 = arith.index_cast %swap3A_1552 : i32 to index
        %swap3A_1555 = arith.constant 0 : index
        %swap3A_1556 = tpu.vector_load %arg9[%swap3A_1553, %swap3A_1554, %swap3A_1555] {strides = array<i32>} : memref<2x128x128xf32, #tpu.memory_space<vmem>>, vector<1x1x16xf32>,
        %swap3A_1557 = vector.shape_cast %swap3A_1556 : vector<1x1x16xf32> to vector<16xf32>
        %swap3A_1558 = vector.shape_cast %get3A_1550 : vector<16xf32> to vector<1x1x16xf32>
        tpu.vector_store %arg9[%swap3A_1553, %swap3A_1554, %swap3A_1555], %swap3A_1558 {strides = array<i32>} : memref<2x128x128xf32, #tpu.memory_space<vmem>>, vector<1x1x16xf32>,
        %get3A_1559 = arith.constant 0 : i32
        %get3A_1560 = arith.constant 12 : i32
        %get3A_1561 = arith.index_cast %get3A_1559 : i32 to index
        %get3A_1562 = arith.index_cast %get3A_1560 : i32 to index
        %get3A_1563 = arith.constant 16 : index
        %get3A_1564 = tpu.vector_load %arg10[%get3A_1561, %get3A_1562, %get3A_1563] {strides = array<i32>} : memref<2x16x128xf32, #tpu.memory_space<vmem>>, vector<1x1x16xf32>,
        %get3A_1565 = vector.shape_cast %get3A_1564 : vector<1x1x16xf32> to vector<16xf32>
        %swap3A_1566 = arith.constant 0 : i32
        %swap3A_1567 = arith.constant 97 : i32
        %swap3A_1568 = arith.index_cast %swap3A_1566 : i32 to index
        %swap3A_1569 = arith.index_cast %swap3A_1567 : i32 to index
        %swap3A_1570 = arith.constant 0 : index
        %swap3A_1571 = tpu.vector_load %arg9[%swap3A_1568, %swap3A_1569, %swap3A_1570] {strides = array<i32>} : memref<2x128x128xf32, #tpu.memory_space<vmem>>, vector<1x1x16xf32>,
        %swap3A_1572 = vector.shape_cast %swap3A_1571 : vector<1x1x16xf32> to vector<16xf32>
        %swap3A_1573 = vector.shape_cast %get3A_1565 : vector<16xf32> to vector<1x1x16xf32>
        tpu.vector_store %arg9[%swap3A_1568, %swap3A_1569, %swap3A_1570], %swap3A_1573 {strides = array<i32>} : memref<2x128x128xf32, #tpu.memory_space<vmem>>, vector<1x1x16xf32>,
        %get3A_1574 = arith.constant 0 : i32
        %get3A_1575 = arith.constant 12 : i32
        %get3A_1576 = arith.index_cast %get3A_1574 : i32 to index
        %get3A_1577 = arith.index_cast %get3A_1575 : i32 to index
        %get3A_1578 = arith.constant 32 : index
        %get3A_1579 = tpu.vector_load %arg10[%get3A_1576, %get3A_1577, %get3A_1578] {strides = array<i32>} : memref<2x16x128xf32, #tpu.memory_space<vmem>>, vector<1x1x16xf32>,
        %get3A_1580 = vector.shape_cast %get3A_1579 : vector<1x1x16xf32> to vector<16xf32>
        %swap3A_1581 = arith.constant 0 : i32
        %swap3A_1582 = arith.constant 98 : i32
        %swap3A_1583 = arith.index_cast %swap3A_1581 : i32 to index
        %swap3A_1584 = arith.index_cast %swap3A_1582 : i32 to index
        %swap3A_1585 = arith.constant 0 : index
        %swap3A_1586 = tpu.vector_load %arg9[%swap3A_1583, %swap3A_1584, %swap3A_1585] {strides = array<i32>} : memref<2x128x128xf32, #tpu.memory_space<vmem>>, vector<1x1x16xf32>,
        %swap3A_1587 = vector.shape_cast %swap3A_1586 : vector<1x1x16xf32> to vector<16xf32>
        %swap3A_1588 = vector.shape_cast %get3A_1580 : vector<16xf32> to vector<1x1x16xf32>
        tpu.vector_store %arg9[%swap3A_1583, %swap3A_1584, %swap3A_1585], %swap3A_1588 {strides = array<i32>} : memref<2x128x128xf32, #tpu.memory_space<vmem>>, vector<1x1x16xf32>,
        %get3A_1589 = arith.constant 0 : i32
        %get3A_1590 = arith.constant 12 : i32
        %get3A_1591 = arith.index_cast %get3A_1589 : i32 to index
        %get3A_1592 = arith.index_cast %get3A_1590 : i32 to index
        %get3A_1593 = arith.constant 48 : index
        %get3A_1594 = tpu.vector_load %arg10[%get3A_1591, %get3A_1592, %get3A_1593] {strides = array<i32>} : memref<2x16x128xf32, #tpu.memory_space<vmem>>, vector<1x1x16xf32>,
        %get3A_1595 = vector.shape_cast %get3A_1594 : vector<1x1x16xf32> to vector<16xf32>
        %swap3A_1596 = arith.constant 0 : i32
        %swap3A_1597 = arith.constant 99 : i32
        %swap3A_1598 = arith.index_cast %swap3A_1596 : i32 to index
        %swap3A_1599 = arith.index_cast %swap3A_1597 : i32 to index
        %swap3A_1600 = arith.constant 0 : index
        %swap3A_1601 = tpu.vector_load %arg9[%swap3A_1598, %swap3A_1599, %swap3A_1600] {strides = array<i32>} : memref<2x128x128xf32, #tpu.memory_space<vmem>>, vector<1x1x16xf32>,
        %swap3A_1602 = vector.shape_cast %swap3A_1601 : vector<1x1x16xf32> to vector<16xf32>
        %swap3A_1603 = vector.shape_cast %get3A_1595 : vector<16xf32> to vector<1x1x16xf32>
        tpu.vector_store %arg9[%swap3A_1598, %swap3A_1599, %swap3A_1600], %swap3A_1603 {strides = array<i32>} : memref<2x128x128xf32, #tpu.memory_space<vmem>>, vector<1x1x16xf32>,
        %get3A_1604 = arith.constant 0 : i32
        %get3A_1605 = arith.constant 12 : i32
        %get3A_1606 = arith.index_cast %get3A_1604 : i32 to index
        %get3A_1607 = arith.index_cast %get3A_1605 : i32 to index
        %get3A_1608 = arith.constant 64 : index
        %get3A_1609 = tpu.vector_load %arg10[%get3A_1606, %get3A_1607, %get3A_1608] {strides = array<i32>} : memref<2x16x128xf32, #tpu.memory_space<vmem>>, vector<1x1x16xf32>,
        %get3A_1610 = vector.shape_cast %get3A_1609 : vector<1x1x16xf32> to vector<16xf32>
        %swap3A_1611 = arith.constant 0 : i32
        %swap3A_1612 = arith.constant 100 : i32
        %swap3A_1613 = arith.index_cast %swap3A_1611 : i32 to index
        %swap3A_1614 = arith.index_cast %swap3A_1612 : i32 to index
        %swap3A_1615 = arith.constant 0 : index
        %swap3A_1616 = tpu.vector_load %arg9[%swap3A_1613, %swap3A_1614, %swap3A_1615] {strides = array<i32>} : memref<2x128x128xf32, #tpu.memory_space<vmem>>, vector<1x1x16xf32>,
        %swap3A_1617 = vector.shape_cast %swap3A_1616 : vector<1x1x16xf32> to vector<16xf32>
        %swap3A_1618 = vector.shape_cast %get3A_1610 : vector<16xf32> to vector<1x1x16xf32>
        tpu.vector_store %arg9[%swap3A_1613, %swap3A_1614, %swap3A_1615], %swap3A_1618 {strides = array<i32>} : memref<2x128x128xf32, #tpu.memory_space<vmem>>, vector<1x1x16xf32>,
        %get3A_1619 = arith.constant 0 : i32
        %get3A_1620 = arith.constant 12 : i32
        %get3A_1621 = arith.index_cast %get3A_1619 : i32 to index
        %get3A_1622 = arith.index_cast %get3A_1620 : i32 to index
        %get3A_1623 = arith.constant 80 : index
        %get3A_1624 = tpu.vector_load %arg10[%get3A_1621, %get3A_1622, %get3A_1623] {strides = array<i32>} : memref<2x16x128xf32, #tpu.memory_space<vmem>>, vector<1x1x16xf32>,
        %get3A_1625 = vector.shape_cast %get3A_1624 : vector<1x1x16xf32> to vector<16xf32>
        %swap3A_1626 = arith.constant 0 : i32
        %swap3A_1627 = arith.constant 101 : i32
        %swap3A_1628 = arith.index_cast %swap3A_1626 : i32 to index
        %swap3A_1629 = arith.index_cast %swap3A_1627 : i32 to index
        %swap3A_1630 = arith.constant 0 : index
        %swap3A_1631 = tpu.vector_load %arg9[%swap3A_1628, %swap3A_1629, %swap3A_1630] {strides = array<i32>} : memref<2x128x128xf32, #tpu.memory_space<vmem>>, vector<1x1x16xf32>,
        %swap3A_1632 = vector.shape_cast %swap3A_1631 : vector<1x1x16xf32> to vector<16xf32>
        %swap3A_1633 = vector.shape_cast %get3A_1625 : vector<16xf32> to vector<1x1x16xf32>
        tpu.vector_store %arg9[%swap3A_1628, %swap3A_1629, %swap3A_1630], %swap3A_1633 {strides = array<i32>} : memref<2x128x128xf32, #tpu.memory_space<vmem>>, vector<1x1x16xf32>,
        %get3A_1634 = arith.constant 0 : i32
        %get3A_1635 = arith.constant 12 : i32
        %get3A_1636 = arith.index_cast %get3A_1634 : i32 to index
        %get3A_1637 = arith.index_cast %get3A_1635 : i32 to index
        %get3A_1638 = arith.constant 96 : index
        %get3A_1639 = tpu.vector_load %arg10[%get3A_1636, %get3A_1637, %get3A_1638] {strides = array<i32>} : memref<2x16x128xf32, #tpu.memory_space<vmem>>, vector<1x1x16xf32>,
        %get3A_1640 = vector.shape_cast %get3A_1639 : vector<1x1x16xf32> to vector<16xf32>
        %swap3A_1641 = arith.constant 0 : i32
        %swap3A_1642 = arith.constant 102 : i32
        %swap3A_1643 = arith.index_cast %swap3A_1641 : i32 to index
        %swap3A_1644 = arith.index_cast %swap3A_1642 : i32 to index
        %swap3A_1645 = arith.constant 0 : index
        %swap3A_1646 = tpu.vector_load %arg9[%swap3A_1643, %swap3A_1644, %swap3A_1645] {strides = array<i32>} : memref<2x128x128xf32, #tpu.memory_space<vmem>>, vector<1x1x16xf32>,
        %swap3A_1647 = vector.shape_cast %swap3A_1646 : vector<1x1x16xf32> to vector<16xf32>
        %swap3A_1648 = vector.shape_cast %get3A_1640 : vector<16xf32> to vector<1x1x16xf32>
        tpu.vector_store %arg9[%swap3A_1643, %swap3A_1644, %swap3A_1645], %swap3A_1648 {strides = array<i32>} : memref<2x128x128xf32, #tpu.memory_space<vmem>>, vector<1x1x16xf32>,
        %get3A_1649 = arith.constant 0 : i32
        %get3A_1650 = arith.constant 12 : i32
        %get3A_1651 = arith.index_cast %get3A_1649 : i32 to index
        %get3A_1652 = arith.index_cast %get3A_1650 : i32 to index
        %get3A_1653 = arith.constant 112 : index
        %get3A_1654 = tpu.vector_load %arg10[%get3A_1651, %get3A_1652, %get3A_1653] {strides = array<i32>} : memref<2x16x128xf32, #tpu.memory_space<vmem>>, vector<1x1x16xf32>,
        %get3A_1655 = vector.shape_cast %get3A_1654 : vector<1x1x16xf32> to vector<16xf32>
        %swap3A_1656 = arith.constant 0 : i32
        %swap3A_1657 = arith.constant 103 : i32
        %swap3A_1658 = arith.index_cast %swap3A_1656 : i32 to index
        %swap3A_1659 = arith.index_cast %swap3A_1657 : i32 to index
        %swap3A_1660 = arith.constant 0 : index
        %swap3A_1661 = tpu.vector_load %arg9[%swap3A_1658, %swap3A_1659, %swap3A_1660] {strides = array<i32>} : memref<2x128x128xf32, #tpu.memory_space<vmem>>, vector<1x1x16xf32>,
        %swap3A_1662 = vector.shape_cast %swap3A_1661 : vector<1x1x16xf32> to vector<16xf32>
        %swap3A_1663 = vector.shape_cast %get3A_1655 : vector<16xf32> to vector<1x1x16xf32>
        tpu.vector_store %arg9[%swap3A_1658, %swap3A_1659, %swap3A_1660], %swap3A_1663 {strides = array<i32>} : memref<2x128x128xf32, #tpu.memory_space<vmem>>, vector<1x1x16xf32>,
        %get3A_1664 = arith.constant 0 : i32
        %get3A_1665 = arith.constant 13 : i32
        %get3A_1666 = arith.index_cast %get3A_1664 : i32 to index
        %get3A_1667 = arith.index_cast %get3A_1665 : i32 to index
        %get3A_1668 = arith.constant 0 : index
        %get3A_1669 = tpu.vector_load %arg10[%get3A_1666, %get3A_1667, %get3A_1668] {strides = array<i32>} : memref<2x16x128xf32, #tpu.memory_space<vmem>>, vector<1x1x16xf32>,
        %get3A_1670 = vector.shape_cast %get3A_1669 : vector<1x1x16xf32> to vector<16xf32>
        %swap3A_1671 = arith.constant 0 : i32
        %swap3A_1672 = arith.constant 104 : i32
        %swap3A_1673 = arith.index_cast %swap3A_1671 : i32 to index
        %swap3A_1674 = arith.index_cast %swap3A_1672 : i32 to index
        %swap3A_1675 = arith.constant 0 : index
        %swap3A_1676 = tpu.vector_load %arg9[%swap3A_1673, %swap3A_1674, %swap3A_1675] {strides = array<i32>} : memref<2x128x128xf32, #tpu.memory_space<vmem>>, vector<1x1x16xf32>,
        %swap3A_1677 = vector.shape_cast %swap3A_1676 : vector<1x1x16xf32> to vector<16xf32>
        %swap3A_1678 = vector.shape_cast %get3A_1670 : vector<16xf32> to vector<1x1x16xf32>
        tpu.vector_store %arg9[%swap3A_1673, %swap3A_1674, %swap3A_1675], %swap3A_1678 {strides = array<i32>} : memref<2x128x128xf32, #tpu.memory_space<vmem>>, vector<1x1x16xf32>,
        %get3A_1679 = arith.constant 0 : i32
        %get3A_1680 = arith.constant 13 : i32
        %get3A_1681 = arith.index_cast %get3A_1679 : i32 to index
        %get3A_1682 = arith.index_cast %get3A_1680 : i32 to index
        %get3A_1683 = arith.constant 16 : index
        %get3A_1684 = tpu.vector_load %arg10[%get3A_1681, %get3A_1682, %get3A_1683] {strides = array<i32>} : memref<2x16x128xf32, #tpu.memory_space<vmem>>, vector<1x1x16xf32>,
        %get3A_1685 = vector.shape_cast %get3A_1684 : vector<1x1x16xf32> to vector<16xf32>
        %swap3A_1686 = arith.constant 0 : i32
        %swap3A_1687 = arith.constant 105 : i32
        %swap3A_1688 = arith.index_cast %swap3A_1686 : i32 to index
        %swap3A_1689 = arith.index_cast %swap3A_1687 : i32 to index
        %swap3A_1690 = arith.constant 0 : index
        %swap3A_1691 = tpu.vector_load %arg9[%swap3A_1688, %swap3A_1689, %swap3A_1690] {strides = array<i32>} : memref<2x128x128xf32, #tpu.memory_space<vmem>>, vector<1x1x16xf32>,
        %swap3A_1692 = vector.shape_cast %swap3A_1691 : vector<1x1x16xf32> to vector<16xf32>
        %swap3A_1693 = vector.shape_cast %get3A_1685 : vector<16xf32> to vector<1x1x16xf32>
        tpu.vector_store %arg9[%swap3A_1688, %swap3A_1689, %swap3A_1690], %swap3A_1693 {strides = array<i32>} : memref<2x128x128xf32, #tpu.memory_space<vmem>>, vector<1x1x16xf32>,
        %get3A_1694 = arith.constant 0 : i32
        %get3A_1695 = arith.constant 13 : i32
        %get3A_1696 = arith.index_cast %get3A_1694 : i32 to index
        %get3A_1697 = arith.index_cast %get3A_1695 : i32 to index
        %get3A_1698 = arith.constant 32 : index
        %get3A_1699 = tpu.vector_load %arg10[%get3A_1696, %get3A_1697, %get3A_1698] {strides = array<i32>} : memref<2x16x128xf32, #tpu.memory_space<vmem>>, vector<1x1x16xf32>,
        %get3A_1700 = vector.shape_cast %get3A_1699 : vector<1x1x16xf32> to vector<16xf32>
        %swap3A_1701 = arith.constant 0 : i32
        %swap3A_1702 = arith.constant 106 : i32
        %swap3A_1703 = arith.index_cast %swap3A_1701 : i32 to index
        %swap3A_1704 = arith.index_cast %swap3A_1702 : i32 to index
        %swap3A_1705 = arith.constant 0 : index
        %swap3A_1706 = tpu.vector_load %arg9[%swap3A_1703, %swap3A_1704, %swap3A_1705] {strides = array<i32>} : memref<2x128x128xf32, #tpu.memory_space<vmem>>, vector<1x1x16xf32>,
        %swap3A_1707 = vector.shape_cast %swap3A_1706 : vector<1x1x16xf32> to vector<16xf32>
        %swap3A_1708 = vector.shape_cast %get3A_1700 : vector<16xf32> to vector<1x1x16xf32>
        tpu.vector_store %arg9[%swap3A_1703, %swap3A_1704, %swap3A_1705], %swap3A_1708 {strides = array<i32>} : memref<2x128x128xf32, #tpu.memory_space<vmem>>, vector<1x1x16xf32>,
        %get3A_1709 = arith.constant 0 : i32
        %get3A_1710 = arith.constant 13 : i32
        %get3A_1711 = arith.index_cast %get3A_1709 : i32 to index
        %get3A_1712 = arith.index_cast %get3A_1710 : i32 to index
        %get3A_1713 = arith.constant 48 : index
        %get3A_1714 = tpu.vector_load %arg10[%get3A_1711, %get3A_1712, %get3A_1713] {strides = array<i32>} : memref<2x16x128xf32, #tpu.memory_space<vmem>>, vector<1x1x16xf32>,
        %get3A_1715 = vector.shape_cast %get3A_1714 : vector<1x1x16xf32> to vector<16xf32>
        %swap3A_1716 = arith.constant 0 : i32
        %swap3A_1717 = arith.constant 107 : i32
        %swap3A_1718 = arith.index_cast %swap3A_1716 : i32 to index
        %swap3A_1719 = arith.index_cast %swap3A_1717 : i32 to index
        %swap3A_1720 = arith.constant 0 : index
        %swap3A_1721 = tpu.vector_load %arg9[%swap3A_1718, %swap3A_1719, %swap3A_1720] {strides = array<i32>} : memref<2x128x128xf32, #tpu.memory_space<vmem>>, vector<1x1x16xf32>,
        %swap3A_1722 = vector.shape_cast %swap3A_1721 : vector<1x1x16xf32> to vector<16xf32>
        %swap3A_1723 = vector.shape_cast %get3A_1715 : vector<16xf32> to vector<1x1x16xf32>
        tpu.vector_store %arg9[%swap3A_1718, %swap3A_1719, %swap3A_1720], %swap3A_1723 {strides = array<i32>} : memref<2x128x128xf32, #tpu.memory_space<vmem>>, vector<1x1x16xf32>,
        %get3A_1724 = arith.constant 0 : i32
        %get3A_1725 = arith.constant 13 : i32
        %get3A_1726 = arith.index_cast %get3A_1724 : i32 to index
        %get3A_1727 = arith.index_cast %get3A_1725 : i32 to index
        %get3A_1728 = arith.constant 64 : index
        %get3A_1729 = tpu.vector_load %arg10[%get3A_1726, %get3A_1727, %get3A_1728] {strides = array<i32>} : memref<2x16x128xf32, #tpu.memory_space<vmem>>, vector<1x1x16xf32>,
        %get3A_1730 = vector.shape_cast %get3A_1729 : vector<1x1x16xf32> to vector<16xf32>
        %swap3A_1731 = arith.constant 0 : i32
        %swap3A_1732 = arith.constant 108 : i32
        %swap3A_1733 = arith.index_cast %swap3A_1731 : i32 to index
        %swap3A_1734 = arith.index_cast %swap3A_1732 : i32 to index
        %swap3A_1735 = arith.constant 0 : index
        %swap3A_1736 = tpu.vector_load %arg9[%swap3A_1733, %swap3A_1734, %swap3A_1735] {strides = array<i32>} : memref<2x128x128xf32, #tpu.memory_space<vmem>>, vector<1x1x16xf32>,
        %swap3A_1737 = vector.shape_cast %swap3A_1736 : vector<1x1x16xf32> to vector<16xf32>
        %swap3A_1738 = vector.shape_cast %get3A_1730 : vector<16xf32> to vector<1x1x16xf32>
        tpu.vector_store %arg9[%swap3A_1733, %swap3A_1734, %swap3A_1735], %swap3A_1738 {strides = array<i32>} : memref<2x128x128xf32, #tpu.memory_space<vmem>>, vector<1x1x16xf32>,
        %get3A_1739 = arith.constant 0 : i32
        %get3A_1740 = arith.constant 13 : i32
        %get3A_1741 = arith.index_cast %get3A_1739 : i32 to index
        %get3A_1742 = arith.index_cast %get3A_1740 : i32 to index
        %get3A_1743 = arith.constant 80 : index
        %get3A_1744 = tpu.vector_load %arg10[%get3A_1741, %get3A_1742, %get3A_1743] {strides = array<i32>} : memref<2x16x128xf32, #tpu.memory_space<vmem>>, vector<1x1x16xf32>,
        %get3A_1745 = vector.shape_cast %get3A_1744 : vector<1x1x16xf32> to vector<16xf32>
        %swap3A_1746 = arith.constant 0 : i32
        %swap3A_1747 = arith.constant 109 : i32
        %swap3A_1748 = arith.index_cast %swap3A_1746 : i32 to index
        %swap3A_1749 = arith.index_cast %swap3A_1747 : i32 to index
        %swap3A_1750 = arith.constant 0 : index
        %swap3A_1751 = tpu.vector_load %arg9[%swap3A_1748, %swap3A_1749, %swap3A_1750] {strides = array<i32>} : memref<2x128x128xf32, #tpu.memory_space<vmem>>, vector<1x1x16xf32>,
        %swap3A_1752 = vector.shape_cast %swap3A_1751 : vector<1x1x16xf32> to vector<16xf32>
        %swap3A_1753 = vector.shape_cast %get3A_1745 : vector<16xf32> to vector<1x1x16xf32>
        tpu.vector_store %arg9[%swap3A_1748, %swap3A_1749, %swap3A_1750], %swap3A_1753 {strides = array<i32>} : memref<2x128x128xf32, #tpu.memory_space<vmem>>, vector<1x1x16xf32>,
        %get3A_1754 = arith.constant 0 : i32
        %get3A_1755 = arith.constant 13 : i32
        %get3A_1756 = arith.index_cast %get3A_1754 : i32 to index
        %get3A_1757 = arith.index_cast %get3A_1755 : i32 to index
        %get3A_1758 = arith.constant 96 : index
        %get3A_1759 = tpu.vector_load %arg10[%get3A_1756, %get3A_1757, %get3A_1758] {strides = array<i32>} : memref<2x16x128xf32, #tpu.memory_space<vmem>>, vector<1x1x16xf32>,
        %get3A_1760 = vector.shape_cast %get3A_1759 : vector<1x1x16xf32> to vector<16xf32>
        %swap3A_1761 = arith.constant 0 : i32
        %swap3A_1762 = arith.constant 110 : i32
        %swap3A_1763 = arith.index_cast %swap3A_1761 : i32 to index
        %swap3A_1764 = arith.index_cast %swap3A_1762 : i32 to index
        %swap3A_1765 = arith.constant 0 : index
        %swap3A_1766 = tpu.vector_load %arg9[%swap3A_1763, %swap3A_1764, %swap3A_1765] {strides = array<i32>} : memref<2x128x128xf32, #tpu.memory_space<vmem>>, vector<1x1x16xf32>,
        %swap3A_1767 = vector.shape_cast %swap3A_1766 : vector<1x1x16xf32> to vector<16xf32>
        %swap3A_1768 = vector.shape_cast %get3A_1760 : vector<16xf32> to vector<1x1x16xf32>
        tpu.vector_store %arg9[%swap3A_1763, %swap3A_1764, %swap3A_1765], %swap3A_1768 {strides = array<i32>} : memref<2x128x128xf32, #tpu.memory_space<vmem>>, vector<1x1x16xf32>,
        %get3A_1769 = arith.constant 0 : i32
        %get3A_1770 = arith.constant 13 : i32
        %get3A_1771 = arith.index_cast %get3A_1769 : i32 to index
        %get3A_1772 = arith.index_cast %get3A_1770 : i32 to index
        %get3A_1773 = arith.constant 112 : index
        %get3A_1774 = tpu.vector_load %arg10[%get3A_1771, %get3A_1772, %get3A_1773] {strides = array<i32>} : memref<2x16x128xf32, #tpu.memory_space<vmem>>, vector<1x1x16xf32>,
        %get3A_1775 = vector.shape_cast %get3A_1774 : vector<1x1x16xf32> to vector<16xf32>
        %swap3A_1776 = arith.constant 0 : i32
        %swap3A_1777 = arith.constant 111 : i32
        %swap3A_1778 = arith.index_cast %swap3A_1776 : i32 to index
        %swap3A_1779 = arith.index_cast %swap3A_1777 : i32 to index
        %swap3A_1780 = arith.constant 0 : index
        %swap3A_1781 = tpu.vector_load %arg9[%swap3A_1778, %swap3A_1779, %swap3A_1780] {strides = array<i32>} : memref<2x128x128xf32, #tpu.memory_space<vmem>>, vector<1x1x16xf32>,
        %swap3A_1782 = vector.shape_cast %swap3A_1781 : vector<1x1x16xf32> to vector<16xf32>
        %swap3A_1783 = vector.shape_cast %get3A_1775 : vector<16xf32> to vector<1x1x16xf32>
        tpu.vector_store %arg9[%swap3A_1778, %swap3A_1779, %swap3A_1780], %swap3A_1783 {strides = array<i32>} : memref<2x128x128xf32, #tpu.memory_space<vmem>>, vector<1x1x16xf32>,
        %get3A_1784 = arith.constant 0 : i32
        %get3A_1785 = arith.constant 14 : i32
        %get3A_1786 = arith.index_cast %get3A_1784 : i32 to index
        %get3A_1787 = arith.index_cast %get3A_1785 : i32 to index
        %get3A_1788 = arith.constant 0 : index
        %get3A_1789 = tpu.vector_load %arg10[%get3A_1786, %get3A_1787, %get3A_1788] {strides = array<i32>} : memref<2x16x128xf32, #tpu.memory_space<vmem>>, vector<1x1x16xf32>,
        %get3A_1790 = vector.shape_cast %get3A_1789 : vector<1x1x16xf32> to vector<16xf32>
        %swap3A_1791 = arith.constant 0 : i32
        %swap3A_1792 = arith.constant 112 : i32
        %swap3A_1793 = arith.index_cast %swap3A_1791 : i32 to index
        %swap3A_1794 = arith.index_cast %swap3A_1792 : i32 to index
        %swap3A_1795 = arith.constant 0 : index
        %swap3A_1796 = tpu.vector_load %arg9[%swap3A_1793, %swap3A_1794, %swap3A_1795] {strides = array<i32>} : memref<2x128x128xf32, #tpu.memory_space<vmem>>, vector<1x1x16xf32>,
        %swap3A_1797 = vector.shape_cast %swap3A_1796 : vector<1x1x16xf32> to vector<16xf32>
        %swap3A_1798 = vector.shape_cast %get3A_1790 : vector<16xf32> to vector<1x1x16xf32>
        tpu.vector_store %arg9[%swap3A_1793, %swap3A_1794, %swap3A_1795], %swap3A_1798 {strides = array<i32>} : memref<2x128x128xf32, #tpu.memory_space<vmem>>, vector<1x1x16xf32>,
        %get3A_1799 = arith.constant 0 : i32
        %get3A_1800 = arith.constant 14 : i32
        %get3A_1801 = arith.index_cast %get3A_1799 : i32 to index
        %get3A_1802 = arith.index_cast %get3A_1800 : i32 to index
        %get3A_1803 = arith.constant 16 : index
        %get3A_1804 = tpu.vector_load %arg10[%get3A_1801, %get3A_1802, %get3A_1803] {strides = array<i32>} : memref<2x16x128xf32, #tpu.memory_space<vmem>>, vector<1x1x16xf32>,
        %get3A_1805 = vector.shape_cast %get3A_1804 : vector<1x1x16xf32> to vector<16xf32>
        %swap3A_1806 = arith.constant 0 : i32
        %swap3A_1807 = arith.constant 113 : i32
        %swap3A_1808 = arith.index_cast %swap3A_1806 : i32 to index
        %swap3A_1809 = arith.index_cast %swap3A_1807 : i32 to index
        %swap3A_1810 = arith.constant 0 : index
        %swap3A_1811 = tpu.vector_load %arg9[%swap3A_1808, %swap3A_1809, %swap3A_1810] {strides = array<i32>} : memref<2x128x128xf32, #tpu.memory_space<vmem>>, vector<1x1x16xf32>,
        %swap3A_1812 = vector.shape_cast %swap3A_1811 : vector<1x1x16xf32> to vector<16xf32>
        %swap3A_1813 = vector.shape_cast %get3A_1805 : vector<16xf32> to vector<1x1x16xf32>
        tpu.vector_store %arg9[%swap3A_1808, %swap3A_1809, %swap3A_1810], %swap3A_1813 {strides = array<i32>} : memref<2x128x128xf32, #tpu.memory_space<vmem>>, vector<1x1x16xf32>,
        %get3A_1814 = arith.constant 0 : i32
        %get3A_1815 = arith.constant 14 : i32
        %get3A_1816 = arith.index_cast %get3A_1814 : i32 to index
        %get3A_1817 = arith.index_cast %get3A_1815 : i32 to index
        %get3A_1818 = arith.constant 32 : index
        %get3A_1819 = tpu.vector_load %arg10[%get3A_1816, %get3A_1817, %get3A_1818] {strides = array<i32>} : memref<2x16x128xf32, #tpu.memory_space<vmem>>, vector<1x1x16xf32>,
        %get3A_1820 = vector.shape_cast %get3A_1819 : vector<1x1x16xf32> to vector<16xf32>
        %swap3A_1821 = arith.constant 0 : i32
        %swap3A_1822 = arith.constant 114 : i32
        %swap3A_1823 = arith.index_cast %swap3A_1821 : i32 to index
        %swap3A_1824 = arith.index_cast %swap3A_1822 : i32 to index
        %swap3A_1825 = arith.constant 0 : index
        %swap3A_1826 = tpu.vector_load %arg9[%swap3A_1823, %swap3A_1824, %swap3A_1825] {strides = array<i32>} : memref<2x128x128xf32, #tpu.memory_space<vmem>>, vector<1x1x16xf32>,
        %swap3A_1827 = vector.shape_cast %swap3A_1826 : vector<1x1x16xf32> to vector<16xf32>
        %swap3A_1828 = vector.shape_cast %get3A_1820 : vector<16xf32> to vector<1x1x16xf32>
        tpu.vector_store %arg9[%swap3A_1823, %swap3A_1824, %swap3A_1825], %swap3A_1828 {strides = array<i32>} : memref<2x128x128xf32, #tpu.memory_space<vmem>>, vector<1x1x16xf32>,
        %get3A_1829 = arith.constant 0 : i32
        %get3A_1830 = arith.constant 14 : i32
        %get3A_1831 = arith.index_cast %get3A_1829 : i32 to index
        %get3A_1832 = arith.index_cast %get3A_1830 : i32 to index
        %get3A_1833 = arith.constant 48 : index
        %get3A_1834 = tpu.vector_load %arg10[%get3A_1831, %get3A_1832, %get3A_1833] {strides = array<i32>} : memref<2x16x128xf32, #tpu.memory_space<vmem>>, vector<1x1x16xf32>,
        %get3A_1835 = vector.shape_cast %get3A_1834 : vector<1x1x16xf32> to vector<16xf32>
        %swap3A_1836 = arith.constant 0 : i32
        %swap3A_1837 = arith.constant 115 : i32
        %swap3A_1838 = arith.index_cast %swap3A_1836 : i32 to index
        %swap3A_1839 = arith.index_cast %swap3A_1837 : i32 to index
        %swap3A_1840 = arith.constant 0 : index
        %swap3A_1841 = tpu.vector_load %arg9[%swap3A_1838, %swap3A_1839, %swap3A_1840] {strides = array<i32>} : memref<2x128x128xf32, #tpu.memory_space<vmem>>, vector<1x1x16xf32>,
        %swap3A_1842 = vector.shape_cast %swap3A_1841 : vector<1x1x16xf32> to vector<16xf32>
        %swap3A_1843 = vector.shape_cast %get3A_1835 : vector<16xf32> to vector<1x1x16xf32>
        tpu.vector_store %arg9[%swap3A_1838, %swap3A_1839, %swap3A_1840], %swap3A_1843 {strides = array<i32>} : memref<2x128x128xf32, #tpu.memory_space<vmem>>, vector<1x1x16xf32>,
        %get3A_1844 = arith.constant 0 : i32
        %get3A_1845 = arith.constant 14 : i32
        %get3A_1846 = arith.index_cast %get3A_1844 : i32 to index
        %get3A_1847 = arith.index_cast %get3A_1845 : i32 to index
        %get3A_1848 = arith.constant 64 : index
        %get3A_1849 = tpu.vector_load %arg10[%get3A_1846, %get3A_1847, %get3A_1848] {strides = array<i32>} : memref<2x16x128xf32, #tpu.memory_space<vmem>>, vector<1x1x16xf32>,
        %get3A_1850 = vector.shape_cast %get3A_1849 : vector<1x1x16xf32> to vector<16xf32>
        %swap3A_1851 = arith.constant 0 : i32
        %swap3A_1852 = arith.constant 116 : i32
        %swap3A_1853 = arith.index_cast %swap3A_1851 : i32 to index
        %swap3A_1854 = arith.index_cast %swap3A_1852 : i32 to index
        %swap3A_1855 = arith.constant 0 : index
        %swap3A_1856 = tpu.vector_load %arg9[%swap3A_1853, %swap3A_1854, %swap3A_1855] {strides = array<i32>} : memref<2x128x128xf32, #tpu.memory_space<vmem>>, vector<1x1x16xf32>,
        %swap3A_1857 = vector.shape_cast %swap3A_1856 : vector<1x1x16xf32> to vector<16xf32>
        %swap3A_1858 = vector.shape_cast %get3A_1850 : vector<16xf32> to vector<1x1x16xf32>
        tpu.vector_store %arg9[%swap3A_1853, %swap3A_1854, %swap3A_1855], %swap3A_1858 {strides = array<i32>} : memref<2x128x128xf32, #tpu.memory_space<vmem>>, vector<1x1x16xf32>,
        %get3A_1859 = arith.constant 0 : i32
        %get3A_1860 = arith.constant 14 : i32
        %get3A_1861 = arith.index_cast %get3A_1859 : i32 to index
        %get3A_1862 = arith.index_cast %get3A_1860 : i32 to index
        %get3A_1863 = arith.constant 80 : index
        %get3A_1864 = tpu.vector_load %arg10[%get3A_1861, %get3A_1862, %get3A_1863] {strides = array<i32>} : memref<2x16x128xf32, #tpu.memory_space<vmem>>, vector<1x1x16xf32>,
        %get3A_1865 = vector.shape_cast %get3A_1864 : vector<1x1x16xf32> to vector<16xf32>
        %swap3A_1866 = arith.constant 0 : i32
        %swap3A_1867 = arith.constant 117 : i32
        %swap3A_1868 = arith.index_cast %swap3A_1866 : i32 to index
        %swap3A_1869 = arith.index_cast %swap3A_1867 : i32 to index
        %swap3A_1870 = arith.constant 0 : index
        %swap3A_1871 = tpu.vector_load %arg9[%swap3A_1868, %swap3A_1869, %swap3A_1870] {strides = array<i32>} : memref<2x128x128xf32, #tpu.memory_space<vmem>>, vector<1x1x16xf32>,
        %swap3A_1872 = vector.shape_cast %swap3A_1871 : vector<1x1x16xf32> to vector<16xf32>
        %swap3A_1873 = vector.shape_cast %get3A_1865 : vector<16xf32> to vector<1x1x16xf32>
        tpu.vector_store %arg9[%swap3A_1868, %swap3A_1869, %swap3A_1870], %swap3A_1873 {strides = array<i32>} : memref<2x128x128xf32, #tpu.memory_space<vmem>>, vector<1x1x16xf32>,
        %get3A_1874 = arith.constant 0 : i32
        %get3A_1875 = arith.constant 14 : i32
        %get3A_1876 = arith.index_cast %get3A_1874 : i32 to index
        %get3A_1877 = arith.index_cast %get3A_1875 : i32 to index
        %get3A_1878 = arith.constant 96 : index
        %get3A_1879 = tpu.vector_load %arg10[%get3A_1876, %get3A_1877, %get3A_1878] {strides = array<i32>} : memref<2x16x128xf32, #tpu.memory_space<vmem>>, vector<1x1x16xf32>,
        %get3A_1880 = vector.shape_cast %get3A_1879 : vector<1x1x16xf32> to vector<16xf32>
        %swap3A_1881 = arith.constant 0 : i32
        %swap3A_1882 = arith.constant 118 : i32
        %swap3A_1883 = arith.index_cast %swap3A_1881 : i32 to index
        %swap3A_1884 = arith.index_cast %swap3A_1882 : i32 to index
        %swap3A_1885 = arith.constant 0 : index
        %swap3A_1886 = tpu.vector_load %arg9[%swap3A_1883, %swap3A_1884, %swap3A_1885] {strides = array<i32>} : memref<2x128x128xf32, #tpu.memory_space<vmem>>, vector<1x1x16xf32>,
        %swap3A_1887 = vector.shape_cast %swap3A_1886 : vector<1x1x16xf32> to vector<16xf32>
        %swap3A_1888 = vector.shape_cast %get3A_1880 : vector<16xf32> to vector<1x1x16xf32>
        tpu.vector_store %arg9[%swap3A_1883, %swap3A_1884, %swap3A_1885], %swap3A_1888 {strides = array<i32>} : memref<2x128x128xf32, #tpu.memory_space<vmem>>, vector<1x1x16xf32>,
        %get3A_1889 = arith.constant 0 : i32
        %get3A_1890 = arith.constant 14 : i32
        %get3A_1891 = arith.index_cast %get3A_1889 : i32 to index
        %get3A_1892 = arith.index_cast %get3A_1890 : i32 to index
        %get3A_1893 = arith.constant 112 : index
        %get3A_1894 = tpu.vector_load %arg10[%get3A_1891, %get3A_1892, %get3A_1893] {strides = array<i32>} : memref<2x16x128xf32, #tpu.memory_space<vmem>>, vector<1x1x16xf32>,
        %get3A_1895 = vector.shape_cast %get3A_1894 : vector<1x1x16xf32> to vector<16xf32>
        %swap3A_1896 = arith.constant 0 : i32
        %swap3A_1897 = arith.constant 119 : i32
        %swap3A_1898 = arith.index_cast %swap3A_1896 : i32 to index
        %swap3A_1899 = arith.index_cast %swap3A_1897 : i32 to index
        %swap3A_1900 = arith.constant 0 : index
        %swap3A_1901 = tpu.vector_load %arg9[%swap3A_1898, %swap3A_1899, %swap3A_1900] {strides = array<i32>} : memref<2x128x128xf32, #tpu.memory_space<vmem>>, vector<1x1x16xf32>,
        %swap3A_1902 = vector.shape_cast %swap3A_1901 : vector<1x1x16xf32> to vector<16xf32>
        %swap3A_1903 = vector.shape_cast %get3A_1895 : vector<16xf32> to vector<1x1x16xf32>
        tpu.vector_store %arg9[%swap3A_1898, %swap3A_1899, %swap3A_1900], %swap3A_1903 {strides = array<i32>} : memref<2x128x128xf32, #tpu.memory_space<vmem>>, vector<1x1x16xf32>,
        %get3A_1904 = arith.constant 0 : i32
        %get3A_1905 = arith.constant 15 : i32
        %get3A_1906 = arith.index_cast %get3A_1904 : i32 to index
        %get3A_1907 = arith.index_cast %get3A_1905 : i32 to index
        %get3A_1908 = arith.constant 0 : index
        %get3A_1909 = tpu.vector_load %arg10[%get3A_1906, %get3A_1907, %get3A_1908] {strides = array<i32>} : memref<2x16x128xf32, #tpu.memory_space<vmem>>, vector<1x1x16xf32>,
        %get3A_1910 = vector.shape_cast %get3A_1909 : vector<1x1x16xf32> to vector<16xf32>
        %swap3A_1911 = arith.constant 0 : i32
        %swap3A_1912 = arith.constant 120 : i32
        %swap3A_1913 = arith.index_cast %swap3A_1911 : i32 to index
        %swap3A_1914 = arith.index_cast %swap3A_1912 : i32 to index
        %swap3A_1915 = arith.constant 0 : index
        %swap3A_1916 = tpu.vector_load %arg9[%swap3A_1913, %swap3A_1914, %swap3A_1915] {strides = array<i32>} : memref<2x128x128xf32, #tpu.memory_space<vmem>>, vector<1x1x16xf32>,
        %swap3A_1917 = vector.shape_cast %swap3A_1916 : vector<1x1x16xf32> to vector<16xf32>
        %swap3A_1918 = vector.shape_cast %get3A_1910 : vector<16xf32> to vector<1x1x16xf32>
        tpu.vector_store %arg9[%swap3A_1913, %swap3A_1914, %swap3A_1915], %swap3A_1918 {strides = array<i32>} : memref<2x128x128xf32, #tpu.memory_space<vmem>>, vector<1x1x16xf32>,
        %get3A_1919 = arith.constant 0 : i32
        %get3A_1920 = arith.constant 15 : i32
        %get3A_1921 = arith.index_cast %get3A_1919 : i32 to index
        %get3A_1922 = arith.index_cast %get3A_1920 : i32 to index
        %get3A_1923 = arith.constant 16 : index
        %get3A_1924 = tpu.vector_load %arg10[%get3A_1921, %get3A_1922, %get3A_1923] {strides = array<i32>} : memref<2x16x128xf32, #tpu.memory_space<vmem>>, vector<1x1x16xf32>,
        %get3A_1925 = vector.shape_cast %get3A_1924 : vector<1x1x16xf32> to vector<16xf32>
        %swap3A_1926 = arith.constant 0 : i32
        %swap3A_1927 = arith.constant 121 : i32
        %swap3A_1928 = arith.index_cast %swap3A_1926 : i32 to index
        %swap3A_1929 = arith.index_cast %swap3A_1927 : i32 to index
        %swap3A_1930 = arith.constant 0 : index
        %swap3A_1931 = tpu.vector_load %arg9[%swap3A_1928, %swap3A_1929, %swap3A_1930] {strides = array<i32>} : memref<2x128x128xf32, #tpu.memory_space<vmem>>, vector<1x1x16xf32>,
        %swap3A_1932 = vector.shape_cast %swap3A_1931 : vector<1x1x16xf32> to vector<16xf32>
        %swap3A_1933 = vector.shape_cast %get3A_1925 : vector<16xf32> to vector<1x1x16xf32>
        tpu.vector_store %arg9[%swap3A_1928, %swap3A_1929, %swap3A_1930], %swap3A_1933 {strides = array<i32>} : memref<2x128x128xf32, #tpu.memory_space<vmem>>, vector<1x1x16xf32>,
        %get3A_1934 = arith.constant 0 : i32
        %get3A_1935 = arith.constant 15 : i32
        %get3A_1936 = arith.index_cast %get3A_1934 : i32 to index
        %get3A_1937 = arith.index_cast %get3A_1935 : i32 to index
        %get3A_1938 = arith.constant 32 : index
        %get3A_1939 = tpu.vector_load %arg10[%get3A_1936, %get3A_1937, %get3A_1938] {strides = array<i32>} : memref<2x16x128xf32, #tpu.memory_space<vmem>>, vector<1x1x16xf32>,
        %get3A_1940 = vector.shape_cast %get3A_1939 : vector<1x1x16xf32> to vector<16xf32>
        %swap3A_1941 = arith.constant 0 : i32
        %swap3A_1942 = arith.constant 122 : i32
        %swap3A_1943 = arith.index_cast %swap3A_1941 : i32 to index
        %swap3A_1944 = arith.index_cast %swap3A_1942 : i32 to index
        %swap3A_1945 = arith.constant 0 : index
        %swap3A_1946 = tpu.vector_load %arg9[%swap3A_1943, %swap3A_1944, %swap3A_1945] {strides = array<i32>} : memref<2x128x128xf32, #tpu.memory_space<vmem>>, vector<1x1x16xf32>,
        %swap3A_1947 = vector.shape_cast %swap3A_1946 : vector<1x1x16xf32> to vector<16xf32>
        %swap3A_1948 = vector.shape_cast %get3A_1940 : vector<16xf32> to vector<1x1x16xf32>
        tpu.vector_store %arg9[%swap3A_1943, %swap3A_1944, %swap3A_1945], %swap3A_1948 {strides = array<i32>} : memref<2x128x128xf32, #tpu.memory_space<vmem>>, vector<1x1x16xf32>,
        %get3A_1949 = arith.constant 0 : i32
        %get3A_1950 = arith.constant 15 : i32
        %get3A_1951 = arith.index_cast %get3A_1949 : i32 to index
        %get3A_1952 = arith.index_cast %get3A_1950 : i32 to index
        %get3A_1953 = arith.constant 48 : index
        %get3A_1954 = tpu.vector_load %arg10[%get3A_1951, %get3A_1952, %get3A_1953] {strides = array<i32>} : memref<2x16x128xf32, #tpu.memory_space<vmem>>, vector<1x1x16xf32>,
        %get3A_1955 = vector.shape_cast %get3A_1954 : vector<1x1x16xf32> to vector<16xf32>
        %swap3A_1956 = arith.constant 0 : i32
        %swap3A_1957 = arith.constant 123 : i32
        %swap3A_1958 = arith.index_cast %swap3A_1956 : i32 to index
        %swap3A_1959 = arith.index_cast %swap3A_1957 : i32 to index
        %swap3A_1960 = arith.constant 0 : index
        %swap3A_1961 = tpu.vector_load %arg9[%swap3A_1958, %swap3A_1959, %swap3A_1960] {strides = array<i32>} : memref<2x128x128xf32, #tpu.memory_space<vmem>>, vector<1x1x16xf32>,
        %swap3A_1962 = vector.shape_cast %swap3A_1961 : vector<1x1x16xf32> to vector<16xf32>
        %swap3A_1963 = vector.shape_cast %get3A_1955 : vector<16xf32> to vector<1x1x16xf32>
        tpu.vector_store %arg9[%swap3A_1958, %swap3A_1959, %swap3A_1960], %swap3A_1963 {strides = array<i32>} : memref<2x128x128xf32, #tpu.memory_space<vmem>>, vector<1x1x16xf32>,
        %get3A_1964 = arith.constant 0 : i32
        %get3A_1965 = arith.constant 15 : i32
        %get3A_1966 = arith.index_cast %get3A_1964 : i32 to index
        %get3A_1967 = arith.index_cast %get3A_1965 : i32 to index
        %get3A_1968 = arith.constant 64 : index
        %get3A_1969 = tpu.vector_load %arg10[%get3A_1966, %get3A_1967, %get3A_1968] {strides = array<i32>} : memref<2x16x128xf32, #tpu.memory_space<vmem>>, vector<1x1x16xf32>,
        %get3A_1970 = vector.shape_cast %get3A_1969 : vector<1x1x16xf32> to vector<16xf32>
        %swap3A_1971 = arith.constant 0 : i32
        %swap3A_1972 = arith.constant 124 : i32
        %swap3A_1973 = arith.index_cast %swap3A_1971 : i32 to index
        %swap3A_1974 = arith.index_cast %swap3A_1972 : i32 to index
        %swap3A_1975 = arith.constant 0 : index
        %swap3A_1976 = tpu.vector_load %arg9[%swap3A_1973, %swap3A_1974, %swap3A_1975] {strides = array<i32>} : memref<2x128x128xf32, #tpu.memory_space<vmem>>, vector<1x1x16xf32>,
        %swap3A_1977 = vector.shape_cast %swap3A_1976 : vector<1x1x16xf32> to vector<16xf32>
        %swap3A_1978 = vector.shape_cast %get3A_1970 : vector<16xf32> to vector<1x1x16xf32>
        tpu.vector_store %arg9[%swap3A_1973, %swap3A_1974, %swap3A_1975], %swap3A_1978 {strides = array<i32>} : memref<2x128x128xf32, #tpu.memory_space<vmem>>, vector<1x1x16xf32>,
        %get3A_1979 = arith.constant 0 : i32
        %get3A_1980 = arith.constant 15 : i32
        %get3A_1981 = arith.index_cast %get3A_1979 : i32 to index
        %get3A_1982 = arith.index_cast %get3A_1980 : i32 to index
        %get3A_1983 = arith.constant 80 : index
        %get3A_1984 = tpu.vector_load %arg10[%get3A_1981, %get3A_1982, %get3A_1983] {strides = array<i32>} : memref<2x16x128xf32, #tpu.memory_space<vmem>>, vector<1x1x16xf32>,
        %get3A_1985 = vector.shape_cast %get3A_1984 : vector<1x1x16xf32> to vector<16xf32>
        %swap3A_1986 = arith.constant 0 : i32
        %swap3A_1987 = arith.constant 125 : i32
        %swap3A_1988 = arith.index_cast %swap3A_1986 : i32 to index
        %swap3A_1989 = arith.index_cast %swap3A_1987 : i32 to index
        %swap3A_1990 = arith.constant 0 : index
        %swap3A_1991 = tpu.vector_load %arg9[%swap3A_1988, %swap3A_1989, %swap3A_1990] {strides = array<i32>} : memref<2x128x128xf32, #tpu.memory_space<vmem>>, vector<1x1x16xf32>,
        %swap3A_1992 = vector.shape_cast %swap3A_1991 : vector<1x1x16xf32> to vector<16xf32>
        %swap3A_1993 = vector.shape_cast %get3A_1985 : vector<16xf32> to vector<1x1x16xf32>
        tpu.vector_store %arg9[%swap3A_1988, %swap3A_1989, %swap3A_1990], %swap3A_1993 {strides = array<i32>} : memref<2x128x128xf32, #tpu.memory_space<vmem>>, vector<1x1x16xf32>,
        %get3A_1994 = arith.constant 0 : i32
        %get3A_1995 = arith.constant 15 : i32
        %get3A_1996 = arith.index_cast %get3A_1994 : i32 to index
        %get3A_1997 = arith.index_cast %get3A_1995 : i32 to index
        %get3A_1998 = arith.constant 96 : index
        %get3A_1999 = tpu.vector_load %arg10[%get3A_1996, %get3A_1997, %get3A_1998] {strides = array<i32>} : memref<2x16x128xf32, #tpu.memory_space<vmem>>, vector<1x1x16xf32>,
        %get3A_2000 = vector.shape_cast %get3A_1999 : vector<1x1x16xf32> to vector<16xf32>
        %swap3A_2001 = arith.constant 0 : i32
        %swap3A_2002 = arith.constant 126 : i32
        %swap3A_2003 = arith.index_cast %swap3A_2001 : i32 to index
        %swap3A_2004 = arith.index_cast %swap3A_2002 : i32 to index
        %swap3A_2005 = arith.constant 0 : index
        %swap3A_2006 = tpu.vector_load %arg9[%swap3A_2003, %swap3A_2004, %swap3A_2005] {strides = array<i32>} : memref<2x128x128xf32, #tpu.memory_space<vmem>>, vector<1x1x16xf32>,
        %swap3A_2007 = vector.shape_cast %swap3A_2006 : vector<1x1x16xf32> to vector<16xf32>
        %swap3A_2008 = vector.shape_cast %get3A_2000 : vector<16xf32> to vector<1x1x16xf32>
        tpu.vector_store %arg9[%swap3A_2003, %swap3A_2004, %swap3A_2005], %swap3A_2008 {strides = array<i32>} : memref<2x128x128xf32, #tpu.memory_space<vmem>>, vector<1x1x16xf32>,
        %get3A_2009 = arith.constant 0 : i32
        %get3A_2010 = arith.constant 15 : i32
        %get3A_2011 = arith.index_cast %get3A_2009 : i32 to index
        %get3A_2012 = arith.index_cast %get3A_2010 : i32 to index
        %get3A_2013 = arith.constant 112 : index
        %get3A_2014 = tpu.vector_load %arg10[%get3A_2011, %get3A_2012, %get3A_2013] {strides = array<i32>} : memref<2x16x128xf32, #tpu.memory_space<vmem>>, vector<1x1x16xf32>,
        %get3A_2015 = vector.shape_cast %get3A_2014 : vector<1x1x16xf32> to vector<16xf32>
        %swap3A_2016 = arith.constant 0 : i32
        %swap3A_2017 = arith.constant 127 : i32
        %swap3A_2018 = arith.index_cast %swap3A_2016 : i32 to index
        %swap3A_2019 = arith.index_cast %swap3A_2017 : i32 to index
        %swap3A_2020 = arith.constant 0 : index
        %swap3A_2021 = tpu.vector_load %arg9[%swap3A_2018, %swap3A_2019, %swap3A_2020] {strides = array<i32>} : memref<2x128x128xf32, #tpu.memory_space<vmem>>, vector<1x1x16xf32>,
        %swap3A_2022 = vector.shape_cast %swap3A_2021 : vector<1x1x16xf32> to vector<16xf32>
        %swap3A_2023 = vector.shape_cast %get3A_2015 : vector<16xf32> to vector<1x1x16xf32>
        tpu.vector_store %arg9[%swap3A_2018, %swap3A_2019, %swap3A_2020], %swap3A_2023 {strides = array<i32>} : memref<2x128x128xf32, #tpu.memory_space<vmem>>, vector<1x1x16xf32>,
        %dma_wait3A_2024 = arith.constant 0 : i32
        %dma_wait3A_2025 = arith.constant 1 : i32
        %dma_wait3A_2026 = arith.constant 0 : i32
        %dma_wait3A_2027 = arith.constant 0 : i32
        %dma_wait3A_2028 = tpu.memref_slice %arg11[%dma_wait3A_2025, %dma_wait3A_2026, %dma_wait3A_2027] : memref<2x2x128xi32, #tpu.memory_space<vmem>> -> memref<1x2x128xi32, #tpu.memory_space<vmem>>
        %dma_wait3A_2029 = tpu.memref_squeeze %dma_wait3A_2028 : memref<1x2x128xi32, #tpu.memory_space<vmem>> -> memref<2x128xi32, #tpu.memory_space<vmem>>
        %dma_wait3A_2030 = arith.constant 0 : i32
        %dma_wait3A_2031 = arith.constant 0 : i32
        %dma_wait3A_2032 = tpu.memref_slice %arg3[%arg1, %dma_wait3A_2024, %dma_wait3A_2030, %dma_wait3A_2031] : memref<16x160x2x128xi32, #tpu.memory_space<hbm>> -> memref<1x1x2x128xi32, #tpu.memory_space<hbm>>
        %dma_wait3A_2033 = tpu.memref_squeeze %dma_wait3A_2032 : memref<1x1x2x128xi32, #tpu.memory_space<hbm>> -> memref<2x128xi32, #tpu.memory_space<hbm>>
        %dma_wait3A_2034 = arith.constant 0 : i32
        %dma_wait3A_2035 = arith.constant 0 : i32
        %dma_wait3A_2036 = tpu.memref_slice %arg11[%dma_wait3A_2025, %dma_wait3A_2034, %dma_wait3A_2035] : memref<2x2x128xi32, #tpu.memory_space<vmem>> -> memref<1x2x128xi32, #tpu.memory_space<vmem>>
        %dma_wait3A_2037 = tpu.memref_squeeze %dma_wait3A_2036 : memref<1x2x128xi32, #tpu.memory_space<vmem>> -> memref<2x128xi32, #tpu.memory_space<vmem>>
        %dma_wait3A_2038 = arith.constant 0 : i32
        %dma_wait3A_2039 = arith.constant 0 : i32
        %dma_wait3A_2040 = tpu.memref_slice %arg3[%arg1, %dma_wait3A_2024, %dma_wait3A_2038, %dma_wait3A_2039] : memref<16x160x2x128xi32, #tpu.memory_space<hbm>> -> memref<1x1x2x128xi32, #tpu.memory_space<hbm>>
        %dma_wait3A_2041 = tpu.memref_squeeze %dma_wait3A_2040 : memref<1x1x2x128xi32, #tpu.memory_space<hbm>> -> memref<2x128xi32, #tpu.memory_space<hbm>>
        tpu.wait_dma2 semaphore(%arg13 : memref<!tpu.dma_semaphore, #tpu.memory_space<semaphore_mem>>) src(%dma_wait3A_2041 : memref<2x128xi32, #tpu.memory_space<hbm>>) dst(%dma_wait3A_2037 : memref<2x128xi32, #tpu.memory_space<vmem>>)
        %run_scoped3A_2042 = arith.constant 0 : i32
        %run_scoped3A_2043 = arith.constant 0 : i32
        %run_scoped3A_2044 = arith.constant 1 : i32
        "tpu.region"() ({
          %run_scoped3A_3999 = tpu.sem_alloc : memref<!tpu.dma_semaphore, #tpu.memory_space<semaphore_mem>>
          %dma_start3A_4000 = arith.constant 0 : i32
          %dma_start3A_4001 = arith.constant 0 : i32
          %dma_start3A_4002 = tpu.memref_slice %arg9[%run_scoped3A_2042, %dma_start3A_4000, %dma_start3A_4001] : memref<2x128x128xf32, #tpu.memory_space<vmem>> -> memref<1x128x128xf32, #tpu.memory_space<vmem>>
          %dma_start3A_4003 = tpu.memref_squeeze %dma_start3A_4002 : memref<1x128x128xf32, #tpu.memory_space<vmem>> -> memref<128x128xf32, #tpu.memory_space<vmem>>
          %dma_start3A_4004 = arith.constant 0 : i32
          %dma_start3A_4005 = tpu.memref_slice %arg11[%run_scoped3A_2043, %run_scoped3A_2044, %dma_start3A_4004] : memref<2x2x128xi32, #tpu.memory_space<vmem>> -> memref<1x1x128xi32, #tpu.memory_space<vmem>>
          %dma_start3A_4006 = tpu.memref_squeeze %dma_start3A_4005 : memref<1x1x128xi32, #tpu.memory_space<vmem>> -> memref<128xi32, #tpu.memory_space<vmem>>
          %dma_start3A_4007 = arith.constant 0 : i32
          %dma_start3A_4008 = arith.constant 0 : i32
          %dma_start3A_4009 = tpu.memref_slice %arg8[%dma_start3A_4007, %dma_start3A_4008] : memref<10240x128xf32, #tpu.memory_space<vmem_shared>> -> memref<10240x128xf32, #tpu.memory_space<vmem_shared>>
          tpu.enqueue_indirect_dma source(%dma_start3A_4003 : memref<128x128xf32, #tpu.memory_space<vmem>>) target(%dma_start3A_4009 : memref<10240x128xf32, #tpu.memory_space<vmem_shared>>) offsets(%dma_start3A_4006 : memref<128xi32, #tpu.memory_space<vmem>>) semaphore(%run_scoped3A_3999 : memref<!tpu.dma_semaphore, #tpu.memory_space<semaphore_mem>>) {add = true}
          %dma_wait3A_4010 = arith.constant 0 : i32
          %dma_wait3A_4011 = arith.constant 0 : i32
          %dma_wait3A_4012 = tpu.memref_slice %arg9[%run_scoped3A_2042, %dma_wait3A_4010, %dma_wait3A_4011] : memref<2x128x128xf32, #tpu.memory_space<vmem>> -> memref<1x128x128xf32, #tpu.memory_space<vmem>>
          %dma_wait3A_4013 = tpu.memref_squeeze %dma_wait3A_4012 : memref<1x128x128xf32, #tpu.memory_space<vmem>> -> memref<128x128xf32, #tpu.memory_space<vmem>>
          %dma_wait3A_4014 = arith.constant 0 : i32
          %dma_wait3A_4015 = tpu.memref_slice %arg11[%run_scoped3A_2043, %run_scoped3A_2044, %dma_wait3A_4014] : memref<2x2x128xi32, #tpu.memory_space<vmem>> -> memref<1x1x128xi32, #tpu.memory_space<vmem>>
          %dma_wait3A_4016 = tpu.memref_squeeze %dma_wait3A_4015 : memref<1x1x128xi32, #tpu.memory_space<vmem>> -> memref<128xi32, #tpu.memory_space<vmem>>
          %dma_wait3A_4017 = arith.constant 0 : i32
          %dma_wait3A_4018 = arith.constant 0 : i32
          %dma_wait3A_4019 = tpu.memref_slice %arg8[%dma_wait3A_4017, %dma_wait3A_4018] : memref<10240x128xf32, #tpu.memory_space<vmem_shared>> -> memref<10240x128xf32, #tpu.memory_space<vmem_shared>>
          tpu.wait_indirect_dma semaphore(%run_scoped3A_3999 : memref<!tpu.dma_semaphore, #tpu.memory_space<semaphore_mem>>) src(%dma_wait3A_4013 : memref<128x128xf32, #tpu.memory_space<vmem>>) dst(%dma_wait3A_4019 : memref<10240x128xf32, #tpu.memory_space<vmem_shared>>)
          tpu.yield
        }) : () -> ()
        %mul3A_2045 = arith.constant 2 : i32
        %mul3A_2046 = arith.muli %mul3A_2045, %scan3A_47 : i32
        %add3A_2047 = arith.constant 1 : i32
        %add3A_2048 = arith.addi %mul3A_2046, %add3A_2047 : i32
        %lt3A = arith.constant 79 : i32
        %lt3A_2049 = arith.cmpi slt, %scan3A_47, %lt3A : i32
        %convert_element_type3A_2050 = arith.extui %lt3A_2049 : i1 to i32
        %cond3A_2051 = arith.constant 0 : i32
        %cond3A_2052 = arith.cmpi ne, %convert_element_type3A_2050, %cond3A_2051 : i32
        scf.if %cond3A_2052 {
          %add3A_3999 = arith.constant 1 : i32
          %add3A_4000 = arith.addi %add3A_2048, %add3A_3999 : i32
          %dma_start3A_4001 = arith.constant 0 : i32
          %dma_start3A_4002 = arith.constant 0 : i32
          %dma_start3A_4003 = arith.constant 0 : i32
          %dma_start3A_4004 = tpu.memref_slice %arg11[%dma_start3A_4001, %dma_start3A_4002, %dma_start3A_4003] : memref<2x2x128xi32, #tpu.memory_space<vmem>> -> memref<1x2x128xi32, #tpu.memory_space<vmem>>
          %dma_start3A_4005 = tpu.memref_squeeze %dma_start3A_4004 : memref<1x2x128xi32, #tpu.memory_space<vmem>> -> memref<2x128xi32, #tpu.memory_space<vmem>>
          %dma_start3A_4006 = arith.constant 0 : i32
          %dma_start3A_4007 = arith.constant 0 : i32
          %dma_start3A_4008 = tpu.memref_slice %arg3[%arg1, %add3A_4000, %dma_start3A_4006, %dma_start3A_4007] : memref<16x160x2x128xi32, #tpu.memory_space<hbm>> -> memref<1x1x2x128xi32, #tpu.memory_space<hbm>>
          %dma_start3A_4009 = tpu.memref_squeeze %dma_start3A_4008 : memref<1x1x2x128xi32, #tpu.memory_space<hbm>> -> memref<2x128xi32, #tpu.memory_space<hbm>>
          %dma_start3A_4010 = arith.constant 0 : i32
          %dma_start3A_4011 = arith.constant 0 : i32
          %dma_start3A_4012 = tpu.memref_slice %arg11[%dma_start3A_4001, %dma_start3A_4010, %dma_start3A_4011] : memref<2x2x128xi32, #tpu.memory_space<vmem>> -> memref<1x2x128xi32, #tpu.memory_space<vmem>>
          %dma_start3A_4013 = tpu.memref_squeeze %dma_start3A_4012 : memref<1x2x128xi32, #tpu.memory_space<vmem>> -> memref<2x128xi32, #tpu.memory_space<vmem>>
          %dma_start3A_4014 = arith.constant 0 : i32
          %dma_start3A_4015 = arith.constant 0 : i32
          %dma_start3A_4016 = tpu.memref_slice %arg3[%arg1, %add3A_4000, %dma_start3A_4014, %dma_start3A_4015] : memref<16x160x2x128xi32, #tpu.memory_space<hbm>> -> memref<1x1x2x128xi32, #tpu.memory_space<hbm>>
          %dma_start3A_4017 = tpu.memref_squeeze %dma_start3A_4016 : memref<1x1x2x128xi32, #tpu.memory_space<hbm>> -> memref<2x128xi32, #tpu.memory_space<hbm>>
          tpu.enqueue_dma source(%dma_start3A_4017 : memref<2x128xi32, #tpu.memory_space<hbm>>) target(%dma_start3A_4013 : memref<2x128xi32, #tpu.memory_space<vmem>>) target_semaphore(%arg13 : memref<!tpu.dma_semaphore, #tpu.memory_space<semaphore_mem>>)
          %add3A_4018 = arith.constant 1 : i32
          %add3A_4019 = arith.addi %add3A_2048, %add3A_4018 : i32
          %dma_start3A_4020 = arith.constant 0 : i32
          %dma_start3A_4021 = arith.constant 0 : i32
          %dma_start3A_4022 = arith.constant 0 : i32
          %dma_start3A_4023 = tpu.memref_slice %arg10[%dma_start3A_4020, %dma_start3A_4021, %dma_start3A_4022] : memref<2x16x128xf32, #tpu.memory_space<vmem>> -> memref<1x16x128xf32, #tpu.memory_space<vmem>>
          %dma_start3A_4024 = tpu.memref_squeeze %dma_start3A_4023 : memref<1x16x128xf32, #tpu.memory_space<vmem>> -> memref<16x128xf32, #tpu.memory_space<vmem>>
          %dma_start3A_4025 = arith.constant 0 : i32
          %dma_start3A_4026 = arith.constant 0 : i32
          %dma_start3A_4027 = tpu.memref_slice %arg4[%arg1, %add3A_4019, %dma_start3A_4025, %dma_start3A_4026] : memref<16x160x16x128xf32, #tpu.memory_space<hbm>> -> memref<1x1x16x128xf32, #tpu.memory_space<hbm>>
          %dma_start3A_4028 = tpu.memref_squeeze %dma_start3A_4027 : memref<1x1x16x128xf32, #tpu.memory_space<hbm>> -> memref<16x128xf32, #tpu.memory_space<hbm>>
          %dma_start3A_4029 = arith.constant 0 : i32
          %dma_start3A_4030 = arith.constant 0 : i32
          %dma_start3A_4031 = tpu.memref_slice %arg10[%dma_start3A_4020, %dma_start3A_4029, %dma_start3A_4030] : memref<2x16x128xf32, #tpu.memory_space<vmem>> -> memref<1x16x128xf32, #tpu.memory_space<vmem>>
          %dma_start3A_4032 = tpu.memref_squeeze %dma_start3A_4031 : memref<1x16x128xf32, #tpu.memory_space<vmem>> -> memref<16x128xf32, #tpu.memory_space<vmem>>
          %dma_start3A_4033 = arith.constant 0 : i32
          %dma_start3A_4034 = arith.constant 0 : i32
          %dma_start3A_4035 = tpu.memref_slice %arg4[%arg1, %add3A_4019, %dma_start3A_4033, %dma_start3A_4034] : memref<16x160x16x128xf32, #tpu.memory_space<hbm>> -> memref<1x1x16x128xf32, #tpu.memory_space<hbm>>
          %dma_start3A_4036 = tpu.memref_squeeze %dma_start3A_4035 : memref<1x1x16x128xf32, #tpu.memory_space<hbm>> -> memref<16x128xf32, #tpu.memory_space<hbm>>
          tpu.enqueue_dma source(%dma_start3A_4036 : memref<16x128xf32, #tpu.memory_space<hbm>>) target(%dma_start3A_4032 : memref<16x128xf32, #tpu.memory_space<vmem>>) target_semaphore(%arg12 : memref<!tpu.dma_semaphore, #tpu.memory_space<semaphore_mem>>)
        } else {
        }
        %dma_wait3A_2053 = arith.constant 0 : i32
        %dma_wait3A_2054 = arith.constant 1 : i32
        %dma_wait3A_2055 = arith.constant 0 : i32
        %dma_wait3A_2056 = arith.constant 0 : i32
        %dma_wait3A_2057 = tpu.memref_slice %arg10[%dma_wait3A_2054, %dma_wait3A_2055, %dma_wait3A_2056] : memref<2x16x128xf32, #tpu.memory_space<vmem>> -> memref<1x16x128xf32, #tpu.memory_space<vmem>>
        %dma_wait3A_2058 = tpu.memref_squeeze %dma_wait3A_2057 : memref<1x16x128xf32, #tpu.memory_space<vmem>> -> memref<16x128xf32, #tpu.memory_space<vmem>>
        %dma_wait3A_2059 = arith.constant 0 : i32
        %dma_wait3A_2060 = arith.constant 0 : i32
        %dma_wait3A_2061 = tpu.memref_slice %arg4[%arg1, %dma_wait3A_2053, %dma_wait3A_2059, %dma_wait3A_2060] : memref<16x160x16x128xf32, #tpu.memory_space<hbm>> -> memref<1x1x16x128xf32, #tpu.memory_space<hbm>>
        %dma_wait3A_2062 = tpu.memref_squeeze %dma_wait3A_2061 : memref<1x1x16x128xf32, #tpu.memory_space<hbm>> -> memref<16x128xf32, #tpu.memory_space<hbm>>
        %dma_wait3A_2063 = arith.constant 0 : i32
        %dma_wait3A_2064 = arith.constant 0 : i32
        %dma_wait3A_2065 = tpu.memref_slice %arg10[%dma_wait3A_2054, %dma_wait3A_2063, %dma_wait3A_2064] : memref<2x16x128xf32, #tpu.memory_space<vmem>> -> memref<1x16x128xf32, #tpu.memory_space<vmem>>
        %dma_wait3A_2066 = tpu.memref_squeeze %dma_wait3A_2065 : memref<1x16x128xf32, #tpu.memory_space<vmem>> -> memref<16x128xf32, #tpu.memory_space<vmem>>
        %dma_wait3A_2067 = arith.constant 0 : i32
        %dma_wait3A_2068 = arith.constant 0 : i32
        %dma_wait3A_2069 = tpu.memref_slice %arg4[%arg1, %dma_wait3A_2053, %dma_wait3A_2067, %dma_wait3A_2068] : memref<16x160x16x128xf32, #tpu.memory_space<hbm>> -> memref<1x1x16x128xf32, #tpu.memory_space<hbm>>
        %dma_wait3A_2070 = tpu.memref_squeeze %dma_wait3A_2069 : memref<1x1x16x128xf32, #tpu.memory_space<hbm>> -> memref<16x128xf32, #tpu.memory_space<hbm>>
        tpu.wait_dma2 semaphore(%arg12 : memref<!tpu.dma_semaphore, #tpu.memory_space<semaphore_mem>>) src(%dma_wait3A_2070 : memref<16x128xf32, #tpu.memory_space<hbm>>) dst(%dma_wait3A_2066 : memref<16x128xf32, #tpu.memory_space<vmem>>)
        %get3A_2071 = arith.constant 1 : i32
        %get3A_2072 = arith.constant 0 : i32
        %get3A_2073 = arith.index_cast %get3A_2071 : i32 to index
        %get3A_2074 = arith.index_cast %get3A_2072 : i32 to index
        %get3A_2075 = arith.constant 0 : index
        %get3A_2076 = tpu.vector_load %arg10[%get3A_2073, %get3A_2074, %get3A_2075] {strides = array<i32>} : memref<2x16x128xf32, #tpu.memory_space<vmem>>, vector<1x1x16xf32>,
        %get3A_2077 = vector.shape_cast %get3A_2076 : vector<1x1x16xf32> to vector<16xf32>
        %swap3A_2078 = arith.constant 1 : i32
        %swap3A_2079 = arith.constant 0 : i32
        %swap3A_2080 = arith.index_cast %swap3A_2078 : i32 to index
        %swap3A_2081 = arith.index_cast %swap3A_2079 : i32 to index
        %swap3A_2082 = arith.constant 0 : index
        %swap3A_2083 = tpu.vector_load %arg9[%swap3A_2080, %swap3A_2081, %swap3A_2082] {strides = array<i32>} : memref<2x128x128xf32, #tpu.memory_space<vmem>>, vector<1x1x16xf32>,
        %swap3A_2084 = vector.shape_cast %swap3A_2083 : vector<1x1x16xf32> to vector<16xf32>
        %swap3A_2085 = vector.shape_cast %get3A_2077 : vector<16xf32> to vector<1x1x16xf32>
        tpu.vector_store %arg9[%swap3A_2080, %swap3A_2081, %swap3A_2082], %swap3A_2085 {strides = array<i32>} : memref<2x128x128xf32, #tpu.memory_space<vmem>>, vector<1x1x16xf32>,
        %get3A_2086 = arith.constant 1 : i32
        %get3A_2087 = arith.constant 0 : i32
        %get3A_2088 = arith.index_cast %get3A_2086 : i32 to index
        %get3A_2089 = arith.index_cast %get3A_2087 : i32 to index
        %get3A_2090 = arith.constant 16 : index
        %get3A_2091 = tpu.vector_load %arg10[%get3A_2088, %get3A_2089, %get3A_2090] {strides = array<i32>} : memref<2x16x128xf32, #tpu.memory_space<vmem>>, vector<1x1x16xf32>,
        %get3A_2092 = vector.shape_cast %get3A_2091 : vector<1x1x16xf32> to vector<16xf32>
        %swap3A_2093 = arith.constant 1 : i32
        %swap3A_2094 = arith.constant 1 : i32
        %swap3A_2095 = arith.index_cast %swap3A_2093 : i32 to index
        %swap3A_2096 = arith.index_cast %swap3A_2094 : i32 to index
        %swap3A_2097 = arith.constant 0 : index
        %swap3A_2098 = tpu.vector_load %arg9[%swap3A_2095, %swap3A_2096, %swap3A_2097] {strides = array<i32>} : memref<2x128x128xf32, #tpu.memory_space<vmem>>, vector<1x1x16xf32>,
        %swap3A_2099 = vector.shape_cast %swap3A_2098 : vector<1x1x16xf32> to vector<16xf32>
        %swap3A_2100 = vector.shape_cast %get3A_2092 : vector<16xf32> to vector<1x1x16xf32>
        tpu.vector_store %arg9[%swap3A_2095, %swap3A_2096, %swap3A_2097], %swap3A_2100 {strides = array<i32>} : memref<2x128x128xf32, #tpu.memory_space<vmem>>, vector<1x1x16xf32>,
        %get3A_2101 = arith.constant 1 : i32
        %get3A_2102 = arith.constant 0 : i32
        %get3A_2103 = arith.index_cast %get3A_2101 : i32 to index
        %get3A_2104 = arith.index_cast %get3A_2102 : i32 to index
        %get3A_2105 = arith.constant 32 : index
        %get3A_2106 = tpu.vector_load %arg10[%get3A_2103, %get3A_2104, %get3A_2105] {strides = array<i32>} : memref<2x16x128xf32, #tpu.memory_space<vmem>>, vector<1x1x16xf32>,
        %get3A_2107 = vector.shape_cast %get3A_2106 : vector<1x1x16xf32> to vector<16xf32>
        %swap3A_2108 = arith.constant 1 : i32
        %swap3A_2109 = arith.constant 2 : i32
        %swap3A_2110 = arith.index_cast %swap3A_2108 : i32 to index
        %swap3A_2111 = arith.index_cast %swap3A_2109 : i32 to index
        %swap3A_2112 = arith.constant 0 : index
        %swap3A_2113 = tpu.vector_load %arg9[%swap3A_2110, %swap3A_2111, %swap3A_2112] {strides = array<i32>} : memref<2x128x128xf32, #tpu.memory_space<vmem>>, vector<1x1x16xf32>,
        %swap3A_2114 = vector.shape_cast %swap3A_2113 : vector<1x1x16xf32> to vector<16xf32>
        %swap3A_2115 = vector.shape_cast %get3A_2107 : vector<16xf32> to vector<1x1x16xf32>
        tpu.vector_store %arg9[%swap3A_2110, %swap3A_2111, %swap3A_2112], %swap3A_2115 {strides = array<i32>} : memref<2x128x128xf32, #tpu.memory_space<vmem>>, vector<1x1x16xf32>,
        %get3A_2116 = arith.constant 1 : i32
        %get3A_2117 = arith.constant 0 : i32
        %get3A_2118 = arith.index_cast %get3A_2116 : i32 to index
        %get3A_2119 = arith.index_cast %get3A_2117 : i32 to index
        %get3A_2120 = arith.constant 48 : index
        %get3A_2121 = tpu.vector_load %arg10[%get3A_2118, %get3A_2119, %get3A_2120] {strides = array<i32>} : memref<2x16x128xf32, #tpu.memory_space<vmem>>, vector<1x1x16xf32>,
        %get3A_2122 = vector.shape_cast %get3A_2121 : vector<1x1x16xf32> to vector<16xf32>
        %swap3A_2123 = arith.constant 1 : i32
        %swap3A_2124 = arith.constant 3 : i32
        %swap3A_2125 = arith.index_cast %swap3A_2123 : i32 to index
        %swap3A_2126 = arith.index_cast %swap3A_2124 : i32 to index
        %swap3A_2127 = arith.constant 0 : index
        %swap3A_2128 = tpu.vector_load %arg9[%swap3A_2125, %swap3A_2126, %swap3A_2127] {strides = array<i32>} : memref<2x128x128xf32, #tpu.memory_space<vmem>>, vector<1x1x16xf32>,
        %swap3A_2129 = vector.shape_cast %swap3A_2128 : vector<1x1x16xf32> to vector<16xf32>
        %swap3A_2130 = vector.shape_cast %get3A_2122 : vector<16xf32> to vector<1x1x16xf32>
        tpu.vector_store %arg9[%swap3A_2125, %swap3A_2126, %swap3A_2127], %swap3A_2130 {strides = array<i32>} : memref<2x128x128xf32, #tpu.memory_space<vmem>>, vector<1x1x16xf32>,
        %get3A_2131 = arith.constant 1 : i32
        %get3A_2132 = arith.constant 0 : i32
        %get3A_2133 = arith.index_cast %get3A_2131 : i32 to index
        %get3A_2134 = arith.index_cast %get3A_2132 : i32 to index
        %get3A_2135 = arith.constant 64 : index
        %get3A_2136 = tpu.vector_load %arg10[%get3A_2133, %get3A_2134, %get3A_2135] {strides = array<i32>} : memref<2x16x128xf32, #tpu.memory_space<vmem>>, vector<1x1x16xf32>,
        %get3A_2137 = vector.shape_cast %get3A_2136 : vector<1x1x16xf32> to vector<16xf32>
        %swap3A_2138 = arith.constant 1 : i32
        %swap3A_2139 = arith.constant 4 : i32
        %swap3A_2140 = arith.index_cast %swap3A_2138 : i32 to index
        %swap3A_2141 = arith.index_cast %swap3A_2139 : i32 to index
        %swap3A_2142 = arith.constant 0 : index
        %swap3A_2143 = tpu.vector_load %arg9[%swap3A_2140, %swap3A_2141, %swap3A_2142] {strides = array<i32>} : memref<2x128x128xf32, #tpu.memory_space<vmem>>, vector<1x1x16xf32>,
        %swap3A_2144 = vector.shape_cast %swap3A_2143 : vector<1x1x16xf32> to vector<16xf32>
        %swap3A_2145 = vector.shape_cast %get3A_2137 : vector<16xf32> to vector<1x1x16xf32>
        tpu.vector_store %arg9[%swap3A_2140, %swap3A_2141, %swap3A_2142], %swap3A_2145 {strides = array<i32>} : memref<2x128x128xf32, #tpu.memory_space<vmem>>, vector<1x1x16xf32>,
        %get3A_2146 = arith.constant 1 : i32
        %get3A_2147 = arith.constant 0 : i32
        %get3A_2148 = arith.index_cast %get3A_2146 : i32 to index
        %get3A_2149 = arith.index_cast %get3A_2147 : i32 to index
        %get3A_2150 = arith.constant 80 : index
        %get3A_2151 = tpu.vector_load %arg10[%get3A_2148, %get3A_2149, %get3A_2150] {strides = array<i32>} : memref<2x16x128xf32, #tpu.memory_space<vmem>>, vector<1x1x16xf32>,
        %get3A_2152 = vector.shape_cast %get3A_2151 : vector<1x1x16xf32> to vector<16xf32>
        %swap3A_2153 = arith.constant 1 : i32
        %swap3A_2154 = arith.constant 5 : i32
        %swap3A_2155 = arith.index_cast %swap3A_2153 : i32 to index
        %swap3A_2156 = arith.index_cast %swap3A_2154 : i32 to index
        %swap3A_2157 = arith.constant 0 : index
        %swap3A_2158 = tpu.vector_load %arg9[%swap3A_2155, %swap3A_2156, %swap3A_2157] {strides = array<i32>} : memref<2x128x128xf32, #tpu.memory_space<vmem>>, vector<1x1x16xf32>,
        %swap3A_2159 = vector.shape_cast %swap3A_2158 : vector<1x1x16xf32> to vector<16xf32>
        %swap3A_2160 = vector.shape_cast %get3A_2152 : vector<16xf32> to vector<1x1x16xf32>
        tpu.vector_store %arg9[%swap3A_2155, %swap3A_2156, %swap3A_2157], %swap3A_2160 {strides = array<i32>} : memref<2x128x128xf32, #tpu.memory_space<vmem>>, vector<1x1x16xf32>,
        %get3A_2161 = arith.constant 1 : i32
        %get3A_2162 = arith.constant 0 : i32
        %get3A_2163 = arith.index_cast %get3A_2161 : i32 to index
        %get3A_2164 = arith.index_cast %get3A_2162 : i32 to index
        %get3A_2165 = arith.constant 96 : index
        %get3A_2166 = tpu.vector_load %arg10[%get3A_2163, %get3A_2164, %get3A_2165] {strides = array<i32>} : memref<2x16x128xf32, #tpu.memory_space<vmem>>, vector<1x1x16xf32>,
        %get3A_2167 = vector.shape_cast %get3A_2166 : vector<1x1x16xf32> to vector<16xf32>
        %swap3A_2168 = arith.constant 1 : i32
        %swap3A_2169 = arith.constant 6 : i32
        %swap3A_2170 = arith.index_cast %swap3A_2168 : i32 to index
        %swap3A_2171 = arith.index_cast %swap3A_2169 : i32 to index
        %swap3A_2172 = arith.constant 0 : index
        %swap3A_2173 = tpu.vector_load %arg9[%swap3A_2170, %swap3A_2171, %swap3A_2172] {strides = array<i32>} : memref<2x128x128xf32, #tpu.memory_space<vmem>>, vector<1x1x16xf32>,
        %swap3A_2174 = vector.shape_cast %swap3A_2173 : vector<1x1x16xf32> to vector<16xf32>
        %swap3A_2175 = vector.shape_cast %get3A_2167 : vector<16xf32> to vector<1x1x16xf32>
        tpu.vector_store %arg9[%swap3A_2170, %swap3A_2171, %swap3A_2172], %swap3A_2175 {strides = array<i32>} : memref<2x128x128xf32, #tpu.memory_space<vmem>>, vector<1x1x16xf32>,
        %get3A_2176 = arith.constant 1 : i32
        %get3A_2177 = arith.constant 0 : i32
        %get3A_2178 = arith.index_cast %get3A_2176 : i32 to index
        %get3A_2179 = arith.index_cast %get3A_2177 : i32 to index
        %get3A_2180 = arith.constant 112 : index
        %get3A_2181 = tpu.vector_load %arg10[%get3A_2178, %get3A_2179, %get3A_2180] {strides = array<i32>} : memref<2x16x128xf32, #tpu.memory_space<vmem>>, vector<1x1x16xf32>,
        %get3A_2182 = vector.shape_cast %get3A_2181 : vector<1x1x16xf32> to vector<16xf32>
        %swap3A_2183 = arith.constant 1 : i32
        %swap3A_2184 = arith.constant 7 : i32
        %swap3A_2185 = arith.index_cast %swap3A_2183 : i32 to index
        %swap3A_2186 = arith.index_cast %swap3A_2184 : i32 to index
        %swap3A_2187 = arith.constant 0 : index
        %swap3A_2188 = tpu.vector_load %arg9[%swap3A_2185, %swap3A_2186, %swap3A_2187] {strides = array<i32>} : memref<2x128x128xf32, #tpu.memory_space<vmem>>, vector<1x1x16xf32>,
        %swap3A_2189 = vector.shape_cast %swap3A_2188 : vector<1x1x16xf32> to vector<16xf32>
        %swap3A_2190 = vector.shape_cast %get3A_2182 : vector<16xf32> to vector<1x1x16xf32>
        tpu.vector_store %arg9[%swap3A_2185, %swap3A_2186, %swap3A_2187], %swap3A_2190 {strides = array<i32>} : memref<2x128x128xf32, #tpu.memory_space<vmem>>, vector<1x1x16xf32>,
        %get3A_2191 = arith.constant 1 : i32
        %get3A_2192 = arith.constant 1 : i32
        %get3A_2193 = arith.index_cast %get3A_2191 : i32 to index
        %get3A_2194 = arith.index_cast %get3A_2192 : i32 to index
        %get3A_2195 = arith.constant 0 : index
        %get3A_2196 = tpu.vector_load %arg10[%get3A_2193, %get3A_2194, %get3A_2195] {strides = array<i32>} : memref<2x16x128xf32, #tpu.memory_space<vmem>>, vector<1x1x16xf32>,
        %get3A_2197 = vector.shape_cast %get3A_2196 : vector<1x1x16xf32> to vector<16xf32>
        %swap3A_2198 = arith.constant 1 : i32
        %swap3A_2199 = arith.constant 8 : i32
        %swap3A_2200 = arith.index_cast %swap3A_2198 : i32 to index
        %swap3A_2201 = arith.index_cast %swap3A_2199 : i32 to index
        %swap3A_2202 = arith.constant 0 : index
        %swap3A_2203 = tpu.vector_load %arg9[%swap3A_2200, %swap3A_2201, %swap3A_2202] {strides = array<i32>} : memref<2x128x128xf32, #tpu.memory_space<vmem>>, vector<1x1x16xf32>,
        %swap3A_2204 = vector.shape_cast %swap3A_2203 : vector<1x1x16xf32> to vector<16xf32>
        %swap3A_2205 = vector.shape_cast %get3A_2197 : vector<16xf32> to vector<1x1x16xf32>
        tpu.vector_store %arg9[%swap3A_2200, %swap3A_2201, %swap3A_2202], %swap3A_2205 {strides = array<i32>} : memref<2x128x128xf32, #tpu.memory_space<vmem>>, vector<1x1x16xf32>,
        %get3A_2206 = arith.constant 1 : i32
        %get3A_2207 = arith.constant 1 : i32
        %get3A_2208 = arith.index_cast %get3A_2206 : i32 to index
        %get3A_2209 = arith.index_cast %get3A_2207 : i32 to index
        %get3A_2210 = arith.constant 16 : index
        %get3A_2211 = tpu.vector_load %arg10[%get3A_2208, %get3A_2209, %get3A_2210] {strides = array<i32>} : memref<2x16x128xf32, #tpu.memory_space<vmem>>, vector<1x1x16xf32>,
        %get3A_2212 = vector.shape_cast %get3A_2211 : vector<1x1x16xf32> to vector<16xf32>
        %swap3A_2213 = arith.constant 1 : i32
        %swap3A_2214 = arith.constant 9 : i32
        %swap3A_2215 = arith.index_cast %swap3A_2213 : i32 to index
        %swap3A_2216 = arith.index_cast %swap3A_2214 : i32 to index
        %swap3A_2217 = arith.constant 0 : index
        %swap3A_2218 = tpu.vector_load %arg9[%swap3A_2215, %swap3A_2216, %swap3A_2217] {strides = array<i32>} : memref<2x128x128xf32, #tpu.memory_space<vmem>>, vector<1x1x16xf32>,
        %swap3A_2219 = vector.shape_cast %swap3A_2218 : vector<1x1x16xf32> to vector<16xf32>
        %swap3A_2220 = vector.shape_cast %get3A_2212 : vector<16xf32> to vector<1x1x16xf32>
        tpu.vector_store %arg9[%swap3A_2215, %swap3A_2216, %swap3A_2217], %swap3A_2220 {strides = array<i32>} : memref<2x128x128xf32, #tpu.memory_space<vmem>>, vector<1x1x16xf32>,
        %get3A_2221 = arith.constant 1 : i32
        %get3A_2222 = arith.constant 1 : i32
        %get3A_2223 = arith.index_cast %get3A_2221 : i32 to index
        %get3A_2224 = arith.index_cast %get3A_2222 : i32 to index
        %get3A_2225 = arith.constant 32 : index
        %get3A_2226 = tpu.vector_load %arg10[%get3A_2223, %get3A_2224, %get3A_2225] {strides = array<i32>} : memref<2x16x128xf32, #tpu.memory_space<vmem>>, vector<1x1x16xf32>,
        %get3A_2227 = vector.shape_cast %get3A_2226 : vector<1x1x16xf32> to vector<16xf32>
        %swap3A_2228 = arith.constant 1 : i32
        %swap3A_2229 = arith.constant 10 : i32
        %swap3A_2230 = arith.index_cast %swap3A_2228 : i32 to index
        %swap3A_2231 = arith.index_cast %swap3A_2229 : i32 to index
        %swap3A_2232 = arith.constant 0 : index
        %swap3A_2233 = tpu.vector_load %arg9[%swap3A_2230, %swap3A_2231, %swap3A_2232] {strides = array<i32>} : memref<2x128x128xf32, #tpu.memory_space<vmem>>, vector<1x1x16xf32>,
        %swap3A_2234 = vector.shape_cast %swap3A_2233 : vector<1x1x16xf32> to vector<16xf32>
        %swap3A_2235 = vector.shape_cast %get3A_2227 : vector<16xf32> to vector<1x1x16xf32>
        tpu.vector_store %arg9[%swap3A_2230, %swap3A_2231, %swap3A_2232], %swap3A_2235 {strides = array<i32>} : memref<2x128x128xf32, #tpu.memory_space<vmem>>, vector<1x1x16xf32>,
        %get3A_2236 = arith.constant 1 : i32
        %get3A_2237 = arith.constant 1 : i32
        %get3A_2238 = arith.index_cast %get3A_2236 : i32 to index
        %get3A_2239 = arith.index_cast %get3A_2237 : i32 to index
        %get3A_2240 = arith.constant 48 : index
        %get3A_2241 = tpu.vector_load %arg10[%get3A_2238, %get3A_2239, %get3A_2240] {strides = array<i32>} : memref<2x16x128xf32, #tpu.memory_space<vmem>>, vector<1x1x16xf32>,
        %get3A_2242 = vector.shape_cast %get3A_2241 : vector<1x1x16xf32> to vector<16xf32>
        %swap3A_2243 = arith.constant 1 : i32
        %swap3A_2244 = arith.constant 11 : i32
        %swap3A_2245 = arith.index_cast %swap3A_2243 : i32 to index
        %swap3A_2246 = arith.index_cast %swap3A_2244 : i32 to index
        %swap3A_2247 = arith.constant 0 : index
        %swap3A_2248 = tpu.vector_load %arg9[%swap3A_2245, %swap3A_2246, %swap3A_2247] {strides = array<i32>} : memref<2x128x128xf32, #tpu.memory_space<vmem>>, vector<1x1x16xf32>,
        %swap3A_2249 = vector.shape_cast %swap3A_2248 : vector<1x1x16xf32> to vector<16xf32>
        %swap3A_2250 = vector.shape_cast %get3A_2242 : vector<16xf32> to vector<1x1x16xf32>
        tpu.vector_store %arg9[%swap3A_2245, %swap3A_2246, %swap3A_2247], %swap3A_2250 {strides = array<i32>} : memref<2x128x128xf32, #tpu.memory_space<vmem>>, vector<1x1x16xf32>,
        %get3A_2251 = arith.constant 1 : i32
        %get3A_2252 = arith.constant 1 : i32
        %get3A_2253 = arith.index_cast %get3A_2251 : i32 to index
        %get3A_2254 = arith.index_cast %get3A_2252 : i32 to index
        %get3A_2255 = arith.constant 64 : index
        %get3A_2256 = tpu.vector_load %arg10[%get3A_2253, %get3A_2254, %get3A_2255] {strides = array<i32>} : memref<2x16x128xf32, #tpu.memory_space<vmem>>, vector<1x1x16xf32>,
        %get3A_2257 = vector.shape_cast %get3A_2256 : vector<1x1x16xf32> to vector<16xf32>
        %swap3A_2258 = arith.constant 1 : i32
        %swap3A_2259 = arith.constant 12 : i32
        %swap3A_2260 = arith.index_cast %swap3A_2258 : i32 to index
        %swap3A_2261 = arith.index_cast %swap3A_2259 : i32 to index
        %swap3A_2262 = arith.constant 0 : index
        %swap3A_2263 = tpu.vector_load %arg9[%swap3A_2260, %swap3A_2261, %swap3A_2262] {strides = array<i32>} : memref<2x128x128xf32, #tpu.memory_space<vmem>>, vector<1x1x16xf32>,
        %swap3A_2264 = vector.shape_cast %swap3A_2263 : vector<1x1x16xf32> to vector<16xf32>
        %swap3A_2265 = vector.shape_cast %get3A_2257 : vector<16xf32> to vector<1x1x16xf32>
        tpu.vector_store %arg9[%swap3A_2260, %swap3A_2261, %swap3A_2262], %swap3A_2265 {strides = array<i32>} : memref<2x128x128xf32, #tpu.memory_space<vmem>>, vector<1x1x16xf32>,
        %get3A_2266 = arith.constant 1 : i32
        %get3A_2267 = arith.constant 1 : i32
        %get3A_2268 = arith.index_cast %get3A_2266 : i32 to index
        %get3A_2269 = arith.index_cast %get3A_2267 : i32 to index
        %get3A_2270 = arith.constant 80 : index
        %get3A_2271 = tpu.vector_load %arg10[%get3A_2268, %get3A_2269, %get3A_2270] {strides = array<i32>} : memref<2x16x128xf32, #tpu.memory_space<vmem>>, vector<1x1x16xf32>,
        %get3A_2272 = vector.shape_cast %get3A_2271 : vector<1x1x16xf32> to vector<16xf32>
        %swap3A_2273 = arith.constant 1 : i32
        %swap3A_2274 = arith.constant 13 : i32
        %swap3A_2275 = arith.index_cast %swap3A_2273 : i32 to index
        %swap3A_2276 = arith.index_cast %swap3A_2274 : i32 to index
        %swap3A_2277 = arith.constant 0 : index
        %swap3A_2278 = tpu.vector_load %arg9[%swap3A_2275, %swap3A_2276, %swap3A_2277] {strides = array<i32>} : memref<2x128x128xf32, #tpu.memory_space<vmem>>, vector<1x1x16xf32>,
        %swap3A_2279 = vector.shape_cast %swap3A_2278 : vector<1x1x16xf32> to vector<16xf32>
        %swap3A_2280 = vector.shape_cast %get3A_2272 : vector<16xf32> to vector<1x1x16xf32>
        tpu.vector_store %arg9[%swap3A_2275, %swap3A_2276, %swap3A_2277], %swap3A_2280 {strides = array<i32>} : memref<2x128x128xf32, #tpu.memory_space<vmem>>, vector<1x1x16xf32>,
        %get3A_2281 = arith.constant 1 : i32
        %get3A_2282 = arith.constant 1 : i32
        %get3A_2283 = arith.index_cast %get3A_2281 : i32 to index
        %get3A_2284 = arith.index_cast %get3A_2282 : i32 to index
        %get3A_2285 = arith.constant 96 : index
        %get3A_2286 = tpu.vector_load %arg10[%get3A_2283, %get3A_2284, %get3A_2285] {strides = array<i32>} : memref<2x16x128xf32, #tpu.memory_space<vmem>>, vector<1x1x16xf32>,
        %get3A_2287 = vector.shape_cast %get3A_2286 : vector<1x1x16xf32> to vector<16xf32>
        %swap3A_2288 = arith.constant 1 : i32
        %swap3A_2289 = arith.constant 14 : i32
        %swap3A_2290 = arith.index_cast %swap3A_2288 : i32 to index
        %swap3A_2291 = arith.index_cast %swap3A_2289 : i32 to index
        %swap3A_2292 = arith.constant 0 : index
        %swap3A_2293 = tpu.vector_load %arg9[%swap3A_2290, %swap3A_2291, %swap3A_2292] {strides = array<i32>} : memref<2x128x128xf32, #tpu.memory_space<vmem>>, vector<1x1x16xf32>,
        %swap3A_2294 = vector.shape_cast %swap3A_2293 : vector<1x1x16xf32> to vector<16xf32>
        %swap3A_2295 = vector.shape_cast %get3A_2287 : vector<16xf32> to vector<1x1x16xf32>
        tpu.vector_store %arg9[%swap3A_2290, %swap3A_2291, %swap3A_2292], %swap3A_2295 {strides = array<i32>} : memref<2x128x128xf32, #tpu.memory_space<vmem>>, vector<1x1x16xf32>,
        %get3A_2296 = arith.constant 1 : i32
        %get3A_2297 = arith.constant 1 : i32
        %get3A_2298 = arith.index_cast %get3A_2296 : i32 to index
        %get3A_2299 = arith.index_cast %get3A_2297 : i32 to index
        %get3A_2300 = arith.constant 112 : index
        %get3A_2301 = tpu.vector_load %arg10[%get3A_2298, %get3A_2299, %get3A_2300] {strides = array<i32>} : memref<2x16x128xf32, #tpu.memory_space<vmem>>, vector<1x1x16xf32>,
        %get3A_2302 = vector.shape_cast %get3A_2301 : vector<1x1x16xf32> to vector<16xf32>
        %swap3A_2303 = arith.constant 1 : i32
        %swap3A_2304 = arith.constant 15 : i32
        %swap3A_2305 = arith.index_cast %swap3A_2303 : i32 to index
        %swap3A_2306 = arith.index_cast %swap3A_2304 : i32 to index
        %swap3A_2307 = arith.constant 0 : index
        %swap3A_2308 = tpu.vector_load %arg9[%swap3A_2305, %swap3A_2306, %swap3A_2307] {strides = array<i32>} : memref<2x128x128xf32, #tpu.memory_space<vmem>>, vector<1x1x16xf32>,
        %swap3A_2309 = vector.shape_cast %swap3A_2308 : vector<1x1x16xf32> to vector<16xf32>
        %swap3A_2310 = vector.shape_cast %get3A_2302 : vector<16xf32> to vector<1x1x16xf32>
        tpu.vector_store %arg9[%swap3A_2305, %swap3A_2306, %swap3A_2307], %swap3A_2310 {strides = array<i32>} : memref<2x128x128xf32, #tpu.memory_space<vmem>>, vector<1x1x16xf32>,
        %get3A_2311 = arith.constant 1 : i32
        %get3A_2312 = arith.constant 2 : i32
        %get3A_2313 = arith.index_cast %get3A_2311 : i32 to index
        %get3A_2314 = arith.index_cast %get3A_2312 : i32 to index
        %get3A_2315 = arith.constant 0 : index
        %get3A_2316 = tpu.vector_load %arg10[%get3A_2313, %get3A_2314, %get3A_2315] {strides = array<i32>} : memref<2x16x128xf32, #tpu.memory_space<vmem>>, vector<1x1x16xf32>,
        %get3A_2317 = vector.shape_cast %get3A_2316 : vector<1x1x16xf32> to vector<16xf32>
        %swap3A_2318 = arith.constant 1 : i32
        %swap3A_2319 = arith.constant 16 : i32
        %swap3A_2320 = arith.index_cast %swap3A_2318 : i32 to index
        %swap3A_2321 = arith.index_cast %swap3A_2319 : i32 to index
        %swap3A_2322 = arith.constant 0 : index
        %swap3A_2323 = tpu.vector_load %arg9[%swap3A_2320, %swap3A_2321, %swap3A_2322] {strides = array<i32>} : memref<2x128x128xf32, #tpu.memory_space<vmem>>, vector<1x1x16xf32>,
        %swap3A_2324 = vector.shape_cast %swap3A_2323 : vector<1x1x16xf32> to vector<16xf32>
        %swap3A_2325 = vector.shape_cast %get3A_2317 : vector<16xf32> to vector<1x1x16xf32>
        tpu.vector_store %arg9[%swap3A_2320, %swap3A_2321, %swap3A_2322], %swap3A_2325 {strides = array<i32>} : memref<2x128x128xf32, #tpu.memory_space<vmem>>, vector<1x1x16xf32>,
        %get3A_2326 = arith.constant 1 : i32
        %get3A_2327 = arith.constant 2 : i32
        %get3A_2328 = arith.index_cast %get3A_2326 : i32 to index
        %get3A_2329 = arith.index_cast %get3A_2327 : i32 to index
        %get3A_2330 = arith.constant 16 : index
        %get3A_2331 = tpu.vector_load %arg10[%get3A_2328, %get3A_2329, %get3A_2330] {strides = array<i32>} : memref<2x16x128xf32, #tpu.memory_space<vmem>>, vector<1x1x16xf32>,
        %get3A_2332 = vector.shape_cast %get3A_2331 : vector<1x1x16xf32> to vector<16xf32>
        %swap3A_2333 = arith.constant 1 : i32
        %swap3A_2334 = arith.constant 17 : i32
        %swap3A_2335 = arith.index_cast %swap3A_2333 : i32 to index
        %swap3A_2336 = arith.index_cast %swap3A_2334 : i32 to index
        %swap3A_2337 = arith.constant 0 : index
        %swap3A_2338 = tpu.vector_load %arg9[%swap3A_2335, %swap3A_2336, %swap3A_2337] {strides = array<i32>} : memref<2x128x128xf32, #tpu.memory_space<vmem>>, vector<1x1x16xf32>,
        %swap3A_2339 = vector.shape_cast %swap3A_2338 : vector<1x1x16xf32> to vector<16xf32>
        %swap3A_2340 = vector.shape_cast %get3A_2332 : vector<16xf32> to vector<1x1x16xf32>
        tpu.vector_store %arg9[%swap3A_2335, %swap3A_2336, %swap3A_2337], %swap3A_2340 {strides = array<i32>} : memref<2x128x128xf32, #tpu.memory_space<vmem>>, vector<1x1x16xf32>,
        %get3A_2341 = arith.constant 1 : i32
        %get3A_2342 = arith.constant 2 : i32
        %get3A_2343 = arith.index_cast %get3A_2341 : i32 to index
        %get3A_2344 = arith.index_cast %get3A_2342 : i32 to index
        %get3A_2345 = arith.constant 32 : index
        %get3A_2346 = tpu.vector_load %arg10[%get3A_2343, %get3A_2344, %get3A_2345] {strides = array<i32>} : memref<2x16x128xf32, #tpu.memory_space<vmem>>, vector<1x1x16xf32>,
        %get3A_2347 = vector.shape_cast %get3A_2346 : vector<1x1x16xf32> to vector<16xf32>
        %swap3A_2348 = arith.constant 1 : i32
        %swap3A_2349 = arith.constant 18 : i32
        %swap3A_2350 = arith.index_cast %swap3A_2348 : i32 to index
        %swap3A_2351 = arith.index_cast %swap3A_2349 : i32 to index
        %swap3A_2352 = arith.constant 0 : index
        %swap3A_2353 = tpu.vector_load %arg9[%swap3A_2350, %swap3A_2351, %swap3A_2352] {strides = array<i32>} : memref<2x128x128xf32, #tpu.memory_space<vmem>>, vector<1x1x16xf32>,
        %swap3A_2354 = vector.shape_cast %swap3A_2353 : vector<1x1x16xf32> to vector<16xf32>
        %swap3A_2355 = vector.shape_cast %get3A_2347 : vector<16xf32> to vector<1x1x16xf32>
        tpu.vector_store %arg9[%swap3A_2350, %swap3A_2351, %swap3A_2352], %swap3A_2355 {strides = array<i32>} : memref<2x128x128xf32, #tpu.memory_space<vmem>>, vector<1x1x16xf32>,
        %get3A_2356 = arith.constant 1 : i32
        %get3A_2357 = arith.constant 2 : i32
        %get3A_2358 = arith.index_cast %get3A_2356 : i32 to index
        %get3A_2359 = arith.index_cast %get3A_2357 : i32 to index
        %get3A_2360 = arith.constant 48 : index
        %get3A_2361 = tpu.vector_load %arg10[%get3A_2358, %get3A_2359, %get3A_2360] {strides = array<i32>} : memref<2x16x128xf32, #tpu.memory_space<vmem>>, vector<1x1x16xf32>,
        %get3A_2362 = vector.shape_cast %get3A_2361 : vector<1x1x16xf32> to vector<16xf32>
        %swap3A_2363 = arith.constant 1 : i32
        %swap3A_2364 = arith.constant 19 : i32
        %swap3A_2365 = arith.index_cast %swap3A_2363 : i32 to index
        %swap3A_2366 = arith.index_cast %swap3A_2364 : i32 to index
        %swap3A_2367 = arith.constant 0 : index
        %swap3A_2368 = tpu.vector_load %arg9[%swap3A_2365, %swap3A_2366, %swap3A_2367] {strides = array<i32>} : memref<2x128x128xf32, #tpu.memory_space<vmem>>, vector<1x1x16xf32>,
        %swap3A_2369 = vector.shape_cast %swap3A_2368 : vector<1x1x16xf32> to vector<16xf32>
        %swap3A_2370 = vector.shape_cast %get3A_2362 : vector<16xf32> to vector<1x1x16xf32>
        tpu.vector_store %arg9[%swap3A_2365, %swap3A_2366, %swap3A_2367], %swap3A_2370 {strides = array<i32>} : memref<2x128x128xf32, #tpu.memory_space<vmem>>, vector<1x1x16xf32>,
        %get3A_2371 = arith.constant 1 : i32
        %get3A_2372 = arith.constant 2 : i32
        %get3A_2373 = arith.index_cast %get3A_2371 : i32 to index
        %get3A_2374 = arith.index_cast %get3A_2372 : i32 to index
        %get3A_2375 = arith.constant 64 : index
        %get3A_2376 = tpu.vector_load %arg10[%get3A_2373, %get3A_2374, %get3A_2375] {strides = array<i32>} : memref<2x16x128xf32, #tpu.memory_space<vmem>>, vector<1x1x16xf32>,
        %get3A_2377 = vector.shape_cast %get3A_2376 : vector<1x1x16xf32> to vector<16xf32>
        %swap3A_2378 = arith.constant 1 : i32
        %swap3A_2379 = arith.constant 20 : i32
        %swap3A_2380 = arith.index_cast %swap3A_2378 : i32 to index
        %swap3A_2381 = arith.index_cast %swap3A_2379 : i32 to index
        %swap3A_2382 = arith.constant 0 : index
        %swap3A_2383 = tpu.vector_load %arg9[%swap3A_2380, %swap3A_2381, %swap3A_2382] {strides = array<i32>} : memref<2x128x128xf32, #tpu.memory_space<vmem>>, vector<1x1x16xf32>,
        %swap3A_2384 = vector.shape_cast %swap3A_2383 : vector<1x1x16xf32> to vector<16xf32>
        %swap3A_2385 = vector.shape_cast %get3A_2377 : vector<16xf32> to vector<1x1x16xf32>
        tpu.vector_store %arg9[%swap3A_2380, %swap3A_2381, %swap3A_2382], %swap3A_2385 {strides = array<i32>} : memref<2x128x128xf32, #tpu.memory_space<vmem>>, vector<1x1x16xf32>,
        %get3A_2386 = arith.constant 1 : i32
        %get3A_2387 = arith.constant 2 : i32
        %get3A_2388 = arith.index_cast %get3A_2386 : i32 to index
        %get3A_2389 = arith.index_cast %get3A_2387 : i32 to index
        %get3A_2390 = arith.constant 80 : index
        %get3A_2391 = tpu.vector_load %arg10[%get3A_2388, %get3A_2389, %get3A_2390] {strides = array<i32>} : memref<2x16x128xf32, #tpu.memory_space<vmem>>, vector<1x1x16xf32>,
        %get3A_2392 = vector.shape_cast %get3A_2391 : vector<1x1x16xf32> to vector<16xf32>
        %swap3A_2393 = arith.constant 1 : i32
        %swap3A_2394 = arith.constant 21 : i32
        %swap3A_2395 = arith.index_cast %swap3A_2393 : i32 to index
        %swap3A_2396 = arith.index_cast %swap3A_2394 : i32 to index
        %swap3A_2397 = arith.constant 0 : index
        %swap3A_2398 = tpu.vector_load %arg9[%swap3A_2395, %swap3A_2396, %swap3A_2397] {strides = array<i32>} : memref<2x128x128xf32, #tpu.memory_space<vmem>>, vector<1x1x16xf32>,
        %swap3A_2399 = vector.shape_cast %swap3A_2398 : vector<1x1x16xf32> to vector<16xf32>
        %swap3A_2400 = vector.shape_cast %get3A_2392 : vector<16xf32> to vector<1x1x16xf32>
        tpu.vector_store %arg9[%swap3A_2395, %swap3A_2396, %swap3A_2397], %swap3A_2400 {strides = array<i32>} : memref<2x128x128xf32, #tpu.memory_space<vmem>>, vector<1x1x16xf32>,
        %get3A_2401 = arith.constant 1 : i32
        %get3A_2402 = arith.constant 2 : i32
        %get3A_2403 = arith.index_cast %get3A_2401 : i32 to index
        %get3A_2404 = arith.index_cast %get3A_2402 : i32 to index
        %get3A_2405 = arith.constant 96 : index
        %get3A_2406 = tpu.vector_load %arg10[%get3A_2403, %get3A_2404, %get3A_2405] {strides = array<i32>} : memref<2x16x128xf32, #tpu.memory_space<vmem>>, vector<1x1x16xf32>,
        %get3A_2407 = vector.shape_cast %get3A_2406 : vector<1x1x16xf32> to vector<16xf32>
        %swap3A_2408 = arith.constant 1 : i32
        %swap3A_2409 = arith.constant 22 : i32
        %swap3A_2410 = arith.index_cast %swap3A_2408 : i32 to index
        %swap3A_2411 = arith.index_cast %swap3A_2409 : i32 to index
        %swap3A_2412 = arith.constant 0 : index
        %swap3A_2413 = tpu.vector_load %arg9[%swap3A_2410, %swap3A_2411, %swap3A_2412] {strides = array<i32>} : memref<2x128x128xf32, #tpu.memory_space<vmem>>, vector<1x1x16xf32>,
        %swap3A_2414 = vector.shape_cast %swap3A_2413 : vector<1x1x16xf32> to vector<16xf32>
        %swap3A_2415 = vector.shape_cast %get3A_2407 : vector<16xf32> to vector<1x1x16xf32>
        tpu.vector_store %arg9[%swap3A_2410, %swap3A_2411, %swap3A_2412], %swap3A_2415 {strides = array<i32>} : memref<2x128x128xf32, #tpu.memory_space<vmem>>, vector<1x1x16xf32>,
        %get3A_2416 = arith.constant 1 : i32
        %get3A_2417 = arith.constant 2 : i32
        %get3A_2418 = arith.index_cast %get3A_2416 : i32 to index
        %get3A_2419 = arith.index_cast %get3A_2417 : i32 to index
        %get3A_2420 = arith.constant 112 : index
        %get3A_2421 = tpu.vector_load %arg10[%get3A_2418, %get3A_2419, %get3A_2420] {strides = array<i32>} : memref<2x16x128xf32, #tpu.memory_space<vmem>>, vector<1x1x16xf32>,
        %get3A_2422 = vector.shape_cast %get3A_2421 : vector<1x1x16xf32> to vector<16xf32>
        %swap3A_2423 = arith.constant 1 : i32
        %swap3A_2424 = arith.constant 23 : i32
        %swap3A_2425 = arith.index_cast %swap3A_2423 : i32 to index
        %swap3A_2426 = arith.index_cast %swap3A_2424 : i32 to index
        %swap3A_2427 = arith.constant 0 : index
        %swap3A_2428 = tpu.vector_load %arg9[%swap3A_2425, %swap3A_2426, %swap3A_2427] {strides = array<i32>} : memref<2x128x128xf32, #tpu.memory_space<vmem>>, vector<1x1x16xf32>,
        %swap3A_2429 = vector.shape_cast %swap3A_2428 : vector<1x1x16xf32> to vector<16xf32>
        %swap3A_2430 = vector.shape_cast %get3A_2422 : vector<16xf32> to vector<1x1x16xf32>
        tpu.vector_store %arg9[%swap3A_2425, %swap3A_2426, %swap3A_2427], %swap3A_2430 {strides = array<i32>} : memref<2x128x128xf32, #tpu.memory_space<vmem>>, vector<1x1x16xf32>,
        %get3A_2431 = arith.constant 1 : i32
        %get3A_2432 = arith.constant 3 : i32
        %get3A_2433 = arith.index_cast %get3A_2431 : i32 to index
        %get3A_2434 = arith.index_cast %get3A_2432 : i32 to index
        %get3A_2435 = arith.constant 0 : index
        %get3A_2436 = tpu.vector_load %arg10[%get3A_2433, %get3A_2434, %get3A_2435] {strides = array<i32>} : memref<2x16x128xf32, #tpu.memory_space<vmem>>, vector<1x1x16xf32>,
        %get3A_2437 = vector.shape_cast %get3A_2436 : vector<1x1x16xf32> to vector<16xf32>
        %swap3A_2438 = arith.constant 1 : i32
        %swap3A_2439 = arith.constant 24 : i32
        %swap3A_2440 = arith.index_cast %swap3A_2438 : i32 to index
        %swap3A_2441 = arith.index_cast %swap3A_2439 : i32 to index
        %swap3A_2442 = arith.constant 0 : index
        %swap3A_2443 = tpu.vector_load %arg9[%swap3A_2440, %swap3A_2441, %swap3A_2442] {strides = array<i32>} : memref<2x128x128xf32, #tpu.memory_space<vmem>>, vector<1x1x16xf32>,
        %swap3A_2444 = vector.shape_cast %swap3A_2443 : vector<1x1x16xf32> to vector<16xf32>
        %swap3A_2445 = vector.shape_cast %get3A_2437 : vector<16xf32> to vector<1x1x16xf32>
        tpu.vector_store %arg9[%swap3A_2440, %swap3A_2441, %swap3A_2442], %swap3A_2445 {strides = array<i32>} : memref<2x128x128xf32, #tpu.memory_space<vmem>>, vector<1x1x16xf32>,
        %get3A_2446 = arith.constant 1 : i32
        %get3A_2447 = arith.constant 3 : i32
        %get3A_2448 = arith.index_cast %get3A_2446 : i32 to index
        %get3A_2449 = arith.index_cast %get3A_2447 : i32 to index
        %get3A_2450 = arith.constant 16 : index
        %get3A_2451 = tpu.vector_load %arg10[%get3A_2448, %get3A_2449, %get3A_2450] {strides = array<i32>} : memref<2x16x128xf32, #tpu.memory_space<vmem>>, vector<1x1x16xf32>,
        %get3A_2452 = vector.shape_cast %get3A_2451 : vector<1x1x16xf32> to vector<16xf32>
        %swap3A_2453 = arith.constant 1 : i32
        %swap3A_2454 = arith.constant 25 : i32
        %swap3A_2455 = arith.index_cast %swap3A_2453 : i32 to index
        %swap3A_2456 = arith.index_cast %swap3A_2454 : i32 to index
        %swap3A_2457 = arith.constant 0 : index
        %swap3A_2458 = tpu.vector_load %arg9[%swap3A_2455, %swap3A_2456, %swap3A_2457] {strides = array<i32>} : memref<2x128x128xf32, #tpu.memory_space<vmem>>, vector<1x1x16xf32>,
        %swap3A_2459 = vector.shape_cast %swap3A_2458 : vector<1x1x16xf32> to vector<16xf32>
        %swap3A_2460 = vector.shape_cast %get3A_2452 : vector<16xf32> to vector<1x1x16xf32>
        tpu.vector_store %arg9[%swap3A_2455, %swap3A_2456, %swap3A_2457], %swap3A_2460 {strides = array<i32>} : memref<2x128x128xf32, #tpu.memory_space<vmem>>, vector<1x1x16xf32>,
        %get3A_2461 = arith.constant 1 : i32
        %get3A_2462 = arith.constant 3 : i32
        %get3A_2463 = arith.index_cast %get3A_2461 : i32 to index
        %get3A_2464 = arith.index_cast %get3A_2462 : i32 to index
        %get3A_2465 = arith.constant 32 : index
        %get3A_2466 = tpu.vector_load %arg10[%get3A_2463, %get3A_2464, %get3A_2465] {strides = array<i32>} : memref<2x16x128xf32, #tpu.memory_space<vmem>>, vector<1x1x16xf32>,
        %get3A_2467 = vector.shape_cast %get3A_2466 : vector<1x1x16xf32> to vector<16xf32>
        %swap3A_2468 = arith.constant 1 : i32
        %swap3A_2469 = arith.constant 26 : i32
        %swap3A_2470 = arith.index_cast %swap3A_2468 : i32 to index
        %swap3A_2471 = arith.index_cast %swap3A_2469 : i32 to index
        %swap3A_2472 = arith.constant 0 : index
        %swap3A_2473 = tpu.vector_load %arg9[%swap3A_2470, %swap3A_2471, %swap3A_2472] {strides = array<i32>} : memref<2x128x128xf32, #tpu.memory_space<vmem>>, vector<1x1x16xf32>,
        %swap3A_2474 = vector.shape_cast %swap3A_2473 : vector<1x1x16xf32> to vector<16xf32>
        %swap3A_2475 = vector.shape_cast %get3A_2467 : vector<16xf32> to vector<1x1x16xf32>
        tpu.vector_store %arg9[%swap3A_2470, %swap3A_2471, %swap3A_2472], %swap3A_2475 {strides = array<i32>} : memref<2x128x128xf32, #tpu.memory_space<vmem>>, vector<1x1x16xf32>,
        %get3A_2476 = arith.constant 1 : i32
        %get3A_2477 = arith.constant 3 : i32
        %get3A_2478 = arith.index_cast %get3A_2476 : i32 to index
        %get3A_2479 = arith.index_cast %get3A_2477 : i32 to index
        %get3A_2480 = arith.constant 48 : index
        %get3A_2481 = tpu.vector_load %arg10[%get3A_2478, %get3A_2479, %get3A_2480] {strides = array<i32>} : memref<2x16x128xf32, #tpu.memory_space<vmem>>, vector<1x1x16xf32>,
        %get3A_2482 = vector.shape_cast %get3A_2481 : vector<1x1x16xf32> to vector<16xf32>
        %swap3A_2483 = arith.constant 1 : i32
        %swap3A_2484 = arith.constant 27 : i32
        %swap3A_2485 = arith.index_cast %swap3A_2483 : i32 to index
        %swap3A_2486 = arith.index_cast %swap3A_2484 : i32 to index
        %swap3A_2487 = arith.constant 0 : index
        %swap3A_2488 = tpu.vector_load %arg9[%swap3A_2485, %swap3A_2486, %swap3A_2487] {strides = array<i32>} : memref<2x128x128xf32, #tpu.memory_space<vmem>>, vector<1x1x16xf32>,
        %swap3A_2489 = vector.shape_cast %swap3A_2488 : vector<1x1x16xf32> to vector<16xf32>
        %swap3A_2490 = vector.shape_cast %get3A_2482 : vector<16xf32> to vector<1x1x16xf32>
        tpu.vector_store %arg9[%swap3A_2485, %swap3A_2486, %swap3A_2487], %swap3A_2490 {strides = array<i32>} : memref<2x128x128xf32, #tpu.memory_space<vmem>>, vector<1x1x16xf32>,
        %get3A_2491 = arith.constant 1 : i32
        %get3A_2492 = arith.constant 3 : i32
        %get3A_2493 = arith.index_cast %get3A_2491 : i32 to index
        %get3A_2494 = arith.index_cast %get3A_2492 : i32 to index
        %get3A_2495 = arith.constant 64 : index
        %get3A_2496 = tpu.vector_load %arg10[%get3A_2493, %get3A_2494, %get3A_2495] {strides = array<i32>} : memref<2x16x128xf32, #tpu.memory_space<vmem>>, vector<1x1x16xf32>,
        %get3A_2497 = vector.shape_cast %get3A_2496 : vector<1x1x16xf32> to vector<16xf32>
        %swap3A_2498 = arith.constant 1 : i32
        %swap3A_2499 = arith.constant 28 : i32
        %swap3A_2500 = arith.index_cast %swap3A_2498 : i32 to index
        %swap3A_2501 = arith.index_cast %swap3A_2499 : i32 to index
        %swap3A_2502 = arith.constant 0 : index
        %swap3A_2503 = tpu.vector_load %arg9[%swap3A_2500, %swap3A_2501, %swap3A_2502] {strides = array<i32>} : memref<2x128x128xf32, #tpu.memory_space<vmem>>, vector<1x1x16xf32>,
        %swap3A_2504 = vector.shape_cast %swap3A_2503 : vector<1x1x16xf32> to vector<16xf32>
        %swap3A_2505 = vector.shape_cast %get3A_2497 : vector<16xf32> to vector<1x1x16xf32>
        tpu.vector_store %arg9[%swap3A_2500, %swap3A_2501, %swap3A_2502], %swap3A_2505 {strides = array<i32>} : memref<2x128x128xf32, #tpu.memory_space<vmem>>, vector<1x1x16xf32>,
        %get3A_2506 = arith.constant 1 : i32
        %get3A_2507 = arith.constant 3 : i32
        %get3A_2508 = arith.index_cast %get3A_2506 : i32 to index
        %get3A_2509 = arith.index_cast %get3A_2507 : i32 to index
        %get3A_2510 = arith.constant 80 : index
        %get3A_2511 = tpu.vector_load %arg10[%get3A_2508, %get3A_2509, %get3A_2510] {strides = array<i32>} : memref<2x16x128xf32, #tpu.memory_space<vmem>>, vector<1x1x16xf32>,
        %get3A_2512 = vector.shape_cast %get3A_2511 : vector<1x1x16xf32> to vector<16xf32>
        %swap3A_2513 = arith.constant 1 : i32
        %swap3A_2514 = arith.constant 29 : i32
        %swap3A_2515 = arith.index_cast %swap3A_2513 : i32 to index
        %swap3A_2516 = arith.index_cast %swap3A_2514 : i32 to index
        %swap3A_2517 = arith.constant 0 : index
        %swap3A_2518 = tpu.vector_load %arg9[%swap3A_2515, %swap3A_2516, %swap3A_2517] {strides = array<i32>} : memref<2x128x128xf32, #tpu.memory_space<vmem>>, vector<1x1x16xf32>,
        %swap3A_2519 = vector.shape_cast %swap3A_2518 : vector<1x1x16xf32> to vector<16xf32>
        %swap3A_2520 = vector.shape_cast %get3A_2512 : vector<16xf32> to vector<1x1x16xf32>
        tpu.vector_store %arg9[%swap3A_2515, %swap3A_2516, %swap3A_2517], %swap3A_2520 {strides = array<i32>} : memref<2x128x128xf32, #tpu.memory_space<vmem>>, vector<1x1x16xf32>,
        %get3A_2521 = arith.constant 1 : i32
        %get3A_2522 = arith.constant 3 : i32
        %get3A_2523 = arith.index_cast %get3A_2521 : i32 to index
        %get3A_2524 = arith.index_cast %get3A_2522 : i32 to index
        %get3A_2525 = arith.constant 96 : index
        %get3A_2526 = tpu.vector_load %arg10[%get3A_2523, %get3A_2524, %get3A_2525] {strides = array<i32>} : memref<2x16x128xf32, #tpu.memory_space<vmem>>, vector<1x1x16xf32>,
        %get3A_2527 = vector.shape_cast %get3A_2526 : vector<1x1x16xf32> to vector<16xf32>
        %swap3A_2528 = arith.constant 1 : i32
        %swap3A_2529 = arith.constant 30 : i32
        %swap3A_2530 = arith.index_cast %swap3A_2528 : i32 to index
        %swap3A_2531 = arith.index_cast %swap3A_2529 : i32 to index
        %swap3A_2532 = arith.constant 0 : index
        %swap3A_2533 = tpu.vector_load %arg9[%swap3A_2530, %swap3A_2531, %swap3A_2532] {strides = array<i32>} : memref<2x128x128xf32, #tpu.memory_space<vmem>>, vector<1x1x16xf32>,
        %swap3A_2534 = vector.shape_cast %swap3A_2533 : vector<1x1x16xf32> to vector<16xf32>
        %swap3A_2535 = vector.shape_cast %get3A_2527 : vector<16xf32> to vector<1x1x16xf32>
        tpu.vector_store %arg9[%swap3A_2530, %swap3A_2531, %swap3A_2532], %swap3A_2535 {strides = array<i32>} : memref<2x128x128xf32, #tpu.memory_space<vmem>>, vector<1x1x16xf32>,
        %get3A_2536 = arith.constant 1 : i32
        %get3A_2537 = arith.constant 3 : i32
        %get3A_2538 = arith.index_cast %get3A_2536 : i32 to index
        %get3A_2539 = arith.index_cast %get3A_2537 : i32 to index
        %get3A_2540 = arith.constant 112 : index
        %get3A_2541 = tpu.vector_load %arg10[%get3A_2538, %get3A_2539, %get3A_2540] {strides = array<i32>} : memref<2x16x128xf32, #tpu.memory_space<vmem>>, vector<1x1x16xf32>,
        %get3A_2542 = vector.shape_cast %get3A_2541 : vector<1x1x16xf32> to vector<16xf32>
        %swap3A_2543 = arith.constant 1 : i32
        %swap3A_2544 = arith.constant 31 : i32
        %swap3A_2545 = arith.index_cast %swap3A_2543 : i32 to index
        %swap3A_2546 = arith.index_cast %swap3A_2544 : i32 to index
        %swap3A_2547 = arith.constant 0 : index
        %swap3A_2548 = tpu.vector_load %arg9[%swap3A_2545, %swap3A_2546, %swap3A_2547] {strides = array<i32>} : memref<2x128x128xf32, #tpu.memory_space<vmem>>, vector<1x1x16xf32>,
        %swap3A_2549 = vector.shape_cast %swap3A_2548 : vector<1x1x16xf32> to vector<16xf32>
        %swap3A_2550 = vector.shape_cast %get3A_2542 : vector<16xf32> to vector<1x1x16xf32>
        tpu.vector_store %arg9[%swap3A_2545, %swap3A_2546, %swap3A_2547], %swap3A_2550 {strides = array<i32>} : memref<2x128x128xf32, #tpu.memory_space<vmem>>, vector<1x1x16xf32>,
        %get3A_2551 = arith.constant 1 : i32
        %get3A_2552 = arith.constant 4 : i32
        %get3A_2553 = arith.index_cast %get3A_2551 : i32 to index
        %get3A_2554 = arith.index_cast %get3A_2552 : i32 to index
        %get3A_2555 = arith.constant 0 : index
        %get3A_2556 = tpu.vector_load %arg10[%get3A_2553, %get3A_2554, %get3A_2555] {strides = array<i32>} : memref<2x16x128xf32, #tpu.memory_space<vmem>>, vector<1x1x16xf32>,
        %get3A_2557 = vector.shape_cast %get3A_2556 : vector<1x1x16xf32> to vector<16xf32>
        %swap3A_2558 = arith.constant 1 : i32
        %swap3A_2559 = arith.constant 32 : i32
        %swap3A_2560 = arith.index_cast %swap3A_2558 : i32 to index
        %swap3A_2561 = arith.index_cast %swap3A_2559 : i32 to index
        %swap3A_2562 = arith.constant 0 : index
        %swap3A_2563 = tpu.vector_load %arg9[%swap3A_2560, %swap3A_2561, %swap3A_2562] {strides = array<i32>} : memref<2x128x128xf32, #tpu.memory_space<vmem>>, vector<1x1x16xf32>,
        %swap3A_2564 = vector.shape_cast %swap3A_2563 : vector<1x1x16xf32> to vector<16xf32>
        %swap3A_2565 = vector.shape_cast %get3A_2557 : vector<16xf32> to vector<1x1x16xf32>
        tpu.vector_store %arg9[%swap3A_2560, %swap3A_2561, %swap3A_2562], %swap3A_2565 {strides = array<i32>} : memref<2x128x128xf32, #tpu.memory_space<vmem>>, vector<1x1x16xf32>,
        %get3A_2566 = arith.constant 1 : i32
        %get3A_2567 = arith.constant 4 : i32
        %get3A_2568 = arith.index_cast %get3A_2566 : i32 to index
        %get3A_2569 = arith.index_cast %get3A_2567 : i32 to index
        %get3A_2570 = arith.constant 16 : index
        %get3A_2571 = tpu.vector_load %arg10[%get3A_2568, %get3A_2569, %get3A_2570] {strides = array<i32>} : memref<2x16x128xf32, #tpu.memory_space<vmem>>, vector<1x1x16xf32>,
        %get3A_2572 = vector.shape_cast %get3A_2571 : vector<1x1x16xf32> to vector<16xf32>
        %swap3A_2573 = arith.constant 1 : i32
        %swap3A_2574 = arith.constant 33 : i32
        %swap3A_2575 = arith.index_cast %swap3A_2573 : i32 to index
        %swap3A_2576 = arith.index_cast %swap3A_2574 : i32 to index
        %swap3A_2577 = arith.constant 0 : index
        %swap3A_2578 = tpu.vector_load %arg9[%swap3A_2575, %swap3A_2576, %swap3A_2577] {strides = array<i32>} : memref<2x128x128xf32, #tpu.memory_space<vmem>>, vector<1x1x16xf32>,
        %swap3A_2579 = vector.shape_cast %swap3A_2578 : vector<1x1x16xf32> to vector<16xf32>
        %swap3A_2580 = vector.shape_cast %get3A_2572 : vector<16xf32> to vector<1x1x16xf32>
        tpu.vector_store %arg9[%swap3A_2575, %swap3A_2576, %swap3A_2577], %swap3A_2580 {strides = array<i32>} : memref<2x128x128xf32, #tpu.memory_space<vmem>>, vector<1x1x16xf32>,
        %get3A_2581 = arith.constant 1 : i32
        %get3A_2582 = arith.constant 4 : i32
        %get3A_2583 = arith.index_cast %get3A_2581 : i32 to index
        %get3A_2584 = arith.index_cast %get3A_2582 : i32 to index
        %get3A_2585 = arith.constant 32 : index
        %get3A_2586 = tpu.vector_load %arg10[%get3A_2583, %get3A_2584, %get3A_2585] {strides = array<i32>} : memref<2x16x128xf32, #tpu.memory_space<vmem>>, vector<1x1x16xf32>,
        %get3A_2587 = vector.shape_cast %get3A_2586 : vector<1x1x16xf32> to vector<16xf32>
        %swap3A_2588 = arith.constant 1 : i32
        %swap3A_2589 = arith.constant 34 : i32
        %swap3A_2590 = arith.index_cast %swap3A_2588 : i32 to index
        %swap3A_2591 = arith.index_cast %swap3A_2589 : i32 to index
        %swap3A_2592 = arith.constant 0 : index
        %swap3A_2593 = tpu.vector_load %arg9[%swap3A_2590, %swap3A_2591, %swap3A_2592] {strides = array<i32>} : memref<2x128x128xf32, #tpu.memory_space<vmem>>, vector<1x1x16xf32>,
        %swap3A_2594 = vector.shape_cast %swap3A_2593 : vector<1x1x16xf32> to vector<16xf32>
        %swap3A_2595 = vector.shape_cast %get3A_2587 : vector<16xf32> to vector<1x1x16xf32>
        tpu.vector_store %arg9[%swap3A_2590, %swap3A_2591, %swap3A_2592], %swap3A_2595 {strides = array<i32>} : memref<2x128x128xf32, #tpu.memory_space<vmem>>, vector<1x1x16xf32>,
        %get3A_2596 = arith.constant 1 : i32
        %get3A_2597 = arith.constant 4 : i32
        %get3A_2598 = arith.index_cast %get3A_2596 : i32 to index
        %get3A_2599 = arith.index_cast %get3A_2597 : i32 to index
        %get3A_2600 = arith.constant 48 : index
        %get3A_2601 = tpu.vector_load %arg10[%get3A_2598, %get3A_2599, %get3A_2600] {strides = array<i32>} : memref<2x16x128xf32, #tpu.memory_space<vmem>>, vector<1x1x16xf32>,
        %get3A_2602 = vector.shape_cast %get3A_2601 : vector<1x1x16xf32> to vector<16xf32>
        %swap3A_2603 = arith.constant 1 : i32
        %swap3A_2604 = arith.constant 35 : i32
        %swap3A_2605 = arith.index_cast %swap3A_2603 : i32 to index
        %swap3A_2606 = arith.index_cast %swap3A_2604 : i32 to index
        %swap3A_2607 = arith.constant 0 : index
        %swap3A_2608 = tpu.vector_load %arg9[%swap3A_2605, %swap3A_2606, %swap3A_2607] {strides = array<i32>} : memref<2x128x128xf32, #tpu.memory_space<vmem>>, vector<1x1x16xf32>,
        %swap3A_2609 = vector.shape_cast %swap3A_2608 : vector<1x1x16xf32> to vector<16xf32>
        %swap3A_2610 = vector.shape_cast %get3A_2602 : vector<16xf32> to vector<1x1x16xf32>
        tpu.vector_store %arg9[%swap3A_2605, %swap3A_2606, %swap3A_2607], %swap3A_2610 {strides = array<i32>} : memref<2x128x128xf32, #tpu.memory_space<vmem>>, vector<1x1x16xf32>,
        %get3A_2611 = arith.constant 1 : i32
        %get3A_2612 = arith.constant 4 : i32
        %get3A_2613 = arith.index_cast %get3A_2611 : i32 to index
        %get3A_2614 = arith.index_cast %get3A_2612 : i32 to index
        %get3A_2615 = arith.constant 64 : index
        %get3A_2616 = tpu.vector_load %arg10[%get3A_2613, %get3A_2614, %get3A_2615] {strides = array<i32>} : memref<2x16x128xf32, #tpu.memory_space<vmem>>, vector<1x1x16xf32>,
        %get3A_2617 = vector.shape_cast %get3A_2616 : vector<1x1x16xf32> to vector<16xf32>
        %swap3A_2618 = arith.constant 1 : i32
        %swap3A_2619 = arith.constant 36 : i32
        %swap3A_2620 = arith.index_cast %swap3A_2618 : i32 to index
        %swap3A_2621 = arith.index_cast %swap3A_2619 : i32 to index
        %swap3A_2622 = arith.constant 0 : index
        %swap3A_2623 = tpu.vector_load %arg9[%swap3A_2620, %swap3A_2621, %swap3A_2622] {strides = array<i32>} : memref<2x128x128xf32, #tpu.memory_space<vmem>>, vector<1x1x16xf32>,
        %swap3A_2624 = vector.shape_cast %swap3A_2623 : vector<1x1x16xf32> to vector<16xf32>
        %swap3A_2625 = vector.shape_cast %get3A_2617 : vector<16xf32> to vector<1x1x16xf32>
        tpu.vector_store %arg9[%swap3A_2620, %swap3A_2621, %swap3A_2622], %swap3A_2625 {strides = array<i32>} : memref<2x128x128xf32, #tpu.memory_space<vmem>>, vector<1x1x16xf32>,
        %get3A_2626 = arith.constant 1 : i32
        %get3A_2627 = arith.constant 4 : i32
        %get3A_2628 = arith.index_cast %get3A_2626 : i32 to index
        %get3A_2629 = arith.index_cast %get3A_2627 : i32 to index
        %get3A_2630 = arith.constant 80 : index
        %get3A_2631 = tpu.vector_load %arg10[%get3A_2628, %get3A_2629, %get3A_2630] {strides = array<i32>} : memref<2x16x128xf32, #tpu.memory_space<vmem>>, vector<1x1x16xf32>,
        %get3A_2632 = vector.shape_cast %get3A_2631 : vector<1x1x16xf32> to vector<16xf32>
        %swap3A_2633 = arith.constant 1 : i32
        %swap3A_2634 = arith.constant 37 : i32
        %swap3A_2635 = arith.index_cast %swap3A_2633 : i32 to index
        %swap3A_2636 = arith.index_cast %swap3A_2634 : i32 to index
        %swap3A_2637 = arith.constant 0 : index
        %swap3A_2638 = tpu.vector_load %arg9[%swap3A_2635, %swap3A_2636, %swap3A_2637] {strides = array<i32>} : memref<2x128x128xf32, #tpu.memory_space<vmem>>, vector<1x1x16xf32>,
        %swap3A_2639 = vector.shape_cast %swap3A_2638 : vector<1x1x16xf32> to vector<16xf32>
        %swap3A_2640 = vector.shape_cast %get3A_2632 : vector<16xf32> to vector<1x1x16xf32>
        tpu.vector_store %arg9[%swap3A_2635, %swap3A_2636, %swap3A_2637], %swap3A_2640 {strides = array<i32>} : memref<2x128x128xf32, #tpu.memory_space<vmem>>, vector<1x1x16xf32>,
        %get3A_2641 = arith.constant 1 : i32
        %get3A_2642 = arith.constant 4 : i32
        %get3A_2643 = arith.index_cast %get3A_2641 : i32 to index
        %get3A_2644 = arith.index_cast %get3A_2642 : i32 to index
        %get3A_2645 = arith.constant 96 : index
        %get3A_2646 = tpu.vector_load %arg10[%get3A_2643, %get3A_2644, %get3A_2645] {strides = array<i32>} : memref<2x16x128xf32, #tpu.memory_space<vmem>>, vector<1x1x16xf32>,
        %get3A_2647 = vector.shape_cast %get3A_2646 : vector<1x1x16xf32> to vector<16xf32>
        %swap3A_2648 = arith.constant 1 : i32
        %swap3A_2649 = arith.constant 38 : i32
        %swap3A_2650 = arith.index_cast %swap3A_2648 : i32 to index
        %swap3A_2651 = arith.index_cast %swap3A_2649 : i32 to index
        %swap3A_2652 = arith.constant 0 : index
        %swap3A_2653 = tpu.vector_load %arg9[%swap3A_2650, %swap3A_2651, %swap3A_2652] {strides = array<i32>} : memref<2x128x128xf32, #tpu.memory_space<vmem>>, vector<1x1x16xf32>,
        %swap3A_2654 = vector.shape_cast %swap3A_2653 : vector<1x1x16xf32> to vector<16xf32>
        %swap3A_2655 = vector.shape_cast %get3A_2647 : vector<16xf32> to vector<1x1x16xf32>
        tpu.vector_store %arg9[%swap3A_2650, %swap3A_2651, %swap3A_2652], %swap3A_2655 {strides = array<i32>} : memref<2x128x128xf32, #tpu.memory_space<vmem>>, vector<1x1x16xf32>,
        %get3A_2656 = arith.constant 1 : i32
        %get3A_2657 = arith.constant 4 : i32
        %get3A_2658 = arith.index_cast %get3A_2656 : i32 to index
        %get3A_2659 = arith.index_cast %get3A_2657 : i32 to index
        %get3A_2660 = arith.constant 112 : index
        %get3A_2661 = tpu.vector_load %arg10[%get3A_2658, %get3A_2659, %get3A_2660] {strides = array<i32>} : memref<2x16x128xf32, #tpu.memory_space<vmem>>, vector<1x1x16xf32>,
        %get3A_2662 = vector.shape_cast %get3A_2661 : vector<1x1x16xf32> to vector<16xf32>
        %swap3A_2663 = arith.constant 1 : i32
        %swap3A_2664 = arith.constant 39 : i32
        %swap3A_2665 = arith.index_cast %swap3A_2663 : i32 to index
        %swap3A_2666 = arith.index_cast %swap3A_2664 : i32 to index
        %swap3A_2667 = arith.constant 0 : index
        %swap3A_2668 = tpu.vector_load %arg9[%swap3A_2665, %swap3A_2666, %swap3A_2667] {strides = array<i32>} : memref<2x128x128xf32, #tpu.memory_space<vmem>>, vector<1x1x16xf32>,
        %swap3A_2669 = vector.shape_cast %swap3A_2668 : vector<1x1x16xf32> to vector<16xf32>
        %swap3A_2670 = vector.shape_cast %get3A_2662 : vector<16xf32> to vector<1x1x16xf32>
        tpu.vector_store %arg9[%swap3A_2665, %swap3A_2666, %swap3A_2667], %swap3A_2670 {strides = array<i32>} : memref<2x128x128xf32, #tpu.memory_space<vmem>>, vector<1x1x16xf32>,
        %get3A_2671 = arith.constant 1 : i32
        %get3A_2672 = arith.constant 5 : i32
        %get3A_2673 = arith.index_cast %get3A_2671 : i32 to index
        %get3A_2674 = arith.index_cast %get3A_2672 : i32 to index
        %get3A_2675 = arith.constant 0 : index
        %get3A_2676 = tpu.vector_load %arg10[%get3A_2673, %get3A_2674, %get3A_2675] {strides = array<i32>} : memref<2x16x128xf32, #tpu.memory_space<vmem>>, vector<1x1x16xf32>,
        %get3A_2677 = vector.shape_cast %get3A_2676 : vector<1x1x16xf32> to vector<16xf32>
        %swap3A_2678 = arith.constant 1 : i32
        %swap3A_2679 = arith.constant 40 : i32
        %swap3A_2680 = arith.index_cast %swap3A_2678 : i32 to index
        %swap3A_2681 = arith.index_cast %swap3A_2679 : i32 to index
        %swap3A_2682 = arith.constant 0 : index
        %swap3A_2683 = tpu.vector_load %arg9[%swap3A_2680, %swap3A_2681, %swap3A_2682] {strides = array<i32>} : memref<2x128x128xf32, #tpu.memory_space<vmem>>, vector<1x1x16xf32>,
        %swap3A_2684 = vector.shape_cast %swap3A_2683 : vector<1x1x16xf32> to vector<16xf32>
        %swap3A_2685 = vector.shape_cast %get3A_2677 : vector<16xf32> to vector<1x1x16xf32>
        tpu.vector_store %arg9[%swap3A_2680, %swap3A_2681, %swap3A_2682], %swap3A_2685 {strides = array<i32>} : memref<2x128x128xf32, #tpu.memory_space<vmem>>, vector<1x1x16xf32>,
        %get3A_2686 = arith.constant 1 : i32
        %get3A_2687 = arith.constant 5 : i32
        %get3A_2688 = arith.index_cast %get3A_2686 : i32 to index
        %get3A_2689 = arith.index_cast %get3A_2687 : i32 to index
        %get3A_2690 = arith.constant 16 : index
        %get3A_2691 = tpu.vector_load %arg10[%get3A_2688, %get3A_2689, %get3A_2690] {strides = array<i32>} : memref<2x16x128xf32, #tpu.memory_space<vmem>>, vector<1x1x16xf32>,
        %get3A_2692 = vector.shape_cast %get3A_2691 : vector<1x1x16xf32> to vector<16xf32>
        %swap3A_2693 = arith.constant 1 : i32
        %swap3A_2694 = arith.constant 41 : i32
        %swap3A_2695 = arith.index_cast %swap3A_2693 : i32 to index
        %swap3A_2696 = arith.index_cast %swap3A_2694 : i32 to index
        %swap3A_2697 = arith.constant 0 : index
        %swap3A_2698 = tpu.vector_load %arg9[%swap3A_2695, %swap3A_2696, %swap3A_2697] {strides = array<i32>} : memref<2x128x128xf32, #tpu.memory_space<vmem>>, vector<1x1x16xf32>,
        %swap3A_2699 = vector.shape_cast %swap3A_2698 : vector<1x1x16xf32> to vector<16xf32>
        %swap3A_2700 = vector.shape_cast %get3A_2692 : vector<16xf32> to vector<1x1x16xf32>
        tpu.vector_store %arg9[%swap3A_2695, %swap3A_2696, %swap3A_2697], %swap3A_2700 {strides = array<i32>} : memref<2x128x128xf32, #tpu.memory_space<vmem>>, vector<1x1x16xf32>,
        %get3A_2701 = arith.constant 1 : i32
        %get3A_2702 = arith.constant 5 : i32
        %get3A_2703 = arith.index_cast %get3A_2701 : i32 to index
        %get3A_2704 = arith.index_cast %get3A_2702 : i32 to index
        %get3A_2705 = arith.constant 32 : index
        %get3A_2706 = tpu.vector_load %arg10[%get3A_2703, %get3A_2704, %get3A_2705] {strides = array<i32>} : memref<2x16x128xf32, #tpu.memory_space<vmem>>, vector<1x1x16xf32>,
        %get3A_2707 = vector.shape_cast %get3A_2706 : vector<1x1x16xf32> to vector<16xf32>
        %swap3A_2708 = arith.constant 1 : i32
        %swap3A_2709 = arith.constant 42 : i32
        %swap3A_2710 = arith.index_cast %swap3A_2708 : i32 to index
        %swap3A_2711 = arith.index_cast %swap3A_2709 : i32 to index
        %swap3A_2712 = arith.constant 0 : index
        %swap3A_2713 = tpu.vector_load %arg9[%swap3A_2710, %swap3A_2711, %swap3A_2712] {strides = array<i32>} : memref<2x128x128xf32, #tpu.memory_space<vmem>>, vector<1x1x16xf32>,
        %swap3A_2714 = vector.shape_cast %swap3A_2713 : vector<1x1x16xf32> to vector<16xf32>
        %swap3A_2715 = vector.shape_cast %get3A_2707 : vector<16xf32> to vector<1x1x16xf32>
        tpu.vector_store %arg9[%swap3A_2710, %swap3A_2711, %swap3A_2712], %swap3A_2715 {strides = array<i32>} : memref<2x128x128xf32, #tpu.memory_space<vmem>>, vector<1x1x16xf32>,
        %get3A_2716 = arith.constant 1 : i32
        %get3A_2717 = arith.constant 5 : i32
        %get3A_2718 = arith.index_cast %get3A_2716 : i32 to index
        %get3A_2719 = arith.index_cast %get3A_2717 : i32 to index
        %get3A_2720 = arith.constant 48 : index
        %get3A_2721 = tpu.vector_load %arg10[%get3A_2718, %get3A_2719, %get3A_2720] {strides = array<i32>} : memref<2x16x128xf32, #tpu.memory_space<vmem>>, vector<1x1x16xf32>,
        %get3A_2722 = vector.shape_cast %get3A_2721 : vector<1x1x16xf32> to vector<16xf32>
        %swap3A_2723 = arith.constant 1 : i32
        %swap3A_2724 = arith.constant 43 : i32
        %swap3A_2725 = arith.index_cast %swap3A_2723 : i32 to index
        %swap3A_2726 = arith.index_cast %swap3A_2724 : i32 to index
        %swap3A_2727 = arith.constant 0 : index
        %swap3A_2728 = tpu.vector_load %arg9[%swap3A_2725, %swap3A_2726, %swap3A_2727] {strides = array<i32>} : memref<2x128x128xf32, #tpu.memory_space<vmem>>, vector<1x1x16xf32>,
        %swap3A_2729 = vector.shape_cast %swap3A_2728 : vector<1x1x16xf32> to vector<16xf32>
        %swap3A_2730 = vector.shape_cast %get3A_2722 : vector<16xf32> to vector<1x1x16xf32>
        tpu.vector_store %arg9[%swap3A_2725, %swap3A_2726, %swap3A_2727], %swap3A_2730 {strides = array<i32>} : memref<2x128x128xf32, #tpu.memory_space<vmem>>, vector<1x1x16xf32>,
        %get3A_2731 = arith.constant 1 : i32
        %get3A_2732 = arith.constant 5 : i32
        %get3A_2733 = arith.index_cast %get3A_2731 : i32 to index
        %get3A_2734 = arith.index_cast %get3A_2732 : i32 to index
        %get3A_2735 = arith.constant 64 : index
        %get3A_2736 = tpu.vector_load %arg10[%get3A_2733, %get3A_2734, %get3A_2735] {strides = array<i32>} : memref<2x16x128xf32, #tpu.memory_space<vmem>>, vector<1x1x16xf32>,
        %get3A_2737 = vector.shape_cast %get3A_2736 : vector<1x1x16xf32> to vector<16xf32>
        %swap3A_2738 = arith.constant 1 : i32
        %swap3A_2739 = arith.constant 44 : i32
        %swap3A_2740 = arith.index_cast %swap3A_2738 : i32 to index
        %swap3A_2741 = arith.index_cast %swap3A_2739 : i32 to index
        %swap3A_2742 = arith.constant 0 : index
        %swap3A_2743 = tpu.vector_load %arg9[%swap3A_2740, %swap3A_2741, %swap3A_2742] {strides = array<i32>} : memref<2x128x128xf32, #tpu.memory_space<vmem>>, vector<1x1x16xf32>,
        %swap3A_2744 = vector.shape_cast %swap3A_2743 : vector<1x1x16xf32> to vector<16xf32>
        %swap3A_2745 = vector.shape_cast %get3A_2737 : vector<16xf32> to vector<1x1x16xf32>
        tpu.vector_store %arg9[%swap3A_2740, %swap3A_2741, %swap3A_2742], %swap3A_2745 {strides = array<i32>} : memref<2x128x128xf32, #tpu.memory_space<vmem>>, vector<1x1x16xf32>,
        %get3A_2746 = arith.constant 1 : i32
        %get3A_2747 = arith.constant 5 : i32
        %get3A_2748 = arith.index_cast %get3A_2746 : i32 to index
        %get3A_2749 = arith.index_cast %get3A_2747 : i32 to index
        %get3A_2750 = arith.constant 80 : index
        %get3A_2751 = tpu.vector_load %arg10[%get3A_2748, %get3A_2749, %get3A_2750] {strides = array<i32>} : memref<2x16x128xf32, #tpu.memory_space<vmem>>, vector<1x1x16xf32>,
        %get3A_2752 = vector.shape_cast %get3A_2751 : vector<1x1x16xf32> to vector<16xf32>
        %swap3A_2753 = arith.constant 1 : i32
        %swap3A_2754 = arith.constant 45 : i32
        %swap3A_2755 = arith.index_cast %swap3A_2753 : i32 to index
        %swap3A_2756 = arith.index_cast %swap3A_2754 : i32 to index
        %swap3A_2757 = arith.constant 0 : index
        %swap3A_2758 = tpu.vector_load %arg9[%swap3A_2755, %swap3A_2756, %swap3A_2757] {strides = array<i32>} : memref<2x128x128xf32, #tpu.memory_space<vmem>>, vector<1x1x16xf32>,
        %swap3A_2759 = vector.shape_cast %swap3A_2758 : vector<1x1x16xf32> to vector<16xf32>
        %swap3A_2760 = vector.shape_cast %get3A_2752 : vector<16xf32> to vector<1x1x16xf32>
        tpu.vector_store %arg9[%swap3A_2755, %swap3A_2756, %swap3A_2757], %swap3A_2760 {strides = array<i32>} : memref<2x128x128xf32, #tpu.memory_space<vmem>>, vector<1x1x16xf32>,
        %get3A_2761 = arith.constant 1 : i32
        %get3A_2762 = arith.constant 5 : i32
        %get3A_2763 = arith.index_cast %get3A_2761 : i32 to index
        %get3A_2764 = arith.index_cast %get3A_2762 : i32 to index
        %get3A_2765 = arith.constant 96 : index
        %get3A_2766 = tpu.vector_load %arg10[%get3A_2763, %get3A_2764, %get3A_2765] {strides = array<i32>} : memref<2x16x128xf32, #tpu.memory_space<vmem>>, vector<1x1x16xf32>,
        %get3A_2767 = vector.shape_cast %get3A_2766 : vector<1x1x16xf32> to vector<16xf32>
        %swap3A_2768 = arith.constant 1 : i32
        %swap3A_2769 = arith.constant 46 : i32
        %swap3A_2770 = arith.index_cast %swap3A_2768 : i32 to index
        %swap3A_2771 = arith.index_cast %swap3A_2769 : i32 to index
        %swap3A_2772 = arith.constant 0 : index
        %swap3A_2773 = tpu.vector_load %arg9[%swap3A_2770, %swap3A_2771, %swap3A_2772] {strides = array<i32>} : memref<2x128x128xf32, #tpu.memory_space<vmem>>, vector<1x1x16xf32>,
        %swap3A_2774 = vector.shape_cast %swap3A_2773 : vector<1x1x16xf32> to vector<16xf32>
        %swap3A_2775 = vector.shape_cast %get3A_2767 : vector<16xf32> to vector<1x1x16xf32>
        tpu.vector_store %arg9[%swap3A_2770, %swap3A_2771, %swap3A_2772], %swap3A_2775 {strides = array<i32>} : memref<2x128x128xf32, #tpu.memory_space<vmem>>, vector<1x1x16xf32>,
        %get3A_2776 = arith.constant 1 : i32
        %get3A_2777 = arith.constant 5 : i32
        %get3A_2778 = arith.index_cast %get3A_2776 : i32 to index
        %get3A_2779 = arith.index_cast %get3A_2777 : i32 to index
        %get3A_2780 = arith.constant 112 : index
        %get3A_2781 = tpu.vector_load %arg10[%get3A_2778, %get3A_2779, %get3A_2780] {strides = array<i32>} : memref<2x16x128xf32, #tpu.memory_space<vmem>>, vector<1x1x16xf32>,
        %get3A_2782 = vector.shape_cast %get3A_2781 : vector<1x1x16xf32> to vector<16xf32>
        %swap3A_2783 = arith.constant 1 : i32
        %swap3A_2784 = arith.constant 47 : i32
        %swap3A_2785 = arith.index_cast %swap3A_2783 : i32 to index
        %swap3A_2786 = arith.index_cast %swap3A_2784 : i32 to index
        %swap3A_2787 = arith.constant 0 : index
        %swap3A_2788 = tpu.vector_load %arg9[%swap3A_2785, %swap3A_2786, %swap3A_2787] {strides = array<i32>} : memref<2x128x128xf32, #tpu.memory_space<vmem>>, vector<1x1x16xf32>,
        %swap3A_2789 = vector.shape_cast %swap3A_2788 : vector<1x1x16xf32> to vector<16xf32>
        %swap3A_2790 = vector.shape_cast %get3A_2782 : vector<16xf32> to vector<1x1x16xf32>
        tpu.vector_store %arg9[%swap3A_2785, %swap3A_2786, %swap3A_2787], %swap3A_2790 {strides = array<i32>} : memref<2x128x128xf32, #tpu.memory_space<vmem>>, vector<1x1x16xf32>,
        %get3A_2791 = arith.constant 1 : i32
        %get3A_2792 = arith.constant 6 : i32
        %get3A_2793 = arith.index_cast %get3A_2791 : i32 to index
        %get3A_2794 = arith.index_cast %get3A_2792 : i32 to index
        %get3A_2795 = arith.constant 0 : index
        %get3A_2796 = tpu.vector_load %arg10[%get3A_2793, %get3A_2794, %get3A_2795] {strides = array<i32>} : memref<2x16x128xf32, #tpu.memory_space<vmem>>, vector<1x1x16xf32>,
        %get3A_2797 = vector.shape_cast %get3A_2796 : vector<1x1x16xf32> to vector<16xf32>
        %swap3A_2798 = arith.constant 1 : i32
        %swap3A_2799 = arith.constant 48 : i32
        %swap3A_2800 = arith.index_cast %swap3A_2798 : i32 to index
        %swap3A_2801 = arith.index_cast %swap3A_2799 : i32 to index
        %swap3A_2802 = arith.constant 0 : index
        %swap3A_2803 = tpu.vector_load %arg9[%swap3A_2800, %swap3A_2801, %swap3A_2802] {strides = array<i32>} : memref<2x128x128xf32, #tpu.memory_space<vmem>>, vector<1x1x16xf32>,
        %swap3A_2804 = vector.shape_cast %swap3A_2803 : vector<1x1x16xf32> to vector<16xf32>
        %swap3A_2805 = vector.shape_cast %get3A_2797 : vector<16xf32> to vector<1x1x16xf32>
        tpu.vector_store %arg9[%swap3A_2800, %swap3A_2801, %swap3A_2802], %swap3A_2805 {strides = array<i32>} : memref<2x128x128xf32, #tpu.memory_space<vmem>>, vector<1x1x16xf32>,
        %get3A_2806 = arith.constant 1 : i32
        %get3A_2807 = arith.constant 6 : i32
        %get3A_2808 = arith.index_cast %get3A_2806 : i32 to index
        %get3A_2809 = arith.index_cast %get3A_2807 : i32 to index
        %get3A_2810 = arith.constant 16 : index
        %get3A_2811 = tpu.vector_load %arg10[%get3A_2808, %get3A_2809, %get3A_2810] {strides = array<i32>} : memref<2x16x128xf32, #tpu.memory_space<vmem>>, vector<1x1x16xf32>,
        %get3A_2812 = vector.shape_cast %get3A_2811 : vector<1x1x16xf32> to vector<16xf32>
        %swap3A_2813 = arith.constant 1 : i32
        %swap3A_2814 = arith.constant 49 : i32
        %swap3A_2815 = arith.index_cast %swap3A_2813 : i32 to index
        %swap3A_2816 = arith.index_cast %swap3A_2814 : i32 to index
        %swap3A_2817 = arith.constant 0 : index
        %swap3A_2818 = tpu.vector_load %arg9[%swap3A_2815, %swap3A_2816, %swap3A_2817] {strides = array<i32>} : memref<2x128x128xf32, #tpu.memory_space<vmem>>, vector<1x1x16xf32>,
        %swap3A_2819 = vector.shape_cast %swap3A_2818 : vector<1x1x16xf32> to vector<16xf32>
        %swap3A_2820 = vector.shape_cast %get3A_2812 : vector<16xf32> to vector<1x1x16xf32>
        tpu.vector_store %arg9[%swap3A_2815, %swap3A_2816, %swap3A_2817], %swap3A_2820 {strides = array<i32>} : memref<2x128x128xf32, #tpu.memory_space<vmem>>, vector<1x1x16xf32>,
        %get3A_2821 = arith.constant 1 : i32
        %get3A_2822 = arith.constant 6 : i32
        %get3A_2823 = arith.index_cast %get3A_2821 : i32 to index
        %get3A_2824 = arith.index_cast %get3A_2822 : i32 to index
        %get3A_2825 = arith.constant 32 : index
        %get3A_2826 = tpu.vector_load %arg10[%get3A_2823, %get3A_2824, %get3A_2825] {strides = array<i32>} : memref<2x16x128xf32, #tpu.memory_space<vmem>>, vector<1x1x16xf32>,
        %get3A_2827 = vector.shape_cast %get3A_2826 : vector<1x1x16xf32> to vector<16xf32>
        %swap3A_2828 = arith.constant 1 : i32
        %swap3A_2829 = arith.constant 50 : i32
        %swap3A_2830 = arith.index_cast %swap3A_2828 : i32 to index
        %swap3A_2831 = arith.index_cast %swap3A_2829 : i32 to index
        %swap3A_2832 = arith.constant 0 : index
        %swap3A_2833 = tpu.vector_load %arg9[%swap3A_2830, %swap3A_2831, %swap3A_2832] {strides = array<i32>} : memref<2x128x128xf32, #tpu.memory_space<vmem>>, vector<1x1x16xf32>,
        %swap3A_2834 = vector.shape_cast %swap3A_2833 : vector<1x1x16xf32> to vector<16xf32>
        %swap3A_2835 = vector.shape_cast %get3A_2827 : vector<16xf32> to vector<1x1x16xf32>
        tpu.vector_store %arg9[%swap3A_2830, %swap3A_2831, %swap3A_2832], %swap3A_2835 {strides = array<i32>} : memref<2x128x128xf32, #tpu.memory_space<vmem>>, vector<1x1x16xf32>,
        %get3A_2836 = arith.constant 1 : i32
        %get3A_2837 = arith.constant 6 : i32
        %get3A_2838 = arith.index_cast %get3A_2836 : i32 to index
        %get3A_2839 = arith.index_cast %get3A_2837 : i32 to index
        %get3A_2840 = arith.constant 48 : index
        %get3A_2841 = tpu.vector_load %arg10[%get3A_2838, %get3A_2839, %get3A_2840] {strides = array<i32>} : memref<2x16x128xf32, #tpu.memory_space<vmem>>, vector<1x1x16xf32>,
        %get3A_2842 = vector.shape_cast %get3A_2841 : vector<1x1x16xf32> to vector<16xf32>
        %swap3A_2843 = arith.constant 1 : i32
        %swap3A_2844 = arith.constant 51 : i32
        %swap3A_2845 = arith.index_cast %swap3A_2843 : i32 to index
        %swap3A_2846 = arith.index_cast %swap3A_2844 : i32 to index
        %swap3A_2847 = arith.constant 0 : index
        %swap3A_2848 = tpu.vector_load %arg9[%swap3A_2845, %swap3A_2846, %swap3A_2847] {strides = array<i32>} : memref<2x128x128xf32, #tpu.memory_space<vmem>>, vector<1x1x16xf32>,
        %swap3A_2849 = vector.shape_cast %swap3A_2848 : vector<1x1x16xf32> to vector<16xf32>
        %swap3A_2850 = vector.shape_cast %get3A_2842 : vector<16xf32> to vector<1x1x16xf32>
        tpu.vector_store %arg9[%swap3A_2845, %swap3A_2846, %swap3A_2847], %swap3A_2850 {strides = array<i32>} : memref<2x128x128xf32, #tpu.memory_space<vmem>>, vector<1x1x16xf32>,
        %get3A_2851 = arith.constant 1 : i32
        %get3A_2852 = arith.constant 6 : i32
        %get3A_2853 = arith.index_cast %get3A_2851 : i32 to index
        %get3A_2854 = arith.index_cast %get3A_2852 : i32 to index
        %get3A_2855 = arith.constant 64 : index
        %get3A_2856 = tpu.vector_load %arg10[%get3A_2853, %get3A_2854, %get3A_2855] {strides = array<i32>} : memref<2x16x128xf32, #tpu.memory_space<vmem>>, vector<1x1x16xf32>,
        %get3A_2857 = vector.shape_cast %get3A_2856 : vector<1x1x16xf32> to vector<16xf32>
        %swap3A_2858 = arith.constant 1 : i32
        %swap3A_2859 = arith.constant 52 : i32
        %swap3A_2860 = arith.index_cast %swap3A_2858 : i32 to index
        %swap3A_2861 = arith.index_cast %swap3A_2859 : i32 to index
        %swap3A_2862 = arith.constant 0 : index
        %swap3A_2863 = tpu.vector_load %arg9[%swap3A_2860, %swap3A_2861, %swap3A_2862] {strides = array<i32>} : memref<2x128x128xf32, #tpu.memory_space<vmem>>, vector<1x1x16xf32>,
        %swap3A_2864 = vector.shape_cast %swap3A_2863 : vector<1x1x16xf32> to vector<16xf32>
        %swap3A_2865 = vector.shape_cast %get3A_2857 : vector<16xf32> to vector<1x1x16xf32>
        tpu.vector_store %arg9[%swap3A_2860, %swap3A_2861, %swap3A_2862], %swap3A_2865 {strides = array<i32>} : memref<2x128x128xf32, #tpu.memory_space<vmem>>, vector<1x1x16xf32>,
        %get3A_2866 = arith.constant 1 : i32
        %get3A_2867 = arith.constant 6 : i32
        %get3A_2868 = arith.index_cast %get3A_2866 : i32 to index
        %get3A_2869 = arith.index_cast %get3A_2867 : i32 to index
        %get3A_2870 = arith.constant 80 : index
        %get3A_2871 = tpu.vector_load %arg10[%get3A_2868, %get3A_2869, %get3A_2870] {strides = array<i32>} : memref<2x16x128xf32, #tpu.memory_space<vmem>>, vector<1x1x16xf32>,
        %get3A_2872 = vector.shape_cast %get3A_2871 : vector<1x1x16xf32> to vector<16xf32>
        %swap3A_2873 = arith.constant 1 : i32
        %swap3A_2874 = arith.constant 53 : i32
        %swap3A_2875 = arith.index_cast %swap3A_2873 : i32 to index
        %swap3A_2876 = arith.index_cast %swap3A_2874 : i32 to index
        %swap3A_2877 = arith.constant 0 : index
        %swap3A_2878 = tpu.vector_load %arg9[%swap3A_2875, %swap3A_2876, %swap3A_2877] {strides = array<i32>} : memref<2x128x128xf32, #tpu.memory_space<vmem>>, vector<1x1x16xf32>,
        %swap3A_2879 = vector.shape_cast %swap3A_2878 : vector<1x1x16xf32> to vector<16xf32>
        %swap3A_2880 = vector.shape_cast %get3A_2872 : vector<16xf32> to vector<1x1x16xf32>
        tpu.vector_store %arg9[%swap3A_2875, %swap3A_2876, %swap3A_2877], %swap3A_2880 {strides = array<i32>} : memref<2x128x128xf32, #tpu.memory_space<vmem>>, vector<1x1x16xf32>,
        %get3A_2881 = arith.constant 1 : i32
        %get3A_2882 = arith.constant 6 : i32
        %get3A_2883 = arith.index_cast %get3A_2881 : i32 to index
        %get3A_2884 = arith.index_cast %get3A_2882 : i32 to index
        %get3A_2885 = arith.constant 96 : index
        %get3A_2886 = tpu.vector_load %arg10[%get3A_2883, %get3A_2884, %get3A_2885] {strides = array<i32>} : memref<2x16x128xf32, #tpu.memory_space<vmem>>, vector<1x1x16xf32>,
        %get3A_2887 = vector.shape_cast %get3A_2886 : vector<1x1x16xf32> to vector<16xf32>
        %swap3A_2888 = arith.constant 1 : i32
        %swap3A_2889 = arith.constant 54 : i32
        %swap3A_2890 = arith.index_cast %swap3A_2888 : i32 to index
        %swap3A_2891 = arith.index_cast %swap3A_2889 : i32 to index
        %swap3A_2892 = arith.constant 0 : index
        %swap3A_2893 = tpu.vector_load %arg9[%swap3A_2890, %swap3A_2891, %swap3A_2892] {strides = array<i32>} : memref<2x128x128xf32, #tpu.memory_space<vmem>>, vector<1x1x16xf32>,
        %swap3A_2894 = vector.shape_cast %swap3A_2893 : vector<1x1x16xf32> to vector<16xf32>
        %swap3A_2895 = vector.shape_cast %get3A_2887 : vector<16xf32> to vector<1x1x16xf32>
        tpu.vector_store %arg9[%swap3A_2890, %swap3A_2891, %swap3A_2892], %swap3A_2895 {strides = array<i32>} : memref<2x128x128xf32, #tpu.memory_space<vmem>>, vector<1x1x16xf32>,
        %get3A_2896 = arith.constant 1 : i32
        %get3A_2897 = arith.constant 6 : i32
        %get3A_2898 = arith.index_cast %get3A_2896 : i32 to index
        %get3A_2899 = arith.index_cast %get3A_2897 : i32 to index
        %get3A_2900 = arith.constant 112 : index
        %get3A_2901 = tpu.vector_load %arg10[%get3A_2898, %get3A_2899, %get3A_2900] {strides = array<i32>} : memref<2x16x128xf32, #tpu.memory_space<vmem>>, vector<1x1x16xf32>,
        %get3A_2902 = vector.shape_cast %get3A_2901 : vector<1x1x16xf32> to vector<16xf32>
        %swap3A_2903 = arith.constant 1 : i32
        %swap3A_2904 = arith.constant 55 : i32
        %swap3A_2905 = arith.index_cast %swap3A_2903 : i32 to index
        %swap3A_2906 = arith.index_cast %swap3A_2904 : i32 to index
        %swap3A_2907 = arith.constant 0 : index
        %swap3A_2908 = tpu.vector_load %arg9[%swap3A_2905, %swap3A_2906, %swap3A_2907] {strides = array<i32>} : memref<2x128x128xf32, #tpu.memory_space<vmem>>, vector<1x1x16xf32>,
        %swap3A_2909 = vector.shape_cast %swap3A_2908 : vector<1x1x16xf32> to vector<16xf32>
        %swap3A_2910 = vector.shape_cast %get3A_2902 : vector<16xf32> to vector<1x1x16xf32>
        tpu.vector_store %arg9[%swap3A_2905, %swap3A_2906, %swap3A_2907], %swap3A_2910 {strides = array<i32>} : memref<2x128x128xf32, #tpu.memory_space<vmem>>, vector<1x1x16xf32>,
        %get3A_2911 = arith.constant 1 : i32
        %get3A_2912 = arith.constant 7 : i32
        %get3A_2913 = arith.index_cast %get3A_2911 : i32 to index
        %get3A_2914 = arith.index_cast %get3A_2912 : i32 to index
        %get3A_2915 = arith.constant 0 : index
        %get3A_2916 = tpu.vector_load %arg10[%get3A_2913, %get3A_2914, %get3A_2915] {strides = array<i32>} : memref<2x16x128xf32, #tpu.memory_space<vmem>>, vector<1x1x16xf32>,
        %get3A_2917 = vector.shape_cast %get3A_2916 : vector<1x1x16xf32> to vector<16xf32>
        %swap3A_2918 = arith.constant 1 : i32
        %swap3A_2919 = arith.constant 56 : i32
        %swap3A_2920 = arith.index_cast %swap3A_2918 : i32 to index
        %swap3A_2921 = arith.index_cast %swap3A_2919 : i32 to index
        %swap3A_2922 = arith.constant 0 : index
        %swap3A_2923 = tpu.vector_load %arg9[%swap3A_2920, %swap3A_2921, %swap3A_2922] {strides = array<i32>} : memref<2x128x128xf32, #tpu.memory_space<vmem>>, vector<1x1x16xf32>,
        %swap3A_2924 = vector.shape_cast %swap3A_2923 : vector<1x1x16xf32> to vector<16xf32>
        %swap3A_2925 = vector.shape_cast %get3A_2917 : vector<16xf32> to vector<1x1x16xf32>
        tpu.vector_store %arg9[%swap3A_2920, %swap3A_2921, %swap3A_2922], %swap3A_2925 {strides = array<i32>} : memref<2x128x128xf32, #tpu.memory_space<vmem>>, vector<1x1x16xf32>,
        %get3A_2926 = arith.constant 1 : i32
        %get3A_2927 = arith.constant 7 : i32
        %get3A_2928 = arith.index_cast %get3A_2926 : i32 to index
        %get3A_2929 = arith.index_cast %get3A_2927 : i32 to index
        %get3A_2930 = arith.constant 16 : index
        %get3A_2931 = tpu.vector_load %arg10[%get3A_2928, %get3A_2929, %get3A_2930] {strides = array<i32>} : memref<2x16x128xf32, #tpu.memory_space<vmem>>, vector<1x1x16xf32>,
        %get3A_2932 = vector.shape_cast %get3A_2931 : vector<1x1x16xf32> to vector<16xf32>
        %swap3A_2933 = arith.constant 1 : i32
        %swap3A_2934 = arith.constant 57 : i32
        %swap3A_2935 = arith.index_cast %swap3A_2933 : i32 to index
        %swap3A_2936 = arith.index_cast %swap3A_2934 : i32 to index
        %swap3A_2937 = arith.constant 0 : index
        %swap3A_2938 = tpu.vector_load %arg9[%swap3A_2935, %swap3A_2936, %swap3A_2937] {strides = array<i32>} : memref<2x128x128xf32, #tpu.memory_space<vmem>>, vector<1x1x16xf32>,
        %swap3A_2939 = vector.shape_cast %swap3A_2938 : vector<1x1x16xf32> to vector<16xf32>
        %swap3A_2940 = vector.shape_cast %get3A_2932 : vector<16xf32> to vector<1x1x16xf32>
        tpu.vector_store %arg9[%swap3A_2935, %swap3A_2936, %swap3A_2937], %swap3A_2940 {strides = array<i32>} : memref<2x128x128xf32, #tpu.memory_space<vmem>>, vector<1x1x16xf32>,
        %get3A_2941 = arith.constant 1 : i32
        %get3A_2942 = arith.constant 7 : i32
        %get3A_2943 = arith.index_cast %get3A_2941 : i32 to index
        %get3A_2944 = arith.index_cast %get3A_2942 : i32 to index
        %get3A_2945 = arith.constant 32 : index
        %get3A_2946 = tpu.vector_load %arg10[%get3A_2943, %get3A_2944, %get3A_2945] {strides = array<i32>} : memref<2x16x128xf32, #tpu.memory_space<vmem>>, vector<1x1x16xf32>,
        %get3A_2947 = vector.shape_cast %get3A_2946 : vector<1x1x16xf32> to vector<16xf32>
        %swap3A_2948 = arith.constant 1 : i32
        %swap3A_2949 = arith.constant 58 : i32
        %swap3A_2950 = arith.index_cast %swap3A_2948 : i32 to index
        %swap3A_2951 = arith.index_cast %swap3A_2949 : i32 to index
        %swap3A_2952 = arith.constant 0 : index
        %swap3A_2953 = tpu.vector_load %arg9[%swap3A_2950, %swap3A_2951, %swap3A_2952] {strides = array<i32>} : memref<2x128x128xf32, #tpu.memory_space<vmem>>, vector<1x1x16xf32>,
        %swap3A_2954 = vector.shape_cast %swap3A_2953 : vector<1x1x16xf32> to vector<16xf32>
        %swap3A_2955 = vector.shape_cast %get3A_2947 : vector<16xf32> to vector<1x1x16xf32>
        tpu.vector_store %arg9[%swap3A_2950, %swap3A_2951, %swap3A_2952], %swap3A_2955 {strides = array<i32>} : memref<2x128x128xf32, #tpu.memory_space<vmem>>, vector<1x1x16xf32>,
        %get3A_2956 = arith.constant 1 : i32
        %get3A_2957 = arith.constant 7 : i32
        %get3A_2958 = arith.index_cast %get3A_2956 : i32 to index
        %get3A_2959 = arith.index_cast %get3A_2957 : i32 to index
        %get3A_2960 = arith.constant 48 : index
        %get3A_2961 = tpu.vector_load %arg10[%get3A_2958, %get3A_2959, %get3A_2960] {strides = array<i32>} : memref<2x16x128xf32, #tpu.memory_space<vmem>>, vector<1x1x16xf32>,
        %get3A_2962 = vector.shape_cast %get3A_2961 : vector<1x1x16xf32> to vector<16xf32>
        %swap3A_2963 = arith.constant 1 : i32
        %swap3A_2964 = arith.constant 59 : i32
        %swap3A_2965 = arith.index_cast %swap3A_2963 : i32 to index
        %swap3A_2966 = arith.index_cast %swap3A_2964 : i32 to index
        %swap3A_2967 = arith.constant 0 : index
        %swap3A_2968 = tpu.vector_load %arg9[%swap3A_2965, %swap3A_2966, %swap3A_2967] {strides = array<i32>} : memref<2x128x128xf32, #tpu.memory_space<vmem>>, vector<1x1x16xf32>,
        %swap3A_2969 = vector.shape_cast %swap3A_2968 : vector<1x1x16xf32> to vector<16xf32>
        %swap3A_2970 = vector.shape_cast %get3A_2962 : vector<16xf32> to vector<1x1x16xf32>
        tpu.vector_store %arg9[%swap3A_2965, %swap3A_2966, %swap3A_2967], %swap3A_2970 {strides = array<i32>} : memref<2x128x128xf32, #tpu.memory_space<vmem>>, vector<1x1x16xf32>,
        %get3A_2971 = arith.constant 1 : i32
        %get3A_2972 = arith.constant 7 : i32
        %get3A_2973 = arith.index_cast %get3A_2971 : i32 to index
        %get3A_2974 = arith.index_cast %get3A_2972 : i32 to index
        %get3A_2975 = arith.constant 64 : index
        %get3A_2976 = tpu.vector_load %arg10[%get3A_2973, %get3A_2974, %get3A_2975] {strides = array<i32>} : memref<2x16x128xf32, #tpu.memory_space<vmem>>, vector<1x1x16xf32>,
        %get3A_2977 = vector.shape_cast %get3A_2976 : vector<1x1x16xf32> to vector<16xf32>
        %swap3A_2978 = arith.constant 1 : i32
        %swap3A_2979 = arith.constant 60 : i32
        %swap3A_2980 = arith.index_cast %swap3A_2978 : i32 to index
        %swap3A_2981 = arith.index_cast %swap3A_2979 : i32 to index
        %swap3A_2982 = arith.constant 0 : index
        %swap3A_2983 = tpu.vector_load %arg9[%swap3A_2980, %swap3A_2981, %swap3A_2982] {strides = array<i32>} : memref<2x128x128xf32, #tpu.memory_space<vmem>>, vector<1x1x16xf32>,
        %swap3A_2984 = vector.shape_cast %swap3A_2983 : vector<1x1x16xf32> to vector<16xf32>
        %swap3A_2985 = vector.shape_cast %get3A_2977 : vector<16xf32> to vector<1x1x16xf32>
        tpu.vector_store %arg9[%swap3A_2980, %swap3A_2981, %swap3A_2982], %swap3A_2985 {strides = array<i32>} : memref<2x128x128xf32, #tpu.memory_space<vmem>>, vector<1x1x16xf32>,
        %get3A_2986 = arith.constant 1 : i32
        %get3A_2987 = arith.constant 7 : i32
        %get3A_2988 = arith.index_cast %get3A_2986 : i32 to index
        %get3A_2989 = arith.index_cast %get3A_2987 : i32 to index
        %get3A_2990 = arith.constant 80 : index
        %get3A_2991 = tpu.vector_load %arg10[%get3A_2988, %get3A_2989, %get3A_2990] {strides = array<i32>} : memref<2x16x128xf32, #tpu.memory_space<vmem>>, vector<1x1x16xf32>,
        %get3A_2992 = vector.shape_cast %get3A_2991 : vector<1x1x16xf32> to vector<16xf32>
        %swap3A_2993 = arith.constant 1 : i32
        %swap3A_2994 = arith.constant 61 : i32
        %swap3A_2995 = arith.index_cast %swap3A_2993 : i32 to index
        %swap3A_2996 = arith.index_cast %swap3A_2994 : i32 to index
        %swap3A_2997 = arith.constant 0 : index
        %swap3A_2998 = tpu.vector_load %arg9[%swap3A_2995, %swap3A_2996, %swap3A_2997] {strides = array<i32>} : memref<2x128x128xf32, #tpu.memory_space<vmem>>, vector<1x1x16xf32>,
        %swap3A_2999 = vector.shape_cast %swap3A_2998 : vector<1x1x16xf32> to vector<16xf32>
        %swap3A_3000 = vector.shape_cast %get3A_2992 : vector<16xf32> to vector<1x1x16xf32>
        tpu.vector_store %arg9[%swap3A_2995, %swap3A_2996, %swap3A_2997], %swap3A_3000 {strides = array<i32>} : memref<2x128x128xf32, #tpu.memory_space<vmem>>, vector<1x1x16xf32>,
        %get3A_3001 = arith.constant 1 : i32
        %get3A_3002 = arith.constant 7 : i32
        %get3A_3003 = arith.index_cast %get3A_3001 : i32 to index
        %get3A_3004 = arith.index_cast %get3A_3002 : i32 to index
        %get3A_3005 = arith.constant 96 : index
        %get3A_3006 = tpu.vector_load %arg10[%get3A_3003, %get3A_3004, %get3A_3005] {strides = array<i32>} : memref<2x16x128xf32, #tpu.memory_space<vmem>>, vector<1x1x16xf32>,
        %get3A_3007 = vector.shape_cast %get3A_3006 : vector<1x1x16xf32> to vector<16xf32>
        %swap3A_3008 = arith.constant 1 : i32
        %swap3A_3009 = arith.constant 62 : i32
        %swap3A_3010 = arith.index_cast %swap3A_3008 : i32 to index
        %swap3A_3011 = arith.index_cast %swap3A_3009 : i32 to index
        %swap3A_3012 = arith.constant 0 : index
        %swap3A_3013 = tpu.vector_load %arg9[%swap3A_3010, %swap3A_3011, %swap3A_3012] {strides = array<i32>} : memref<2x128x128xf32, #tpu.memory_space<vmem>>, vector<1x1x16xf32>,
        %swap3A_3014 = vector.shape_cast %swap3A_3013 : vector<1x1x16xf32> to vector<16xf32>
        %swap3A_3015 = vector.shape_cast %get3A_3007 : vector<16xf32> to vector<1x1x16xf32>
        tpu.vector_store %arg9[%swap3A_3010, %swap3A_3011, %swap3A_3012], %swap3A_3015 {strides = array<i32>} : memref<2x128x128xf32, #tpu.memory_space<vmem>>, vector<1x1x16xf32>,
        %get3A_3016 = arith.constant 1 : i32
        %get3A_3017 = arith.constant 7 : i32
        %get3A_3018 = arith.index_cast %get3A_3016 : i32 to index
        %get3A_3019 = arith.index_cast %get3A_3017 : i32 to index
        %get3A_3020 = arith.constant 112 : index
        %get3A_3021 = tpu.vector_load %arg10[%get3A_3018, %get3A_3019, %get3A_3020] {strides = array<i32>} : memref<2x16x128xf32, #tpu.memory_space<vmem>>, vector<1x1x16xf32>,
        %get3A_3022 = vector.shape_cast %get3A_3021 : vector<1x1x16xf32> to vector<16xf32>
        %swap3A_3023 = arith.constant 1 : i32
        %swap3A_3024 = arith.constant 63 : i32
        %swap3A_3025 = arith.index_cast %swap3A_3023 : i32 to index
        %swap3A_3026 = arith.index_cast %swap3A_3024 : i32 to index
        %swap3A_3027 = arith.constant 0 : index
        %swap3A_3028 = tpu.vector_load %arg9[%swap3A_3025, %swap3A_3026, %swap3A_3027] {strides = array<i32>} : memref<2x128x128xf32, #tpu.memory_space<vmem>>, vector<1x1x16xf32>,
        %swap3A_3029 = vector.shape_cast %swap3A_3028 : vector<1x1x16xf32> to vector<16xf32>
        %swap3A_3030 = vector.shape_cast %get3A_3022 : vector<16xf32> to vector<1x1x16xf32>
        tpu.vector_store %arg9[%swap3A_3025, %swap3A_3026, %swap3A_3027], %swap3A_3030 {strides = array<i32>} : memref<2x128x128xf32, #tpu.memory_space<vmem>>, vector<1x1x16xf32>,
        %get3A_3031 = arith.constant 1 : i32
        %get3A_3032 = arith.constant 8 : i32
        %get3A_3033 = arith.index_cast %get3A_3031 : i32 to index
        %get3A_3034 = arith.index_cast %get3A_3032 : i32 to index
        %get3A_3035 = arith.constant 0 : index
        %get3A_3036 = tpu.vector_load %arg10[%get3A_3033, %get3A_3034, %get3A_3035] {strides = array<i32>} : memref<2x16x128xf32, #tpu.memory_space<vmem>>, vector<1x1x16xf32>,
        %get3A_3037 = vector.shape_cast %get3A_3036 : vector<1x1x16xf32> to vector<16xf32>
        %swap3A_3038 = arith.constant 1 : i32
        %swap3A_3039 = arith.constant 64 : i32
        %swap3A_3040 = arith.index_cast %swap3A_3038 : i32 to index
        %swap3A_3041 = arith.index_cast %swap3A_3039 : i32 to index
        %swap3A_3042 = arith.constant 0 : index
        %swap3A_3043 = tpu.vector_load %arg9[%swap3A_3040, %swap3A_3041, %swap3A_3042] {strides = array<i32>} : memref<2x128x128xf32, #tpu.memory_space<vmem>>, vector<1x1x16xf32>,
        %swap3A_3044 = vector.shape_cast %swap3A_3043 : vector<1x1x16xf32> to vector<16xf32>
        %swap3A_3045 = vector.shape_cast %get3A_3037 : vector<16xf32> to vector<1x1x16xf32>
        tpu.vector_store %arg9[%swap3A_3040, %swap3A_3041, %swap3A_3042], %swap3A_3045 {strides = array<i32>} : memref<2x128x128xf32, #tpu.memory_space<vmem>>, vector<1x1x16xf32>,
        %get3A_3046 = arith.constant 1 : i32
        %get3A_3047 = arith.constant 8 : i32
        %get3A_3048 = arith.index_cast %get3A_3046 : i32 to index
        %get3A_3049 = arith.index_cast %get3A_3047 : i32 to index
        %get3A_3050 = arith.constant 16 : index
        %get3A_3051 = tpu.vector_load %arg10[%get3A_3048, %get3A_3049, %get3A_3050] {strides = array<i32>} : memref<2x16x128xf32, #tpu.memory_space<vmem>>, vector<1x1x16xf32>,
        %get3A_3052 = vector.shape_cast %get3A_3051 : vector<1x1x16xf32> to vector<16xf32>
        %swap3A_3053 = arith.constant 1 : i32
        %swap3A_3054 = arith.constant 65 : i32
        %swap3A_3055 = arith.index_cast %swap3A_3053 : i32 to index
        %swap3A_3056 = arith.index_cast %swap3A_3054 : i32 to index
        %swap3A_3057 = arith.constant 0 : index
        %swap3A_3058 = tpu.vector_load %arg9[%swap3A_3055, %swap3A_3056, %swap3A_3057] {strides = array<i32>} : memref<2x128x128xf32, #tpu.memory_space<vmem>>, vector<1x1x16xf32>,
        %swap3A_3059 = vector.shape_cast %swap3A_3058 : vector<1x1x16xf32> to vector<16xf32>
        %swap3A_3060 = vector.shape_cast %get3A_3052 : vector<16xf32> to vector<1x1x16xf32>
        tpu.vector_store %arg9[%swap3A_3055, %swap3A_3056, %swap3A_3057], %swap3A_3060 {strides = array<i32>} : memref<2x128x128xf32, #tpu.memory_space<vmem>>, vector<1x1x16xf32>,
        %get3A_3061 = arith.constant 1 : i32
        %get3A_3062 = arith.constant 8 : i32
        %get3A_3063 = arith.index_cast %get3A_3061 : i32 to index
        %get3A_3064 = arith.index_cast %get3A_3062 : i32 to index
        %get3A_3065 = arith.constant 32 : index
        %get3A_3066 = tpu.vector_load %arg10[%get3A_3063, %get3A_3064, %get3A_3065] {strides = array<i32>} : memref<2x16x128xf32, #tpu.memory_space<vmem>>, vector<1x1x16xf32>,
        %get3A_3067 = vector.shape_cast %get3A_3066 : vector<1x1x16xf32> to vector<16xf32>
        %swap3A_3068 = arith.constant 1 : i32
        %swap3A_3069 = arith.constant 66 : i32
        %swap3A_3070 = arith.index_cast %swap3A_3068 : i32 to index
        %swap3A_3071 = arith.index_cast %swap3A_3069 : i32 to index
        %swap3A_3072 = arith.constant 0 : index
        %swap3A_3073 = tpu.vector_load %arg9[%swap3A_3070, %swap3A_3071, %swap3A_3072] {strides = array<i32>} : memref<2x128x128xf32, #tpu.memory_space<vmem>>, vector<1x1x16xf32>,
        %swap3A_3074 = vector.shape_cast %swap3A_3073 : vector<1x1x16xf32> to vector<16xf32>
        %swap3A_3075 = vector.shape_cast %get3A_3067 : vector<16xf32> to vector<1x1x16xf32>
        tpu.vector_store %arg9[%swap3A_3070, %swap3A_3071, %swap3A_3072], %swap3A_3075 {strides = array<i32>} : memref<2x128x128xf32, #tpu.memory_space<vmem>>, vector<1x1x16xf32>,
        %get3A_3076 = arith.constant 1 : i32
        %get3A_3077 = arith.constant 8 : i32
        %get3A_3078 = arith.index_cast %get3A_3076 : i32 to index
        %get3A_3079 = arith.index_cast %get3A_3077 : i32 to index
        %get3A_3080 = arith.constant 48 : index
        %get3A_3081 = tpu.vector_load %arg10[%get3A_3078, %get3A_3079, %get3A_3080] {strides = array<i32>} : memref<2x16x128xf32, #tpu.memory_space<vmem>>, vector<1x1x16xf32>,
        %get3A_3082 = vector.shape_cast %get3A_3081 : vector<1x1x16xf32> to vector<16xf32>
        %swap3A_3083 = arith.constant 1 : i32
        %swap3A_3084 = arith.constant 67 : i32
        %swap3A_3085 = arith.index_cast %swap3A_3083 : i32 to index
        %swap3A_3086 = arith.index_cast %swap3A_3084 : i32 to index
        %swap3A_3087 = arith.constant 0 : index
        %swap3A_3088 = tpu.vector_load %arg9[%swap3A_3085, %swap3A_3086, %swap3A_3087] {strides = array<i32>} : memref<2x128x128xf32, #tpu.memory_space<vmem>>, vector<1x1x16xf32>,
        %swap3A_3089 = vector.shape_cast %swap3A_3088 : vector<1x1x16xf32> to vector<16xf32>
        %swap3A_3090 = vector.shape_cast %get3A_3082 : vector<16xf32> to vector<1x1x16xf32>
        tpu.vector_store %arg9[%swap3A_3085, %swap3A_3086, %swap3A_3087], %swap3A_3090 {strides = array<i32>} : memref<2x128x128xf32, #tpu.memory_space<vmem>>, vector<1x1x16xf32>,
        %get3A_3091 = arith.constant 1 : i32
        %get3A_3092 = arith.constant 8 : i32
        %get3A_3093 = arith.index_cast %get3A_3091 : i32 to index
        %get3A_3094 = arith.index_cast %get3A_3092 : i32 to index
        %get3A_3095 = arith.constant 64 : index
        %get3A_3096 = tpu.vector_load %arg10[%get3A_3093, %get3A_3094, %get3A_3095] {strides = array<i32>} : memref<2x16x128xf32, #tpu.memory_space<vmem>>, vector<1x1x16xf32>,
        %get3A_3097 = vector.shape_cast %get3A_3096 : vector<1x1x16xf32> to vector<16xf32>
        %swap3A_3098 = arith.constant 1 : i32
        %swap3A_3099 = arith.constant 68 : i32
        %swap3A_3100 = arith.index_cast %swap3A_3098 : i32 to index
        %swap3A_3101 = arith.index_cast %swap3A_3099 : i32 to index
        %swap3A_3102 = arith.constant 0 : index
        %swap3A_3103 = tpu.vector_load %arg9[%swap3A_3100, %swap3A_3101, %swap3A_3102] {strides = array<i32>} : memref<2x128x128xf32, #tpu.memory_space<vmem>>, vector<1x1x16xf32>,
        %swap3A_3104 = vector.shape_cast %swap3A_3103 : vector<1x1x16xf32> to vector<16xf32>
        %swap3A_3105 = vector.shape_cast %get3A_3097 : vector<16xf32> to vector<1x1x16xf32>
        tpu.vector_store %arg9[%swap3A_3100, %swap3A_3101, %swap3A_3102], %swap3A_3105 {strides = array<i32>} : memref<2x128x128xf32, #tpu.memory_space<vmem>>, vector<1x1x16xf32>,
        %get3A_3106 = arith.constant 1 : i32
        %get3A_3107 = arith.constant 8 : i32
        %get3A_3108 = arith.index_cast %get3A_3106 : i32 to index
        %get3A_3109 = arith.index_cast %get3A_3107 : i32 to index
        %get3A_3110 = arith.constant 80 : index
        %get3A_3111 = tpu.vector_load %arg10[%get3A_3108, %get3A_3109, %get3A_3110] {strides = array<i32>} : memref<2x16x128xf32, #tpu.memory_space<vmem>>, vector<1x1x16xf32>,
        %get3A_3112 = vector.shape_cast %get3A_3111 : vector<1x1x16xf32> to vector<16xf32>
        %swap3A_3113 = arith.constant 1 : i32
        %swap3A_3114 = arith.constant 69 : i32
        %swap3A_3115 = arith.index_cast %swap3A_3113 : i32 to index
        %swap3A_3116 = arith.index_cast %swap3A_3114 : i32 to index
        %swap3A_3117 = arith.constant 0 : index
        %swap3A_3118 = tpu.vector_load %arg9[%swap3A_3115, %swap3A_3116, %swap3A_3117] {strides = array<i32>} : memref<2x128x128xf32, #tpu.memory_space<vmem>>, vector<1x1x16xf32>,
        %swap3A_3119 = vector.shape_cast %swap3A_3118 : vector<1x1x16xf32> to vector<16xf32>
        %swap3A_3120 = vector.shape_cast %get3A_3112 : vector<16xf32> to vector<1x1x16xf32>
        tpu.vector_store %arg9[%swap3A_3115, %swap3A_3116, %swap3A_3117], %swap3A_3120 {strides = array<i32>} : memref<2x128x128xf32, #tpu.memory_space<vmem>>, vector<1x1x16xf32>,
        %get3A_3121 = arith.constant 1 : i32
        %get3A_3122 = arith.constant 8 : i32
        %get3A_3123 = arith.index_cast %get3A_3121 : i32 to index
        %get3A_3124 = arith.index_cast %get3A_3122 : i32 to index
        %get3A_3125 = arith.constant 96 : index
        %get3A_3126 = tpu.vector_load %arg10[%get3A_3123, %get3A_3124, %get3A_3125] {strides = array<i32>} : memref<2x16x128xf32, #tpu.memory_space<vmem>>, vector<1x1x16xf32>,
        %get3A_3127 = vector.shape_cast %get3A_3126 : vector<1x1x16xf32> to vector<16xf32>
        %swap3A_3128 = arith.constant 1 : i32
        %swap3A_3129 = arith.constant 70 : i32
        %swap3A_3130 = arith.index_cast %swap3A_3128 : i32 to index
        %swap3A_3131 = arith.index_cast %swap3A_3129 : i32 to index
        %swap3A_3132 = arith.constant 0 : index
        %swap3A_3133 = tpu.vector_load %arg9[%swap3A_3130, %swap3A_3131, %swap3A_3132] {strides = array<i32>} : memref<2x128x128xf32, #tpu.memory_space<vmem>>, vector<1x1x16xf32>,
        %swap3A_3134 = vector.shape_cast %swap3A_3133 : vector<1x1x16xf32> to vector<16xf32>
        %swap3A_3135 = vector.shape_cast %get3A_3127 : vector<16xf32> to vector<1x1x16xf32>
        tpu.vector_store %arg9[%swap3A_3130, %swap3A_3131, %swap3A_3132], %swap3A_3135 {strides = array<i32>} : memref<2x128x128xf32, #tpu.memory_space<vmem>>, vector<1x1x16xf32>,
        %get3A_3136 = arith.constant 1 : i32
        %get3A_3137 = arith.constant 8 : i32
        %get3A_3138 = arith.index_cast %get3A_3136 : i32 to index
        %get3A_3139 = arith.index_cast %get3A_3137 : i32 to index
        %get3A_3140 = arith.constant 112 : index
        %get3A_3141 = tpu.vector_load %arg10[%get3A_3138, %get3A_3139, %get3A_3140] {strides = array<i32>} : memref<2x16x128xf32, #tpu.memory_space<vmem>>, vector<1x1x16xf32>,
        %get3A_3142 = vector.shape_cast %get3A_3141 : vector<1x1x16xf32> to vector<16xf32>
        %swap3A_3143 = arith.constant 1 : i32
        %swap3A_3144 = arith.constant 71 : i32
        %swap3A_3145 = arith.index_cast %swap3A_3143 : i32 to index
        %swap3A_3146 = arith.index_cast %swap3A_3144 : i32 to index
        %swap3A_3147 = arith.constant 0 : index
        %swap3A_3148 = tpu.vector_load %arg9[%swap3A_3145, %swap3A_3146, %swap3A_3147] {strides = array<i32>} : memref<2x128x128xf32, #tpu.memory_space<vmem>>, vector<1x1x16xf32>,
        %swap3A_3149 = vector.shape_cast %swap3A_3148 : vector<1x1x16xf32> to vector<16xf32>
        %swap3A_3150 = vector.shape_cast %get3A_3142 : vector<16xf32> to vector<1x1x16xf32>
        tpu.vector_store %arg9[%swap3A_3145, %swap3A_3146, %swap3A_3147], %swap3A_3150 {strides = array<i32>} : memref<2x128x128xf32, #tpu.memory_space<vmem>>, vector<1x1x16xf32>,
        %get3A_3151 = arith.constant 1 : i32
        %get3A_3152 = arith.constant 9 : i32
        %get3A_3153 = arith.index_cast %get3A_3151 : i32 to index
        %get3A_3154 = arith.index_cast %get3A_3152 : i32 to index
        %get3A_3155 = arith.constant 0 : index
        %get3A_3156 = tpu.vector_load %arg10[%get3A_3153, %get3A_3154, %get3A_3155] {strides = array<i32>} : memref<2x16x128xf32, #tpu.memory_space<vmem>>, vector<1x1x16xf32>,
        %get3A_3157 = vector.shape_cast %get3A_3156 : vector<1x1x16xf32> to vector<16xf32>
        %swap3A_3158 = arith.constant 1 : i32
        %swap3A_3159 = arith.constant 72 : i32
        %swap3A_3160 = arith.index_cast %swap3A_3158 : i32 to index
        %swap3A_3161 = arith.index_cast %swap3A_3159 : i32 to index
        %swap3A_3162 = arith.constant 0 : index
        %swap3A_3163 = tpu.vector_load %arg9[%swap3A_3160, %swap3A_3161, %swap3A_3162] {strides = array<i32>} : memref<2x128x128xf32, #tpu.memory_space<vmem>>, vector<1x1x16xf32>,
        %swap3A_3164 = vector.shape_cast %swap3A_3163 : vector<1x1x16xf32> to vector<16xf32>
        %swap3A_3165 = vector.shape_cast %get3A_3157 : vector<16xf32> to vector<1x1x16xf32>
        tpu.vector_store %arg9[%swap3A_3160, %swap3A_3161, %swap3A_3162], %swap3A_3165 {strides = array<i32>} : memref<2x128x128xf32, #tpu.memory_space<vmem>>, vector<1x1x16xf32>,
        %get3A_3166 = arith.constant 1 : i32
        %get3A_3167 = arith.constant 9 : i32
        %get3A_3168 = arith.index_cast %get3A_3166 : i32 to index
        %get3A_3169 = arith.index_cast %get3A_3167 : i32 to index
        %get3A_3170 = arith.constant 16 : index
        %get3A_3171 = tpu.vector_load %arg10[%get3A_3168, %get3A_3169, %get3A_3170] {strides = array<i32>} : memref<2x16x128xf32, #tpu.memory_space<vmem>>, vector<1x1x16xf32>,
        %get3A_3172 = vector.shape_cast %get3A_3171 : vector<1x1x16xf32> to vector<16xf32>
        %swap3A_3173 = arith.constant 1 : i32
        %swap3A_3174 = arith.constant 73 : i32
        %swap3A_3175 = arith.index_cast %swap3A_3173 : i32 to index
        %swap3A_3176 = arith.index_cast %swap3A_3174 : i32 to index
        %swap3A_3177 = arith.constant 0 : index
        %swap3A_3178 = tpu.vector_load %arg9[%swap3A_3175, %swap3A_3176, %swap3A_3177] {strides = array<i32>} : memref<2x128x128xf32, #tpu.memory_space<vmem>>, vector<1x1x16xf32>,
        %swap3A_3179 = vector.shape_cast %swap3A_3178 : vector<1x1x16xf32> to vector<16xf32>
        %swap3A_3180 = vector.shape_cast %get3A_3172 : vector<16xf32> to vector<1x1x16xf32>
        tpu.vector_store %arg9[%swap3A_3175, %swap3A_3176, %swap3A_3177], %swap3A_3180 {strides = array<i32>} : memref<2x128x128xf32, #tpu.memory_space<vmem>>, vector<1x1x16xf32>,
        %get3A_3181 = arith.constant 1 : i32
        %get3A_3182 = arith.constant 9 : i32
        %get3A_3183 = arith.index_cast %get3A_3181 : i32 to index
        %get3A_3184 = arith.index_cast %get3A_3182 : i32 to index
        %get3A_3185 = arith.constant 32 : index
        %get3A_3186 = tpu.vector_load %arg10[%get3A_3183, %get3A_3184, %get3A_3185] {strides = array<i32>} : memref<2x16x128xf32, #tpu.memory_space<vmem>>, vector<1x1x16xf32>,
        %get3A_3187 = vector.shape_cast %get3A_3186 : vector<1x1x16xf32> to vector<16xf32>
        %swap3A_3188 = arith.constant 1 : i32
        %swap3A_3189 = arith.constant 74 : i32
        %swap3A_3190 = arith.index_cast %swap3A_3188 : i32 to index
        %swap3A_3191 = arith.index_cast %swap3A_3189 : i32 to index
        %swap3A_3192 = arith.constant 0 : index
        %swap3A_3193 = tpu.vector_load %arg9[%swap3A_3190, %swap3A_3191, %swap3A_3192] {strides = array<i32>} : memref<2x128x128xf32, #tpu.memory_space<vmem>>, vector<1x1x16xf32>,
        %swap3A_3194 = vector.shape_cast %swap3A_3193 : vector<1x1x16xf32> to vector<16xf32>
        %swap3A_3195 = vector.shape_cast %get3A_3187 : vector<16xf32> to vector<1x1x16xf32>
        tpu.vector_store %arg9[%swap3A_3190, %swap3A_3191, %swap3A_3192], %swap3A_3195 {strides = array<i32>} : memref<2x128x128xf32, #tpu.memory_space<vmem>>, vector<1x1x16xf32>,
        %get3A_3196 = arith.constant 1 : i32
        %get3A_3197 = arith.constant 9 : i32
        %get3A_3198 = arith.index_cast %get3A_3196 : i32 to index
        %get3A_3199 = arith.index_cast %get3A_3197 : i32 to index
        %get3A_3200 = arith.constant 48 : index
        %get3A_3201 = tpu.vector_load %arg10[%get3A_3198, %get3A_3199, %get3A_3200] {strides = array<i32>} : memref<2x16x128xf32, #tpu.memory_space<vmem>>, vector<1x1x16xf32>,
        %get3A_3202 = vector.shape_cast %get3A_3201 : vector<1x1x16xf32> to vector<16xf32>
        %swap3A_3203 = arith.constant 1 : i32
        %swap3A_3204 = arith.constant 75 : i32
        %swap3A_3205 = arith.index_cast %swap3A_3203 : i32 to index
        %swap3A_3206 = arith.index_cast %swap3A_3204 : i32 to index
        %swap3A_3207 = arith.constant 0 : index
        %swap3A_3208 = tpu.vector_load %arg9[%swap3A_3205, %swap3A_3206, %swap3A_3207] {strides = array<i32>} : memref<2x128x128xf32, #tpu.memory_space<vmem>>, vector<1x1x16xf32>,
        %swap3A_3209 = vector.shape_cast %swap3A_3208 : vector<1x1x16xf32> to vector<16xf32>
        %swap3A_3210 = vector.shape_cast %get3A_3202 : vector<16xf32> to vector<1x1x16xf32>
        tpu.vector_store %arg9[%swap3A_3205, %swap3A_3206, %swap3A_3207], %swap3A_3210 {strides = array<i32>} : memref<2x128x128xf32, #tpu.memory_space<vmem>>, vector<1x1x16xf32>,
        %get3A_3211 = arith.constant 1 : i32
        %get3A_3212 = arith.constant 9 : i32
        %get3A_3213 = arith.index_cast %get3A_3211 : i32 to index
        %get3A_3214 = arith.index_cast %get3A_3212 : i32 to index
        %get3A_3215 = arith.constant 64 : index
        %get3A_3216 = tpu.vector_load %arg10[%get3A_3213, %get3A_3214, %get3A_3215] {strides = array<i32>} : memref<2x16x128xf32, #tpu.memory_space<vmem>>, vector<1x1x16xf32>,
        %get3A_3217 = vector.shape_cast %get3A_3216 : vector<1x1x16xf32> to vector<16xf32>
        %swap3A_3218 = arith.constant 1 : i32
        %swap3A_3219 = arith.constant 76 : i32
        %swap3A_3220 = arith.index_cast %swap3A_3218 : i32 to index
        %swap3A_3221 = arith.index_cast %swap3A_3219 : i32 to index
        %swap3A_3222 = arith.constant 0 : index
        %swap3A_3223 = tpu.vector_load %arg9[%swap3A_3220, %swap3A_3221, %swap3A_3222] {strides = array<i32>} : memref<2x128x128xf32, #tpu.memory_space<vmem>>, vector<1x1x16xf32>,
        %swap3A_3224 = vector.shape_cast %swap3A_3223 : vector<1x1x16xf32> to vector<16xf32>
        %swap3A_3225 = vector.shape_cast %get3A_3217 : vector<16xf32> to vector<1x1x16xf32>
        tpu.vector_store %arg9[%swap3A_3220, %swap3A_3221, %swap3A_3222], %swap3A_3225 {strides = array<i32>} : memref<2x128x128xf32, #tpu.memory_space<vmem>>, vector<1x1x16xf32>,
        %get3A_3226 = arith.constant 1 : i32
        %get3A_3227 = arith.constant 9 : i32
        %get3A_3228 = arith.index_cast %get3A_3226 : i32 to index
        %get3A_3229 = arith.index_cast %get3A_3227 : i32 to index
        %get3A_3230 = arith.constant 80 : index
        %get3A_3231 = tpu.vector_load %arg10[%get3A_3228, %get3A_3229, %get3A_3230] {strides = array<i32>} : memref<2x16x128xf32, #tpu.memory_space<vmem>>, vector<1x1x16xf32>,
        %get3A_3232 = vector.shape_cast %get3A_3231 : vector<1x1x16xf32> to vector<16xf32>
        %swap3A_3233 = arith.constant 1 : i32
        %swap3A_3234 = arith.constant 77 : i32
        %swap3A_3235 = arith.index_cast %swap3A_3233 : i32 to index
        %swap3A_3236 = arith.index_cast %swap3A_3234 : i32 to index
        %swap3A_3237 = arith.constant 0 : index
        %swap3A_3238 = tpu.vector_load %arg9[%swap3A_3235, %swap3A_3236, %swap3A_3237] {strides = array<i32>} : memref<2x128x128xf32, #tpu.memory_space<vmem>>, vector<1x1x16xf32>,
        %swap3A_3239 = vector.shape_cast %swap3A_3238 : vector<1x1x16xf32> to vector<16xf32>
        %swap3A_3240 = vector.shape_cast %get3A_3232 : vector<16xf32> to vector<1x1x16xf32>
        tpu.vector_store %arg9[%swap3A_3235, %swap3A_3236, %swap3A_3237], %swap3A_3240 {strides = array<i32>} : memref<2x128x128xf32, #tpu.memory_space<vmem>>, vector<1x1x16xf32>,
        %get3A_3241 = arith.constant 1 : i32
        %get3A_3242 = arith.constant 9 : i32
        %get3A_3243 = arith.index_cast %get3A_3241 : i32 to index
        %get3A_3244 = arith.index_cast %get3A_3242 : i32 to index
        %get3A_3245 = arith.constant 96 : index
        %get3A_3246 = tpu.vector_load %arg10[%get3A_3243, %get3A_3244, %get3A_3245] {strides = array<i32>} : memref<2x16x128xf32, #tpu.memory_space<vmem>>, vector<1x1x16xf32>,
        %get3A_3247 = vector.shape_cast %get3A_3246 : vector<1x1x16xf32> to vector<16xf32>
        %swap3A_3248 = arith.constant 1 : i32
        %swap3A_3249 = arith.constant 78 : i32
        %swap3A_3250 = arith.index_cast %swap3A_3248 : i32 to index
        %swap3A_3251 = arith.index_cast %swap3A_3249 : i32 to index
        %swap3A_3252 = arith.constant 0 : index
        %swap3A_3253 = tpu.vector_load %arg9[%swap3A_3250, %swap3A_3251, %swap3A_3252] {strides = array<i32>} : memref<2x128x128xf32, #tpu.memory_space<vmem>>, vector<1x1x16xf32>,
        %swap3A_3254 = vector.shape_cast %swap3A_3253 : vector<1x1x16xf32> to vector<16xf32>
        %swap3A_3255 = vector.shape_cast %get3A_3247 : vector<16xf32> to vector<1x1x16xf32>
        tpu.vector_store %arg9[%swap3A_3250, %swap3A_3251, %swap3A_3252], %swap3A_3255 {strides = array<i32>} : memref<2x128x128xf32, #tpu.memory_space<vmem>>, vector<1x1x16xf32>,
        %get3A_3256 = arith.constant 1 : i32
        %get3A_3257 = arith.constant 9 : i32
        %get3A_3258 = arith.index_cast %get3A_3256 : i32 to index
        %get3A_3259 = arith.index_cast %get3A_3257 : i32 to index
        %get3A_3260 = arith.constant 112 : index
        %get3A_3261 = tpu.vector_load %arg10[%get3A_3258, %get3A_3259, %get3A_3260] {strides = array<i32>} : memref<2x16x128xf32, #tpu.memory_space<vmem>>, vector<1x1x16xf32>,
        %get3A_3262 = vector.shape_cast %get3A_3261 : vector<1x1x16xf32> to vector<16xf32>
        %swap3A_3263 = arith.constant 1 : i32
        %swap3A_3264 = arith.constant 79 : i32
        %swap3A_3265 = arith.index_cast %swap3A_3263 : i32 to index
        %swap3A_3266 = arith.index_cast %swap3A_3264 : i32 to index
        %swap3A_3267 = arith.constant 0 : index
        %swap3A_3268 = tpu.vector_load %arg9[%swap3A_3265, %swap3A_3266, %swap3A_3267] {strides = array<i32>} : memref<2x128x128xf32, #tpu.memory_space<vmem>>, vector<1x1x16xf32>,
        %swap3A_3269 = vector.shape_cast %swap3A_3268 : vector<1x1x16xf32> to vector<16xf32>
        %swap3A_3270 = vector.shape_cast %get3A_3262 : vector<16xf32> to vector<1x1x16xf32>
        tpu.vector_store %arg9[%swap3A_3265, %swap3A_3266, %swap3A_3267], %swap3A_3270 {strides = array<i32>} : memref<2x128x128xf32, #tpu.memory_space<vmem>>, vector<1x1x16xf32>,
        %get3A_3271 = arith.constant 1 : i32
        %get3A_3272 = arith.constant 10 : i32
        %get3A_3273 = arith.index_cast %get3A_3271 : i32 to index
        %get3A_3274 = arith.index_cast %get3A_3272 : i32 to index
        %get3A_3275 = arith.constant 0 : index
        %get3A_3276 = tpu.vector_load %arg10[%get3A_3273, %get3A_3274, %get3A_3275] {strides = array<i32>} : memref<2x16x128xf32, #tpu.memory_space<vmem>>, vector<1x1x16xf32>,
        %get3A_3277 = vector.shape_cast %get3A_3276 : vector<1x1x16xf32> to vector<16xf32>
        %swap3A_3278 = arith.constant 1 : i32
        %swap3A_3279 = arith.constant 80 : i32
        %swap3A_3280 = arith.index_cast %swap3A_3278 : i32 to index
        %swap3A_3281 = arith.index_cast %swap3A_3279 : i32 to index
        %swap3A_3282 = arith.constant 0 : index
        %swap3A_3283 = tpu.vector_load %arg9[%swap3A_3280, %swap3A_3281, %swap3A_3282] {strides = array<i32>} : memref<2x128x128xf32, #tpu.memory_space<vmem>>, vector<1x1x16xf32>,
        %swap3A_3284 = vector.shape_cast %swap3A_3283 : vector<1x1x16xf32> to vector<16xf32>
        %swap3A_3285 = vector.shape_cast %get3A_3277 : vector<16xf32> to vector<1x1x16xf32>
        tpu.vector_store %arg9[%swap3A_3280, %swap3A_3281, %swap3A_3282], %swap3A_3285 {strides = array<i32>} : memref<2x128x128xf32, #tpu.memory_space<vmem>>, vector<1x1x16xf32>,
        %get3A_3286 = arith.constant 1 : i32
        %get3A_3287 = arith.constant 10 : i32
        %get3A_3288 = arith.index_cast %get3A_3286 : i32 to index
        %get3A_3289 = arith.index_cast %get3A_3287 : i32 to index
        %get3A_3290 = arith.constant 16 : index
        %get3A_3291 = tpu.vector_load %arg10[%get3A_3288, %get3A_3289, %get3A_3290] {strides = array<i32>} : memref<2x16x128xf32, #tpu.memory_space<vmem>>, vector<1x1x16xf32>,
        %get3A_3292 = vector.shape_cast %get3A_3291 : vector<1x1x16xf32> to vector<16xf32>
        %swap3A_3293 = arith.constant 1 : i32
        %swap3A_3294 = arith.constant 81 : i32
        %swap3A_3295 = arith.index_cast %swap3A_3293 : i32 to index
        %swap3A_3296 = arith.index_cast %swap3A_3294 : i32 to index
        %swap3A_3297 = arith.constant 0 : index
        %swap3A_3298 = tpu.vector_load %arg9[%swap3A_3295, %swap3A_3296, %swap3A_3297] {strides = array<i32>} : memref<2x128x128xf32, #tpu.memory_space<vmem>>, vector<1x1x16xf32>,
        %swap3A_3299 = vector.shape_cast %swap3A_3298 : vector<1x1x16xf32> to vector<16xf32>
        %swap3A_3300 = vector.shape_cast %get3A_3292 : vector<16xf32> to vector<1x1x16xf32>
        tpu.vector_store %arg9[%swap3A_3295, %swap3A_3296, %swap3A_3297], %swap3A_3300 {strides = array<i32>} : memref<2x128x128xf32, #tpu.memory_space<vmem>>, vector<1x1x16xf32>,
        %get3A_3301 = arith.constant 1 : i32
        %get3A_3302 = arith.constant 10 : i32
        %get3A_3303 = arith.index_cast %get3A_3301 : i32 to index
        %get3A_3304 = arith.index_cast %get3A_3302 : i32 to index
        %get3A_3305 = arith.constant 32 : index
        %get3A_3306 = tpu.vector_load %arg10[%get3A_3303, %get3A_3304, %get3A_3305] {strides = array<i32>} : memref<2x16x128xf32, #tpu.memory_space<vmem>>, vector<1x1x16xf32>,
        %get3A_3307 = vector.shape_cast %get3A_3306 : vector<1x1x16xf32> to vector<16xf32>
        %swap3A_3308 = arith.constant 1 : i32
        %swap3A_3309 = arith.constant 82 : i32
        %swap3A_3310 = arith.index_cast %swap3A_3308 : i32 to index
        %swap3A_3311 = arith.index_cast %swap3A_3309 : i32 to index
        %swap3A_3312 = arith.constant 0 : index
        %swap3A_3313 = tpu.vector_load %arg9[%swap3A_3310, %swap3A_3311, %swap3A_3312] {strides = array<i32>} : memref<2x128x128xf32, #tpu.memory_space<vmem>>, vector<1x1x16xf32>,
        %swap3A_3314 = vector.shape_cast %swap3A_3313 : vector<1x1x16xf32> to vector<16xf32>
        %swap3A_3315 = vector.shape_cast %get3A_3307 : vector<16xf32> to vector<1x1x16xf32>
        tpu.vector_store %arg9[%swap3A_3310, %swap3A_3311, %swap3A_3312], %swap3A_3315 {strides = array<i32>} : memref<2x128x128xf32, #tpu.memory_space<vmem>>, vector<1x1x16xf32>,
        %get3A_3316 = arith.constant 1 : i32
        %get3A_3317 = arith.constant 10 : i32
        %get3A_3318 = arith.index_cast %get3A_3316 : i32 to index
        %get3A_3319 = arith.index_cast %get3A_3317 : i32 to index
        %get3A_3320 = arith.constant 48 : index
        %get3A_3321 = tpu.vector_load %arg10[%get3A_3318, %get3A_3319, %get3A_3320] {strides = array<i32>} : memref<2x16x128xf32, #tpu.memory_space<vmem>>, vector<1x1x16xf32>,
        %get3A_3322 = vector.shape_cast %get3A_3321 : vector<1x1x16xf32> to vector<16xf32>
        %swap3A_3323 = arith.constant 1 : i32
        %swap3A_3324 = arith.constant 83 : i32
        %swap3A_3325 = arith.index_cast %swap3A_3323 : i32 to index
        %swap3A_3326 = arith.index_cast %swap3A_3324 : i32 to index
        %swap3A_3327 = arith.constant 0 : index
        %swap3A_3328 = tpu.vector_load %arg9[%swap3A_3325, %swap3A_3326, %swap3A_3327] {strides = array<i32>} : memref<2x128x128xf32, #tpu.memory_space<vmem>>, vector<1x1x16xf32>,
        %swap3A_3329 = vector.shape_cast %swap3A_3328 : vector<1x1x16xf32> to vector<16xf32>
        %swap3A_3330 = vector.shape_cast %get3A_3322 : vector<16xf32> to vector<1x1x16xf32>
        tpu.vector_store %arg9[%swap3A_3325, %swap3A_3326, %swap3A_3327], %swap3A_3330 {strides = array<i32>} : memref<2x128x128xf32, #tpu.memory_space<vmem>>, vector<1x1x16xf32>,
        %get3A_3331 = arith.constant 1 : i32
        %get3A_3332 = arith.constant 10 : i32
        %get3A_3333 = arith.index_cast %get3A_3331 : i32 to index
        %get3A_3334 = arith.index_cast %get3A_3332 : i32 to index
        %get3A_3335 = arith.constant 64 : index
        %get3A_3336 = tpu.vector_load %arg10[%get3A_3333, %get3A_3334, %get3A_3335] {strides = array<i32>} : memref<2x16x128xf32, #tpu.memory_space<vmem>>, vector<1x1x16xf32>,
        %get3A_3337 = vector.shape_cast %get3A_3336 : vector<1x1x16xf32> to vector<16xf32>
        %swap3A_3338 = arith.constant 1 : i32
        %swap3A_3339 = arith.constant 84 : i32
        %swap3A_3340 = arith.index_cast %swap3A_3338 : i32 to index
        %swap3A_3341 = arith.index_cast %swap3A_3339 : i32 to index
        %swap3A_3342 = arith.constant 0 : index
        %swap3A_3343 = tpu.vector_load %arg9[%swap3A_3340, %swap3A_3341, %swap3A_3342] {strides = array<i32>} : memref<2x128x128xf32, #tpu.memory_space<vmem>>, vector<1x1x16xf32>,
        %swap3A_3344 = vector.shape_cast %swap3A_3343 : vector<1x1x16xf32> to vector<16xf32>
        %swap3A_3345 = vector.shape_cast %get3A_3337 : vector<16xf32> to vector<1x1x16xf32>
        tpu.vector_store %arg9[%swap3A_3340, %swap3A_3341, %swap3A_3342], %swap3A_3345 {strides = array<i32>} : memref<2x128x128xf32, #tpu.memory_space<vmem>>, vector<1x1x16xf32>,
        %get3A_3346 = arith.constant 1 : i32
        %get3A_3347 = arith.constant 10 : i32
        %get3A_3348 = arith.index_cast %get3A_3346 : i32 to index
        %get3A_3349 = arith.index_cast %get3A_3347 : i32 to index
        %get3A_3350 = arith.constant 80 : index
        %get3A_3351 = tpu.vector_load %arg10[%get3A_3348, %get3A_3349, %get3A_3350] {strides = array<i32>} : memref<2x16x128xf32, #tpu.memory_space<vmem>>, vector<1x1x16xf32>,
        %get3A_3352 = vector.shape_cast %get3A_3351 : vector<1x1x16xf32> to vector<16xf32>
        %swap3A_3353 = arith.constant 1 : i32
        %swap3A_3354 = arith.constant 85 : i32
        %swap3A_3355 = arith.index_cast %swap3A_3353 : i32 to index
        %swap3A_3356 = arith.index_cast %swap3A_3354 : i32 to index
        %swap3A_3357 = arith.constant 0 : index
        %swap3A_3358 = tpu.vector_load %arg9[%swap3A_3355, %swap3A_3356, %swap3A_3357] {strides = array<i32>} : memref<2x128x128xf32, #tpu.memory_space<vmem>>, vector<1x1x16xf32>,
        %swap3A_3359 = vector.shape_cast %swap3A_3358 : vector<1x1x16xf32> to vector<16xf32>
        %swap3A_3360 = vector.shape_cast %get3A_3352 : vector<16xf32> to vector<1x1x16xf32>
        tpu.vector_store %arg9[%swap3A_3355, %swap3A_3356, %swap3A_3357], %swap3A_3360 {strides = array<i32>} : memref<2x128x128xf32, #tpu.memory_space<vmem>>, vector<1x1x16xf32>,
        %get3A_3361 = arith.constant 1 : i32
        %get3A_3362 = arith.constant 10 : i32
        %get3A_3363 = arith.index_cast %get3A_3361 : i32 to index
        %get3A_3364 = arith.index_cast %get3A_3362 : i32 to index
        %get3A_3365 = arith.constant 96 : index
        %get3A_3366 = tpu.vector_load %arg10[%get3A_3363, %get3A_3364, %get3A_3365] {strides = array<i32>} : memref<2x16x128xf32, #tpu.memory_space<vmem>>, vector<1x1x16xf32>,
        %get3A_3367 = vector.shape_cast %get3A_3366 : vector<1x1x16xf32> to vector<16xf32>
        %swap3A_3368 = arith.constant 1 : i32
        %swap3A_3369 = arith.constant 86 : i32
        %swap3A_3370 = arith.index_cast %swap3A_3368 : i32 to index
        %swap3A_3371 = arith.index_cast %swap3A_3369 : i32 to index
        %swap3A_3372 = arith.constant 0 : index
        %swap3A_3373 = tpu.vector_load %arg9[%swap3A_3370, %swap3A_3371, %swap3A_3372] {strides = array<i32>} : memref<2x128x128xf32, #tpu.memory_space<vmem>>, vector<1x1x16xf32>,
        %swap3A_3374 = vector.shape_cast %swap3A_3373 : vector<1x1x16xf32> to vector<16xf32>
        %swap3A_3375 = vector.shape_cast %get3A_3367 : vector<16xf32> to vector<1x1x16xf32>
        tpu.vector_store %arg9[%swap3A_3370, %swap3A_3371, %swap3A_3372], %swap3A_3375 {strides = array<i32>} : memref<2x128x128xf32, #tpu.memory_space<vmem>>, vector<1x1x16xf32>,
        %get3A_3376 = arith.constant 1 : i32
        %get3A_3377 = arith.constant 10 : i32
        %get3A_3378 = arith.index_cast %get3A_3376 : i32 to index
        %get3A_3379 = arith.index_cast %get3A_3377 : i32 to index
        %get3A_3380 = arith.constant 112 : index
        %get3A_3381 = tpu.vector_load %arg10[%get3A_3378, %get3A_3379, %get3A_3380] {strides = array<i32>} : memref<2x16x128xf32, #tpu.memory_space<vmem>>, vector<1x1x16xf32>,
        %get3A_3382 = vector.shape_cast %get3A_3381 : vector<1x1x16xf32> to vector<16xf32>
        %swap3A_3383 = arith.constant 1 : i32
        %swap3A_3384 = arith.constant 87 : i32
        %swap3A_3385 = arith.index_cast %swap3A_3383 : i32 to index
        %swap3A_3386 = arith.index_cast %swap3A_3384 : i32 to index
        %swap3A_3387 = arith.constant 0 : index
        %swap3A_3388 = tpu.vector_load %arg9[%swap3A_3385, %swap3A_3386, %swap3A_3387] {strides = array<i32>} : memref<2x128x128xf32, #tpu.memory_space<vmem>>, vector<1x1x16xf32>,
        %swap3A_3389 = vector.shape_cast %swap3A_3388 : vector<1x1x16xf32> to vector<16xf32>
        %swap3A_3390 = vector.shape_cast %get3A_3382 : vector<16xf32> to vector<1x1x16xf32>
        tpu.vector_store %arg9[%swap3A_3385, %swap3A_3386, %swap3A_3387], %swap3A_3390 {strides = array<i32>} : memref<2x128x128xf32, #tpu.memory_space<vmem>>, vector<1x1x16xf32>,
        %get3A_3391 = arith.constant 1 : i32
        %get3A_3392 = arith.constant 11 : i32
        %get3A_3393 = arith.index_cast %get3A_3391 : i32 to index
        %get3A_3394 = arith.index_cast %get3A_3392 : i32 to index
        %get3A_3395 = arith.constant 0 : index
        %get3A_3396 = tpu.vector_load %arg10[%get3A_3393, %get3A_3394, %get3A_3395] {strides = array<i32>} : memref<2x16x128xf32, #tpu.memory_space<vmem>>, vector<1x1x16xf32>,
        %get3A_3397 = vector.shape_cast %get3A_3396 : vector<1x1x16xf32> to vector<16xf32>
        %swap3A_3398 = arith.constant 1 : i32
        %swap3A_3399 = arith.constant 88 : i32
        %swap3A_3400 = arith.index_cast %swap3A_3398 : i32 to index
        %swap3A_3401 = arith.index_cast %swap3A_3399 : i32 to index
        %swap3A_3402 = arith.constant 0 : index
        %swap3A_3403 = tpu.vector_load %arg9[%swap3A_3400, %swap3A_3401, %swap3A_3402] {strides = array<i32>} : memref<2x128x128xf32, #tpu.memory_space<vmem>>, vector<1x1x16xf32>,
        %swap3A_3404 = vector.shape_cast %swap3A_3403 : vector<1x1x16xf32> to vector<16xf32>
        %swap3A_3405 = vector.shape_cast %get3A_3397 : vector<16xf32> to vector<1x1x16xf32>
        tpu.vector_store %arg9[%swap3A_3400, %swap3A_3401, %swap3A_3402], %swap3A_3405 {strides = array<i32>} : memref<2x128x128xf32, #tpu.memory_space<vmem>>, vector<1x1x16xf32>,
        %get3A_3406 = arith.constant 1 : i32
        %get3A_3407 = arith.constant 11 : i32
        %get3A_3408 = arith.index_cast %get3A_3406 : i32 to index
        %get3A_3409 = arith.index_cast %get3A_3407 : i32 to index
        %get3A_3410 = arith.constant 16 : index
        %get3A_3411 = tpu.vector_load %arg10[%get3A_3408, %get3A_3409, %get3A_3410] {strides = array<i32>} : memref<2x16x128xf32, #tpu.memory_space<vmem>>, vector<1x1x16xf32>,
        %get3A_3412 = vector.shape_cast %get3A_3411 : vector<1x1x16xf32> to vector<16xf32>
        %swap3A_3413 = arith.constant 1 : i32
        %swap3A_3414 = arith.constant 89 : i32
        %swap3A_3415 = arith.index_cast %swap3A_3413 : i32 to index
        %swap3A_3416 = arith.index_cast %swap3A_3414 : i32 to index
        %swap3A_3417 = arith.constant 0 : index
        %swap3A_3418 = tpu.vector_load %arg9[%swap3A_3415, %swap3A_3416, %swap3A_3417] {strides = array<i32>} : memref<2x128x128xf32, #tpu.memory_space<vmem>>, vector<1x1x16xf32>,
        %swap3A_3419 = vector.shape_cast %swap3A_3418 : vector<1x1x16xf32> to vector<16xf32>
        %swap3A_3420 = vector.shape_cast %get3A_3412 : vector<16xf32> to vector<1x1x16xf32>
        tpu.vector_store %arg9[%swap3A_3415, %swap3A_3416, %swap3A_3417], %swap3A_3420 {strides = array<i32>} : memref<2x128x128xf32, #tpu.memory_space<vmem>>, vector<1x1x16xf32>,
        %get3A_3421 = arith.constant 1 : i32
        %get3A_3422 = arith.constant 11 : i32
        %get3A_3423 = arith.index_cast %get3A_3421 : i32 to index
        %get3A_3424 = arith.index_cast %get3A_3422 : i32 to index
        %get3A_3425 = arith.constant 32 : index
        %get3A_3426 = tpu.vector_load %arg10[%get3A_3423, %get3A_3424, %get3A_3425] {strides = array<i32>} : memref<2x16x128xf32, #tpu.memory_space<vmem>>, vector<1x1x16xf32>,
        %get3A_3427 = vector.shape_cast %get3A_3426 : vector<1x1x16xf32> to vector<16xf32>
        %swap3A_3428 = arith.constant 1 : i32
        %swap3A_3429 = arith.constant 90 : i32
        %swap3A_3430 = arith.index_cast %swap3A_3428 : i32 to index
        %swap3A_3431 = arith.index_cast %swap3A_3429 : i32 to index
        %swap3A_3432 = arith.constant 0 : index
        %swap3A_3433 = tpu.vector_load %arg9[%swap3A_3430, %swap3A_3431, %swap3A_3432] {strides = array<i32>} : memref<2x128x128xf32, #tpu.memory_space<vmem>>, vector<1x1x16xf32>,
        %swap3A_3434 = vector.shape_cast %swap3A_3433 : vector<1x1x16xf32> to vector<16xf32>
        %swap3A_3435 = vector.shape_cast %get3A_3427 : vector<16xf32> to vector<1x1x16xf32>
        tpu.vector_store %arg9[%swap3A_3430, %swap3A_3431, %swap3A_3432], %swap3A_3435 {strides = array<i32>} : memref<2x128x128xf32, #tpu.memory_space<vmem>>, vector<1x1x16xf32>,
        %get3A_3436 = arith.constant 1 : i32
        %get3A_3437 = arith.constant 11 : i32
        %get3A_3438 = arith.index_cast %get3A_3436 : i32 to index
        %get3A_3439 = arith.index_cast %get3A_3437 : i32 to index
        %get3A_3440 = arith.constant 48 : index
        %get3A_3441 = tpu.vector_load %arg10[%get3A_3438, %get3A_3439, %get3A_3440] {strides = array<i32>} : memref<2x16x128xf32, #tpu.memory_space<vmem>>, vector<1x1x16xf32>,
        %get3A_3442 = vector.shape_cast %get3A_3441 : vector<1x1x16xf32> to vector<16xf32>
        %swap3A_3443 = arith.constant 1 : i32
        %swap3A_3444 = arith.constant 91 : i32
        %swap3A_3445 = arith.index_cast %swap3A_3443 : i32 to index
        %swap3A_3446 = arith.index_cast %swap3A_3444 : i32 to index
        %swap3A_3447 = arith.constant 0 : index
        %swap3A_3448 = tpu.vector_load %arg9[%swap3A_3445, %swap3A_3446, %swap3A_3447] {strides = array<i32>} : memref<2x128x128xf32, #tpu.memory_space<vmem>>, vector<1x1x16xf32>,
        %swap3A_3449 = vector.shape_cast %swap3A_3448 : vector<1x1x16xf32> to vector<16xf32>
        %swap3A_3450 = vector.shape_cast %get3A_3442 : vector<16xf32> to vector<1x1x16xf32>
        tpu.vector_store %arg9[%swap3A_3445, %swap3A_3446, %swap3A_3447], %swap3A_3450 {strides = array<i32>} : memref<2x128x128xf32, #tpu.memory_space<vmem>>, vector<1x1x16xf32>,
        %get3A_3451 = arith.constant 1 : i32
        %get3A_3452 = arith.constant 11 : i32
        %get3A_3453 = arith.index_cast %get3A_3451 : i32 to index
        %get3A_3454 = arith.index_cast %get3A_3452 : i32 to index
        %get3A_3455 = arith.constant 64 : index
        %get3A_3456 = tpu.vector_load %arg10[%get3A_3453, %get3A_3454, %get3A_3455] {strides = array<i32>} : memref<2x16x128xf32, #tpu.memory_space<vmem>>, vector<1x1x16xf32>,
        %get3A_3457 = vector.shape_cast %get3A_3456 : vector<1x1x16xf32> to vector<16xf32>
        %swap3A_3458 = arith.constant 1 : i32
        %swap3A_3459 = arith.constant 92 : i32
        %swap3A_3460 = arith.index_cast %swap3A_3458 : i32 to index
        %swap3A_3461 = arith.index_cast %swap3A_3459 : i32 to index
        %swap3A_3462 = arith.constant 0 : index
        %swap3A_3463 = tpu.vector_load %arg9[%swap3A_3460, %swap3A_3461, %swap3A_3462] {strides = array<i32>} : memref<2x128x128xf32, #tpu.memory_space<vmem>>, vector<1x1x16xf32>,
        %swap3A_3464 = vector.shape_cast %swap3A_3463 : vector<1x1x16xf32> to vector<16xf32>
        %swap3A_3465 = vector.shape_cast %get3A_3457 : vector<16xf32> to vector<1x1x16xf32>
        tpu.vector_store %arg9[%swap3A_3460, %swap3A_3461, %swap3A_3462], %swap3A_3465 {strides = array<i32>} : memref<2x128x128xf32, #tpu.memory_space<vmem>>, vector<1x1x16xf32>,
        %get3A_3466 = arith.constant 1 : i32
        %get3A_3467 = arith.constant 11 : i32
        %get3A_3468 = arith.index_cast %get3A_3466 : i32 to index
        %get3A_3469 = arith.index_cast %get3A_3467 : i32 to index
        %get3A_3470 = arith.constant 80 : index
        %get3A_3471 = tpu.vector_load %arg10[%get3A_3468, %get3A_3469, %get3A_3470] {strides = array<i32>} : memref<2x16x128xf32, #tpu.memory_space<vmem>>, vector<1x1x16xf32>,
        %get3A_3472 = vector.shape_cast %get3A_3471 : vector<1x1x16xf32> to vector<16xf32>
        %swap3A_3473 = arith.constant 1 : i32
        %swap3A_3474 = arith.constant 93 : i32
        %swap3A_3475 = arith.index_cast %swap3A_3473 : i32 to index
        %swap3A_3476 = arith.index_cast %swap3A_3474 : i32 to index
        %swap3A_3477 = arith.constant 0 : index
        %swap3A_3478 = tpu.vector_load %arg9[%swap3A_3475, %swap3A_3476, %swap3A_3477] {strides = array<i32>} : memref<2x128x128xf32, #tpu.memory_space<vmem>>, vector<1x1x16xf32>,
        %swap3A_3479 = vector.shape_cast %swap3A_3478 : vector<1x1x16xf32> to vector<16xf32>
        %swap3A_3480 = vector.shape_cast %get3A_3472 : vector<16xf32> to vector<1x1x16xf32>
        tpu.vector_store %arg9[%swap3A_3475, %swap3A_3476, %swap3A_3477], %swap3A_3480 {strides = array<i32>} : memref<2x128x128xf32, #tpu.memory_space<vmem>>, vector<1x1x16xf32>,
        %get3A_3481 = arith.constant 1 : i32
        %get3A_3482 = arith.constant 11 : i32
        %get3A_3483 = arith.index_cast %get3A_3481 : i32 to index
        %get3A_3484 = arith.index_cast %get3A_3482 : i32 to index
        %get3A_3485 = arith.constant 96 : index
        %get3A_3486 = tpu.vector_load %arg10[%get3A_3483, %get3A_3484, %get3A_3485] {strides = array<i32>} : memref<2x16x128xf32, #tpu.memory_space<vmem>>, vector<1x1x16xf32>,
        %get3A_3487 = vector.shape_cast %get3A_3486 : vector<1x1x16xf32> to vector<16xf32>
        %swap3A_3488 = arith.constant 1 : i32
        %swap3A_3489 = arith.constant 94 : i32
        %swap3A_3490 = arith.index_cast %swap3A_3488 : i32 to index
        %swap3A_3491 = arith.index_cast %swap3A_3489 : i32 to index
        %swap3A_3492 = arith.constant 0 : index
        %swap3A_3493 = tpu.vector_load %arg9[%swap3A_3490, %swap3A_3491, %swap3A_3492] {strides = array<i32>} : memref<2x128x128xf32, #tpu.memory_space<vmem>>, vector<1x1x16xf32>,
        %swap3A_3494 = vector.shape_cast %swap3A_3493 : vector<1x1x16xf32> to vector<16xf32>
        %swap3A_3495 = vector.shape_cast %get3A_3487 : vector<16xf32> to vector<1x1x16xf32>
        tpu.vector_store %arg9[%swap3A_3490, %swap3A_3491, %swap3A_3492], %swap3A_3495 {strides = array<i32>} : memref<2x128x128xf32, #tpu.memory_space<vmem>>, vector<1x1x16xf32>,
        %get3A_3496 = arith.constant 1 : i32
        %get3A_3497 = arith.constant 11 : i32
        %get3A_3498 = arith.index_cast %get3A_3496 : i32 to index
        %get3A_3499 = arith.index_cast %get3A_3497 : i32 to index
        %get3A_3500 = arith.constant 112 : index
        %get3A_3501 = tpu.vector_load %arg10[%get3A_3498, %get3A_3499, %get3A_3500] {strides = array<i32>} : memref<2x16x128xf32, #tpu.memory_space<vmem>>, vector<1x1x16xf32>,
        %get3A_3502 = vector.shape_cast %get3A_3501 : vector<1x1x16xf32> to vector<16xf32>
        %swap3A_3503 = arith.constant 1 : i32
        %swap3A_3504 = arith.constant 95 : i32
        %swap3A_3505 = arith.index_cast %swap3A_3503 : i32 to index
        %swap3A_3506 = arith.index_cast %swap3A_3504 : i32 to index
        %swap3A_3507 = arith.constant 0 : index
        %swap3A_3508 = tpu.vector_load %arg9[%swap3A_3505, %swap3A_3506, %swap3A_3507] {strides = array<i32>} : memref<2x128x128xf32, #tpu.memory_space<vmem>>, vector<1x1x16xf32>,
        %swap3A_3509 = vector.shape_cast %swap3A_3508 : vector<1x1x16xf32> to vector<16xf32>
        %swap3A_3510 = vector.shape_cast %get3A_3502 : vector<16xf32> to vector<1x1x16xf32>
        tpu.vector_store %arg9[%swap3A_3505, %swap3A_3506, %swap3A_3507], %swap3A_3510 {strides = array<i32>} : memref<2x128x128xf32, #tpu.memory_space<vmem>>, vector<1x1x16xf32>,
        %get3A_3511 = arith.constant 1 : i32
        %get3A_3512 = arith.constant 12 : i32
        %get3A_3513 = arith.index_cast %get3A_3511 : i32 to index
        %get3A_3514 = arith.index_cast %get3A_3512 : i32 to index
        %get3A_3515 = arith.constant 0 : index
        %get3A_3516 = tpu.vector_load %arg10[%get3A_3513, %get3A_3514, %get3A_3515] {strides = array<i32>} : memref<2x16x128xf32, #tpu.memory_space<vmem>>, vector<1x1x16xf32>,
        %get3A_3517 = vector.shape_cast %get3A_3516 : vector<1x1x16xf32> to vector<16xf32>
        %swap3A_3518 = arith.constant 1 : i32
        %swap3A_3519 = arith.constant 96 : i32
        %swap3A_3520 = arith.index_cast %swap3A_3518 : i32 to index
        %swap3A_3521 = arith.index_cast %swap3A_3519 : i32 to index
        %swap3A_3522 = arith.constant 0 : index
        %swap3A_3523 = tpu.vector_load %arg9[%swap3A_3520, %swap3A_3521, %swap3A_3522] {strides = array<i32>} : memref<2x128x128xf32, #tpu.memory_space<vmem>>, vector<1x1x16xf32>,
        %swap3A_3524 = vector.shape_cast %swap3A_3523 : vector<1x1x16xf32> to vector<16xf32>
        %swap3A_3525 = vector.shape_cast %get3A_3517 : vector<16xf32> to vector<1x1x16xf32>
        tpu.vector_store %arg9[%swap3A_3520, %swap3A_3521, %swap3A_3522], %swap3A_3525 {strides = array<i32>} : memref<2x128x128xf32, #tpu.memory_space<vmem>>, vector<1x1x16xf32>,
        %get3A_3526 = arith.constant 1 : i32
        %get3A_3527 = arith.constant 12 : i32
        %get3A_3528 = arith.index_cast %get3A_3526 : i32 to index
        %get3A_3529 = arith.index_cast %get3A_3527 : i32 to index
        %get3A_3530 = arith.constant 16 : index
        %get3A_3531 = tpu.vector_load %arg10[%get3A_3528, %get3A_3529, %get3A_3530] {strides = array<i32>} : memref<2x16x128xf32, #tpu.memory_space<vmem>>, vector<1x1x16xf32>,
        %get3A_3532 = vector.shape_cast %get3A_3531 : vector<1x1x16xf32> to vector<16xf32>
        %swap3A_3533 = arith.constant 1 : i32
        %swap3A_3534 = arith.constant 97 : i32
        %swap3A_3535 = arith.index_cast %swap3A_3533 : i32 to index
        %swap3A_3536 = arith.index_cast %swap3A_3534 : i32 to index
        %swap3A_3537 = arith.constant 0 : index
        %swap3A_3538 = tpu.vector_load %arg9[%swap3A_3535, %swap3A_3536, %swap3A_3537] {strides = array<i32>} : memref<2x128x128xf32, #tpu.memory_space<vmem>>, vector<1x1x16xf32>,
        %swap3A_3539 = vector.shape_cast %swap3A_3538 : vector<1x1x16xf32> to vector<16xf32>
        %swap3A_3540 = vector.shape_cast %get3A_3532 : vector<16xf32> to vector<1x1x16xf32>
        tpu.vector_store %arg9[%swap3A_3535, %swap3A_3536, %swap3A_3537], %swap3A_3540 {strides = array<i32>} : memref<2x128x128xf32, #tpu.memory_space<vmem>>, vector<1x1x16xf32>,
        %get3A_3541 = arith.constant 1 : i32
        %get3A_3542 = arith.constant 12 : i32
        %get3A_3543 = arith.index_cast %get3A_3541 : i32 to index
        %get3A_3544 = arith.index_cast %get3A_3542 : i32 to index
        %get3A_3545 = arith.constant 32 : index
        %get3A_3546 = tpu.vector_load %arg10[%get3A_3543, %get3A_3544, %get3A_3545] {strides = array<i32>} : memref<2x16x128xf32, #tpu.memory_space<vmem>>, vector<1x1x16xf32>,
        %get3A_3547 = vector.shape_cast %get3A_3546 : vector<1x1x16xf32> to vector<16xf32>
        %swap3A_3548 = arith.constant 1 : i32
        %swap3A_3549 = arith.constant 98 : i32
        %swap3A_3550 = arith.index_cast %swap3A_3548 : i32 to index
        %swap3A_3551 = arith.index_cast %swap3A_3549 : i32 to index
        %swap3A_3552 = arith.constant 0 : index
        %swap3A_3553 = tpu.vector_load %arg9[%swap3A_3550, %swap3A_3551, %swap3A_3552] {strides = array<i32>} : memref<2x128x128xf32, #tpu.memory_space<vmem>>, vector<1x1x16xf32>,
        %swap3A_3554 = vector.shape_cast %swap3A_3553 : vector<1x1x16xf32> to vector<16xf32>
        %swap3A_3555 = vector.shape_cast %get3A_3547 : vector<16xf32> to vector<1x1x16xf32>
        tpu.vector_store %arg9[%swap3A_3550, %swap3A_3551, %swap3A_3552], %swap3A_3555 {strides = array<i32>} : memref<2x128x128xf32, #tpu.memory_space<vmem>>, vector<1x1x16xf32>,
        %get3A_3556 = arith.constant 1 : i32
        %get3A_3557 = arith.constant 12 : i32
        %get3A_3558 = arith.index_cast %get3A_3556 : i32 to index
        %get3A_3559 = arith.index_cast %get3A_3557 : i32 to index
        %get3A_3560 = arith.constant 48 : index
        %get3A_3561 = tpu.vector_load %arg10[%get3A_3558, %get3A_3559, %get3A_3560] {strides = array<i32>} : memref<2x16x128xf32, #tpu.memory_space<vmem>>, vector<1x1x16xf32>,
        %get3A_3562 = vector.shape_cast %get3A_3561 : vector<1x1x16xf32> to vector<16xf32>
        %swap3A_3563 = arith.constant 1 : i32
        %swap3A_3564 = arith.constant 99 : i32
        %swap3A_3565 = arith.index_cast %swap3A_3563 : i32 to index
        %swap3A_3566 = arith.index_cast %swap3A_3564 : i32 to index
        %swap3A_3567 = arith.constant 0 : index
        %swap3A_3568 = tpu.vector_load %arg9[%swap3A_3565, %swap3A_3566, %swap3A_3567] {strides = array<i32>} : memref<2x128x128xf32, #tpu.memory_space<vmem>>, vector<1x1x16xf32>,
        %swap3A_3569 = vector.shape_cast %swap3A_3568 : vector<1x1x16xf32> to vector<16xf32>
        %swap3A_3570 = vector.shape_cast %get3A_3562 : vector<16xf32> to vector<1x1x16xf32>
        tpu.vector_store %arg9[%swap3A_3565, %swap3A_3566, %swap3A_3567], %swap3A_3570 {strides = array<i32>} : memref<2x128x128xf32, #tpu.memory_space<vmem>>, vector<1x1x16xf32>,
        %get3A_3571 = arith.constant 1 : i32
        %get3A_3572 = arith.constant 12 : i32
        %get3A_3573 = arith.index_cast %get3A_3571 : i32 to index
        %get3A_3574 = arith.index_cast %get3A_3572 : i32 to index
        %get3A_3575 = arith.constant 64 : index
        %get3A_3576 = tpu.vector_load %arg10[%get3A_3573, %get3A_3574, %get3A_3575] {strides = array<i32>} : memref<2x16x128xf32, #tpu.memory_space<vmem>>, vector<1x1x16xf32>,
        %get3A_3577 = vector.shape_cast %get3A_3576 : vector<1x1x16xf32> to vector<16xf32>
        %swap3A_3578 = arith.constant 1 : i32
        %swap3A_3579 = arith.constant 100 : i32
        %swap3A_3580 = arith.index_cast %swap3A_3578 : i32 to index
        %swap3A_3581 = arith.index_cast %swap3A_3579 : i32 to index
        %swap3A_3582 = arith.constant 0 : index
        %swap3A_3583 = tpu.vector_load %arg9[%swap3A_3580, %swap3A_3581, %swap3A_3582] {strides = array<i32>} : memref<2x128x128xf32, #tpu.memory_space<vmem>>, vector<1x1x16xf32>,
        %swap3A_3584 = vector.shape_cast %swap3A_3583 : vector<1x1x16xf32> to vector<16xf32>
        %swap3A_3585 = vector.shape_cast %get3A_3577 : vector<16xf32> to vector<1x1x16xf32>
        tpu.vector_store %arg9[%swap3A_3580, %swap3A_3581, %swap3A_3582], %swap3A_3585 {strides = array<i32>} : memref<2x128x128xf32, #tpu.memory_space<vmem>>, vector<1x1x16xf32>,
        %get3A_3586 = arith.constant 1 : i32
        %get3A_3587 = arith.constant 12 : i32
        %get3A_3588 = arith.index_cast %get3A_3586 : i32 to index
        %get3A_3589 = arith.index_cast %get3A_3587 : i32 to index
        %get3A_3590 = arith.constant 80 : index
        %get3A_3591 = tpu.vector_load %arg10[%get3A_3588, %get3A_3589, %get3A_3590] {strides = array<i32>} : memref<2x16x128xf32, #tpu.memory_space<vmem>>, vector<1x1x16xf32>,
        %get3A_3592 = vector.shape_cast %get3A_3591 : vector<1x1x16xf32> to vector<16xf32>
        %swap3A_3593 = arith.constant 1 : i32
        %swap3A_3594 = arith.constant 101 : i32
        %swap3A_3595 = arith.index_cast %swap3A_3593 : i32 to index
        %swap3A_3596 = arith.index_cast %swap3A_3594 : i32 to index
        %swap3A_3597 = arith.constant 0 : index
        %swap3A_3598 = tpu.vector_load %arg9[%swap3A_3595, %swap3A_3596, %swap3A_3597] {strides = array<i32>} : memref<2x128x128xf32, #tpu.memory_space<vmem>>, vector<1x1x16xf32>,
        %swap3A_3599 = vector.shape_cast %swap3A_3598 : vector<1x1x16xf32> to vector<16xf32>
        %swap3A_3600 = vector.shape_cast %get3A_3592 : vector<16xf32> to vector<1x1x16xf32>
        tpu.vector_store %arg9[%swap3A_3595, %swap3A_3596, %swap3A_3597], %swap3A_3600 {strides = array<i32>} : memref<2x128x128xf32, #tpu.memory_space<vmem>>, vector<1x1x16xf32>,
        %get3A_3601 = arith.constant 1 : i32
        %get3A_3602 = arith.constant 12 : i32
        %get3A_3603 = arith.index_cast %get3A_3601 : i32 to index
        %get3A_3604 = arith.index_cast %get3A_3602 : i32 to index
        %get3A_3605 = arith.constant 96 : index
        %get3A_3606 = tpu.vector_load %arg10[%get3A_3603, %get3A_3604, %get3A_3605] {strides = array<i32>} : memref<2x16x128xf32, #tpu.memory_space<vmem>>, vector<1x1x16xf32>,
        %get3A_3607 = vector.shape_cast %get3A_3606 : vector<1x1x16xf32> to vector<16xf32>
        %swap3A_3608 = arith.constant 1 : i32
        %swap3A_3609 = arith.constant 102 : i32
        %swap3A_3610 = arith.index_cast %swap3A_3608 : i32 to index
        %swap3A_3611 = arith.index_cast %swap3A_3609 : i32 to index
        %swap3A_3612 = arith.constant 0 : index
        %swap3A_3613 = tpu.vector_load %arg9[%swap3A_3610, %swap3A_3611, %swap3A_3612] {strides = array<i32>} : memref<2x128x128xf32, #tpu.memory_space<vmem>>, vector<1x1x16xf32>,
        %swap3A_3614 = vector.shape_cast %swap3A_3613 : vector<1x1x16xf32> to vector<16xf32>
        %swap3A_3615 = vector.shape_cast %get3A_3607 : vector<16xf32> to vector<1x1x16xf32>
        tpu.vector_store %arg9[%swap3A_3610, %swap3A_3611, %swap3A_3612], %swap3A_3615 {strides = array<i32>} : memref<2x128x128xf32, #tpu.memory_space<vmem>>, vector<1x1x16xf32>,
        %get3A_3616 = arith.constant 1 : i32
        %get3A_3617 = arith.constant 12 : i32
        %get3A_3618 = arith.index_cast %get3A_3616 : i32 to index
        %get3A_3619 = arith.index_cast %get3A_3617 : i32 to index
        %get3A_3620 = arith.constant 112 : index
        %get3A_3621 = tpu.vector_load %arg10[%get3A_3618, %get3A_3619, %get3A_3620] {strides = array<i32>} : memref<2x16x128xf32, #tpu.memory_space<vmem>>, vector<1x1x16xf32>,
        %get3A_3622 = vector.shape_cast %get3A_3621 : vector<1x1x16xf32> to vector<16xf32>
        %swap3A_3623 = arith.constant 1 : i32
        %swap3A_3624 = arith.constant 103 : i32
        %swap3A_3625 = arith.index_cast %swap3A_3623 : i32 to index
        %swap3A_3626 = arith.index_cast %swap3A_3624 : i32 to index
        %swap3A_3627 = arith.constant 0 : index
        %swap3A_3628 = tpu.vector_load %arg9[%swap3A_3625, %swap3A_3626, %swap3A_3627] {strides = array<i32>} : memref<2x128x128xf32, #tpu.memory_space<vmem>>, vector<1x1x16xf32>,
        %swap3A_3629 = vector.shape_cast %swap3A_3628 : vector<1x1x16xf32> to vector<16xf32>
        %swap3A_3630 = vector.shape_cast %get3A_3622 : vector<16xf32> to vector<1x1x16xf32>
        tpu.vector_store %arg9[%swap3A_3625, %swap3A_3626, %swap3A_3627], %swap3A_3630 {strides = array<i32>} : memref<2x128x128xf32, #tpu.memory_space<vmem>>, vector<1x1x16xf32>,
        %get3A_3631 = arith.constant 1 : i32
        %get3A_3632 = arith.constant 13 : i32
        %get3A_3633 = arith.index_cast %get3A_3631 : i32 to index
        %get3A_3634 = arith.index_cast %get3A_3632 : i32 to index
        %get3A_3635 = arith.constant 0 : index
        %get3A_3636 = tpu.vector_load %arg10[%get3A_3633, %get3A_3634, %get3A_3635] {strides = array<i32>} : memref<2x16x128xf32, #tpu.memory_space<vmem>>, vector<1x1x16xf32>,
        %get3A_3637 = vector.shape_cast %get3A_3636 : vector<1x1x16xf32> to vector<16xf32>
        %swap3A_3638 = arith.constant 1 : i32
        %swap3A_3639 = arith.constant 104 : i32
        %swap3A_3640 = arith.index_cast %swap3A_3638 : i32 to index
        %swap3A_3641 = arith.index_cast %swap3A_3639 : i32 to index
        %swap3A_3642 = arith.constant 0 : index
        %swap3A_3643 = tpu.vector_load %arg9[%swap3A_3640, %swap3A_3641, %swap3A_3642] {strides = array<i32>} : memref<2x128x128xf32, #tpu.memory_space<vmem>>, vector<1x1x16xf32>,
        %swap3A_3644 = vector.shape_cast %swap3A_3643 : vector<1x1x16xf32> to vector<16xf32>
        %swap3A_3645 = vector.shape_cast %get3A_3637 : vector<16xf32> to vector<1x1x16xf32>
        tpu.vector_store %arg9[%swap3A_3640, %swap3A_3641, %swap3A_3642], %swap3A_3645 {strides = array<i32>} : memref<2x128x128xf32, #tpu.memory_space<vmem>>, vector<1x1x16xf32>,
        %get3A_3646 = arith.constant 1 : i32
        %get3A_3647 = arith.constant 13 : i32
        %get3A_3648 = arith.index_cast %get3A_3646 : i32 to index
        %get3A_3649 = arith.index_cast %get3A_3647 : i32 to index
        %get3A_3650 = arith.constant 16 : index
        %get3A_3651 = tpu.vector_load %arg10[%get3A_3648, %get3A_3649, %get3A_3650] {strides = array<i32>} : memref<2x16x128xf32, #tpu.memory_space<vmem>>, vector<1x1x16xf32>,
        %get3A_3652 = vector.shape_cast %get3A_3651 : vector<1x1x16xf32> to vector<16xf32>
        %swap3A_3653 = arith.constant 1 : i32
        %swap3A_3654 = arith.constant 105 : i32
        %swap3A_3655 = arith.index_cast %swap3A_3653 : i32 to index
        %swap3A_3656 = arith.index_cast %swap3A_3654 : i32 to index
        %swap3A_3657 = arith.constant 0 : index
        %swap3A_3658 = tpu.vector_load %arg9[%swap3A_3655, %swap3A_3656, %swap3A_3657] {strides = array<i32>} : memref<2x128x128xf32, #tpu.memory_space<vmem>>, vector<1x1x16xf32>,
        %swap3A_3659 = vector.shape_cast %swap3A_3658 : vector<1x1x16xf32> to vector<16xf32>
        %swap3A_3660 = vector.shape_cast %get3A_3652 : vector<16xf32> to vector<1x1x16xf32>
        tpu.vector_store %arg9[%swap3A_3655, %swap3A_3656, %swap3A_3657], %swap3A_3660 {strides = array<i32>} : memref<2x128x128xf32, #tpu.memory_space<vmem>>, vector<1x1x16xf32>,
        %get3A_3661 = arith.constant 1 : i32
        %get3A_3662 = arith.constant 13 : i32
        %get3A_3663 = arith.index_cast %get3A_3661 : i32 to index
        %get3A_3664 = arith.index_cast %get3A_3662 : i32 to index
        %get3A_3665 = arith.constant 32 : index
        %get3A_3666 = tpu.vector_load %arg10[%get3A_3663, %get3A_3664, %get3A_3665] {strides = array<i32>} : memref<2x16x128xf32, #tpu.memory_space<vmem>>, vector<1x1x16xf32>,
        %get3A_3667 = vector.shape_cast %get3A_3666 : vector<1x1x16xf32> to vector<16xf32>
        %swap3A_3668 = arith.constant 1 : i32
        %swap3A_3669 = arith.constant 106 : i32
        %swap3A_3670 = arith.index_cast %swap3A_3668 : i32 to index
        %swap3A_3671 = arith.index_cast %swap3A_3669 : i32 to index
        %swap3A_3672 = arith.constant 0 : index
        %swap3A_3673 = tpu.vector_load %arg9[%swap3A_3670, %swap3A_3671, %swap3A_3672] {strides = array<i32>} : memref<2x128x128xf32, #tpu.memory_space<vmem>>, vector<1x1x16xf32>,
        %swap3A_3674 = vector.shape_cast %swap3A_3673 : vector<1x1x16xf32> to vector<16xf32>
        %swap3A_3675 = vector.shape_cast %get3A_3667 : vector<16xf32> to vector<1x1x16xf32>
        tpu.vector_store %arg9[%swap3A_3670, %swap3A_3671, %swap3A_3672], %swap3A_3675 {strides = array<i32>} : memref<2x128x128xf32, #tpu.memory_space<vmem>>, vector<1x1x16xf32>,
        %get3A_3676 = arith.constant 1 : i32
        %get3A_3677 = arith.constant 13 : i32
        %get3A_3678 = arith.index_cast %get3A_3676 : i32 to index
        %get3A_3679 = arith.index_cast %get3A_3677 : i32 to index
        %get3A_3680 = arith.constant 48 : index
        %get3A_3681 = tpu.vector_load %arg10[%get3A_3678, %get3A_3679, %get3A_3680] {strides = array<i32>} : memref<2x16x128xf32, #tpu.memory_space<vmem>>, vector<1x1x16xf32>,
        %get3A_3682 = vector.shape_cast %get3A_3681 : vector<1x1x16xf32> to vector<16xf32>
        %swap3A_3683 = arith.constant 1 : i32
        %swap3A_3684 = arith.constant 107 : i32
        %swap3A_3685 = arith.index_cast %swap3A_3683 : i32 to index
        %swap3A_3686 = arith.index_cast %swap3A_3684 : i32 to index
        %swap3A_3687 = arith.constant 0 : index
        %swap3A_3688 = tpu.vector_load %arg9[%swap3A_3685, %swap3A_3686, %swap3A_3687] {strides = array<i32>} : memref<2x128x128xf32, #tpu.memory_space<vmem>>, vector<1x1x16xf32>,
        %swap3A_3689 = vector.shape_cast %swap3A_3688 : vector<1x1x16xf32> to vector<16xf32>
        %swap3A_3690 = vector.shape_cast %get3A_3682 : vector<16xf32> to vector<1x1x16xf32>
        tpu.vector_store %arg9[%swap3A_3685, %swap3A_3686, %swap3A_3687], %swap3A_3690 {strides = array<i32>} : memref<2x128x128xf32, #tpu.memory_space<vmem>>, vector<1x1x16xf32>,
        %get3A_3691 = arith.constant 1 : i32
        %get3A_3692 = arith.constant 13 : i32
        %get3A_3693 = arith.index_cast %get3A_3691 : i32 to index
        %get3A_3694 = arith.index_cast %get3A_3692 : i32 to index
        %get3A_3695 = arith.constant 64 : index
        %get3A_3696 = tpu.vector_load %arg10[%get3A_3693, %get3A_3694, %get3A_3695] {strides = array<i32>} : memref<2x16x128xf32, #tpu.memory_space<vmem>>, vector<1x1x16xf32>,
        %get3A_3697 = vector.shape_cast %get3A_3696 : vector<1x1x16xf32> to vector<16xf32>
        %swap3A_3698 = arith.constant 1 : i32
        %swap3A_3699 = arith.constant 108 : i32
        %swap3A_3700 = arith.index_cast %swap3A_3698 : i32 to index
        %swap3A_3701 = arith.index_cast %swap3A_3699 : i32 to index
        %swap3A_3702 = arith.constant 0 : index
        %swap3A_3703 = tpu.vector_load %arg9[%swap3A_3700, %swap3A_3701, %swap3A_3702] {strides = array<i32>} : memref<2x128x128xf32, #tpu.memory_space<vmem>>, vector<1x1x16xf32>,
        %swap3A_3704 = vector.shape_cast %swap3A_3703 : vector<1x1x16xf32> to vector<16xf32>
        %swap3A_3705 = vector.shape_cast %get3A_3697 : vector<16xf32> to vector<1x1x16xf32>
        tpu.vector_store %arg9[%swap3A_3700, %swap3A_3701, %swap3A_3702], %swap3A_3705 {strides = array<i32>} : memref<2x128x128xf32, #tpu.memory_space<vmem>>, vector<1x1x16xf32>,
        %get3A_3706 = arith.constant 1 : i32
        %get3A_3707 = arith.constant 13 : i32
        %get3A_3708 = arith.index_cast %get3A_3706 : i32 to index
        %get3A_3709 = arith.index_cast %get3A_3707 : i32 to index
        %get3A_3710 = arith.constant 80 : index
        %get3A_3711 = tpu.vector_load %arg10[%get3A_3708, %get3A_3709, %get3A_3710] {strides = array<i32>} : memref<2x16x128xf32, #tpu.memory_space<vmem>>, vector<1x1x16xf32>,
        %get3A_3712 = vector.shape_cast %get3A_3711 : vector<1x1x16xf32> to vector<16xf32>
        %swap3A_3713 = arith.constant 1 : i32
        %swap3A_3714 = arith.constant 109 : i32
        %swap3A_3715 = arith.index_cast %swap3A_3713 : i32 to index
        %swap3A_3716 = arith.index_cast %swap3A_3714 : i32 to index
        %swap3A_3717 = arith.constant 0 : index
        %swap3A_3718 = tpu.vector_load %arg9[%swap3A_3715, %swap3A_3716, %swap3A_3717] {strides = array<i32>} : memref<2x128x128xf32, #tpu.memory_space<vmem>>, vector<1x1x16xf32>,
        %swap3A_3719 = vector.shape_cast %swap3A_3718 : vector<1x1x16xf32> to vector<16xf32>
        %swap3A_3720 = vector.shape_cast %get3A_3712 : vector<16xf32> to vector<1x1x16xf32>
        tpu.vector_store %arg9[%swap3A_3715, %swap3A_3716, %swap3A_3717], %swap3A_3720 {strides = array<i32>} : memref<2x128x128xf32, #tpu.memory_space<vmem>>, vector<1x1x16xf32>,
        %get3A_3721 = arith.constant 1 : i32
        %get3A_3722 = arith.constant 13 : i32
        %get3A_3723 = arith.index_cast %get3A_3721 : i32 to index
        %get3A_3724 = arith.index_cast %get3A_3722 : i32 to index
        %get3A_3725 = arith.constant 96 : index
        %get3A_3726 = tpu.vector_load %arg10[%get3A_3723, %get3A_3724, %get3A_3725] {strides = array<i32>} : memref<2x16x128xf32, #tpu.memory_space<vmem>>, vector<1x1x16xf32>,
        %get3A_3727 = vector.shape_cast %get3A_3726 : vector<1x1x16xf32> to vector<16xf32>
        %swap3A_3728 = arith.constant 1 : i32
        %swap3A_3729 = arith.constant 110 : i32
        %swap3A_3730 = arith.index_cast %swap3A_3728 : i32 to index
        %swap3A_3731 = arith.index_cast %swap3A_3729 : i32 to index
        %swap3A_3732 = arith.constant 0 : index
        %swap3A_3733 = tpu.vector_load %arg9[%swap3A_3730, %swap3A_3731, %swap3A_3732] {strides = array<i32>} : memref<2x128x128xf32, #tpu.memory_space<vmem>>, vector<1x1x16xf32>,
        %swap3A_3734 = vector.shape_cast %swap3A_3733 : vector<1x1x16xf32> to vector<16xf32>
        %swap3A_3735 = vector.shape_cast %get3A_3727 : vector<16xf32> to vector<1x1x16xf32>
        tpu.vector_store %arg9[%swap3A_3730, %swap3A_3731, %swap3A_3732], %swap3A_3735 {strides = array<i32>} : memref<2x128x128xf32, #tpu.memory_space<vmem>>, vector<1x1x16xf32>,
        %get3A_3736 = arith.constant 1 : i32
        %get3A_3737 = arith.constant 13 : i32
        %get3A_3738 = arith.index_cast %get3A_3736 : i32 to index
        %get3A_3739 = arith.index_cast %get3A_3737 : i32 to index
        %get3A_3740 = arith.constant 112 : index
        %get3A_3741 = tpu.vector_load %arg10[%get3A_3738, %get3A_3739, %get3A_3740] {strides = array<i32>} : memref<2x16x128xf32, #tpu.memory_space<vmem>>, vector<1x1x16xf32>,
        %get3A_3742 = vector.shape_cast %get3A_3741 : vector<1x1x16xf32> to vector<16xf32>
        %swap3A_3743 = arith.constant 1 : i32
        %swap3A_3744 = arith.constant 111 : i32
        %swap3A_3745 = arith.index_cast %swap3A_3743 : i32 to index
        %swap3A_3746 = arith.index_cast %swap3A_3744 : i32 to index
        %swap3A_3747 = arith.constant 0 : index
        %swap3A_3748 = tpu.vector_load %arg9[%swap3A_3745, %swap3A_3746, %swap3A_3747] {strides = array<i32>} : memref<2x128x128xf32, #tpu.memory_space<vmem>>, vector<1x1x16xf32>,
        %swap3A_3749 = vector.shape_cast %swap3A_3748 : vector<1x1x16xf32> to vector<16xf32>
        %swap3A_3750 = vector.shape_cast %get3A_3742 : vector<16xf32> to vector<1x1x16xf32>
        tpu.vector_store %arg9[%swap3A_3745, %swap3A_3746, %swap3A_3747], %swap3A_3750 {strides = array<i32>} : memref<2x128x128xf32, #tpu.memory_space<vmem>>, vector<1x1x16xf32>,
        %get3A_3751 = arith.constant 1 : i32
        %get3A_3752 = arith.constant 14 : i32
        %get3A_3753 = arith.index_cast %get3A_3751 : i32 to index
        %get3A_3754 = arith.index_cast %get3A_3752 : i32 to index
        %get3A_3755 = arith.constant 0 : index
        %get3A_3756 = tpu.vector_load %arg10[%get3A_3753, %get3A_3754, %get3A_3755] {strides = array<i32>} : memref<2x16x128xf32, #tpu.memory_space<vmem>>, vector<1x1x16xf32>,
        %get3A_3757 = vector.shape_cast %get3A_3756 : vector<1x1x16xf32> to vector<16xf32>
        %swap3A_3758 = arith.constant 1 : i32
        %swap3A_3759 = arith.constant 112 : i32
        %swap3A_3760 = arith.index_cast %swap3A_3758 : i32 to index
        %swap3A_3761 = arith.index_cast %swap3A_3759 : i32 to index
        %swap3A_3762 = arith.constant 0 : index
        %swap3A_3763 = tpu.vector_load %arg9[%swap3A_3760, %swap3A_3761, %swap3A_3762] {strides = array<i32>} : memref<2x128x128xf32, #tpu.memory_space<vmem>>, vector<1x1x16xf32>,
        %swap3A_3764 = vector.shape_cast %swap3A_3763 : vector<1x1x16xf32> to vector<16xf32>
        %swap3A_3765 = vector.shape_cast %get3A_3757 : vector<16xf32> to vector<1x1x16xf32>
        tpu.vector_store %arg9[%swap3A_3760, %swap3A_3761, %swap3A_3762], %swap3A_3765 {strides = array<i32>} : memref<2x128x128xf32, #tpu.memory_space<vmem>>, vector<1x1x16xf32>,
        %get3A_3766 = arith.constant 1 : i32
        %get3A_3767 = arith.constant 14 : i32
        %get3A_3768 = arith.index_cast %get3A_3766 : i32 to index
        %get3A_3769 = arith.index_cast %get3A_3767 : i32 to index
        %get3A_3770 = arith.constant 16 : index
        %get3A_3771 = tpu.vector_load %arg10[%get3A_3768, %get3A_3769, %get3A_3770] {strides = array<i32>} : memref<2x16x128xf32, #tpu.memory_space<vmem>>, vector<1x1x16xf32>,
        %get3A_3772 = vector.shape_cast %get3A_3771 : vector<1x1x16xf32> to vector<16xf32>
        %swap3A_3773 = arith.constant 1 : i32
        %swap3A_3774 = arith.constant 113 : i32
        %swap3A_3775 = arith.index_cast %swap3A_3773 : i32 to index
        %swap3A_3776 = arith.index_cast %swap3A_3774 : i32 to index
        %swap3A_3777 = arith.constant 0 : index
        %swap3A_3778 = tpu.vector_load %arg9[%swap3A_3775, %swap3A_3776, %swap3A_3777] {strides = array<i32>} : memref<2x128x128xf32, #tpu.memory_space<vmem>>, vector<1x1x16xf32>,
        %swap3A_3779 = vector.shape_cast %swap3A_3778 : vector<1x1x16xf32> to vector<16xf32>
        %swap3A_3780 = vector.shape_cast %get3A_3772 : vector<16xf32> to vector<1x1x16xf32>
        tpu.vector_store %arg9[%swap3A_3775, %swap3A_3776, %swap3A_3777], %swap3A_3780 {strides = array<i32>} : memref<2x128x128xf32, #tpu.memory_space<vmem>>, vector<1x1x16xf32>,
        %get3A_3781 = arith.constant 1 : i32
        %get3A_3782 = arith.constant 14 : i32
        %get3A_3783 = arith.index_cast %get3A_3781 : i32 to index
        %get3A_3784 = arith.index_cast %get3A_3782 : i32 to index
        %get3A_3785 = arith.constant 32 : index
        %get3A_3786 = tpu.vector_load %arg10[%get3A_3783, %get3A_3784, %get3A_3785] {strides = array<i32>} : memref<2x16x128xf32, #tpu.memory_space<vmem>>, vector<1x1x16xf32>,
        %get3A_3787 = vector.shape_cast %get3A_3786 : vector<1x1x16xf32> to vector<16xf32>
        %swap3A_3788 = arith.constant 1 : i32
        %swap3A_3789 = arith.constant 114 : i32
        %swap3A_3790 = arith.index_cast %swap3A_3788 : i32 to index
        %swap3A_3791 = arith.index_cast %swap3A_3789 : i32 to index
        %swap3A_3792 = arith.constant 0 : index
        %swap3A_3793 = tpu.vector_load %arg9[%swap3A_3790, %swap3A_3791, %swap3A_3792] {strides = array<i32>} : memref<2x128x128xf32, #tpu.memory_space<vmem>>, vector<1x1x16xf32>,
        %swap3A_3794 = vector.shape_cast %swap3A_3793 : vector<1x1x16xf32> to vector<16xf32>
        %swap3A_3795 = vector.shape_cast %get3A_3787 : vector<16xf32> to vector<1x1x16xf32>
        tpu.vector_store %arg9[%swap3A_3790, %swap3A_3791, %swap3A_3792], %swap3A_3795 {strides = array<i32>} : memref<2x128x128xf32, #tpu.memory_space<vmem>>, vector<1x1x16xf32>,
        %get3A_3796 = arith.constant 1 : i32
        %get3A_3797 = arith.constant 14 : i32
        %get3A_3798 = arith.index_cast %get3A_3796 : i32 to index
        %get3A_3799 = arith.index_cast %get3A_3797 : i32 to index
        %get3A_3800 = arith.constant 48 : index
        %get3A_3801 = tpu.vector_load %arg10[%get3A_3798, %get3A_3799, %get3A_3800] {strides = array<i32>} : memref<2x16x128xf32, #tpu.memory_space<vmem>>, vector<1x1x16xf32>,
        %get3A_3802 = vector.shape_cast %get3A_3801 : vector<1x1x16xf32> to vector<16xf32>
        %swap3A_3803 = arith.constant 1 : i32
        %swap3A_3804 = arith.constant 115 : i32
        %swap3A_3805 = arith.index_cast %swap3A_3803 : i32 to index
        %swap3A_3806 = arith.index_cast %swap3A_3804 : i32 to index
        %swap3A_3807 = arith.constant 0 : index
        %swap3A_3808 = tpu.vector_load %arg9[%swap3A_3805, %swap3A_3806, %swap3A_3807] {strides = array<i32>} : memref<2x128x128xf32, #tpu.memory_space<vmem>>, vector<1x1x16xf32>,
        %swap3A_3809 = vector.shape_cast %swap3A_3808 : vector<1x1x16xf32> to vector<16xf32>
        %swap3A_3810 = vector.shape_cast %get3A_3802 : vector<16xf32> to vector<1x1x16xf32>
        tpu.vector_store %arg9[%swap3A_3805, %swap3A_3806, %swap3A_3807], %swap3A_3810 {strides = array<i32>} : memref<2x128x128xf32, #tpu.memory_space<vmem>>, vector<1x1x16xf32>,
        %get3A_3811 = arith.constant 1 : i32
        %get3A_3812 = arith.constant 14 : i32
        %get3A_3813 = arith.index_cast %get3A_3811 : i32 to index
        %get3A_3814 = arith.index_cast %get3A_3812 : i32 to index
        %get3A_3815 = arith.constant 64 : index
        %get3A_3816 = tpu.vector_load %arg10[%get3A_3813, %get3A_3814, %get3A_3815] {strides = array<i32>} : memref<2x16x128xf32, #tpu.memory_space<vmem>>, vector<1x1x16xf32>,
        %get3A_3817 = vector.shape_cast %get3A_3816 : vector<1x1x16xf32> to vector<16xf32>
        %swap3A_3818 = arith.constant 1 : i32
        %swap3A_3819 = arith.constant 116 : i32
        %swap3A_3820 = arith.index_cast %swap3A_3818 : i32 to index
        %swap3A_3821 = arith.index_cast %swap3A_3819 : i32 to index
        %swap3A_3822 = arith.constant 0 : index
        %swap3A_3823 = tpu.vector_load %arg9[%swap3A_3820, %swap3A_3821, %swap3A_3822] {strides = array<i32>} : memref<2x128x128xf32, #tpu.memory_space<vmem>>, vector<1x1x16xf32>,
        %swap3A_3824 = vector.shape_cast %swap3A_3823 : vector<1x1x16xf32> to vector<16xf32>
        %swap3A_3825 = vector.shape_cast %get3A_3817 : vector<16xf32> to vector<1x1x16xf32>
        tpu.vector_store %arg9[%swap3A_3820, %swap3A_3821, %swap3A_3822], %swap3A_3825 {strides = array<i32>} : memref<2x128x128xf32, #tpu.memory_space<vmem>>, vector<1x1x16xf32>,
        %get3A_3826 = arith.constant 1 : i32
        %get3A_3827 = arith.constant 14 : i32
        %get3A_3828 = arith.index_cast %get3A_3826 : i32 to index
        %get3A_3829 = arith.index_cast %get3A_3827 : i32 to index
        %get3A_3830 = arith.constant 80 : index
        %get3A_3831 = tpu.vector_load %arg10[%get3A_3828, %get3A_3829, %get3A_3830] {strides = array<i32>} : memref<2x16x128xf32, #tpu.memory_space<vmem>>, vector<1x1x16xf32>,
        %get3A_3832 = vector.shape_cast %get3A_3831 : vector<1x1x16xf32> to vector<16xf32>
        %swap3A_3833 = arith.constant 1 : i32
        %swap3A_3834 = arith.constant 117 : i32
        %swap3A_3835 = arith.index_cast %swap3A_3833 : i32 to index
        %swap3A_3836 = arith.index_cast %swap3A_3834 : i32 to index
        %swap3A_3837 = arith.constant 0 : index
        %swap3A_3838 = tpu.vector_load %arg9[%swap3A_3835, %swap3A_3836, %swap3A_3837] {strides = array<i32>} : memref<2x128x128xf32, #tpu.memory_space<vmem>>, vector<1x1x16xf32>,
        %swap3A_3839 = vector.shape_cast %swap3A_3838 : vector<1x1x16xf32> to vector<16xf32>
        %swap3A_3840 = vector.shape_cast %get3A_3832 : vector<16xf32> to vector<1x1x16xf32>
        tpu.vector_store %arg9[%swap3A_3835, %swap3A_3836, %swap3A_3837], %swap3A_3840 {strides = array<i32>} : memref<2x128x128xf32, #tpu.memory_space<vmem>>, vector<1x1x16xf32>,
        %get3A_3841 = arith.constant 1 : i32
        %get3A_3842 = arith.constant 14 : i32
        %get3A_3843 = arith.index_cast %get3A_3841 : i32 to index
        %get3A_3844 = arith.index_cast %get3A_3842 : i32 to index
        %get3A_3845 = arith.constant 96 : index
        %get3A_3846 = tpu.vector_load %arg10[%get3A_3843, %get3A_3844, %get3A_3845] {strides = array<i32>} : memref<2x16x128xf32, #tpu.memory_space<vmem>>, vector<1x1x16xf32>,
        %get3A_3847 = vector.shape_cast %get3A_3846 : vector<1x1x16xf32> to vector<16xf32>
        %swap3A_3848 = arith.constant 1 : i32
        %swap3A_3849 = arith.constant 118 : i32
        %swap3A_3850 = arith.index_cast %swap3A_3848 : i32 to index
        %swap3A_3851 = arith.index_cast %swap3A_3849 : i32 to index
        %swap3A_3852 = arith.constant 0 : index
        %swap3A_3853 = tpu.vector_load %arg9[%swap3A_3850, %swap3A_3851, %swap3A_3852] {strides = array<i32>} : memref<2x128x128xf32, #tpu.memory_space<vmem>>, vector<1x1x16xf32>,
        %swap3A_3854 = vector.shape_cast %swap3A_3853 : vector<1x1x16xf32> to vector<16xf32>
        %swap3A_3855 = vector.shape_cast %get3A_3847 : vector<16xf32> to vector<1x1x16xf32>
        tpu.vector_store %arg9[%swap3A_3850, %swap3A_3851, %swap3A_3852], %swap3A_3855 {strides = array<i32>} : memref<2x128x128xf32, #tpu.memory_space<vmem>>, vector<1x1x16xf32>,
        %get3A_3856 = arith.constant 1 : i32
        %get3A_3857 = arith.constant 14 : i32
        %get3A_3858 = arith.index_cast %get3A_3856 : i32 to index
        %get3A_3859 = arith.index_cast %get3A_3857 : i32 to index
        %get3A_3860 = arith.constant 112 : index
        %get3A_3861 = tpu.vector_load %arg10[%get3A_3858, %get3A_3859, %get3A_3860] {strides = array<i32>} : memref<2x16x128xf32, #tpu.memory_space<vmem>>, vector<1x1x16xf32>,
        %get3A_3862 = vector.shape_cast %get3A_3861 : vector<1x1x16xf32> to vector<16xf32>
        %swap3A_3863 = arith.constant 1 : i32
        %swap3A_3864 = arith.constant 119 : i32
        %swap3A_3865 = arith.index_cast %swap3A_3863 : i32 to index
        %swap3A_3866 = arith.index_cast %swap3A_3864 : i32 to index
        %swap3A_3867 = arith.constant 0 : index
        %swap3A_3868 = tpu.vector_load %arg9[%swap3A_3865, %swap3A_3866, %swap3A_3867] {strides = array<i32>} : memref<2x128x128xf32, #tpu.memory_space<vmem>>, vector<1x1x16xf32>,
        %swap3A_3869 = vector.shape_cast %swap3A_3868 : vector<1x1x16xf32> to vector<16xf32>
        %swap3A_3870 = vector.shape_cast %get3A_3862 : vector<16xf32> to vector<1x1x16xf32>
        tpu.vector_store %arg9[%swap3A_3865, %swap3A_3866, %swap3A_3867], %swap3A_3870 {strides = array<i32>} : memref<2x128x128xf32, #tpu.memory_space<vmem>>, vector<1x1x16xf32>,
        %get3A_3871 = arith.constant 1 : i32
        %get3A_3872 = arith.constant 15 : i32
        %get3A_3873 = arith.index_cast %get3A_3871 : i32 to index
        %get3A_3874 = arith.index_cast %get3A_3872 : i32 to index
        %get3A_3875 = arith.constant 0 : index
        %get3A_3876 = tpu.vector_load %arg10[%get3A_3873, %get3A_3874, %get3A_3875] {strides = array<i32>} : memref<2x16x128xf32, #tpu.memory_space<vmem>>, vector<1x1x16xf32>,
        %get3A_3877 = vector.shape_cast %get3A_3876 : vector<1x1x16xf32> to vector<16xf32>
        %swap3A_3878 = arith.constant 1 : i32
        %swap3A_3879 = arith.constant 120 : i32
        %swap3A_3880 = arith.index_cast %swap3A_3878 : i32 to index
        %swap3A_3881 = arith.index_cast %swap3A_3879 : i32 to index
        %swap3A_3882 = arith.constant 0 : index
        %swap3A_3883 = tpu.vector_load %arg9[%swap3A_3880, %swap3A_3881, %swap3A_3882] {strides = array<i32>} : memref<2x128x128xf32, #tpu.memory_space<vmem>>, vector<1x1x16xf32>,
        %swap3A_3884 = vector.shape_cast %swap3A_3883 : vector<1x1x16xf32> to vector<16xf32>
        %swap3A_3885 = vector.shape_cast %get3A_3877 : vector<16xf32> to vector<1x1x16xf32>
        tpu.vector_store %arg9[%swap3A_3880, %swap3A_3881, %swap3A_3882], %swap3A_3885 {strides = array<i32>} : memref<2x128x128xf32, #tpu.memory_space<vmem>>, vector<1x1x16xf32>,
        %get3A_3886 = arith.constant 1 : i32
        %get3A_3887 = arith.constant 15 : i32
        %get3A_3888 = arith.index_cast %get3A_3886 : i32 to index
        %get3A_3889 = arith.index_cast %get3A_3887 : i32 to index
        %get3A_3890 = arith.constant 16 : index
        %get3A_3891 = tpu.vector_load %arg10[%get3A_3888, %get3A_3889, %get3A_3890] {strides = array<i32>} : memref<2x16x128xf32, #tpu.memory_space<vmem>>, vector<1x1x16xf32>,
        %get3A_3892 = vector.shape_cast %get3A_3891 : vector<1x1x16xf32> to vector<16xf32>
        %swap3A_3893 = arith.constant 1 : i32
        %swap3A_3894 = arith.constant 121 : i32
        %swap3A_3895 = arith.index_cast %swap3A_3893 : i32 to index
        %swap3A_3896 = arith.index_cast %swap3A_3894 : i32 to index
        %swap3A_3897 = arith.constant 0 : index
        %swap3A_3898 = tpu.vector_load %arg9[%swap3A_3895, %swap3A_3896, %swap3A_3897] {strides = array<i32>} : memref<2x128x128xf32, #tpu.memory_space<vmem>>, vector<1x1x16xf32>,
        %swap3A_3899 = vector.shape_cast %swap3A_3898 : vector<1x1x16xf32> to vector<16xf32>
        %swap3A_3900 = vector.shape_cast %get3A_3892 : vector<16xf32> to vector<1x1x16xf32>
        tpu.vector_store %arg9[%swap3A_3895, %swap3A_3896, %swap3A_3897], %swap3A_3900 {strides = array<i32>} : memref<2x128x128xf32, #tpu.memory_space<vmem>>, vector<1x1x16xf32>,
        %get3A_3901 = arith.constant 1 : i32
        %get3A_3902 = arith.constant 15 : i32
        %get3A_3903 = arith.index_cast %get3A_3901 : i32 to index
        %get3A_3904 = arith.index_cast %get3A_3902 : i32 to index
        %get3A_3905 = arith.constant 32 : index
        %get3A_3906 = tpu.vector_load %arg10[%get3A_3903, %get3A_3904, %get3A_3905] {strides = array<i32>} : memref<2x16x128xf32, #tpu.memory_space<vmem>>, vector<1x1x16xf32>,
        %get3A_3907 = vector.shape_cast %get3A_3906 : vector<1x1x16xf32> to vector<16xf32>
        %swap3A_3908 = arith.constant 1 : i32
        %swap3A_3909 = arith.constant 122 : i32
        %swap3A_3910 = arith.index_cast %swap3A_3908 : i32 to index
        %swap3A_3911 = arith.index_cast %swap3A_3909 : i32 to index
        %swap3A_3912 = arith.constant 0 : index
        %swap3A_3913 = tpu.vector_load %arg9[%swap3A_3910, %swap3A_3911, %swap3A_3912] {strides = array<i32>} : memref<2x128x128xf32, #tpu.memory_space<vmem>>, vector<1x1x16xf32>,
        %swap3A_3914 = vector.shape_cast %swap3A_3913 : vector<1x1x16xf32> to vector<16xf32>
        %swap3A_3915 = vector.shape_cast %get3A_3907 : vector<16xf32> to vector<1x1x16xf32>
        tpu.vector_store %arg9[%swap3A_3910, %swap3A_3911, %swap3A_3912], %swap3A_3915 {strides = array<i32>} : memref<2x128x128xf32, #tpu.memory_space<vmem>>, vector<1x1x16xf32>,
        %get3A_3916 = arith.constant 1 : i32
        %get3A_3917 = arith.constant 15 : i32
        %get3A_3918 = arith.index_cast %get3A_3916 : i32 to index
        %get3A_3919 = arith.index_cast %get3A_3917 : i32 to index
        %get3A_3920 = arith.constant 48 : index
        %get3A_3921 = tpu.vector_load %arg10[%get3A_3918, %get3A_3919, %get3A_3920] {strides = array<i32>} : memref<2x16x128xf32, #tpu.memory_space<vmem>>, vector<1x1x16xf32>,
        %get3A_3922 = vector.shape_cast %get3A_3921 : vector<1x1x16xf32> to vector<16xf32>
        %swap3A_3923 = arith.constant 1 : i32
        %swap3A_3924 = arith.constant 123 : i32
        %swap3A_3925 = arith.index_cast %swap3A_3923 : i32 to index
        %swap3A_3926 = arith.index_cast %swap3A_3924 : i32 to index
        %swap3A_3927 = arith.constant 0 : index
        %swap3A_3928 = tpu.vector_load %arg9[%swap3A_3925, %swap3A_3926, %swap3A_3927] {strides = array<i32>} : memref<2x128x128xf32, #tpu.memory_space<vmem>>, vector<1x1x16xf32>,
        %swap3A_3929 = vector.shape_cast %swap3A_3928 : vector<1x1x16xf32> to vector<16xf32>
        %swap3A_3930 = vector.shape_cast %get3A_3922 : vector<16xf32> to vector<1x1x16xf32>
        tpu.vector_store %arg9[%swap3A_3925, %swap3A_3926, %swap3A_3927], %swap3A_3930 {strides = array<i32>} : memref<2x128x128xf32, #tpu.memory_space<vmem>>, vector<1x1x16xf32>,
        %get3A_3931 = arith.constant 1 : i32
        %get3A_3932 = arith.constant 15 : i32
        %get3A_3933 = arith.index_cast %get3A_3931 : i32 to index
        %get3A_3934 = arith.index_cast %get3A_3932 : i32 to index
        %get3A_3935 = arith.constant 64 : index
        %get3A_3936 = tpu.vector_load %arg10[%get3A_3933, %get3A_3934, %get3A_3935] {strides = array<i32>} : memref<2x16x128xf32, #tpu.memory_space<vmem>>, vector<1x1x16xf32>,
        %get3A_3937 = vector.shape_cast %get3A_3936 : vector<1x1x16xf32> to vector<16xf32>
        %swap3A_3938 = arith.constant 1 : i32
        %swap3A_3939 = arith.constant 124 : i32
        %swap3A_3940 = arith.index_cast %swap3A_3938 : i32 to index
        %swap3A_3941 = arith.index_cast %swap3A_3939 : i32 to index
        %swap3A_3942 = arith.constant 0 : index
        %swap3A_3943 = tpu.vector_load %arg9[%swap3A_3940, %swap3A_3941, %swap3A_3942] {strides = array<i32>} : memref<2x128x128xf32, #tpu.memory_space<vmem>>, vector<1x1x16xf32>,
        %swap3A_3944 = vector.shape_cast %swap3A_3943 : vector<1x1x16xf32> to vector<16xf32>
        %swap3A_3945 = vector.shape_cast %get3A_3937 : vector<16xf32> to vector<1x1x16xf32>
        tpu.vector_store %arg9[%swap3A_3940, %swap3A_3941, %swap3A_3942], %swap3A_3945 {strides = array<i32>} : memref<2x128x128xf32, #tpu.memory_space<vmem>>, vector<1x1x16xf32>,
        %get3A_3946 = arith.constant 1 : i32
        %get3A_3947 = arith.constant 15 : i32
        %get3A_3948 = arith.index_cast %get3A_3946 : i32 to index
        %get3A_3949 = arith.index_cast %get3A_3947 : i32 to index
        %get3A_3950 = arith.constant 80 : index
        %get3A_3951 = tpu.vector_load %arg10[%get3A_3948, %get3A_3949, %get3A_3950] {strides = array<i32>} : memref<2x16x128xf32, #tpu.memory_space<vmem>>, vector<1x1x16xf32>,
        %get3A_3952 = vector.shape_cast %get3A_3951 : vector<1x1x16xf32> to vector<16xf32>
        %swap3A_3953 = arith.constant 1 : i32
        %swap3A_3954 = arith.constant 125 : i32
        %swap3A_3955 = arith.index_cast %swap3A_3953 : i32 to index
        %swap3A_3956 = arith.index_cast %swap3A_3954 : i32 to index
        %swap3A_3957 = arith.constant 0 : index
        %swap3A_3958 = tpu.vector_load %arg9[%swap3A_3955, %swap3A_3956, %swap3A_3957] {strides = array<i32>} : memref<2x128x128xf32, #tpu.memory_space<vmem>>, vector<1x1x16xf32>,
        %swap3A_3959 = vector.shape_cast %swap3A_3958 : vector<1x1x16xf32> to vector<16xf32>
        %swap3A_3960 = vector.shape_cast %get3A_3952 : vector<16xf32> to vector<1x1x16xf32>
        tpu.vector_store %arg9[%swap3A_3955, %swap3A_3956, %swap3A_3957], %swap3A_3960 {strides = array<i32>} : memref<2x128x128xf32, #tpu.memory_space<vmem>>, vector<1x1x16xf32>,
        %get3A_3961 = arith.constant 1 : i32
        %get3A_3962 = arith.constant 15 : i32
        %get3A_3963 = arith.index_cast %get3A_3961 : i32 to index
        %get3A_3964 = arith.index_cast %get3A_3962 : i32 to index
        %get3A_3965 = arith.constant 96 : index
        %get3A_3966 = tpu.vector_load %arg10[%get3A_3963, %get3A_3964, %get3A_3965] {strides = array<i32>} : memref<2x16x128xf32, #tpu.memory_space<vmem>>, vector<1x1x16xf32>,
        %get3A_3967 = vector.shape_cast %get3A_3966 : vector<1x1x16xf32> to vector<16xf32>
        %swap3A_3968 = arith.constant 1 : i32
        %swap3A_3969 = arith.constant 126 : i32
        %swap3A_3970 = arith.index_cast %swap3A_3968 : i32 to index
        %swap3A_3971 = arith.index_cast %swap3A_3969 : i32 to index
        %swap3A_3972 = arith.constant 0 : index
        %swap3A_3973 = tpu.vector_load %arg9[%swap3A_3970, %swap3A_3971, %swap3A_3972] {strides = array<i32>} : memref<2x128x128xf32, #tpu.memory_space<vmem>>, vector<1x1x16xf32>,
        %swap3A_3974 = vector.shape_cast %swap3A_3973 : vector<1x1x16xf32> to vector<16xf32>
        %swap3A_3975 = vector.shape_cast %get3A_3967 : vector<16xf32> to vector<1x1x16xf32>
        tpu.vector_store %arg9[%swap3A_3970, %swap3A_3971, %swap3A_3972], %swap3A_3975 {strides = array<i32>} : memref<2x128x128xf32, #tpu.memory_space<vmem>>, vector<1x1x16xf32>,
        %get3A_3976 = arith.constant 1 : i32
        %get3A_3977 = arith.constant 15 : i32
        %get3A_3978 = arith.index_cast %get3A_3976 : i32 to index
        %get3A_3979 = arith.index_cast %get3A_3977 : i32 to index
        %get3A_3980 = arith.constant 112 : index
        %get3A_3981 = tpu.vector_load %arg10[%get3A_3978, %get3A_3979, %get3A_3980] {strides = array<i32>} : memref<2x16x128xf32, #tpu.memory_space<vmem>>, vector<1x1x16xf32>,
        %get3A_3982 = vector.shape_cast %get3A_3981 : vector<1x1x16xf32> to vector<16xf32>
        %swap3A_3983 = arith.constant 1 : i32
        %swap3A_3984 = arith.constant 127 : i32
        %swap3A_3985 = arith.index_cast %swap3A_3983 : i32 to index
        %swap3A_3986 = arith.index_cast %swap3A_3984 : i32 to index
        %swap3A_3987 = arith.constant 0 : index
        %swap3A_3988 = tpu.vector_load %arg9[%swap3A_3985, %swap3A_3986, %swap3A_3987] {strides = array<i32>} : memref<2x128x128xf32, #tpu.memory_space<vmem>>, vector<1x1x16xf32>,
        %swap3A_3989 = vector.shape_cast %swap3A_3988 : vector<1x1x16xf32> to vector<16xf32>
        %swap3A_3990 = vector.shape_cast %get3A_3982 : vector<16xf32> to vector<1x1x16xf32>
        tpu.vector_store %arg9[%swap3A_3985, %swap3A_3986, %swap3A_3987], %swap3A_3990 {strides = array<i32>} : memref<2x128x128xf32, #tpu.memory_space<vmem>>, vector<1x1x16xf32>,
        %lt3A_3991 = arith.constant 79 : i32
        %lt3A_3992 = arith.cmpi slt, %scan3A_47, %lt3A_3991 : i32
        %convert_element_type3A_3993 = arith.extui %lt3A_3992 : i1 to i32
        %cond3A_3994 = arith.constant 0 : i32
        %cond3A_3995 = arith.cmpi ne, %convert_element_type3A_3993, %cond3A_3994 : i32
        scf.if %cond3A_3995 {
          %dma_wait3A_3999 = arith.constant 0 : i32
          %dma_wait3A_4000 = arith.constant 0 : i32
          %dma_wait3A_4001 = arith.constant 0 : i32
          %dma_wait3A_4002 = arith.constant 0 : i32
          %dma_wait3A_4003 = tpu.memref_slice %arg11[%dma_wait3A_4000, %dma_wait3A_4001, %dma_wait3A_4002] : memref<2x2x128xi32, #tpu.memory_space<vmem>> -> memref<1x2x128xi32, #tpu.memory_space<vmem>>
          %dma_wait3A_4004 = tpu.memref_squeeze %dma_wait3A_4003 : memref<1x2x128xi32, #tpu.memory_space<vmem>> -> memref<2x128xi32, #tpu.memory_space<vmem>>
          %dma_wait3A_4005 = arith.constant 0 : i32
          %dma_wait3A_4006 = arith.constant 0 : i32
          %dma_wait3A_4007 = tpu.memref_slice %arg3[%arg1, %dma_wait3A_3999, %dma_wait3A_4005, %dma_wait3A_4006] : memref<16x160x2x128xi32, #tpu.memory_space<hbm>> -> memref<1x1x2x128xi32, #tpu.memory_space<hbm>>
          %dma_wait3A_4008 = tpu.memref_squeeze %dma_wait3A_4007 : memref<1x1x2x128xi32, #tpu.memory_space<hbm>> -> memref<2x128xi32, #tpu.memory_space<hbm>>
          %dma_wait3A_4009 = arith.constant 0 : i32
          %dma_wait3A_4010 = arith.constant 0 : i32
          %dma_wait3A_4011 = tpu.memref_slice %arg11[%dma_wait3A_4000, %dma_wait3A_4009, %dma_wait3A_4010] : memref<2x2x128xi32, #tpu.memory_space<vmem>> -> memref<1x2x128xi32, #tpu.memory_space<vmem>>
          %dma_wait3A_4012 = tpu.memref_squeeze %dma_wait3A_4011 : memref<1x2x128xi32, #tpu.memory_space<vmem>> -> memref<2x128xi32, #tpu.memory_space<vmem>>
          %dma_wait3A_4013 = arith.constant 0 : i32
          %dma_wait3A_4014 = arith.constant 0 : i32
          %dma_wait3A_4015 = tpu.memref_slice %arg3[%arg1, %dma_wait3A_3999, %dma_wait3A_4013, %dma_wait3A_4014] : memref<16x160x2x128xi32, #tpu.memory_space<hbm>> -> memref<1x1x2x128xi32, #tpu.memory_space<hbm>>
          %dma_wait3A_4016 = tpu.memref_squeeze %dma_wait3A_4015 : memref<1x1x2x128xi32, #tpu.memory_space<hbm>> -> memref<2x128xi32, #tpu.memory_space<hbm>>
          tpu.wait_dma2 semaphore(%arg13 : memref<!tpu.dma_semaphore, #tpu.memory_space<semaphore_mem>>) src(%dma_wait3A_4016 : memref<2x128xi32, #tpu.memory_space<hbm>>) dst(%dma_wait3A_4012 : memref<2x128xi32, #tpu.memory_space<vmem>>)
        } else {
        }
        %run_scoped3A_3996 = arith.constant 1 : i32
        %run_scoped3A_3997 = arith.constant 1 : i32
        %run_scoped3A_3998 = arith.constant 1 : i32
        "tpu.region"() ({
          %run_scoped3A_3999 = tpu.sem_alloc : memref<!tpu.dma_semaphore, #tpu.memory_space<semaphore_mem>>
          %dma_start3A_4000 = arith.constant 0 : i32
          %dma_start3A_4001 = arith.constant 0 : i32
          %dma_start3A_4002 = tpu.memref_slice %arg9[%run_scoped3A_3996, %dma_start3A_4000, %dma_start3A_4001] : memref<2x128x128xf32, #tpu.memory_space<vmem>> -> memref<1x128x128xf32, #tpu.memory_space<vmem>>
          %dma_start3A_4003 = tpu.memref_squeeze %dma_start3A_4002 : memref<1x128x128xf32, #tpu.memory_space<vmem>> -> memref<128x128xf32, #tpu.memory_space<vmem>>
          %dma_start3A_4004 = arith.constant 0 : i32
          %dma_start3A_4005 = tpu.memref_slice %arg11[%run_scoped3A_3997, %run_scoped3A_3998, %dma_start3A_4004] : memref<2x2x128xi32, #tpu.memory_space<vmem>> -> memref<1x1x128xi32, #tpu.memory_space<vmem>>
          %dma_start3A_4006 = tpu.memref_squeeze %dma_start3A_4005 : memref<1x1x128xi32, #tpu.memory_space<vmem>> -> memref<128xi32, #tpu.memory_space<vmem>>
          %dma_start3A_4007 = arith.constant 0 : i32
          %dma_start3A_4008 = arith.constant 0 : i32
          %dma_start3A_4009 = tpu.memref_slice %arg8[%dma_start3A_4007, %dma_start3A_4008] : memref<10240x128xf32, #tpu.memory_space<vmem_shared>> -> memref<10240x128xf32, #tpu.memory_space<vmem_shared>>
          tpu.enqueue_indirect_dma source(%dma_start3A_4003 : memref<128x128xf32, #tpu.memory_space<vmem>>) target(%dma_start3A_4009 : memref<10240x128xf32, #tpu.memory_space<vmem_shared>>) offsets(%dma_start3A_4006 : memref<128xi32, #tpu.memory_space<vmem>>) semaphore(%run_scoped3A_3999 : memref<!tpu.dma_semaphore, #tpu.memory_space<semaphore_mem>>) {add = true}
          %dma_wait3A_4010 = arith.constant 0 : i32
          %dma_wait3A_4011 = arith.constant 0 : i32
          %dma_wait3A_4012 = tpu.memref_slice %arg9[%run_scoped3A_3996, %dma_wait3A_4010, %dma_wait3A_4011] : memref<2x128x128xf32, #tpu.memory_space<vmem>> -> memref<1x128x128xf32, #tpu.memory_space<vmem>>
          %dma_wait3A_4013 = tpu.memref_squeeze %dma_wait3A_4012 : memref<1x128x128xf32, #tpu.memory_space<vmem>> -> memref<128x128xf32, #tpu.memory_space<vmem>>
          %dma_wait3A_4014 = arith.constant 0 : i32
          %dma_wait3A_4015 = tpu.memref_slice %arg11[%run_scoped3A_3997, %run_scoped3A_3998, %dma_wait3A_4014] : memref<2x2x128xi32, #tpu.memory_space<vmem>> -> memref<1x1x128xi32, #tpu.memory_space<vmem>>
          %dma_wait3A_4016 = tpu.memref_squeeze %dma_wait3A_4015 : memref<1x1x128xi32, #tpu.memory_space<vmem>> -> memref<128xi32, #tpu.memory_space<vmem>>
          %dma_wait3A_4017 = arith.constant 0 : i32
          %dma_wait3A_4018 = arith.constant 0 : i32
          %dma_wait3A_4019 = tpu.memref_slice %arg8[%dma_wait3A_4017, %dma_wait3A_4018] : memref<10240x128xf32, #tpu.memory_space<vmem_shared>> -> memref<10240x128xf32, #tpu.memory_space<vmem_shared>>
          tpu.wait_indirect_dma semaphore(%run_scoped3A_3999 : memref<!tpu.dma_semaphore, #tpu.memory_space<semaphore_mem>>) src(%dma_wait3A_4013 : memref<128x128xf32, #tpu.memory_space<vmem>>) dst(%dma_wait3A_4019 : memref<10240x128xf32, #tpu.memory_space<vmem_shared>>)
          tpu.yield
        }) : () -> ()
      }
      %scan3A_46 = arith.constant 80 : i32
    } else {
    }
    %barrier3A_13 = arith.constant 0 : index
    tpu.barrier barrier_id(%barrier3A_13)
    %eq3A_14 = arith.constant 0 : i32
    %eq3A_15 = arith.cmpi eq, %arg0, %eq3A_14 : i32
    %convert_element_type3A_16 = arith.extui %eq3A_15 : i1 to i32
    %cond3A_17 = arith.constant 0 : i32
    %cond3A_18 = arith.cmpi ne, %convert_element_type3A_16, %cond3A_17 : i32
    scf.if %cond3A_18 {
      "tpu.region"() ({
        %run_scoped3A = tpu.sem_alloc : memref<!tpu.dma_semaphore, #tpu.memory_space<semaphore_mem>>
        %dma_start3A = arith.constant 0 : i32
        %dma_start3A_24 = tpu.memref_slice %arg6[%mul3A_0, %dma_start3A] : memref<10240x128xf32, #tpu.memory_space<hbm>> -> memref<640x128xf32, #tpu.memory_space<hbm>>
        %dma_start3A_25 = arith.constant 0 : i32
        %dma_start3A_26 = tpu.memref_slice %arg8[%mul3A_0, %dma_start3A_25] : memref<10240x128xf32, #tpu.memory_space<vmem_shared>> -> memref<640x128xf32, #tpu.memory_space<vmem_shared>>
        tpu.enqueue_dma source(%dma_start3A_26 : memref<640x128xf32, #tpu.memory_space<vmem_shared>>) target(%dma_start3A_24 : memref<640x128xf32, #tpu.memory_space<hbm>>) target_semaphore(%run_scoped3A : memref<!tpu.dma_semaphore, #tpu.memory_space<semaphore_mem>>)
        %dma_wait3A = arith.constant 0 : i32
        %dma_wait3A_27 = tpu.memref_slice %arg6[%mul3A_0, %dma_wait3A] : memref<10240x128xf32, #tpu.memory_space<hbm>> -> memref<640x128xf32, #tpu.memory_space<hbm>>
        %dma_wait3A_28 = arith.constant 0 : i32
        %dma_wait3A_29 = tpu.memref_slice %arg8[%mul3A_0, %dma_wait3A_28] : memref<10240x128xf32, #tpu.memory_space<vmem_shared>> -> memref<640x128xf32, #tpu.memory_space<vmem_shared>>
        tpu.wait_dma2 semaphore(%run_scoped3A : memref<!tpu.dma_semaphore, #tpu.memory_space<semaphore_mem>>) src(%dma_wait3A_29 : memref<640x128xf32, #tpu.memory_space<vmem_shared>>) dst(%dma_wait3A_27 : memref<640x128xf32, #tpu.memory_space<hbm>>)
        tpu.yield
      }) : () -> ()
    } else {
    }
    %eq3A_19 = arith.constant 1 : i32
    %eq3A_20 = arith.cmpi eq, %arg0, %eq3A_19 : i32
    %convert_element_type3A_21 = arith.extui %eq3A_20 : i1 to i32
    %cond3A_22 = arith.constant 0 : i32
    %cond3A_23 = arith.cmpi ne, %convert_element_type3A_21, %cond3A_22 : i32
    scf.if %cond3A_23 {
      "tpu.region"() ({
        %run_scoped3A = tpu.sem_alloc : memref<!tpu.dma_semaphore, #tpu.memory_space<semaphore_mem>>
        %dma_start3A = arith.constant 0 : i32
        %dma_start3A_24 = tpu.memref_slice %arg7[%mul3A_0, %dma_start3A] : memref<10240x128xf32, #tpu.memory_space<hbm>> -> memref<640x128xf32, #tpu.memory_space<hbm>>
        %dma_start3A_25 = arith.constant 0 : i32
        %dma_start3A_26 = tpu.memref_slice %arg8[%mul3A_0, %dma_start3A_25] : memref<10240x128xf32, #tpu.memory_space<vmem_shared>> -> memref<640x128xf32, #tpu.memory_space<vmem_shared>>
        tpu.enqueue_dma source(%dma_start3A_26 : memref<640x128xf32, #tpu.memory_space<vmem_shared>>) target(%dma_start3A_24 : memref<640x128xf32, #tpu.memory_space<hbm>>) target_semaphore(%run_scoped3A : memref<!tpu.dma_semaphore, #tpu.memory_space<semaphore_mem>>)
        %dma_wait3A = arith.constant 0 : i32
        %dma_wait3A_27 = tpu.memref_slice %arg7[%mul3A_0, %dma_wait3A] : memref<10240x128xf32, #tpu.memory_space<hbm>> -> memref<640x128xf32, #tpu.memory_space<hbm>>
        %dma_wait3A_28 = arith.constant 0 : i32
        %dma_wait3A_29 = tpu.memref_slice %arg8[%mul3A_0, %dma_wait3A_28] : memref<10240x128xf32, #tpu.memory_space<vmem_shared>> -> memref<640x128xf32, #tpu.memory_space<vmem_shared>>
        tpu.wait_dma2 semaphore(%run_scoped3A : memref<!tpu.dma_semaphore, #tpu.memory_space<semaphore_mem>>) src(%dma_wait3A_29 : memref<640x128xf32, #tpu.memory_space<vmem_shared>>) dst(%dma_wait3A_27 : memref<640x128xf32, #tpu.memory_space<hbm>>)
        tpu.yield
      }) : () -> ()
    } else {
    }
    return
  }
}

module attributes {stable_mosaic.version = 14 : i64} {
  func.func @_tc_body(%arg0: i32, %arg1: memref<1024x128xf32, #tpu.memory_space<vmem>>, %arg2: memref<1024x128xf32, #tpu.memory_space<vmem>>, %arg3: memref<1024x128xf32, #tpu.memory_space<vmem>>, %arg4: memref<1x1024xi32, #tpu.memory_space<vmem>>, %arg5: memref<1024x1xi32, #tpu.memory_space<vmem>>, %arg6: memref<128x128xf32, #tpu.memory_space<vmem>>, %arg7: memref<128x128xf32, #tpu.memory_space<vmem>>, %arg8: memref<128x128xf32, #tpu.memory_space<vmem>>, %arg9: memref<128x128xf32, #tpu.memory_space<vmem>>, %arg10: memref<128x128xf32, #tpu.memory_space<vmem>>, %arg11: memref<1x128xf32, #tpu.memory_space<vmem>>, %arg12: memref<128x128xf32, #tpu.memory_space<vmem>>, %arg13: memref<1x128xf32, #tpu.memory_space<vmem>>, %arg14: memref<128x128xf32, #tpu.memory_space<vmem>>, %arg15: memref<1x128xf32, #tpu.memory_space<vmem>>, %arg16: memref<128x1xf32, #tpu.memory_space<vmem>>, %arg17: memref<128x128xf32, #tpu.memory_space<vmem>>) attributes {dimension_semantics = [#tpu.dimension_semantics<arbitrary>], iteration_bounds = array<i64: 21>, scalar_prefetch = 0 : i64, scratch_operands = 3 : i64, tpu.core_type = #tpu.core_type<tc>, window_params = [{transform_indices = @transform_0, window_bounds = array<i64: 1024, 128>}, {transform_indices = @transform_1, window_bounds = array<i64: 1024, 128>}, {transform_indices = @transform_2, window_bounds = array<i64: 1024, 128>}, {transform_indices = @transform_3, window_bounds = array<i64: 1, 1024>}, {transform_indices = @transform_4, window_bounds = array<i64: 1024, 1>}, {pipeline_mode = #tpu.pipeline_mode<synchronous>, transform_indices = @transform_5, window_bounds = array<i64: 128, 128>}, {pipeline_mode = #tpu.pipeline_mode<synchronous>, transform_indices = @transform_6, window_bounds = array<i64: 128, 128>}, {pipeline_mode = #tpu.pipeline_mode<synchronous>, transform_indices = @transform_7, window_bounds = array<i64: 128, 128>}, {pipeline_mode = #tpu.pipeline_mode<synchronous>, transform_indices = @transform_8, window_bounds = array<i64: 128, 128>}, {pipeline_mode = #tpu.pipeline_mode<synchronous>, transform_indices = @transform_9, window_bounds = array<i64: 128, 128>}, {pipeline_mode = #tpu.pipeline_mode<synchronous>, transform_indices = @transform_10, window_bounds = array<i64: 1, 128>}, {pipeline_mode = #tpu.pipeline_mode<synchronous>, transform_indices = @transform_11, window_bounds = array<i64: 128, 128>}, {pipeline_mode = #tpu.pipeline_mode<synchronous>, transform_indices = @transform_12, window_bounds = array<i64: 1, 128>}, {pipeline_mode = #tpu.pipeline_mode<synchronous>, transform_indices = @transform_13, window_bounds = array<i64: 128, 128>}]} {
    %eq3A = arith.constant 0 : i32
    %eq3A_0 = arith.cmpi eq, %arg0, %eq3A : i32
    %convert_element_type3A = arith.extui %eq3A_0 : i1 to i32
    %cond3A = arith.constant -3.000000e+38 : f32
    %cond3A_1 = arith.constant 0 : i32
    %cond3A_2 = arith.cmpi ne, %convert_element_type3A, %cond3A_1 : i32
    scf.if %cond3A_2 {
      %broadcast_in_dim3A = vector.broadcast %cond3A : f32 to vector<1x128xf32>
      %swap3A = arith.constant 0 : index
      %swap3A_13 = arith.constant 0 : index
      %swap3A_14 = vector.load %arg15[%swap3A, %swap3A_13] : memref<1x128xf32, #tpu.memory_space<vmem>>, vector<1x128xf32>
      tpu.vector_store %arg15[%swap3A, %swap3A_13], %broadcast_in_dim3A {strides = array<i32>} : memref<1x128xf32, #tpu.memory_space<vmem>>, vector<1x128xf32>,
      %broadcast_in_dim3A_15 = arith.constant 0.000000e+00 : f32
      %broadcast_in_dim3A_16 = vector.broadcast %broadcast_in_dim3A_15 : f32 to vector<128x1xf32>
      %swap3A_17 = arith.constant 0 : index
      %swap3A_18 = arith.constant 0 : index
      %swap3A_19 = vector.load %arg16[%swap3A_17, %swap3A_18] : memref<128x1xf32, #tpu.memory_space<vmem>>, vector<128x1xf32>
      tpu.vector_store %arg16[%swap3A_17, %swap3A_18], %broadcast_in_dim3A_16 {strides = array<i32>} : memref<128x1xf32, #tpu.memory_space<vmem>>, vector<128x1xf32>,
      %broadcast_in_dim3A_20 = arith.constant 0.000000e+00 : f32
      %broadcast_in_dim3A_21 = vector.broadcast %broadcast_in_dim3A_20 : f32 to vector<128x128xf32>
      %swap3A_22 = arith.constant 0 : index
      %swap3A_23 = arith.constant 0 : index
      %swap3A_24 = vector.load %arg17[%swap3A_22, %swap3A_23] : memref<128x128xf32, #tpu.memory_space<vmem>>, vector<128x128xf32>
      tpu.vector_store %arg17[%swap3A_22, %swap3A_23], %broadcast_in_dim3A_21 {strides = array<i32>} : memref<128x128xf32, #tpu.memory_space<vmem>>, vector<128x128xf32>,
    } else {
    }
    %lt3A = arith.constant 20 : i32
    %lt3A_3 = arith.cmpi slt, %arg0, %lt3A : i32
    %convert_element_type3A_4 = arith.extui %lt3A_3 : i1 to i32
    %cond3A_5 = arith.constant -3.000000e+38 : f32
    %cond3A_6 = arith.constant 0 : i32
    %cond3A_7 = arith.cmpi ne, %convert_element_type3A_4, %cond3A_6 : i32
    scf.if %cond3A_7 {
      %get3A = arith.constant 0 : index
      %get3A_13 = arith.constant 0 : index
      %get3A_14 = vector.load %arg1[%get3A, %get3A_13] : memref<1024x128xf32, #tpu.memory_space<vmem>>, vector<1024x128xf32>
      %get3A_15 = arith.constant 0 : index
      %get3A_16 = arith.constant 0 : index
      %get3A_17 = vector.load %arg2[%get3A_15, %get3A_16] : memref<1024x128xf32, #tpu.memory_space<vmem>>, vector<1024x128xf32>
      %add3A = arith.addf %get3A_14, %get3A_17 : vector<1024x128xf32>
      %get3A_18 = arith.constant 0 : index
      %get3A_19 = arith.constant 0 : index
      %get3A_20 = vector.load %arg3[%get3A_18, %get3A_19] : memref<1024x128xf32, #tpu.memory_space<vmem>>, vector<1024x128xf32>
      %get3A_21 = arith.constant 0 : index
      %get3A_22 = arith.constant 0 : index
      %get3A_23 = vector.load %arg6[%get3A_21, %get3A_22] : memref<128x128xf32, #tpu.memory_space<vmem>>, vector<128x128xf32>
      %dot_general3A = arith.constant dense<0.000000e+00> : vector<1024x128xf32>
      %dot_general3A_24 = tpu.matmul %get3A_20, %get3A_23, %dot_general3A {dimension_numbers = #tpu.dot_dimension_numbers<[1], [0], [0], [1], [0, 0, 1, 1], [], []>, transpose_lhs_hint = false} : vector<1024x128xf32>, vector<128x128xf32>, vector<1024x128xf32> -> vector<1024x128xf32>
      %add3A_25 = arith.addf %add3A, %dot_general3A_24 : vector<1024x128xf32>
      %get3A_26 = arith.constant 0 : index
      %get3A_27 = arith.constant 0 : index
      %get3A_28 = vector.load %arg7[%get3A_26, %get3A_27] : memref<128x128xf32, #tpu.memory_space<vmem>>, vector<128x128xf32>
      %dot_general3A_29 = arith.constant dense<0.000000e+00> : vector<1024x128xf32>
      %dot_general3A_30 = tpu.matmul %add3A_25, %get3A_28, %dot_general3A_29 {dimension_numbers = #tpu.dot_dimension_numbers<[1], [0], [0], [1], [0, 0, 1, 1], [], []>, transpose_lhs_hint = false} : vector<1024x128xf32>, vector<128x128xf32>, vector<1024x128xf32> -> vector<1024x128xf32>
      %reduce_sum3A = arith.constant dense<0.000000e+00> : vector<1024xf32>
      %reduce_sum3A_31 = vector.multi_reduction <add>, %dot_general3A_30, %reduce_sum3A [1] : vector<1024x128xf32> to vector<1024xf32>
      %broadcast_in_dim3A = vector.shape_cast %reduce_sum3A_31 : vector<1024xf32> to vector<1024x1xf32>
      %get3A_32 = arith.constant 0 : index
      %get3A_33 = arith.constant 0 : index
      %get3A_34 = vector.load %arg5[%get3A_32, %get3A_33] : memref<1024x1xi32, #tpu.memory_space<vmem>>, vector<1024x1xi32>
      %broadcast_in_dim3A_35 = vector.shape_cast %get3A_34 : vector<1024x1xi32> to vector<1024x1xi32>
      %broadcast_in_dim3A_36 = vector.broadcast %broadcast_in_dim3A_35 : vector<1024x1xi32> to vector<1024x128xi32>
      %iota3A = tpu.iota {dimensions = array<i32: 1>} : vector<1024x128xi32>
      %eq3A_37 = arith.cmpi eq, %broadcast_in_dim3A_36, %iota3A : vector<1024x128xi32>
      %convert_element_type3A_38 = arith.extui %eq3A_37 : vector<1024x128xi1> to vector<1024x128xi32>
      %convert_element_type3A_39 = arith.sitofp %convert_element_type3A_38 : vector<1024x128xi32> to vector<1024x128xf32>
      %lt3A_40 = arith.constant 10 : i32
      %lt3A_41 = arith.cmpi slt, %arg0, %lt3A_40 : i32
      %convert_element_type3A_42 = arith.extui %lt3A_41 : i1 to i32
      %cond3A_43 = arith.constant 0 : i32
      %cond3A_44 = arith.cmpi ne, %convert_element_type3A_42, %cond3A_43 : i32
      scf.if %cond3A_44 {
        %broadcast_in_dim3A_49 = vector.shape_cast %broadcast_in_dim3A : vector<1024x1xf32> to vector<1024x1xf32>
        %broadcast_in_dim3A_50 = vector.broadcast %broadcast_in_dim3A_49 : vector<1024x1xf32> to vector<1024x128xf32>
        %broadcast_in_dim3A_51 = vector.broadcast %cond3A_5 : f32 to vector<1024x128xf32>
        %select_n3A = arith.select %eq3A_37, %broadcast_in_dim3A_50, %broadcast_in_dim3A_51 : vector<1024x128xi1>, vector<1024x128xf32>
        %get3A_52 = arith.constant 0 : index
        %get3A_53 = arith.constant 0 : index
        %get3A_54 = vector.load %arg15[%get3A_52, %get3A_53] : memref<1x128xf32, #tpu.memory_space<vmem>>, vector<1x128xf32>
        %reduce_max3A = arith.constant dense<0xFF800000> : vector<128xf32>
        %reduce_max3A_55 = vector.multi_reduction <maximumf>, %select_n3A, %reduce_max3A [0] : vector<1024x128xf32> to vector<128xf32>
        %broadcast_in_dim3A_56 = vector.shape_cast %reduce_max3A_55 : vector<128xf32> to vector<1x128xf32>
        %max3A = arith.maximumf %get3A_54, %broadcast_in_dim3A_56 : vector<1x128xf32>
        %swap3A = arith.constant 0 : index
        %swap3A_57 = arith.constant 0 : index
        %swap3A_58 = vector.load %arg15[%swap3A, %swap3A_57] : memref<1x128xf32, #tpu.memory_space<vmem>>, vector<1x128xf32>
        tpu.vector_store %arg15[%swap3A, %swap3A_57], %max3A {strides = array<i32>} : memref<1x128xf32, #tpu.memory_space<vmem>>, vector<1x128xf32>,
        %get3A_59 = arith.constant 0 : index
        %get3A_60 = arith.constant 0 : index
        %get3A_61 = vector.load %arg4[%get3A_59, %get3A_60] : memref<1x1024xi32, #tpu.memory_space<vmem>>, vector<1x1024xi32>
        %broadcast_in_dim3A_62 = vector.shape_cast %get3A_61 : vector<1x1024xi32> to vector<1x1024xi32>
        %broadcast_in_dim3A_63 = vector.broadcast %broadcast_in_dim3A_62 : vector<1x1024xi32> to vector<128x1024xi32>
        %iota3A_64 = tpu.iota {dimensions = array<i32: 0>} : vector<128x1024xi32>
        %eq3A_65 = arith.cmpi eq, %broadcast_in_dim3A_63, %iota3A_64 : vector<128x1024xi32>
        %get3A_66 = arith.constant 0 : index
        %get3A_67 = arith.constant 0 : index
        %get3A_68 = vector.load %arg16[%get3A_66, %get3A_67] : memref<128x1xf32, #tpu.memory_space<vmem>>, vector<128x1xf32>
        %convert_element_type3A_69 = arith.extui %eq3A_65 : vector<128x1024xi1> to vector<128x1024xi32>
        %convert_element_type3A_70 = arith.sitofp %convert_element_type3A_69 : vector<128x1024xi32> to vector<128x1024xf32>
        %reduce_sum3A_71 = arith.constant dense<0.000000e+00> : vector<128xf32>
        %reduce_sum3A_72 = vector.multi_reduction <add>, %convert_element_type3A_70, %reduce_sum3A_71 [1] : vector<128x1024xf32> to vector<128xf32>
        %broadcast_in_dim3A_73 = vector.shape_cast %reduce_sum3A_72 : vector<128xf32> to vector<128x1xf32>
        %add3A_74 = arith.addf %get3A_68, %broadcast_in_dim3A_73 : vector<128x1xf32>
        %swap3A_75 = arith.constant 0 : index
        %swap3A_76 = arith.constant 0 : index
        %swap3A_77 = vector.load %arg16[%swap3A_75, %swap3A_76] : memref<128x1xf32, #tpu.memory_space<vmem>>, vector<128x1xf32>
        tpu.vector_store %arg16[%swap3A_75, %swap3A_76], %add3A_74 {strides = array<i32>} : memref<128x1xf32, #tpu.memory_space<vmem>>, vector<128x1xf32>,
      } else {
      }
      %ge3A = arith.constant 10 : i32
      %ge3A_45 = arith.cmpi sge, %arg0, %ge3A : i32
      %convert_element_type3A_46 = arith.extui %ge3A_45 : i1 to i32
      %cond3A_47 = arith.constant 0 : i32
      %cond3A_48 = arith.cmpi ne, %convert_element_type3A_46, %cond3A_47 : i32
      scf.if %cond3A_48 {
        %get3A_49 = arith.constant 0 : index
        %get3A_50 = arith.constant 0 : index
        %get3A_51 = vector.load %arg15[%get3A_49, %get3A_50] : memref<1x128xf32, #tpu.memory_space<vmem>>, vector<1x128xf32>
        %broadcast_in_dim3A_52 = vector.shape_cast %get3A_51 : vector<1x128xf32> to vector<1x128xf32>
        %broadcast_in_dim3A_53 = vector.broadcast %broadcast_in_dim3A_52 : vector<1x128xf32> to vector<1024x128xf32>
        %mul3A = arith.mulf %convert_element_type3A_39, %broadcast_in_dim3A_53 : vector<1024x128xf32>
        %reduce_sum3A_54 = arith.constant dense<0.000000e+00> : vector<1024xf32>
        %reduce_sum3A_55 = vector.multi_reduction <add>, %mul3A, %reduce_sum3A_54 [1] : vector<1024x128xf32> to vector<1024xf32>
        %broadcast_in_dim3A_56 = vector.shape_cast %reduce_sum3A_55 : vector<1024xf32> to vector<1024x1xf32>
        %reduce_sum3A_57 = arith.constant dense<0.000000e+00> : vector<1024xf32>
        %reduce_sum3A_58 = vector.multi_reduction <add>, %convert_element_type3A_39, %reduce_sum3A_57 [1] : vector<1024x128xf32> to vector<1024xf32>
        %broadcast_in_dim3A_59 = vector.shape_cast %reduce_sum3A_58 : vector<1024xf32> to vector<1024x1xf32>
        %sub3A = arith.constant 1.000000e+00 : f32
        %sub3A_60 = vector.broadcast %sub3A : f32 to vector<1024x1xf32>
        %sub3A_61 = arith.subf %sub3A_60, %broadcast_in_dim3A_59 : vector<1024x1xf32>
        %add3A_62 = arith.addf %broadcast_in_dim3A_56, %sub3A_61 : vector<1024x1xf32>
        %mul3A_63 = arith.constant 1.000000e+01 : f32
        %mul3A_64 = vector.broadcast %mul3A_63 : f32 to vector<1024x1xf32>
        %mul3A_65 = arith.mulf %add3A_62, %mul3A_64 : vector<1024x1xf32>
        %div3A = arith.divf %broadcast_in_dim3A, %mul3A_65 : vector<1024x1xf32>
        %add3A_66 = arith.constant 0.899999976 : f32
        %add3A_67 = vector.broadcast %add3A_66 : f32 to vector<1024x1xf32>
        %add3A_68 = arith.addf %div3A, %add3A_67 : vector<1024x1xf32>
        %get3A_69 = arith.constant 0 : index
        %get3A_70 = arith.constant 0 : index
        %get3A_71 = vector.load %arg8[%get3A_69, %get3A_70] : memref<128x128xf32, #tpu.memory_space<vmem>>, vector<128x128xf32>
        %dot_general3A_72 = arith.constant dense<0.000000e+00> : vector<1024x128xf32>
        %dot_general3A_73 = tpu.matmul %get3A_20, %get3A_71, %dot_general3A_72 {dimension_numbers = #tpu.dot_dimension_numbers<[1], [0], [0], [1], [0, 0, 1, 1], [], []>, transpose_lhs_hint = false} : vector<1024x128xf32>, vector<128x128xf32>, vector<1024x128xf32> -> vector<1024x128xf32>
        %add3A_74 = arith.addf %add3A, %dot_general3A_73 : vector<1024x128xf32>
        %get3A_75 = arith.constant 0 : index
        %get3A_76 = arith.constant 0 : index
        %get3A_77 = vector.load %arg9[%get3A_75, %get3A_76] : memref<128x128xf32, #tpu.memory_space<vmem>>, vector<128x128xf32>
        %dot_general3A_78 = arith.constant dense<0.000000e+00> : vector<1024x128xf32>
        %dot_general3A_79 = tpu.matmul %add3A_74, %get3A_77, %dot_general3A_78 {dimension_numbers = #tpu.dot_dimension_numbers<[1], [0], [0], [1], [0, 0, 1, 1], [], []>, transpose_lhs_hint = false} : vector<1024x128xf32>, vector<128x128xf32>, vector<1024x128xf32> -> vector<1024x128xf32>
        %max3A = arith.constant 0.000000e+00 : f32
        %max3A_80 = vector.broadcast %max3A : f32 to vector<1024x128xf32>
        %max3A_81 = arith.maximumf %dot_general3A_79, %max3A_80 : vector<1024x128xf32>
        %mul3A_82 = vector.broadcast %add3A_68 : vector<1024x1xf32> to vector<1024x128xf32>
        %mul3A_83 = arith.mulf %max3A_81, %mul3A_82 : vector<1024x128xf32>
        %get3A_84 = arith.constant 0 : index
        %get3A_85 = arith.constant 0 : index
        %get3A_86 = vector.load %arg4[%get3A_84, %get3A_85] : memref<1x1024xi32, #tpu.memory_space<vmem>>, vector<1x1024xi32>
        %broadcast_in_dim3A_87 = vector.shape_cast %get3A_86 : vector<1x1024xi32> to vector<1x1024xi32>
        %broadcast_in_dim3A_88 = vector.broadcast %broadcast_in_dim3A_87 : vector<1x1024xi32> to vector<128x1024xi32>
        %iota3A_89 = tpu.iota {dimensions = array<i32: 0>} : vector<128x1024xi32>
        %eq3A_90 = arith.cmpi eq, %broadcast_in_dim3A_88, %iota3A_89 : vector<128x1024xi32>
        %get3A_91 = arith.constant 0 : index
        %get3A_92 = arith.constant 0 : index
        %get3A_93 = vector.load %arg17[%get3A_91, %get3A_92] : memref<128x128xf32, #tpu.memory_space<vmem>>, vector<128x128xf32>
        %convert_element_type3A_94 = arith.extui %eq3A_90 : vector<128x1024xi1> to vector<128x1024xi32>
        %convert_element_type3A_95 = arith.sitofp %convert_element_type3A_94 : vector<128x1024xi32> to vector<128x1024xf32>
        %dot_general3A_96 = arith.constant dense<0.000000e+00> : vector<128x128xf32>
        %dot_general3A_97 = tpu.matmul %convert_element_type3A_95, %mul3A_83, %dot_general3A_96 {dimension_numbers = #tpu.dot_dimension_numbers<[1], [0], [0], [1], [0, 0, 1, 1], [], []>, transpose_lhs_hint = false} : vector<128x1024xf32>, vector<1024x128xf32>, vector<128x128xf32> -> vector<128x128xf32>
        %add3A_98 = arith.addf %get3A_93, %dot_general3A_97 : vector<128x128xf32>
        %swap3A = arith.constant 0 : index
        %swap3A_99 = arith.constant 0 : index
        %swap3A_100 = vector.load %arg17[%swap3A, %swap3A_99] : memref<128x128xf32, #tpu.memory_space<vmem>>, vector<128x128xf32>
        tpu.vector_store %arg17[%swap3A, %swap3A_99], %add3A_98 {strides = array<i32>} : memref<128x128xf32, #tpu.memory_space<vmem>>, vector<128x128xf32>,
      } else {
      }
    } else {
    }
    %eq3A_8 = arith.constant 20 : i32
    %eq3A_9 = arith.cmpi eq, %arg0, %eq3A_8 : i32
    %convert_element_type3A_10 = arith.extui %eq3A_9 : i1 to i32
    %cond3A_11 = arith.constant 0 : i32
    %cond3A_12 = arith.cmpi ne, %convert_element_type3A_10, %cond3A_11 : i32
    scf.if %cond3A_12 {
      %get3A = arith.constant 0 : index
      %get3A_13 = arith.constant 0 : index
      %get3A_14 = vector.load %arg17[%get3A, %get3A_13] : memref<128x128xf32, #tpu.memory_space<vmem>>, vector<128x128xf32>
      %get3A_15 = arith.constant 0 : index
      %get3A_16 = arith.constant 0 : index
      %get3A_17 = vector.load %arg16[%get3A_15, %get3A_16] : memref<128x1xf32, #tpu.memory_space<vmem>>, vector<128x1xf32>
      %max3A = arith.constant 1.000000e+00 : f32
      %max3A_18 = vector.broadcast %max3A : f32 to vector<128x1xf32>
      %max3A_19 = arith.maximumf %get3A_17, %max3A_18 : vector<128x1xf32>
      %div3A = vector.broadcast %max3A_19 : vector<128x1xf32> to vector<128x128xf32>
      %div3A_20 = arith.divf %get3A_14, %div3A : vector<128x128xf32>
      %get3A_21 = arith.constant 0 : index
      %get3A_22 = arith.constant 0 : index
      %get3A_23 = vector.load %arg10[%get3A_21, %get3A_22] : memref<128x128xf32, #tpu.memory_space<vmem>>, vector<128x128xf32>
      %dot_general3A = arith.constant dense<0.000000e+00> : vector<128x128xf32>
      %dot_general3A_24 = tpu.matmul %div3A_20, %get3A_23, %dot_general3A {dimension_numbers = #tpu.dot_dimension_numbers<[1], [0], [0], [1], [0, 0, 1, 1], [], []>, transpose_lhs_hint = false} : vector<128x128xf32>, vector<128x128xf32>, vector<128x128xf32> -> vector<128x128xf32>
      %get3A_25 = arith.constant 0 : index
      %get3A_26 = arith.constant 0 : index
      %get3A_27 = vector.load %arg11[%get3A_25, %get3A_26] : memref<1x128xf32, #tpu.memory_space<vmem>>, vector<1x128xf32>
      %add3A = vector.broadcast %get3A_27 : vector<1x128xf32> to vector<128x128xf32>
      %add3A_28 = arith.addf %dot_general3A_24, %add3A : vector<128x128xf32>
      %max3A_29 = arith.constant 0.000000e+00 : f32
      %max3A_30 = vector.broadcast %max3A_29 : f32 to vector<128x128xf32>
      %max3A_31 = arith.maximumf %add3A_28, %max3A_30 : vector<128x128xf32>
      %get3A_32 = arith.constant 0 : index
      %get3A_33 = arith.constant 0 : index
      %get3A_34 = vector.load %arg12[%get3A_32, %get3A_33] : memref<128x128xf32, #tpu.memory_space<vmem>>, vector<128x128xf32>
      %dot_general3A_35 = arith.constant dense<0.000000e+00> : vector<128x128xf32>
      %dot_general3A_36 = tpu.matmul %max3A_31, %get3A_34, %dot_general3A_35 {dimension_numbers = #tpu.dot_dimension_numbers<[1], [0], [0], [1], [0, 0, 1, 1], [], []>, transpose_lhs_hint = false} : vector<128x128xf32>, vector<128x128xf32>, vector<128x128xf32> -> vector<128x128xf32>
      %get3A_37 = arith.constant 0 : index
      %get3A_38 = arith.constant 0 : index
      %get3A_39 = vector.load %arg13[%get3A_37, %get3A_38] : memref<1x128xf32, #tpu.memory_space<vmem>>, vector<1x128xf32>
      %add3A_40 = vector.broadcast %get3A_39 : vector<1x128xf32> to vector<128x128xf32>
      %add3A_41 = arith.addf %dot_general3A_36, %add3A_40 : vector<128x128xf32>
      %swap3A = arith.constant 0 : index
      %swap3A_42 = arith.constant 0 : index
      %swap3A_43 = vector.load %arg14[%swap3A, %swap3A_42] : memref<128x128xf32, #tpu.memory_space<vmem>>, vector<128x128xf32>
      tpu.vector_store %arg14[%swap3A, %swap3A_42], %add3A_41 {strides = array<i32>} : memref<128x128xf32, #tpu.memory_space<vmem>>, vector<128x128xf32>,
    } else {
    }
    return
  }
  func.func @transform_0(%arg0: i32) -> (i32, i32) {
    %rem3A = arith.constant 10 : i32
    %rem3A_0 = arith.remsi %arg0, %rem3A : i32
    %c0_i32 = arith.constant 0 : i32
    %c0_i32_1 = arith.constant 0 : i32
    return %rem3A_0, %c0_i32 : i32, i32
  }
  func.func @transform_1(%arg0: i32) -> (i32, i32) {
    %rem3A = arith.constant 10 : i32
    %rem3A_0 = arith.remsi %arg0, %rem3A : i32
    %c0_i32 = arith.constant 0 : i32
    %c0_i32_1 = arith.constant 0 : i32
    return %rem3A_0, %c0_i32 : i32, i32
  }
  func.func @transform_2(%arg0: i32) -> (i32, i32) {
    %rem3A = arith.constant 10 : i32
    %rem3A_0 = arith.remsi %arg0, %rem3A : i32
    %c0_i32 = arith.constant 0 : i32
    %c0_i32_1 = arith.constant 0 : i32
    return %rem3A_0, %c0_i32 : i32, i32
  }
  func.func @transform_3(%arg0: i32) -> (i32, i32) {
    %rem3A = arith.constant 10 : i32
    %rem3A_0 = arith.remsi %arg0, %rem3A : i32
    %c0_i32 = arith.constant 0 : i32
    %c0_i32_1 = arith.constant 0 : i32
    return %c0_i32, %rem3A_0 : i32, i32
  }
  func.func @transform_4(%arg0: i32) -> (i32, i32) {
    %rem3A = arith.constant 10 : i32
    %rem3A_0 = arith.remsi %arg0, %rem3A : i32
    %c0_i32 = arith.constant 0 : i32
    %c0_i32_1 = arith.constant 0 : i32
    return %rem3A_0, %c0_i32 : i32, i32
  }
  func.func @transform_5(%arg0: i32) -> (i32, i32) {
    %c0_i32 = arith.constant 0 : i32
    %c0_i32_0 = arith.constant 0 : i32
    %c0_i32_1 = arith.constant 0 : i32
    return %c0_i32, %c0_i32_0 : i32, i32
  }
  func.func @transform_6(%arg0: i32) -> (i32, i32) {
    %c0_i32 = arith.constant 0 : i32
    %c0_i32_0 = arith.constant 0 : i32
    %c0_i32_1 = arith.constant 0 : i32
    return %c0_i32, %c0_i32_0 : i32, i32
  }
  func.func @transform_7(%arg0: i32) -> (i32, i32) {
    %c0_i32 = arith.constant 0 : i32
    %c0_i32_0 = arith.constant 0 : i32
    %c0_i32_1 = arith.constant 0 : i32
    return %c0_i32, %c0_i32_0 : i32, i32
  }
  func.func @transform_8(%arg0: i32) -> (i32, i32) {
    %c0_i32 = arith.constant 0 : i32
    %c0_i32_0 = arith.constant 0 : i32
    %c0_i32_1 = arith.constant 0 : i32
    return %c0_i32, %c0_i32_0 : i32, i32
  }
  func.func @transform_9(%arg0: i32) -> (i32, i32) {
    %c0_i32 = arith.constant 0 : i32
    %c0_i32_0 = arith.constant 0 : i32
    %c0_i32_1 = arith.constant 0 : i32
    return %c0_i32, %c0_i32_0 : i32, i32
  }
  func.func @transform_10(%arg0: i32) -> (i32, i32) {
    %c0_i32 = arith.constant 0 : i32
    %c0_i32_0 = arith.constant 0 : i32
    %c0_i32_1 = arith.constant 0 : i32
    return %c0_i32, %c0_i32_0 : i32, i32
  }
  func.func @transform_11(%arg0: i32) -> (i32, i32) {
    %c0_i32 = arith.constant 0 : i32
    %c0_i32_0 = arith.constant 0 : i32
    %c0_i32_1 = arith.constant 0 : i32
    return %c0_i32, %c0_i32_0 : i32, i32
  }
  func.func @transform_12(%arg0: i32) -> (i32, i32) {
    %c0_i32 = arith.constant 0 : i32
    %c0_i32_0 = arith.constant 0 : i32
    %c0_i32_1 = arith.constant 0 : i32
    return %c0_i32, %c0_i32_0 : i32, i32
  }
  func.func @transform_13(%arg0: i32) -> (i32, i32) {
    %c0_i32 = arith.constant 0 : i32
    %c0_i32_0 = arith.constant 0 : i32
    %c0_i32_1 = arith.constant 0 : i32
    return %c0_i32, %c0_i32_0 : i32, i32
  }
}

</mosaic_0001>

<sc_bundles>
// kernel: kernel.4.cloned.1.call-start
scs
__scs_entry_jumppad:
0x0: {  	(pc) =	sbr.rel $0x88, $3  }
0x1: {  	(tag) =	ssettag $0x0;
	lr =	simm.s32 $0x1  }
0x2: {  	[smem:$0x3F95] =	sst lr;
	_ =	strace $0xD0000000  }
0x3: {  	_ = 	snop  }
0x4: {  	_ = 	snop  }
0x5: {  	_ = 	snop  }
0x6: {  	_ = 	snop  }
0x7: {  	_ = 	snop  }
__scs_overlays_trampoline_lowered:
0x8: {  	[smem:$0x3FA4] =	sst s0  }
0x9: {  	[smem:$0x3FA5] =	sst s1  }
0xa: {  	[smem:$0x3FA6] =	sst s2  }
0xb: {  	[smem:$0x3FA7] =	sst s3  }
0xc: {  	[smem:$0x3FA8] =	sst s4  }
0xd: {  	[smem:$0x3FA9] =	sst s5  }
0xe: {  	[smem:$0x3FAA] =	sst s6  }
0xf: {  	[smem:$0x3FAB] =	sst s7  }
0x10: {  	[smem:$0x3FAC] =	sst s8  }
0x11: {  	[smem:$0x3FAD] =	sst s9;
	s0 =	simm.s32 @!p0 $0x0  }
0x12: {  	s1 =	sld [smem:$0x3F93];
	s0 =	simm.s32 @p0 $0x1  }
0x13: {  	[smem:$0x3FAE] =	sst s0;
	s0 =	simm.s32 @!p1 $0x0  }
0x14: {  	s2 =	sld [smem:$0x3F92];
	s0 =	simm.s32 @p1 $0x1  }
0x15: {  	[smem:$0x3FAF] =	sst s0;
	s0 =	simm.s32 @!p2 $0x0  }
0x16: {  	s3 =	sld [smem:$0x3FDB];
	s0 =	simm.s32 @p2 $0x1  }
0x17: {  	s4 =	simm.s32 $0x1BF5;
	[smem:$0x3FB1] =	sst s0  }
0x18: {  	s0 =	sld [smem:$0x3F94];
	_ =	swait.ge [sflag:s4], $0x0  }
0x19: {  	s7 =	sld [smem:$0x3F95]  }
0x1a: {  	s8 =	sadd.s32 $0xFFFFE003, lr  }
0x1b: {  	s9 =	sadd.s32 $0xFFFFFEF7, lr;
	s5 =	simm.s32 $0xFFFFFFFF;
	p2 =	slt.u32 s8, $0xFFFFF086  }
0x1c: {  	p1 =	slt.u32 s9, $0xF7A;
	s5 =	simm.s32 @!p2 $0x0  }
0x1d: {  	s5 =	simm.s32 @p1 $0x1;
	p0 =	seq.s32 s7, s2  }
0x1e: {  	s7 =	smul.u32 @!p0 $0xF7A, s2;
	p2 =	seq.s32 @!p0 s5, $0x0  }
0x1f: {  	s9 =	smul.u32 $0xF7A, s1;
	s8 =	simm.s32 @!p0 $0x1BF5;
	p2 =	por !p2, p0  }
0x20: {  	[sflag:s8] =	ssyncset.s32 @!p0 $0xFFFFF086;
	s6 =	sadd.s32 @!p0 s3, s7;
	s7 =	simm.s32 @!p0 $0x108  }
0x21: {  	s3 =	sadd.s32 s3, s9;
	s6 =	sadd.s32 @!p0 $0x88, s6;
	s7 =	simm.s32 @p2 $0x1082  }
0x22: {  	[simem:s7], [sflag:s8] =	dma.local @!p0 [hbm:s6], $0xF7A  }
0x23: {  	s9 =	sor.u32 $0xD0000000, s2;
	s6 =	simm.s32 $0x108;
	_ =	swait.ge @!p0 [sflag:s8], $0x0  }
0x24: {  	s3 =	sadd.s32 $0x88, s3;
	s6 =	simm.s32 @!p1 $0x1082;
	[sflag:s4] =	ssyncset.s32 $0xFFFFF086  }
0x25: {  	[simem:s6], [sflag:s4] =	dma.local [hbm:s3], $0xF7A  }
0x26: {  	[smem:$0x3F95] =	sst s1;
	(tag) =	ssettag s2;
	_ =	strace s9  }
0x27: {  	s1 =	sld [smem:$0x3FA5]  }
0x28: {  	s2 =	sld [smem:$0x3FA6]  }
0x29: {  	s4 =	sld [smem:$0x3FA8]  }
0x2a: {  	p0 =	seq.s32 s5, $0x0;
	s5 =	sld [smem:$0x3FA9]  }
0x2b: {  	s6 =	sld [smem:$0x3FAA]  }
0x2c: {  	s7 =	sld [smem:$0x3FAB]  }
0x2d: {  	s3 =	simm.s32 $0x108;
	s8 =	sld [smem:$0x3FAC]  }
0x2e: {  	s3 =	simm.s32 @!p0 $0x1082;
	s9 =	sld [smem:$0x3FAD]  }
0x2f: {  	lr =	sadd.s32 s0, s3;
	s0 =	sld [smem:$0x3FA4]  }
0x30: {  	s3 =	sld [smem:$0x3FA7]  }
0x31: {  	[smem:$0x3FB0] =	sst s10  }
0x32: {  	s10 =	sld [smem:$0x3FAE];
	_ =	sdelay $0x3  }
0x33: {  	p0 =	seq.s32 s10, $0x1;
	s10 =	sld [smem:$0x3FB0];
	_ =	sdelay $0x3  }
0x34: {  	[smem:$0x3FB0] =	sst s10  }
0x35: {  	s10 =	sld [smem:$0x3FAF];
	_ =	sdelay $0x3  }
0x36: {  	p1 =	seq.s32 s10, $0x1;
	s10 =	sld [smem:$0x3FB0];
	_ =	sdelay $0x3  }
0x37: {  	[smem:$0x3FB0] =	sst s10  }
0x38: {  	s10 =	sld [smem:$0x3FB1]  }
0x39: {  	_ = 	snop;
	(pc) =	sbr.ind lr, $3  }
0x3a: {  	_ = 	snop  }
0x3b: {  	_ = 	snop  }
0x3c: {  	p2 =	seq.s32 s10, $0x1;
	s10 =	sld [smem:$0x3FB0]  }
0x3d: {  	_ =	shalt  }
0x3e: {  	_ =	shalt  }
0x3f: {  	_ =	shalt  }
0x40: {  	_ =	shalt  }
0x41: {  	_ =	shalt  }
0x42: {  	_ =	shalt  }
0x43: {  	_ =	shalt  }
0x44: {  	_ =	shalt  }
0x45: {  	_ =	shalt  }
0x46: {  	_ =	shalt  }
0x47: {  	_ =	shalt  }
0x48: {  	_ =	shalt  }
0x49: {  	_ =	shalt  }
0x4a: {  	_ =	shalt  }
0x4b: {  	_ =	shalt  }
0x4c: {  	_ =	shalt  }
0x4d: {  	_ =	shalt  }
0x4e: {  	_ =	shalt  }
0x4f: {  	_ =	shalt  }
0x50: {  	_ =	shalt  }
0x51: {  	_ =	shalt  }
0x52: {  	_ =	shalt  }
0x53: {  	_ =	shalt  }
0x54: {  	_ =	shalt  }
0x55: {  	_ =	shalt  }
0x56: {  	_ =	shalt  }
0x57: {  	_ =	shalt  }
0x58: {  	_ =	shalt  }
0x59: {  	_ =	shalt  }
0x5a: {  	_ =	shalt  }
0x5b: {  	_ =	shalt  }
0x5c: {  	_ =	shalt  }
0x5d: {  	_ =	shalt  }
0x5e: {  	_ =	shalt  }
0x5f: {  	_ =	shalt  }
0x60: {  	_ =	shalt  }
0x61: {  	_ =	shalt  }
0x62: {  	_ =	shalt  }
0x63: {  	_ =	shalt  }
0x64: {  	_ =	shalt  }
0x65: {  	_ =	shalt  }
0x66: {  	_ =	shalt  }
0x67: {  	_ =	shalt  }
0x68: {  	_ =	shalt  }
0x69: {  	_ =	shalt  }
0x6a: {  	_ =	shalt  }
0x6b: {  	_ =	shalt  }
0x6c: {  	_ =	shalt  }
0x6d: {  	_ =	shalt  }
0x6e: {  	_ =	shalt  }
0x6f: {  	_ =	shalt  }
0x70: {  	_ =	shalt  }
0x71: {  	_ =	shalt  }
0x72: {  	_ =	shalt  }
0x73: {  	_ =	shalt  }
0x74: {  	_ =	shalt  }
0x75: {  	_ =	shalt  }
0x76: {  	_ =	shalt  }
0x77: {  	_ =	shalt  }
0x78: {  	_ =	shalt  }
0x79: {  	_ =	shalt  }
0x7a: {  	_ =	shalt  }
0x7b: {  	_ =	shalt  }
0x7c: {  	_ =	shalt  }
0x7d: {  	_ =	shalt  }
0x7e: {  	_ =	shalt  }
0x7f: {  	_ =	shalt  }
0x80: {  	_ =	shalt  }
0x81: {  	_ =	shalt  }
0x82: {  	_ =	shalt  }
0x83: {  	_ =	shalt  }
0x84: {  	_ =	shalt  }
0x85: {  	_ =	shalt  }
0x86: {  	_ =	shalt  }
0x87: {  	_ =	shalt  }
.Lfunc_end0:
.L_simem_size_0:
called_computation_lowered:
.L_overlay_start_0:
0x88: {  	s2 =	sld [smem:$0x3FD9]  }
0x89: {  	s3 =	sld [smem:$0x3FFE];
	_ =	sdelay $0x1  }
0x8a: {  	s1 =	srdreg.scid  }
0x8b: {  	s0 =	sand.u32 $0x1, s1  }
0x8c: {  	s17 =	sshll.u32 s0, $0xA;
	s2 =	sadd.s32 s3, s2  }
0x8d: {  	s2 =	sadd.s32 s2, s17  }
0x8e: {  	[smem:$0x3FBC] =	sst s2  }
0x8f: {  	_ = 	snop  }
0x90: {  	s2 =	sld [smem:$0x3FC9];
	(tm) =	ssettm $0x1  }
0x91: {  	s18 =	sld [smem:$0x3FFB];
	_ =	sdelay $0x3  }
0x92: {  	_ =	strace s18  }
0x93: {  	s3 =	sld [smem:$0x3FFC];
	_ =	sdelay $0x3  }
0x94: {  	_ =	strace s3  }
0x95: {  	s3 =	sld [smem:$0x3FFD];
	_ =	sdelay $0x3  }
0x96: {  	_ =	strace s3  }
0x97: {  	_ =	strace $0x8FFFFFFF  }
0x98: {  	s19 =	sld [smem:$0x3FDB];
	_ =	sdelay $0x1  }
0x99: {  	s4 =	simm.s32 $_scs_section_size  }
0x9a: {  	s5 =	simm.s32 $_size__tile_overlayer_lowered;
	s6 =	simm.s32 $_tile_overlayer_lowered  }
0x9b: {  	s22 =	simm.s32 $0x1BFF;
	s21 =	sshll.u32 s6, $0x1;
	s3 =	sadd.s32 s4, s19  }
0x9c: {  	s7 =	simm.s32 $0x0;
	s20 =	sshll.u32 s5, $0x1;
	s5 =	sadd.s32 s21, s3  }
0x9d: {  	[timem:s7], [sflag:s22] =	dma.local [hbm:s5], s20  }
0x9e: {  	_ =	swait.ge [sflag:s22], s20  }
0x9f: {  	s4 =	ssub.s32 $0x0, s20;
	[sflag:s22] =	ssyncset.done $0x0  }
0xa0: {  	[sflag:s22] =	ssyncadd.s32 s4;
	_ =	sdelay $0x1  }
0xa1: {  	s23 =	simm.s32 $0x1B8B  }
0xa2: {  	_ =	swait.ge [sflag:s23], $0x1  }
0xa3: {  	[sflag:s23] =	ssyncset.done $0x0  }
0xa4: {  	s25 =	simm.s32 $0x1B8E;
	s24 =	sld [smem:$0x3FFE];
	[sflag:s23] =	ssyncadd.s32 $0xFFFFFFFF  }
0xa5: {  	s26 =	simm.s32 $execute0_lowered;
	[smem:$0x3FD2] =	sst s25  }
0xa6: {  	s5 =	sshll.u32 s26, $0x1;
	_ =	strace $0x80000046;
	[dreg:$0x1] =	wrdreg $0xFFFFFFFF  }
0xa7: {  	s28 =	simm.s32 $_size_execute0_lowered;
	s3 =	sadd.s32 s3, s5;
	[dreg:$0x0] =	wrdreg $0x0  }
0xa8: {  	s5 =	sshll.u32 s28, $0x1;
	[dreg:$0x2] =	wrdreg s3  }
0xa9: {  	[dreg:$0x3] =	wrdreg s5  }
0xaa: {  	[dreg:$0x4] =	wrdreg $0xC0  }
0xab: {  	_ =	task [dreg:s7], $0x5FFFF  }
0xac: {  	[dreg:$0x1] =	wrdreg $0xFFFFFFFF  }
0xad: {  	[dreg:$0x0] =	wrdreg $0x60  }
0xae: {  	[dreg:$0x2] =	wrdreg s2  }
0xaf: {  	[dreg:$0x3] =	wrdreg s24  }
0xb0: {  	[dreg:$0x4] =	wrdreg $0x0  }
0xb1: {  	[dreg:$0x5] =	wrdreg $0x9  }
0xb2: {  	_ =	task.clear_ibuf [dreg:s7], $0x6FFFF;
	_ =	strace $0x90000046  }
0xb3: {  	s29 =	simm.s32 $0x9;
	_ =	strace $0x80000048  }
0xb4: {  	_ =	swait.ge [sflag:s29], $0x1  }
0xb5: {  	[sflag:s29] =	ssyncadd.s32 $0xFFFFFFFF  }
0xb6: {  	_ =	strace $0x90000048  }
0xb7: {  	_ =	sfence  }
0xb8: {  	s30 =	sld [smem:$0x0];
	_ =	sdelay $0x2  }
0xb9: {  	s31 =	sshll.u32 s1, $0xD;
	s1 =	sshrl.u32 s1, $0x2  }
0xba: {  	s3 =	sand.u32 $0x4000, s31;
	s1 =	sadd.s32 s1, s30  }
0xbb: {  	s0 =	sor.u32 s3, s0;
	s1 =	sshll.u32 s1, $0x11  }
0xbc: {  	s0 =	sor.u32 s1, s0  }
0xbd: {  	s0 =	sadd.s32 $0x8F2B, s0  }
0xbe: {  	[sflag:s0] =	ssyncadd.remote.s32 $0x1  }
0xbf: {  	_ =	sfence.sel $0xFFFF  }
0xc0: {  	[dreg:$0x0] =	wrdreg $0xFFFFFFFF;
	(pc) =	sbr.abs _section_cstart, $3  }
0xc1: {  	[dreg:$0x1] =	wrdreg $0xFFFFFFFF  }
0xc2: {  	_ =	task.clear_ibuf [dreg:s7], $0x2FFFF;
	_ =	strace $0x9FFFFFFF  }
0xc3: {  	(tm) =	ssettm $0x7FFFFFFF  }
tec
execute0_lowered:
.L_overlay_start_1:
0x0: {  	(tag) =	ssettag $0x1  }
0x1: {  	s1 =	rddreg [dreg:$0x0]  }
0x2: {  	s0 =	rddreg [dreg:$0x1]  }
0x3: {  	s2 =	rddreg [dreg:$0x2];
	s3 =	simm.s32 $0x0;
	s7 =	srdreg.scid  }
0x4: {  	s6 =	stileid.u32;
	s20 =	simm.s32 $0x1D000;
	s21 =	simm.s32 $0x80  }
0x5: {  	s22 =	simm.s32 $0x14000;
	s23 =	simm.s32 $0x1D100;
	s28 =	simm.s32 $0x1D080  }
0x6: {  	s29 =	simm.s32 $0x1D180;
	s31 =	simm.s32 $0x1C800;
	[smem:$0x7FF] =	sst s3  }
0x7: {  	s4 =	sadd.s32 $0xB6000, s0;
	s16 =	sadd.s32 $0x16000, s0;
	s5 =	sadd.s32 $0xCA000, s0  }
0x8: {  	s8 =	sadd.s32 $0xF2000, s0;
	s17 =	sand.u32 $0x1, s7;
	s12 =	smul.u32 $0x50000, s6  }
0x9: {  	s0 =	sadd.s32 $0x11A000, s0;
	s18 =	smul.u32 $0xA000, s6;
	s25 =	sshll.u32 s6, $0x6  }
0xa: {  	s14 =	smul.u32 $0x1400, s6;
	_ =	strace $0x80000047;
	[dreg:$0x4] =	wrdreg s8  }
0xb: {  	[dreg:$0x5] =	wrdreg s0;
	s24 =	ssub.s32 $0x2, s17;
	s8 =	smul.u32 $0x2800, s6  }
0xc: {  	p0 =	seq.s32 s17, $0x0;
	s9 =	sshrl.u32 s24, $0x1;
	s10 =	sshrl.u32 s12, $0x2  }
0xd: {  	s11 =	sshrl.u32 s18, $0x3;
	s12 =	sshrl.u32 s12, $0x3;
	s14 =	sadd.s32 s14, s4  }
0xe: {  	s0 =	ssub.s32 s24, s9;
	s19 =	sadd.s32 s10, s2;
	s9 =	sadd.s32 s5, s8  }
.Ltmp0:
0xf: {  	s10 =	sor.u32 $0x1C03, s25;
	s11 =	sadd.s32 s4, s11;
	(pc) =	sbr.rel .LBB2_1-.Ltmp0, $4  }
0x10: {  	s26 =	sadd.s32 s16, s12;
	s16 =	sadd.s32 s18, s16;
	s30 =	sadd.s32 $0x20, s14  }
0x11: {  	s24 =	simm.s32 $0x1;
	s25 =	simm.s32 $0x2;
	[dreg:$0x6] =	wrdreg s26  }
0x12: {  	s13 =	smax.u32 s0, $0x1;
	s15 =	sadd.s32 $0x13E0, s11;
	s18 =	sshrl.u32 s19, $0x3  }
0x13: {  	s19 =	simm.s32 $0x3;
	s26 =	simm.s32 $0x18000;
	s0 =	simm.s32 $0x0  }
.LBB2_7:
0x14: {  	s4 =	sadd.s32 s4, s14  }
0x15: {  	[sflag:s19] =	ssyncadd.s32 $0xFFFFC000;
	s6 =	sadd.s32 $0x13E0, s4  }
0x16: {  	[tilespmem:s23], [sflag:$0x2] =	stream.linear.gather [hbm4b:s6+s3], $0x100, $0x38;
	[tilespmem:$0x1D200] =	vst v63  }
0x17: {  	_ =	swait.ge [sflag:s24], $0x4000  }
0x18: {  	[sflag:s24] =	ssyncset.done $0x0  }
0x19: {  	[sflag:s24] =	ssyncadd.s32 $0xFFFFC000  }
0x1a: {  	_ =	swait.ge [sflag:s25], $0x100  }
0x1b: {  	[sflag:s25] =	ssyncset.done $0x0  }
0x1c: {  	[sflag:s25] =	ssyncadd.s32 $0xFFFFFF00  }
0x1d: {  	[tilespmem:s26], [sflag:$0x1] =	stream.indirect.gather [hbm4b:s1+s21], $0x80, s23, s21, $0xb8;
	[tilespmem:$0x1D200] =	vst v63  }
0x1e: {  	_ = 	snop  }
0x1f: {  	[spmem:s2] =	stream.indirect.scatter.add.f32 [tilespmem:s22], [sflag:$0x3], $0x80, s28, s21, $0xb8;
	[tilespmem:$0x1D200] =	vst v63  }
0x20: {  	_ =	swait.ge [sflag:s19], $0x4000  }
0x21: {  	[sflag:s19] =	ssyncset.done $0x0  }
0x22: {  	s4 =	sadd.s32 $0x1400, s4;
	[sflag:s19] =	ssyncadd.s32 $0xFFFFC000  }
0x23: {  	[tilespmem:s20], [sflag:$0x2] =	stream.linear.gather [hbm4b:s4+s3], $0x100, $0x38;
	[tilespmem:$0x1D200] =	vst v63  }
0x24: {  	_ =	swait.ge [sflag:s24], $0x4000  }
0x25: {  	[sflag:s24] =	ssyncset.done $0x0  }
0x26: {  	[sflag:s24] =	ssyncadd.s32 $0xFFFFC000  }
0x27: {  	_ =	swait.ge [sflag:s25], $0x100  }
0x28: {  	[sflag:s25] =	ssyncset.done $0x0  }
0x29: {  	[sflag:s25] =	ssyncadd.s32 $0xFFFFFF00  }
0x2a: {  	[tilespmem:s22], [sflag:$0x1] =	stream.indirect.gather [hbm4b:s1+s21], $0x80, s20, s21, $0xb8;
	[tilespmem:$0x1D200] =	vst v63  }
0x2b: {  	_ = 	snop  }
0x2c: {  	[spmem:s2] =	stream.indirect.scatter.add.f32 [tilespmem:s26], [sflag:$0x3], $0x80, s29, s21, $0xb8;
	[tilespmem:$0x1D200] =	vst v63  }
0x2d: {  	_ =	swait.ge [sflag:s19], $0x4000  }
0x2e: {  	[sflag:s19] =	ssyncset.done $0x0  }
0x2f: {  	[sflag:s19] =	ssyncadd.s32 $0xFFFFC000  }
0x30: {  	[tilespmem:s23], [sflag:$0x2] =	stream.linear.gather [hbm4b:s15+s3], $0x100, $0x38;
	[tilespmem:$0x1D200] =	vst v63  }
0x31: {  	_ =	swait.ge [sflag:s24], $0x4000  }
0x32: {  	[sflag:s24] =	ssyncset.done $0x0  }
0x33: {  	[sflag:s24] =	ssyncadd.s32 $0xFFFFC000  }
0x34: {  	_ =	swait.ge [sflag:s25], $0x100  }
0x35: {  	[sflag:s25] =	ssyncset.done $0x0  }
0x36: {  	[sflag:s25] =	ssyncadd.s32 $0xFFFFFF00  }
0x37: {  	[tilespmem:s26], [sflag:$0x1] =	stream.indirect.gather [hbm4b:s1+s21], $0x80, s23, s21, $0xb8;
	[tilespmem:$0x1D200] =	vst v63  }
0x38: {  	_ = 	snop  }
0x39: {  	[spmem:s2] =	stream.indirect.scatter.add.f32 [tilespmem:s22], [sflag:$0x3], $0x80, s28, s21, $0xb8;
	[tilespmem:$0x1D200] =	vst v63  }
0x3a: {  	_ =	swait.ge [sflag:s19], $0x4000  }
0x3b: {  	[sflag:s19] =	ssyncset.done $0x0  }
0x3c: {  	[sflag:s19] =	ssyncadd.s32 $0xFFFFC000  }
0x3d: {  	_ =	swait.ge [sflag:s24], $0x4000  }
0x3e: {  	[sflag:s24] =	ssyncset.done $0x0  }
0x3f: {  	[sflag:s24] =	ssyncadd.s32 $0xFFFFC000  }
0x40: {  	[spmem:s2] =	stream.indirect.scatter.add.f32 [tilespmem:s26], [sflag:$0x3], $0x80, s29, s21, $0xb8;
	[tilespmem:$0x1D200] =	vst v63  }
0x41: {  	_ =	swait.ge [sflag:s19], $0x4000  }
0x42: {  	[sflag:s19] =	ssyncset.done $0x0  }
0x43: {  	s4 =	rddreg [dreg:$0x4];
	[sflag:s19] =	ssyncadd.s32 $0xFFFFC000  }
.LBB2_8:
0x44: {  	s0 =	sadd.s32 $0x1, s0  }
0x45: {  	p1 =	sne.s32 s0, s13  }
.Ltmp1:
0x46: {  	s4 =	sadd.s32 s4, s8;
	[bflag:$0x0] =	sbarrier.arrive $0xFFFF;
	(pc) =	sbr.rel @!p1 .LBB2_9-.Ltmp1, $4  }
0x47: {  	[hbm:s4], [sflag:s10] =	dma.local [spmem:s18], $0x2800  }
0x48: {  	_ =	swait.ge [sflag:s19], $0x2800  }
0x49: {  	[sflag:s19] =	ssyncset.done $0x0  }
0x4a: {  	[sflag:s19] =	ssyncadd.s32 $0xFFFFD800  }
.LBB2_1:
.Ltmp2:
0x4b: {  	(pc) =	sbr.rel @!p0 .LBB2_2-.Ltmp2, $4  }
0x4c: {  	[spmem:s18], [sflag:s10] =	dma.local [hbm:s9], $0x2800  }
0x4d: {  	_ =	swait.ge [sflag:s19], $0x2800  }
0x4e: {  	[sflag:s19] =	ssyncset.done $0x0  }
0x4f: {  	[sflag:s19] =	ssyncadd.s32 $0xFFFFD800  }
0x50: {  	[bflag:$0x0] =	sbarrier.arrive $0xFFFF  }
0x51: {  	[tilespmem:s20], [sflag:$0x3] =	stream.linear.gather [hbm4b:s11+s3], $0x100, $0x38;
	[tilespmem:$0x1D200] =	vst v63  }
0x52: {  	_ =	swait.ge [sflag:s19], $0x100  }
0x53: {  	[sflag:s19] =	ssyncset.done $0x0  }
0x54: {  	s4 =	sadd.s32 $0xFFFFEC40, s14;
	[sflag:s19] =	ssyncadd.s32 $0xFFFFFF00  }
0x55: {  	[tilespmem:s22], [sflag:$0x1] =	stream.indirect.gather [hbm4b:s1+s21], $0x80, s20, s21, $0xb8;
	[tilespmem:$0x1D200] =	vst v63  }
0x56: {  	s17 =	sadd.s32 $0x13E0, s4  }
0x57: {  	[tilespmem:s23], [sflag:$0x2] =	stream.linear.gather [hbm4b:s17+s3], $0x100, $0x38;
	[tilespmem:$0x1D200] =	vst v63  }
0x58: {  	_ =	swait.ge [sflag:s24], $0x4000  }
0x59: {  	[sflag:s24] =	ssyncset.done $0x0  }
0x5a: {  	[sflag:s24] =	ssyncadd.s32 $0xFFFFC000  }
0x5b: {  	_ =	swait.ge [sflag:s25], $0x100  }
0x5c: {  	[sflag:s25] =	ssyncset.done $0x0  }
0x5d: {  	[sflag:s25] =	ssyncadd.s32 $0xFFFFFF00  }
0x5e: {  	[tilespmem:s26], [sflag:$0x1] =	stream.indirect.gather [hbm4b:s1+s21], $0x80, s23, s21, $0xb8;
	[tilespmem:$0x1D200] =	vst v63  }
0x5f: {  	_ = 	snop  }
0x60: {  	[spmem:s2] =	stream.indirect.scatter.add.f32 [tilespmem:s22], [sflag:$0x3], $0x80, s28, s21, $0xb8;
	[tilespmem:$0x1D200] =	vst v63  }
0x61: {  	_ =	swait.ge [sflag:s19], $0x4000  }
0x62: {  	[sflag:s19] =	ssyncset.done $0x0  }
0x63: {  	s4 =	sadd.s32 $0x1400, s4;
	[sflag:s19] =	ssyncadd.s32 $0xFFFFC000  }
0x64: {  	[tilespmem:s20], [sflag:$0x2] =	stream.linear.gather [hbm4b:s4+s3], $0x100, $0x38;
	[tilespmem:$0x1D200] =	vst v63  }
0x65: {  	_ =	swait.ge [sflag:s24], $0x4000  }
0x66: {  	[sflag:s24] =	ssyncset.done $0x0  }
0x67: {  	[sflag:s24] =	ssyncadd.s32 $0xFFFFC000  }
0x68: {  	_ =	swait.ge [sflag:s25], $0x100  }
0x69: {  	[sflag:s25] =	ssyncset.done $0x0  }
0x6a: {  	[sflag:s25] =	ssyncadd.s32 $0xFFFFFF00  }
0x6b: {  	[tilespmem:s22], [sflag:$0x1] =	stream.indirect.gather [hbm4b:s1+s21], $0x80, s20, s21, $0xb8;
	[tilespmem:$0x1D200] =	vst v63  }
0x6c: {  	_ = 	snop  }
0x6d: {  	[spmem:s2] =	stream.indirect.scatter.add.f32 [tilespmem:s26], [sflag:$0x3], $0x80, s29, s21, $0xb8;
	[tilespmem:$0x1D200] =	vst v63  }
0x6e: {  	_ =	swait.ge [sflag:s19], $0x4000  }
0x6f: {  	s17 =	simm.s32 $0xFFFFECC0;
	s4 =	simm.s32 $0xFFFFEC80;
	[sflag:s19] =	ssyncset.done $0x0  }
.LBB2_6:
0x70: {  	s6 =	sadd.s32 s4, s14  }
0x71: {  	[sflag:s19] =	ssyncadd.s32 $0xFFFFC000;
	s4 =	smov.u32 s17;
	s7 =	sadd.s32 $0x40, s17  }
0x72: {  	p1 =	sne.s32 s17, $0xFFFFFFC0;
	s17 =	sadd.s32 $0x13E0, s6  }
0x73: {  	[tilespmem:s23], [sflag:$0x2] =	stream.linear.gather [hbm4b:s17+s3], $0x100, $0x38;
	[tilespmem:$0x1D200] =	vst v63  }
0x74: {  	_ =	swait.ge [sflag:s24], $0x4000  }
0x75: {  	[sflag:s24] =	ssyncset.done $0x0  }
0x76: {  	[sflag:s24] =	ssyncadd.s32 $0xFFFFC000  }
0x77: {  	_ =	swait.ge [sflag:s25], $0x100  }
0x78: {  	[sflag:s25] =	ssyncset.done $0x0  }
0x79: {  	[sflag:s25] =	ssyncadd.s32 $0xFFFFFF00  }
0x7a: {  	[tilespmem:s26], [sflag:$0x1] =	stream.indirect.gather [hbm4b:s1+s21], $0x80, s23, s21, $0xb8;
	[tilespmem:$0x1D200] =	vst v63  }
0x7b: {  	_ = 	snop  }
0x7c: {  	[spmem:s2] =	stream.indirect.scatter.add.f32 [tilespmem:s22], [sflag:$0x3], $0x80, s28, s21, $0xb8;
	[tilespmem:$0x1D200] =	vst v63  }
0x7d: {  	_ =	swait.ge [sflag:s19], $0x4000  }
0x7e: {  	[sflag:s19] =	ssyncset.done $0x0  }
0x7f: {  	s6 =	sadd.s32 $0x1400, s6;
	[sflag:s19] =	ssyncadd.s32 $0xFFFFC000  }
0x80: {  	[tilespmem:s20], [sflag:$0x2] =	stream.linear.gather [hbm4b:s6+s3], $0x100, $0x38;
	[tilespmem:$0x1D200] =	vst v63  }
0x81: {  	_ =	swait.ge [sflag:s24], $0x4000  }
0x82: {  	[sflag:s24] =	ssyncset.done $0x0  }
0x83: {  	[sflag:s24] =	ssyncadd.s32 $0xFFFFC000  }
0x84: {  	_ =	swait.ge [sflag:s25], $0x100  }
0x85: {  	[sflag:s25] =	ssyncset.done $0x0  }
0x86: {  	[sflag:s25] =	ssyncadd.s32 $0xFFFFFF00  }
0x87: {  	[tilespmem:s22], [sflag:$0x1] =	stream.indirect.gather [hbm4b:s1+s21], $0x80, s20, s21, $0xb8;
	[tilespmem:$0x1D200] =	vst v63  }
.Ltmp3:
0x88: {  	_ = 	snop;
	(pc) =	sbr.rel @p1 .LBB2_6-.Ltmp3, $4  }
0x89: {  	_ = 	snop  }
0x8a: {  	[spmem:s2] =	stream.indirect.scatter.add.f32 [tilespmem:s26], [sflag:$0x3], $0x80, s29, s21, $0xb8;
	[tilespmem:$0x1D200] =	vst v63  }
0x8b: {  	_ =	swait.ge [sflag:s19], $0x4000  }
0x8c: {  	s17 =	smov.u32 s7;
	[sflag:s19] =	ssyncset.done $0x0  }
.Ltmp4:
0x8d: {  	_ = 	snop;
	(pc) =	sbr.rel .LBB2_7-.Ltmp4, $1  }
0x8e: {  	_ =	sdelay $0x3  }
.LBB2_2:
0x8f: {  	s4 =	simm.s32 $0x0  }
0x90: {  	[tilespmem:s22], [sflag:$0x3] =	stream.linear.gather [hbm4b:s5+s4], $0x4000, $0x38;
	[tilespmem:$0x1D200] =	vst v63  }
0x91: {  	_ =	swait.ge [sflag:s19], $0x4000  }
0x92: {  	[sflag:s19] =	ssyncset.done $0x0  }
0x93: {  	[sflag:s19] =	ssyncadd.s32 $0xFFFFC000  }
0x94: {  	[tilespmem:s26], [sflag:$0x3] =	stream.linear.gather [hbm4b:s5+s4], $0x4000, $0x38;
	[tilespmem:$0x1D200] =	vst v63  }
0x95: {  	_ =	swait.ge [sflag:s19], $0x4000  }
0x96: {  	[sflag:s19] =	ssyncset.done $0x0  }
0x97: {  	[sflag:s19] =	ssyncadd.s32 $0xFFFFC000  }
0x98: {  	[bflag:$0x0] =	sbarrier.arrive $0xFFFF  }
0x99: {  	[tilespmem:s20], [sflag:$0x3] =	stream.linear.gather [hbm4b:s11+s4], $0x100, $0x38;
	[tilespmem:$0x1D200] =	vst v63  }
0x9a: {  	_ =	swait.ge [sflag:s19], $0x100  }
0x9b: {  	s7 =	simm.s32 $0x1C000;
	[sflag:s19] =	ssyncset.done $0x0  }
0x9c: {  	s17 =	smov.u32 s30;
	s6 =	rddreg [dreg:$0x6];
	[sflag:s19] =	ssyncadd.s32 $0xFFFFFF00  }
0x9d: {  	[tilespmem:s7], [sflag:$0x1] =	stream.linear.gather [hbm4b:s6+s4], $0x800, $0x38;
	[tilespmem:$0x1D200] =	vst v63  }
.LBB2_3:
0x9e: {  	[tilespmem:s23], [sflag:$0x2] =	stream.linear.gather [hbm4b:s17+s3], $0x100, $0x38;
	[tilespmem:$0x1D200] =	vst v63  }
0x9f: {  	s6 =	sadd.s32 s4, s16  }
0xa0: {  	s6 =	sadd.s32 $0x100, s6  }
0xa1: {  	[tilespmem:s31], [sflag:$0x1] =	stream.linear.gather [hbm4b:s6+s3], $0x800, $0x38;
	[tilespmem:$0x1D200] =	vst v63  }
0xa2: {  	_ =	swait.ge [sflag:s24], $0x800  }
0xa3: {  	[sflag:s24] =	ssyncset.done $0x0  }
0xa4: {  	[sflag:s24] =	ssyncadd.s32 $0xFFFFF800  }
0xa5: {  	v0 =	vld [tilespmem:$0x1C000]  }
0xa6: {  	v1 =	vld [tilespmem:$0x1C010]  }
0xa7: {  	v2 =	vld [tilespmem:$0x1C020]  }
0xa8: {  	v3 =	vld [tilespmem:$0x1C030]  }
0xa9: {  	v4 =	vld [tilespmem:$0x1C040]  }
0xaa: {  	v38 =	vld [tilespmem:$0x1C050];
	[tilespmem:$0x14000] =	vst v0  }
0xab: {  	v39 =	vld [tilespmem:$0x1C060];
	[tilespmem:$0x14080] =	vst v1  }
0xac: {  	v40 =	vld [tilespmem:$0x1C070];
	[tilespmem:$0x14100] =	vst v2  }
0xad: {  	v41 =	vld [tilespmem:$0x1C080];
	[tilespmem:$0x14180] =	vst v3  }
0xae: {  	v42 =	vld [tilespmem:$0x1C090];
	[tilespmem:$0x14200] =	vst v4  }
0xaf: {  	v43 =	vld [tilespmem:$0x1C0A0];
	[tilespmem:$0x14280] =	vst v38  }
0xb0: {  	v44 =	vld [tilespmem:$0x1C0B0];
	[tilespmem:$0x14300] =	vst v39  }
0xb1: {  	v45 =	vld [tilespmem:$0x1C0C0];
	[tilespmem:$0x14380] =	vst v40  }
0xb2: {  	[tilespmem:$0x14400] =	vst v41  }
0xb3: {  	[tilespmem:$0x14480] =	vst v42  }
0xb4: {  	[tilespmem:$0x14500] =	vst v43  }
0xb5: {  	[tilespmem:$0x14580] =	vst v44  }
0xb6: {  	[tilespmem:$0x14600] =	vst v45  }
0xb7: {  	v0 =	vld [tilespmem:$0x1C0D0]  }
0xb8: {  	v46 =	vld [tilespmem:$0x1C0E0]  }
0xb9: {  	v47 =	vld [tilespmem:$0x1C0F0]  }
0xba: {  	v48 =	vld [tilespmem:$0x1C100]  }
0xbb: {  	v49 =	vld [tilespmem:$0x1C110]  }
0xbc: {  	v50 =	vld [tilespmem:$0x1C120];
	[tilespmem:$0x14680] =	vst v0  }
0xbd: {  	v51 =	vld [tilespmem:$0x1C130];
	[tilespmem:$0x14700] =	vst v46  }
0xbe: {  	v52 =	vld [tilespmem:$0x1C140];
	[tilespmem:$0x14780] =	vst v47  }
0xbf: {  	v53 =	vld [tilespmem:$0x1C150];
	[tilespmem:$0x14800] =	vst v48  }
0xc0: {  	v54 =	vld [tilespmem:$0x1C160];
	[tilespmem:$0x14880] =	vst v49  }
0xc1: {  	v55 =	vld [tilespmem:$0x1C170];
	[tilespmem:$0x14900] =	vst v50  }
0xc2: {  	v56 =	vld [tilespmem:$0x1C180];
	[tilespmem:$0x14980] =	vst v51  }
0xc3: {  	v57 =	vld [tilespmem:$0x1C190];
	[tilespmem:$0x14A00] =	vst v52  }
0xc4: {  	v58 =	vld [tilespmem:$0x1C1A0];
	[tilespmem:$0x14A80] =	vst v53  }
0xc5: {  	v59 =	vld [tilespmem:$0x1C1B0];
	[tilespmem:$0x14B00] =	vst v54  }
0xc6: {  	v60 =	vld [tilespmem:$0x1C1C0];
	[tilespmem:$0x14B80] =	vst v55  }
0xc7: {  	v61 =	vld [tilespmem:$0x1C1D0];
	[tilespmem:$0x14C00] =	vst v56  }
0xc8: {  	v62 =	vld [tilespmem:$0x1C1E0];
	[tilespmem:$0x14C80] =	vst v57  }
0xc9: {  	v63 =	vld [tilespmem:$0x1C1F0];
	[tilespmem:$0x14D00] =	vst v58  }
0xca: {  	v8 =	vld [tilespmem:$0x1C200];
	[tilespmem:$0x14D80] =	vst v59  }
0xcb: {  	v9 =	vld [tilespmem:$0x1C210];
	[tilespmem:$0x14E00] =	vst v60  }
0xcc: {  	v10 =	vld [tilespmem:$0x1C220];
	[tilespmem:$0x14E80] =	vst v61  }
0xcd: {  	v11 =	vld [tilespmem:$0x1C230];
	[tilespmem:$0x14F00] =	vst v62  }
0xce: {  	v12 =	vld [tilespmem:$0x1C240];
	[tilespmem:$0x14F80] =	vst v63  }
0xcf: {  	v13 =	vld [tilespmem:$0x1C250];
	[tilespmem:$0x15000] =	vst v8  }
0xd0: {  	v14 =	vld [tilespmem:$0x1C260];
	[tilespmem:$0x15080] =	vst v9  }
0xd1: {  	v15 =	vld [tilespmem:$0x1C270];
	[tilespmem:$0x15100] =	vst v10  }
0xd2: {  	v16 =	vld [tilespmem:$0x1C280];
	[tilespmem:$0x15180] =	vst v11  }
0xd3: {  	v17 =	vld [tilespmem:$0x1C290];
	[tilespmem:$0x15200] =	vst v12  }
0xd4: {  	v18 =	vld [tilespmem:$0x1C2A0];
	[tilespmem:$0x15280] =	vst v13  }
0xd5: {  	v19 =	vld [tilespmem:$0x1C2B0];
	[tilespmem:$0x15300] =	vst v14  }
0xd6: {  	v20 =	vld [tilespmem:$0x1C2C0];
	[tilespmem:$0x15380] =	vst v15  }
0xd7: {  	v21 =	vld [tilespmem:$0x1C2D0];
	[tilespmem:$0x15400] =	vst v16  }
0xd8: {  	v22 =	vld [tilespmem:$0x1C2E0];
	[tilespmem:$0x15480] =	vst v17  }
0xd9: {  	v23 =	vld [tilespmem:$0x1C2F0];
	[tilespmem:$0x15500] =	vst v18  }
0xda: {  	v24 =	vld [tilespmem:$0x1C300];
	[tilespmem:$0x15580] =	vst v19  }
0xdb: {  	v25 =	vld [tilespmem:$0x1C310];
	[tilespmem:$0x15600] =	vst v20  }
0xdc: {  	v26 =	vld [tilespmem:$0x1C320];
	[tilespmem:$0x15680] =	vst v21  }
0xdd: {  	v27 =	vld [tilespmem:$0x1C330];
	[tilespmem:$0x15700] =	vst v22  }
0xde: {  	v28 =	vld [tilespmem:$0x1C340];
	[tilespmem:$0x15780] =	vst v23  }
0xdf: {  	v29 =	vld [tilespmem:$0x1C350];
	[tilespmem:$0x15800] =	vst v24  }
0xe0: {  	v30 =	vld [tilespmem:$0x1C360];
	[tilespmem:$0x15880] =	vst v25  }
0xe1: {  	v31 =	vld [tilespmem:$0x1C370];
	[tilespmem:$0x15900] =	vst v26  }
0xe2: {  	v32 =	vld [tilespmem:$0x1C380];
	[tilespmem:$0x15980] =	vst v27  }
0xe3: {  	v33 =	vld [tilespmem:$0x1C390];
	[tilespmem:$0x15A00] =	vst v28  }
0xe4: {  	v34 =	vld [tilespmem:$0x1C3A0];
	[tilespmem:$0x15A80] =	vst v29  }
0xe5: {  	v35 =	vld [tilespmem:$0x1C3B0];
	[tilespmem:$0x15B00] =	vst v30  }
0xe6: {  	v36 =	vld [tilespmem:$0x1C3C0];
	[tilespmem:$0x15B80] =	vst v31  }
0xe7: {  	v37 =	vld [tilespmem:$0x1C3D0];
	[tilespmem:$0x15C00] =	vst v32  }
0xe8: {  	v38 =	vld [tilespmem:$0x1C3E0];
	[tilespmem:$0x15C80] =	vst v33  }
0xe9: {  	v39 =	vld [tilespmem:$0x1C3F0];
	[tilespmem:$0x15D00] =	vst v34  }
0xea: {  	v40 =	vld [tilespmem:$0x1C400];
	[tilespmem:$0x15D80] =	vst v35  }
0xeb: {  	v41 =	vld [tilespmem:$0x1C410];
	[tilespmem:$0x15E00] =	vst v36  }
0xec: {  	v42 =	vld [tilespmem:$0x1C420];
	[tilespmem:$0x15E80] =	vst v37  }
0xed: {  	v43 =	vld [tilespmem:$0x1C430];
	[tilespmem:$0x15F00] =	vst v38  }
0xee: {  	v44 =	vld [tilespmem:$0x1C440];
	[tilespmem:$0x15F80] =	vst v39  }
0xef: {  	v45 =	vld [tilespmem:$0x1C450];
	[tilespmem:$0x16000] =	vst v40  }
0xf0: {  	[tilespmem:$0x16080] =	vst v41;
	v46 =	vld [tilespmem:$0x1C460]  }
0xf1: {  	[tilespmem:$0x16100] =	vst v42;
	v47 =	vld [tilespmem:$0x1C470]  }
0xf2: {  	[tilespmem:$0x16180] =	vst v43;
	v48 =	vld [tilespmem:$0x1C480]  }
0xf3: {  	[tilespmem:$0x16200] =	vst v44;
	v49 =	vld [tilespmem:$0x1C490]  }
0xf4: {  	[tilespmem:$0x16280] =	vst v45;
	v50 =	vld [tilespmem:$0x1C4A0]  }
0xf5: {  	v51 =	vld [tilespmem:$0x1C4B0];
	[tilespmem:$0x16300] =	vst v46  }
0xf6: {  	v52 =	vld [tilespmem:$0x1C4C0];
	[tilespmem:$0x16380] =	vst v47  }
0xf7: {  	v53 =	vld [tilespmem:$0x1C4D0];
	[tilespmem:$0x16400] =	vst v48  }
0xf8: {  	v54 =	vld [tilespmem:$0x1C4E0];
	[tilespmem:$0x16480] =	vst v49  }
0xf9: {  	v55 =	vld [tilespmem:$0x1C4F0];
	[tilespmem:$0x16500] =	vst v50  }
0xfa: {  	v56 =	vld [tilespmem:$0x1C500];
	[tilespmem:$0x16580] =	vst v51  }
0xfb: {  	v57 =	vld [tilespmem:$0x1C510];
	[tilespmem:$0x16600] =	vst v52  }
0xfc: {  	v58 =	vld [tilespmem:$0x1C520];
	[tilespmem:$0x16680] =	vst v53  }
0xfd: {  	v59 =	vld [tilespmem:$0x1C530];
	[tilespmem:$0x16700] =	vst v54  }
0xfe: {  	v60 =	vld [tilespmem:$0x1C540];
	[tilespmem:$0x16780] =	vst v55  }
0xff: {  	v61 =	vld [tilespmem:$0x1C550];
	[tilespmem:$0x16800] =	vst v56  }
0x100: {  	v62 =	vld [tilespmem:$0x1C560];
	[tilespmem:$0x16880] =	vst v57  }
0x101: {  	v63 =	vld [tilespmem:$0x1C570];
	[tilespmem:$0x16900] =	vst v58  }
0x102: {  	v8 =	vld [tilespmem:$0x1C580];
	[tilespmem:$0x16980] =	vst v59  }
0x103: {  	v9 =	vld [tilespmem:$0x1C590];
	[tilespmem:$0x16A00] =	vst v60  }
0x104: {  	v10 =	vld [tilespmem:$0x1C5A0];
	[tilespmem:$0x16A80] =	vst v61  }
0x105: {  	v11 =	vld [tilespmem:$0x1C5B0];
	[tilespmem:$0x16B00] =	vst v62  }
0x106: {  	v12 =	vld [tilespmem:$0x1C5C0];
	[tilespmem:$0x16B80] =	vst v63  }
0x107: {  	v13 =	vld [tilespmem:$0x1C5D0];
	[tilespmem:$0x16C00] =	vst v8  }
0x108: {  	v14 =	vld [tilespmem:$0x1C5E0];
	[tilespmem:$0x16C80] =	vst v9  }
0x109: {  	v15 =	vld [tilespmem:$0x1C5F0];
	[tilespmem:$0x16D00] =	vst v10  }
0x10a: {  	v16 =	vld [tilespmem:$0x1C600];
	[tilespmem:$0x16D80] =	vst v11  }
0x10b: {  	v17 =	vld [tilespmem:$0x1C610];
	[tilespmem:$0x16E00] =	vst v12  }
0x10c: {  	v18 =	vld [tilespmem:$0x1C620];
	[tilespmem:$0x16E80] =	vst v13  }
0x10d: {  	v19 =	vld [tilespmem:$0x1C630];
	[tilespmem:$0x16F00] =	vst v14  }
0x10e: {  	v20 =	vld [tilespmem:$0x1C640];
	[tilespmem:$0x16F80] =	vst v15  }
0x10f: {  	v21 =	vld [tilespmem:$0x1C650];
	[tilespmem:$0x17000] =	vst v16  }
0x110: {  	v22 =	vld [tilespmem:$0x1C660];
	[tilespmem:$0x17080] =	vst v17  }
0x111: {  	v23 =	vld [tilespmem:$0x1C670];
	[tilespmem:$0x17100] =	vst v18  }
0x112: {  	v24 =	vld [tilespmem:$0x1C680];
	[tilespmem:$0x17180] =	vst v19  }
0x113: {  	v25 =	vld [tilespmem:$0x1C690];
	[tilespmem:$0x17200] =	vst v20  }
0x114: {  	v26 =	vld [tilespmem:$0x1C6A0];
	[tilespmem:$0x17280] =	vst v21  }
0x115: {  	v27 =	vld [tilespmem:$0x1C6B0];
	[tilespmem:$0x17300] =	vst v22  }
0x116: {  	v28 =	vld [tilespmem:$0x1C6C0];
	[tilespmem:$0x17380] =	vst v23  }
0x117: {  	v29 =	vld [tilespmem:$0x1C6D0];
	[tilespmem:$0x17400] =	vst v24  }
0x118: {  	v30 =	vld [tilespmem:$0x1C6E0];
	[tilespmem:$0x17480] =	vst v25  }
0x119: {  	v31 =	vld [tilespmem:$0x1C6F0];
	[tilespmem:$0x17500] =	vst v26  }
0x11a: {  	v32 =	vld [tilespmem:$0x1C700];
	[tilespmem:$0x17580] =	vst v27  }
0x11b: {  	v33 =	vld [tilespmem:$0x1C710];
	[tilespmem:$0x17600] =	vst v28  }
0x11c: {  	v34 =	vld [tilespmem:$0x1C720];
	[tilespmem:$0x17680] =	vst v29  }
0x11d: {  	v35 =	vld [tilespmem:$0x1C730];
	[tilespmem:$0x17700] =	vst v30  }
0x11e: {  	v36 =	vld [tilespmem:$0x1C740];
	[tilespmem:$0x17780] =	vst v31  }
0x11f: {  	v37 =	vld [tilespmem:$0x1C750];
	[tilespmem:$0x17800] =	vst v32  }
0x120: {  	v38 =	vld [tilespmem:$0x1C760];
	[tilespmem:$0x17880] =	vst v33  }
0x121: {  	v39 =	vld [tilespmem:$0x1C770];
	[tilespmem:$0x17900] =	vst v34  }
0x122: {  	v40 =	vld [tilespmem:$0x1C780];
	[tilespmem:$0x17980] =	vst v35  }
0x123: {  	v41 =	vld [tilespmem:$0x1C790];
	[tilespmem:$0x17A00] =	vst v36  }
0x124: {  	v42 =	vld [tilespmem:$0x1C7A0];
	[tilespmem:$0x17A80] =	vst v37  }
0x125: {  	v43 =	vld [tilespmem:$0x1C7B0];
	[tilespmem:$0x17B00] =	vst v38  }
0x126: {  	v44 =	vld [tilespmem:$0x1C7C0];
	[tilespmem:$0x17B80] =	vst v39  }
0x127: {  	v45 =	vld [tilespmem:$0x1C7D0];
	[tilespmem:$0x17C00] =	vst v40  }
0x128: {  	[tilespmem:$0x17C80] =	vst v41;
	v46 =	vld [tilespmem:$0x1C7E0]  }
0x129: {  	[tilespmem:$0x17D00] =	vst v42;
	v47 =	vld [tilespmem:$0x1C7F0]  }
0x12a: {  	[tilespmem:$0x17D80] =	vst v43  }
0x12b: {  	[tilespmem:$0x17E00] =	vst v44  }
0x12c: {  	[tilespmem:$0x17E80] =	vst v45  }
0x12d: {  	[tilespmem:$0x17F00] =	vst v46  }
0x12e: {  	[tilespmem:$0x17F80] =	vst v47  }
0x12f: {  	_ =	swait.ge [sflag:s25], $0x100  }
0x130: {  	[sflag:s25] =	ssyncset.done $0x0  }
0x131: {  	[sflag:s25] =	ssyncadd.s32 $0xFFFFFF00  }
0x132: {  	[spmem:s2] =	stream.indirect.scatter.add.f32 [tilespmem:s22], [sflag:$0x3], $0x80, s28, s21, $0xb8;
	[tilespmem:$0x1D200] =	vst v63  }
0x133: {  	p1 =	seq.s32 s4, $0x9E00;
	_ =	swait.ge [sflag:s19], $0x4000  }
0x134: {  	s7 =	simm.s32 @!p1 $0x0;
	[sflag:s19] =	ssyncset.done $0x0  }
0x135: {  	s12 =	simm.s32 @!p1 $0x1D000;
	s6 =	sadd.s32 @!p1 $0x20, s17;
	[sflag:s19] =	ssyncadd.s32 $0xFFFFC000  }
0x136: {  	[tilespmem:s12], [sflag:$0x2] =	stream.linear.gather @!p1 [hbm4b:s6+s7], $0x100, $0x38;
	[tilespmem:$0x1D200] =	vst v63  }
0x137: {  	s6 =	sadd.s32 @!p1 s4, s16  }
0x138: {  	s12 =	simm.s32 @!p1 $0x1C000;
	s6 =	sadd.s32 @!p1 $0x200, s6  }
0x139: {  	[tilespmem:s12], [sflag:$0x1] =	stream.linear.gather @!p1 [hbm4b:s6+s7], $0x800, $0x38;
	[tilespmem:$0x1D200] =	vst v63  }
0x13a: {  	_ =	swait.ge [sflag:s24], $0x800  }
0x13b: {  	[sflag:s24] =	ssyncset.done $0x0  }
0x13c: {  	[sflag:s24] =	ssyncadd.s32 $0xFFFFF800  }
0x13d: {  	v48 =	vld [tilespmem:$0x1C800]  }
0x13e: {  	v49 =	vld [tilespmem:$0x1C810]  }
0x13f: {  	v50 =	vld [tilespmem:$0x1C820]  }
0x140: {  	v51 =	vld [tilespmem:$0x1C830]  }
0x141: {  	v52 =	vld [tilespmem:$0x1C840]  }
0x142: {  	v53 =	vld [tilespmem:$0x1C850];
	[tilespmem:$0x18000] =	vst v48  }
0x143: {  	v54 =	vld [tilespmem:$0x1C860];
	[tilespmem:$0x18080] =	vst v49  }
0x144: {  	v55 =	vld [tilespmem:$0x1C870];
	[tilespmem:$0x18100] =	vst v50  }
0x145: {  	v56 =	vld [tilespmem:$0x1C880];
	[tilespmem:$0x18180] =	vst v51  }
0x146: {  	v57 =	vld [tilespmem:$0x1C890];
	[tilespmem:$0x18200] =	vst v52  }
0x147: {  	v58 =	vld [tilespmem:$0x1C8A0];
	[tilespmem:$0x18280] =	vst v53  }
0x148: {  	v59 =	vld [tilespmem:$0x1C8B0];
	[tilespmem:$0x18300] =	vst v54  }
0x149: {  	v60 =	vld [tilespmem:$0x1C8C0];
	[tilespmem:$0x18380] =	vst v55  }
0x14a: {  	v61 =	vld [tilespmem:$0x1C8D0];
	[tilespmem:$0x18400] =	vst v56  }
0x14b: {  	v62 =	vld [tilespmem:$0x1C8E0];
	[tilespmem:$0x18480] =	vst v57  }
0x14c: {  	v63 =	vld [tilespmem:$0x1C8F0];
	[tilespmem:$0x18500] =	vst v58  }
0x14d: {  	v8 =	vld [tilespmem:$0x1C900];
	[tilespmem:$0x18580] =	vst v59  }
0x14e: {  	v9 =	vld [tilespmem:$0x1C910];
	[tilespmem:$0x18600] =	vst v60  }
0x14f: {  	v10 =	vld [tilespmem:$0x1C920];
	[tilespmem:$0x18680] =	vst v61  }
0x150: {  	v11 =	vld [tilespmem:$0x1C930];
	[tilespmem:$0x18700] =	vst v62  }
0x151: {  	v12 =	vld [tilespmem:$0x1C940];
	[tilespmem:$0x18780] =	vst v63  }
0x152: {  	v13 =	vld [tilespmem:$0x1C950];
	[tilespmem:$0x18800] =	vst v8  }
0x153: {  	v14 =	vld [tilespmem:$0x1C960];
	[tilespmem:$0x18880] =	vst v9  }
0x154: {  	v15 =	vld [tilespmem:$0x1C970];
	[tilespmem:$0x18900] =	vst v10  }
0x155: {  	v16 =	vld [tilespmem:$0x1C980];
	[tilespmem:$0x18980] =	vst v11  }
0x156: {  	v17 =	vld [tilespmem:$0x1C990];
	[tilespmem:$0x18A00] =	vst v12  }
0x157: {  	v18 =	vld [tilespmem:$0x1C9A0];
	[tilespmem:$0x18A80] =	vst v13  }
0x158: {  	v19 =	vld [tilespmem:$0x1C9B0];
	[tilespmem:$0x18B00] =	vst v14  }
0x159: {  	v20 =	vld [tilespmem:$0x1C9C0];
	[tilespmem:$0x18B80] =	vst v15  }
0x15a: {  	v21 =	vld [tilespmem:$0x1C9D0];
	[tilespmem:$0x18C00] =	vst v16  }
0x15b: {  	v22 =	vld [tilespmem:$0x1C9E0];
	[tilespmem:$0x18C80] =	vst v17  }
0x15c: {  	v23 =	vld [tilespmem:$0x1C9F0];
	[tilespmem:$0x18D00] =	vst v18  }
0x15d: {  	v24 =	vld [tilespmem:$0x1CA00];
	[tilespmem:$0x18D80] =	vst v19  }
0x15e: {  	v25 =	vld [tilespmem:$0x1CA10];
	[tilespmem:$0x18E00] =	vst v20  }
0x15f: {  	v26 =	vld [tilespmem:$0x1CA20];
	[tilespmem:$0x18E80] =	vst v21  }
0x160: {  	v27 =	vld [tilespmem:$0x1CA30];
	[tilespmem:$0x18F00] =	vst v22  }
0x161: {  	v28 =	vld [tilespmem:$0x1CA40];
	[tilespmem:$0x18F80] =	vst v23  }
0x162: {  	v29 =	vld [tilespmem:$0x1CA50];
	[tilespmem:$0x19000] =	vst v24  }
0x163: {  	v30 =	vld [tilespmem:$0x1CA60];
	[tilespmem:$0x19080] =	vst v25  }
0x164: {  	v31 =	vld [tilespmem:$0x1CA70];
	[tilespmem:$0x19100] =	vst v26  }
0x165: {  	v32 =	vld [tilespmem:$0x1CA80];
	[tilespmem:$0x19180] =	vst v27  }
0x166: {  	v33 =	vld [tilespmem:$0x1CA90];
	[tilespmem:$0x19200] =	vst v28  }
0x167: {  	v34 =	vld [tilespmem:$0x1CAA0];
	[tilespmem:$0x19280] =	vst v29  }
0x168: {  	v35 =	vld [tilespmem:$0x1CAB0];
	[tilespmem:$0x19300] =	vst v30  }
0x169: {  	v36 =	vld [tilespmem:$0x1CAC0];
	[tilespmem:$0x19380] =	vst v31  }
0x16a: {  	v37 =	vld [tilespmem:$0x1CAD0];
	[tilespmem:$0x19400] =	vst v32  }
0x16b: {  	v38 =	vld [tilespmem:$0x1CAE0];
	[tilespmem:$0x19480] =	vst v33  }
0x16c: {  	v39 =	vld [tilespmem:$0x1CAF0];
	[tilespmem:$0x19500] =	vst v34  }
0x16d: {  	v40 =	vld [tilespmem:$0x1CB00];
	[tilespmem:$0x19580] =	vst v35  }
0x16e: {  	v41 =	vld [tilespmem:$0x1CB10];
	[tilespmem:$0x19600] =	vst v36  }
0x16f: {  	v42 =	vld [tilespmem:$0x1CB20];
	[tilespmem:$0x19680] =	vst v37  }
0x170: {  	v43 =	vld [tilespmem:$0x1CB30];
	[tilespmem:$0x19700] =	vst v38  }
0x171: {  	v44 =	vld [tilespmem:$0x1CB40];
	[tilespmem:$0x19780] =	vst v39  }
0x172: {  	v45 =	vld [tilespmem:$0x1CB50];
	[tilespmem:$0x19800] =	vst v40  }
0x173: {  	v46 =	vld [tilespmem:$0x1CB60];
	[tilespmem:$0x19880] =	vst v41  }
0x174: {  	v47 =	vld [tilespmem:$0x1CB70];
	[tilespmem:$0x19900] =	vst v42  }
0x175: {  	[tilespmem:$0x19980] =	vst v43;
	v48 =	vld [tilespmem:$0x1CB80]  }
0x176: {  	[tilespmem:$0x19A00] =	vst v44;
	v49 =	vld [tilespmem:$0x1CB90]  }
0x177: {  	[tilespmem:$0x19A80] =	vst v45;
	v50 =	vld [tilespmem:$0x1CBA0]  }
0x178: {  	[tilespmem:$0x19B00] =	vst v46;
	v51 =	vld [tilespmem:$0x1CBB0]  }
0x179: {  	[tilespmem:$0x19B80] =	vst v47;
	v52 =	vld [tilespmem:$0x1CBC0]  }
0x17a: {  	v53 =	vld [tilespmem:$0x1CBD0];
	[tilespmem:$0x19C00] =	vst v48  }
0x17b: {  	v54 =	vld [tilespmem:$0x1CBE0];
	[tilespmem:$0x19C80] =	vst v49  }
0x17c: {  	v55 =	vld [tilespmem:$0x1CBF0];
	[tilespmem:$0x19D00] =	vst v50  }
0x17d: {  	v56 =	vld [tilespmem:$0x1CC00];
	[tilespmem:$0x19D80] =	vst v51  }
0x17e: {  	v57 =	vld [tilespmem:$0x1CC10];
	[tilespmem:$0x19E00] =	vst v52  }
0x17f: {  	v58 =	vld [tilespmem:$0x1CC20];
	[tilespmem:$0x19E80] =	vst v53  }
0x180: {  	v59 =	vld [tilespmem:$0x1CC30];
	[tilespmem:$0x19F00] =	vst v54  }
0x181: {  	v60 =	vld [tilespmem:$0x1CC40];
	[tilespmem:$0x19F80] =	vst v55  }
0x182: {  	v61 =	vld [tilespmem:$0x1CC50];
	[tilespmem:$0x1A000] =	vst v56  }
0x183: {  	v62 =	vld [tilespmem:$0x1CC60];
	[tilespmem:$0x1A080] =	vst v57  }
0x184: {  	v63 =	vld [tilespmem:$0x1CC70];
	[tilespmem:$0x1A100] =	vst v58  }
0x185: {  	v8 =	vld [tilespmem:$0x1CC80];
	[tilespmem:$0x1A180] =	vst v59  }
0x186: {  	v9 =	vld [tilespmem:$0x1CC90];
	[tilespmem:$0x1A200] =	vst v60  }
0x187: {  	v10 =	vld [tilespmem:$0x1CCA0];
	[tilespmem:$0x1A280] =	vst v61  }
0x188: {  	v11 =	vld [tilespmem:$0x1CCB0];
	[tilespmem:$0x1A300] =	vst v62  }
0x189: {  	v12 =	vld [tilespmem:$0x1CCC0];
	[tilespmem:$0x1A380] =	vst v63  }
0x18a: {  	v13 =	vld [tilespmem:$0x1CCD0];
	[tilespmem:$0x1A400] =	vst v8  }
0x18b: {  	v14 =	vld [tilespmem:$0x1CCE0];
	[tilespmem:$0x1A480] =	vst v9  }
0x18c: {  	v15 =	vld [tilespmem:$0x1CCF0];
	[tilespmem:$0x1A500] =	vst v10  }
0x18d: {  	v16 =	vld [tilespmem:$0x1CD00];
	[tilespmem:$0x1A580] =	vst v11  }
0x18e: {  	v17 =	vld [tilespmem:$0x1CD10];
	[tilespmem:$0x1A600] =	vst v12  }
0x18f: {  	v18 =	vld [tilespmem:$0x1CD20];
	[tilespmem:$0x1A680] =	vst v13  }
0x190: {  	v19 =	vld [tilespmem:$0x1CD30];
	[tilespmem:$0x1A700] =	vst v14  }
0x191: {  	v20 =	vld [tilespmem:$0x1CD40];
	[tilespmem:$0x1A780] =	vst v15  }
0x192: {  	v21 =	vld [tilespmem:$0x1CD50];
	[tilespmem:$0x1A800] =	vst v16  }
0x193: {  	v22 =	vld [tilespmem:$0x1CD60];
	[tilespmem:$0x1A880] =	vst v17  }
0x194: {  	v23 =	vld [tilespmem:$0x1CD70];
	[tilespmem:$0x1A900] =	vst v18  }
0x195: {  	v24 =	vld [tilespmem:$0x1CD80];
	[tilespmem:$0x1A980] =	vst v19  }
0x196: {  	v25 =	vld [tilespmem:$0x1CD90];
	[tilespmem:$0x1AA00] =	vst v20  }
0x197: {  	v26 =	vld [tilespmem:$0x1CDA0];
	[tilespmem:$0x1AA80] =	vst v21  }
0x198: {  	v27 =	vld [tilespmem:$0x1CDB0];
	[tilespmem:$0x1AB00] =	vst v22  }
0x199: {  	v28 =	vld [tilespmem:$0x1CDC0];
	[tilespmem:$0x1AB80] =	vst v23  }
0x19a: {  	v29 =	vld [tilespmem:$0x1CDD0];
	[tilespmem:$0x1AC00] =	vst v24  }
0x19b: {  	v30 =	vld [tilespmem:$0x1CDE0];
	[tilespmem:$0x1AC80] =	vst v25  }
0x19c: {  	v31 =	vld [tilespmem:$0x1CDF0];
	[tilespmem:$0x1AD00] =	vst v26  }
0x19d: {  	v32 =	vld [tilespmem:$0x1CE00];
	[tilespmem:$0x1AD80] =	vst v27  }
0x19e: {  	v33 =	vld [tilespmem:$0x1CE10];
	[tilespmem:$0x1AE00] =	vst v28  }
0x19f: {  	v34 =	vld [tilespmem:$0x1CE20];
	[tilespmem:$0x1AE80] =	vst v29  }
0x1a0: {  	v35 =	vld [tilespmem:$0x1CE30];
	[tilespmem:$0x1AF00] =	vst v30  }
0x1a1: {  	v36 =	vld [tilespmem:$0x1CE40];
	[tilespmem:$0x1AF80] =	vst v31  }
0x1a2: {  	v37 =	vld [tilespmem:$0x1CE50];
	[tilespmem:$0x1B000] =	vst v32  }
0x1a3: {  	v38 =	vld [tilespmem:$0x1CE60];
	[tilespmem:$0x1B080] =	vst v33  }
0x1a4: {  	v39 =	vld [tilespmem:$0x1CE70];
	[tilespmem:$0x1B100] =	vst v34  }
0x1a5: {  	v40 =	vld [tilespmem:$0x1CE80];
	[tilespmem:$0x1B180] =	vst v35  }
0x1a6: {  	v41 =	vld [tilespmem:$0x1CE90];
	[tilespmem:$0x1B200] =	vst v36  }
0x1a7: {  	v42 =	vld [tilespmem:$0x1CEA0];
	[tilespmem:$0x1B280] =	vst v37  }
0x1a8: {  	v43 =	vld [tilespmem:$0x1CEB0];
	[tilespmem:$0x1B300] =	vst v38  }
0x1a9: {  	v44 =	vld [tilespmem:$0x1CEC0];
	[tilespmem:$0x1B380] =	vst v39  }
0x1aa: {  	v45 =	vld [tilespmem:$0x1CED0];
	[tilespmem:$0x1B400] =	vst v40  }
0x1ab: {  	v46 =	vld [tilespmem:$0x1CEE0];
	[tilespmem:$0x1B480] =	vst v41  }
0x1ac: {  	v47 =	vld [tilespmem:$0x1CEF0];
	[tilespmem:$0x1B500] =	vst v42  }
0x1ad: {  	[tilespmem:$0x1B580] =	vst v43;
	v48 =	vld [tilespmem:$0x1CF00]  }
0x1ae: {  	[tilespmem:$0x1B600] =	vst v44;
	v49 =	vld [tilespmem:$0x1CF10]  }
0x1af: {  	[tilespmem:$0x1B680] =	vst v45;
	v50 =	vld [tilespmem:$0x1CF20]  }
0x1b0: {  	[tilespmem:$0x1B700] =	vst v46;
	v51 =	vld [tilespmem:$0x1CF30]  }
0x1b1: {  	[tilespmem:$0x1B780] =	vst v47;
	v52 =	vld [tilespmem:$0x1CF40]  }
0x1b2: {  	v53 =	vld [tilespmem:$0x1CF50];
	[tilespmem:$0x1B800] =	vst v48  }
0x1b3: {  	v54 =	vld [tilespmem:$0x1CF60];
	[tilespmem:$0x1B880] =	vst v49  }
0x1b4: {  	v55 =	vld [tilespmem:$0x1CF70];
	[tilespmem:$0x1B900] =	vst v50  }
0x1b5: {  	v56 =	vld [tilespmem:$0x1CF80];
	[tilespmem:$0x1B980] =	vst v51  }
0x1b6: {  	v57 =	vld [tilespmem:$0x1CF90];
	[tilespmem:$0x1BA00] =	vst v52  }
0x1b7: {  	v58 =	vld [tilespmem:$0x1CFA0];
	[tilespmem:$0x1BA80] =	vst v53  }
0x1b8: {  	v59 =	vld [tilespmem:$0x1CFB0];
	[tilespmem:$0x1BB00] =	vst v54  }
0x1b9: {  	v60 =	vld [tilespmem:$0x1CFC0];
	[tilespmem:$0x1BB80] =	vst v55  }
0x1ba: {  	v61 =	vld [tilespmem:$0x1CFD0];
	[tilespmem:$0x1BC00] =	vst v56  }
0x1bb: {  	v62 =	vld [tilespmem:$0x1CFE0];
	[tilespmem:$0x1BC80] =	vst v57  }
0x1bc: {  	v63 =	vld [tilespmem:$0x1CFF0];
	[tilespmem:$0x1BD00] =	vst v58  }
0x1bd: {  	[tilespmem:$0x1BD80] =	vst v59  }
0x1be: {  	[tilespmem:$0x1BE00] =	vst v60  }
0x1bf: {  	[tilespmem:$0x1BE80] =	vst v61  }
0x1c0: {  	[tilespmem:$0x1BF00] =	vst v62  }
0x1c1: {  	s6 =	simm.s32 @!p1 $0x2;
	[tilespmem:$0x1BF80] =	vst v63  }
0x1c2: {  	_ =	swait.ge @!p1 [sflag:s6], $0x100  }
0x1c3: {  	s4 =	sadd.s32 $0x200, s4;
	[sflag:s6] =	ssyncset.done @!p1 $0x0  }
0x1c4: {  	[sflag:s6] =	ssyncadd.s32 @!p1 $0xFFFFFF00;
	p1 =	sne.s32 s4, $0xA000  }
.Ltmp5:
0x1c5: {  	_ = 	snop;
	(pc) =	sbr.rel @p1 .LBB2_3-.Ltmp5, $4  }
0x1c6: {  	[spmem:s2] =	stream.indirect.scatter.add.f32 [tilespmem:s26], [sflag:$0x3], $0x80, s29, s21, $0xb8;
	[tilespmem:$0x1D200] =	vst v63  }
0x1c7: {  	_ =	swait.ge [sflag:s19], $0x4000  }
0x1c8: {  	[sflag:s19] =	ssyncset.done $0x0  }
0x1c9: {  	s17 =	sadd.s32 $0x40, s17;
	[sflag:s19] =	ssyncadd.s32 $0xFFFFC000  }
.Ltmp6:
0x1ca: {  	(pc) =	sbr.rel .LBB2_8-.Ltmp6, $2  }
0x1cb: {  	_ =	sdelay $0x2  }
0x1cc: {  	s4 =	rddreg [dreg:$0x5]  }
.LBB2_9:
0x1cd: {  	_ =	sfence.sel $0x180000  }
0x1ce: {  	[bflag:$0x0] =	sbarrier.arrive $0xFFFF  }
0x1cf: {  	_ =	strace $0x90000047  }
0x1d0: {  	s0 =	stileid.u32;
	[bflag:$0x2] =	sbarrier.arrive $0xFFFF  }
0x1d1: {  	p0 =	sne.s32 s0, $0x0;
	s0 =	rddreg [dreg:$0x3]  }
0x1d2: {  	s0 =	sadd.s32 @!p0 $0x100000, s0  }
0x1d3: {  	[sflag:s0] =	ssyncadd.tile.s32 @!p0 $0x1;
	_ =	shalt  }
.Lfunc_end2:
_tile_overlayer_lowered:
.L_overlay_start_2:
0x1d4: {  	(tag) =	ssettag $0x2  }
0x1d5: {  	s0 =	rddreg [dreg:$0x0];
	s2 =	stileid.u32  }
0x1d6: {  	s1 =	rddreg [dreg:$0x1];
	p0 =	sne.s32 s2, $0x0  }
0x1d7: {  	s3 =	rddreg [dreg:$0x2];
	[bflag:$0x3] =	sbarrier.arrive $0xFFFF;
	s2 =	simm.s32 @!p0 $0x1C03  }
0x1d8: {  	[timem:s3], [sflag:s2] =	dma.local @!p0 [hbm:s0], s1  }
0x1d9: {  	s0 =	simm.s32 @!p0 $0x3  }
0x1da: {  	_ =	swait.ge @!p0 [sflag:s0], s1  }
0x1db: {  	s1 =	ssub.s32 @!p0 $0x0, s1;
	[sflag:s0] =	ssyncset.done @!p0 $0x0  }
0x1dc: {  	[sflag:s0] =	ssyncadd.s32 @!p0 s1  }
0x1dd: {  	[bflag:$0x3] =	sbarrier.arrive $0xFFFF  }
0x1de: {  	_ =	shalt  }

</sc_bundles>
